<compile_context>
chip_gen: v7x
topology: tpu7x:2x2x1
jax: 0.10.2.dev20260603
libtpu: 0.0.44.dev20260713+nightly
codegen_flags: <defaults>
</compile_context>

<pallas_src>
import functools

import jax
import jax.numpy as jnp
from jax import lax
from jax.experimental import pallas as pl
from jax.experimental.pallas import tpu as pltpu
from jax.experimental.pallas import tpu_sc as plsc

N_FINE = 10000
N_COARSE = 2500
E = 320000
W = 128
F32 = jnp.float32
BF16 = jnp.bfloat16


BN = 2000
BE = 4000


def _dot(a, b):
    return jnp.dot(a, b, preferred_element_type=F32)


def _unpool_body(v, w1, b1, w2, b2, o):
    h = jnp.maximum(_dot(v[...], w1[...]) + b1[...], 0.0)
    o[...] = _dot(h, w2[...]) + b2[...]


def _tc_unpool(v, w1, b1, w2, b2):
    return pl.pallas_call(
        _unpool_body,
        out_shape=jax.ShapeDtypeStruct((N_COARSE, W), F32),
    )(v, w1, b1, w2, b2)


def _row_spec(nrows):
    return pl.BlockSpec((nrows, W), lambda i: (i, 0))


def _full_spec(shape):
    return pl.BlockSpec(shape, lambda i: (0,) * len(shape))


def _nodeprep_body(vf, cs, ws, wd, b1, v_o, p_o, q_o):
    val = vf[...] + cs[...]
    v_o[...] = val
    p_o[...] = _dot(val, ws[...]) + b1[...]
    q_o[...] = _dot(val, wd[...])


def _tc_nodeprep(vf_pad, c_skip, ws, wd, b1):
    return pl.pallas_call(
        _nodeprep_body,
        grid=(N_FINE // BN,),
        in_specs=[
            _row_spec(BN),
            _row_spec(BN),
            _full_spec((W, W)),
            _full_spec((W, W)),
            _full_spec((1, W)),
        ],
        out_specs=[_row_spec(BN), _row_spec(BN), _row_spec(BN)],
        out_shape=[jax.ShapeDtypeStruct((N_FINE, W), F32)] * 3,
    )(vf_pad, c_skip, ws, wd, b1)


def _edge_body(e, g1, g2, w1e, w2, b2, o):
    h = jnp.maximum(_dot(e[...], w1e[...]) + g1[...] + g2[...], 0.0)
    o[...] = e[...] + _dot(h, w2[...]) + b2[...]


def _tc_edge(e, e_off, g1, g2, w1e, w2, b2, nrows):
    ko = e_off // BE
    return pl.pallas_call(
        _edge_body,
        grid=(nrows // BE,),
        in_specs=[
            pl.BlockSpec((BE, W), lambda i: (i + ko, 0)),
            _row_spec(BE),
            _row_spec(BE),
            _full_spec((W, W)),
            _full_spec((W, W)),
            _full_spec((1, W)),
        ],
        out_specs=_row_spec(BE),
        out_shape=jax.ShapeDtypeStruct((nrows, W), F32),
    )(e, g1, g2, w1e, w2, b2)


def _node_mid_body(v, p0, p1, w1a, w1b, b1, w2, b2, ws, wd, eb, v_o, p_o, q_o):
    agg = p0[...] + p1[...]
    h = jnp.maximum(_dot(v[...], w1a[...]) + _dot(agg, w1b[...]) + b1[...], 0.0)
    vn = v[...] + _dot(h, w2[...]) + b2[...]
    v_o[...] = vn
    p_o[...] = _dot(vn, ws[...]) + eb[...]
    q_o[...] = _dot(vn, wd[...])


def _tc_node_mid(v, p0, p1, w1a, w1b, b1, w2, b2, ws, wd, eb):
    nb = N_FINE // BN
    return pl.pallas_call(
        _node_mid_body,
        grid=(nb,),
        in_specs=[
            _row_spec(BN),
            _row_spec(BN),
            _row_spec(BN),
            _full_spec((W, W)),
            _full_spec((W, W)),
            _full_spec((1, W)),
            _full_spec((W, W)),
            _full_spec((1, W)),
            _full_spec((W, W)),
            _full_spec((W, W)),
            _full_spec((1, W)),
        ],
        out_specs=[_row_spec(BN), _row_spec(BN), _row_spec(BN)],
        out_shape=[jax.ShapeDtypeStruct((N_FINE, W), F32)] * 3,
    )(v, p0, p1, w1a, w1b, b1, w2, b2, ws, wd, eb)


def _node_fin_body(v, p0, p1, w1a, w1b, b1, w2, b2, v_o):
    agg = p0[...] + p1[...]
    h = jnp.maximum(_dot(v[...], w1a[...]) + _dot(agg, w1b[...]) + b1[...], 0.0)
    v_o[...] = v[...] + _dot(h, w2[...]) + b2[...]


def _tc_node_fin(v, p0, p1, w1a, w1b, b1, w2, b2):
    nb = N_FINE // BN
    return pl.pallas_call(
        _node_fin_body,
        grid=(nb,),
        in_specs=[
            _row_spec(BN),
            _row_spec(BN),
            _row_spec(BN),
            _full_spec((W, W)),
            _full_spec((W, W)),
            _full_spec((1, W)),
            _full_spec((W, W)),
            _full_spec((1, W)),
        ],
        out_specs=_row_spec(BN),
        out_shape=jax.ShapeDtypeStruct((N_FINE, W), F32),
    )(v, p0, p1, w1a, w1b, b1, w2, b2)



@functools.cache
def _sc_mesh():
    return plsc.VectorSubcoreMesh(core_axis_name="c", subcore_axis_name="s")
NTILE = 32
CH = 80


def _pipe(nch, nbuf, issue, process):
    assert nch >= nbuf
    for c in range(nbuf):
        issue(c, c)
    full = (nch - nbuf) // nbuf

    @pl.loop(0, full)
    def _(j):
        for b in range(nbuf):
            c = nbuf * j + b
            process(c, b)
            issue(c + nbuf, b)

    done = full * nbuf
    for c in range(done, nch):
        b = c % nbuf
        process(c, b)
        if c + nbuf < nch:
            issue(c + nbuf, b)


def _sc_gather1(table, idx, n_idx):
    per = n_idx // NTILE
    nch = per // CH

    @functools.partial(
        pl.kernel,
        out_type=jax.ShapeDtypeStruct((n_idx, W), F32),
        mesh=_sc_mesh(),
        scratch_types=[
            pltpu.VMEM((2, CH), jnp.int32),
            pltpu.VMEM((2, CH, W), F32),
            pltpu.SemaphoreType.DMA,
            pltpu.SemaphoreType.DMA,
        ],
    )
    def k(t_hbm, i_hbm, o_hbm, iv, rv, s0, s1):
        wid = lax.axis_index("c") * 16 + lax.axis_index("s")
        base = wid * per
        sems = (s0, s1)

        def issue(c, b):
            off = base + c * CH
            pltpu.sync_copy(i_hbm.at[pl.ds(off, CH)], iv.at[b])
            pltpu.async_copy(t_hbm.at[iv.at[b]], rv.at[b], sems[b])

        def process(c, b):
            off = base + c * CH
            pltpu.make_async_copy(t_hbm.at[iv.at[b]], rv.at[b], sems[b]).wait()
            pltpu.sync_copy(rv.at[b], o_hbm.at[pl.ds(off, CH)])

        _pipe(nch, 2, issue, process)

    return k(table, idx)


def _sc_gather2(p, q, src, dst, e_off, nrows):
    per = nrows // NTILE
    ch = CH if per % CH == 0 else 40
    nch = per // ch

    @functools.partial(
        pl.kernel,
        out_type=(
            jax.ShapeDtypeStruct((nrows, W), F32),
            jax.ShapeDtypeStruct((nrows, W), F32),
        ),
        mesh=_sc_mesh(),
        scratch_types=[
            pltpu.VMEM((per,), jnp.int32),
            pltpu.VMEM((per,), jnp.int32),
            pltpu.VMEM((4, ch, W), F32),
            pltpu.VMEM((4, ch, W), F32),
        ] + [pltpu.SemaphoreType.DMA] * 12,
    )
    def k(p_hbm, q_hbm, s_hbm, d_hbm, g1_hbm, g2_hbm,
          sflat, dflat, r1, r2, *sems):
        wid = lax.axis_index("c") * 16 + lax.axis_index("s")
        base = wid * per
        sa = sems[0:4]
        sb = sems[4:8]
        st = sems[8:12]
        pltpu.sync_copy(s_hbm.at[pl.ds(e_off + base, per)], sflat)
        pltpu.sync_copy(d_hbm.at[pl.ds(e_off + base, per)], dflat)

        def issue(c, b):
            if not (isinstance(c, int) and c < 4):
                pltpu.make_async_copy(
                    r1.at[b], g1_hbm.at[pl.ds(0, ch)], st[b]).wait()
                pltpu.make_async_copy(
                    r2.at[b], g2_hbm.at[pl.ds(0, ch)], st[b]).wait()
            io = c * ch
            pltpu.async_copy(p_hbm.at[sflat.at[pl.ds(io, ch)]], r1.at[b], sa[b])
            pltpu.async_copy(q_hbm.at[dflat.at[pl.ds(io, ch)]], r2.at[b], sb[b])

        def process(c, b):
            off = base + c * ch
            pltpu.make_async_copy(
                p_hbm.at[sflat.at[pl.ds(0, ch)]], r1.at[b], sa[b]).wait()
            pltpu.make_async_copy(
                q_hbm.at[dflat.at[pl.ds(0, ch)]], r2.at[b], sb[b]).wait()
            pltpu.async_copy(r1.at[b], g1_hbm.at[pl.ds(off, ch)], st[b])
            pltpu.async_copy(r2.at[b], g2_hbm.at[pl.ds(off, ch)], st[b])

        _pipe(nch, 4, issue, process)
        for b in range(4):
            pltpu.make_async_copy(
                r1.at[b], g1_hbm.at[pl.ds(0, ch)], st[b]).wait()
            pltpu.make_async_copy(
                r2.at[b], g2_hbm.at[pl.ds(0, ch)], st[b]).wait()

    return k(p, q, src, dst)


AGGP = 10240


def _sc_scatter_add(e_chunks, dst3_chunks, zeros):
    zper = AGGP // 16
    nk = len(e_chunks)
    pers = [ec.shape[0] // NTILE for ec in e_chunks]
    chs = [d3.shape[2] for d3 in dst3_chunks]
    nchs = [d3.shape[1] for d3 in dst3_chunks]
    chm = max(chs)
    nchm = max(nchs)

    @functools.partial(
        pl.kernel,
        out_type=jax.ShapeDtypeStruct((2 * AGGP, W), F32),
        mesh=_sc_mesh(),
        scratch_types=[
            pltpu.VMEM((nchm, chm), jnp.int32),
            pltpu.VMEM((2, chm, W), F32),
            pltpu.VMEM_SHARED((AGGP, W), F32),
        ] + [pltpu.SemaphoreType.DMA] * 2,
    )
    def k(*refs):
        e_hbms = refs[:nk]
        d3_hbms = refs[nk:2 * nk]
        z_hbm = refs[2 * nk]
        o_hbm = refs[2 * nk + 1]
        di, rv, agg = refs[2 * nk + 2:2 * nk + 5]
        sems = refs[2 * nk + 5:]
        cid = lax.axis_index("c")
        sid = lax.axis_index("s")
        wid = cid * 16 + sid
        pltpu.sync_copy(
            z_hbm.at[pl.ds(sid * zper, zper)], agg.at[pl.ds(sid * zper, zper)]
        )
        plsc.subcore_barrier()

        for kk in range(nk):
            e_hbm = e_hbms[kk]
            per = pers[kk]
            ch = chs[kk]
            nch = nchs[kk]
            base = wid * per
            pltpu.sync_copy(d3_hbms[kk].at[wid], di.at[pl.ds(0, nch),
                                                       pl.ds(0, ch)])

            def issue(c, b, e_hbm=e_hbm, base=base, ch=ch):
                off = base + c * ch
                pltpu.async_copy(
                    e_hbm.at[pl.ds(off, ch)], rv.at[b, pl.ds(0, ch)], sems[b]
                )

            def process(c, b, e_hbm=e_hbm, base=base, ch=ch):
                off = base + c * ch
                pltpu.make_async_copy(
                    e_hbm.at[pl.ds(off, ch)], rv.at[b, pl.ds(0, ch)], sems[b]
                ).wait()
                pltpu.sync_copy(
                    rv.at[b, pl.ds(0, ch)],
                    agg.at[di.at[c, pl.ds(0, ch)]],
                    add=True,
                )

            _pipe(nch, 2, issue, process)

        plsc.subcore_barrier()
        pltpu.sync_copy(
            agg.at[pl.ds(sid * zper, zper)],
            o_hbm.at[pl.ds(cid * AGGP + sid * zper, zper)],
        )

    return k(*e_chunks, *dst3_chunks, zeros)




def _r(b):
    return b.reshape(1, W)


def kernel(edge_index, v, c_skip, e_skip, edge_index_skip, batch_skip,
           up_W1, up_b1, up_W2, up_b2,
           eW1, eb1, eW2, eb2, nW1, nb1, nW2, nb2):
    del batch_skip
    src = edge_index[0]
    dst = edge_index[1]
    n_pad = 10240
    eis_pad = jnp.concatenate(
        [edge_index_skip, jnp.zeros((n_pad - N_FINE,), jnp.int32)]
    )
    zeros = jnp.zeros((AGGP, W), F32)

    h = _tc_unpool(v, up_W1, _r(up_b1), up_W2, _r(up_b2))
    vf_pad = _sc_gather1(h, eis_pad, n_pad)
    v_cur, p, q = _tc_nodeprep(
        vf_pad, c_skip, eW1[0, W:2 * W], eW1[0, 2 * W:], _r(eb1[0])
    )

    NK = 1
    EK = E // NK
    perk = EK // NTILE
    chk = CH if perk % CH == 0 else 40
    dst3 = [dst[kk * EK:(kk + 1) * EK].reshape(NTILE, perk // chk, chk)
            for kk in range(NK)]
    e_chunks = None
    for d in range(2):
        new_chunks = []
        for kk in range(NK):
            g1, g2 = _sc_gather2(p, q, src, dst, kk * EK, EK)
            if e_chunks is None:
                ek = _tc_edge(e_skip, kk * EK, g1, g2,
                              eW1[d, :W], eW2[d], _r(eb2[d]), EK)
            else:
                ek = _tc_edge(e_chunks[kk], 0, g1, g2,
                              eW1[d, :W], eW2[d], _r(eb2[d]), EK)
            new_chunks.append(ek)
        e_chunks = new_chunks
        parts = _sc_scatter_add(e_chunks, dst3, zeros)
        p0 = parts[:N_FINE]
        p1 = parts[AGGP:AGGP + N_FINE]
        if d == 0:
            v_cur, p, q = _tc_node_mid(
                v_cur, p0, p1, nW1[d, :W], nW1[d, W:], _r(nb1[d]),
                nW2[d], _r(nb2[d]),
                eW1[1, W:2 * W], eW1[1, 2 * W:], _r(eb1[1]),
            )
        else:
            v_cur = _tc_node_fin(
                v_cur, p0, p1, nW1[d, :W], nW1[d, W:], _r(nb1[d]),
                nW2[d], _r(nb2[d]),
            )
    return v_cur

# --- scband reference (transcript-rebuilt; emitter-appended) ---
"""Pipeline reference for scband-up-block-62947040690362 (READ-ONLY COPY).

The authoritative reference and input builder live on the scoring server;
editing this copy changes nothing except your own understanding.
"""

import jax, jax.numpy as jnp
import numpy as np

DEPTH = 2
N_FINE = 10000
N_COARSE = 2500
E = 320000
W = 128


def setup_inputs(seed: int = 0) -> dict:
    key = jax.random.key(seed)
    ks = jax.random.split(key, 16)
    inp = {}
    inp["edge_index"] = jax.random.randint(ks[0], (2, E), 0, N_FINE, dtype=jnp.int32)
    inp["v"] = jax.random.normal(ks[1], (N_COARSE, W), dtype=jnp.float32)
    inp["c_skip"] = jax.random.normal(ks[2], (N_FINE, W), dtype=jnp.float32)
    inp["e_skip"] = jax.random.normal(ks[3], (E, W), dtype=jnp.float32)
    inp["edge_index_skip"] = jax.random.randint(ks[4], (N_FINE,), 0, N_COARSE, dtype=jnp.int32)
    inp["batch_skip"] = jnp.sort(jax.random.randint(ks[5], (N_FINE,), 0, 4, dtype=jnp.int32))
    # MeshUpMP unpooling FNN (fnns_depth=2, width=W)
    inp["up_W1"] = jax.random.normal(ks[6], (W, W), dtype=jnp.float32) / np.sqrt(W)
    inp["up_b1"] = jnp.zeros((W,), dtype=jnp.float32)
    inp["up_W2"] = jax.random.normal(ks[7], (W, W), dtype=jnp.float32) / np.sqrt(W)
    inp["up_b2"] = jnp.zeros((W,), dtype=jnp.float32)
    # InteractionNetwork stacks (depth=2): edge FNN in=3W, node FNN in=2W
    inp["eW1"] = jax.random.normal(ks[8], (DEPTH, 3 * W, W), dtype=jnp.float32) / np.sqrt(3 * W)
    inp["eb1"] = jnp.zeros((DEPTH, W), dtype=jnp.float32)
    inp["eW2"] = jax.random.normal(ks[9], (DEPTH, W, W), dtype=jnp.float32) / np.sqrt(W)
    inp["eb2"] = jnp.zeros((DEPTH, W), dtype=jnp.float32)
    inp["nW1"] = jax.random.normal(ks[10], (DEPTH, 2 * W, W), dtype=jnp.float32) / np.sqrt(2 * W)
    inp["nb1"] = jnp.zeros((DEPTH, W), dtype=jnp.float32)
    inp["nW2"] = jax.random.normal(ks[11], (DEPTH, W, W), dtype=jnp.float32) / np.sqrt(W)
    inp["nb2"] = jnp.zeros((DEPTH, W), dtype=jnp.float32)
    return inp


def reference(edge_index, v, c_skip, e_skip, edge_index_skip, batch_skip,
              up_W1, up_b1, up_W2, up_b2,
              eW1, eb1, eW2, eb2, nW1, nb1, nW2, nb2):
    # MeshUpMP: FNN on coarse node features, then gather (unpool) to fine nodes
    h = jax.nn.relu(v @ up_W1 + up_b1)
    h = h @ up_W2 + up_b2
    v_fine = jnp.take(h, edge_index_skip, axis=0)
    # skip connection add
    v_cur = v_fine + c_skip
    e = e_skip
    src = edge_index[0]
    dst = edge_index[1]
    n = v_cur.shape[0]
    for i in range(DEPTH):
        # edge update: phi_e([e, v_src, v_dst]) with residual
        m = jnp.concatenate([e, jnp.take(v_cur, src, axis=0), jnp.take(v_cur, dst, axis=0)], axis=-1)
        he = jax.nn.relu(m @ eW1[i] + eb1[i])
        e = e + (he @ eW2[i] + eb2[i])
        # aggregate messages at destination nodes (aggr='sum')
        agg = jax.ops.segment_sum(e, dst, num_segments=n)
        # node update: phi_v([v, agg]) with residual
        hn = jax.nn.relu(jnp.concatenate([v_cur, agg], axis=-1) @ nW1[i] + nb1[i])
        v_cur = v_cur + (hn @ nW2[i] + nb2[i])
    return v_cur

if __name__ == "__main__":
    import jax
    _d = setup_inputs()
    print(jax.jit(kernel)(*tuple(_d.values())))

</pallas_src>

<mosaic_0001>
#map = affine_map<(d0, d1) -> (0, 0)>
#map1 = affine_map<(d0, d1) -> (0)>
module attributes {stable_mosaic.version = 14 : i64} {
  func.func @k(%arg0: i32, %arg1: i32, %arg2: memref<2500x128xf32, #tpu.memory_space<hbm>>, %arg3: memref<10240xi32, #tpu.memory_space<hbm>>, %arg4: memref<10240x128xf32, #tpu.memory_space<hbm>>, %arg5: memref<2x80xi32, #tpu.memory_space<vmem>>, %arg6: memref<2x80x128xf32, #tpu.memory_space<vmem>>, %arg7: memref<!tpu.dma_semaphore, #tpu.memory_space<semaphore_mem>>, %arg8: memref<!tpu.dma_semaphore, #tpu.memory_space<semaphore_mem>>) attributes {dimension_semantics = [#tpu.dimension_semantics<core_parallel>, #tpu.dimension_semantics<subcore_parallel>], iteration_bounds = array<i64: 2, 16>, scalar_prefetch = 0 : i64, scratch_operands = 4 : i64, tpu.core_type = #tpu.core_type<sc_vector_subcore>, window_params = [{transform_indices = #map}, {transform_indices = #map1}, {transform_indices = #map}]} {
    %mul3A = arith.constant 16 : i32
    %mul3A_0 = arith.muli %arg0, %mul3A : i32
    %add3A = arith.addi %mul3A_0, %arg1 : i32
    %mul3A_1 = arith.constant 320 : i32
    %mul3A_2 = arith.muli %add3A, %mul3A_1 : i32
    %add3A_3 = arith.constant 0 : i32
    %add3A_4 = arith.addi %mul3A_2, %add3A_3 : i32
    %run_scoped3A = arith.constant 0 : i32
    "tpu.region"() ({
      %run_scoped3A_141 = tpu.sem_alloc : memref<!tpu.dma_semaphore, #tpu.memory_space<semaphore_mem>>
      %dma_start3A_142 = arith.constant 0 : i32
      %dma_start3A_143 = tpu.memref_slice %arg5[%run_scoped3A, %dma_start3A_142] : memref<2x80xi32, #tpu.memory_space<vmem>> -> memref<1x80xi32, #tpu.memory_space<vmem>>
      %dma_start3A_144 = tpu.memref_squeeze %dma_start3A_143 : memref<1x80xi32, #tpu.memory_space<vmem>> -> memref<80xi32, #tpu.memory_space<vmem>>
      %dma_start3A_145 = tpu.memref_slice %arg3[%add3A_4] : memref<10240xi32, #tpu.memory_space<hbm>> -> memref<80xi32, #tpu.memory_space<hbm>>
      %dma_start3A_146 = arith.constant 0 : i32
      %dma_start3A_147 = tpu.memref_slice %arg5[%run_scoped3A, %dma_start3A_146] : memref<2x80xi32, #tpu.memory_space<vmem>> -> memref<1x80xi32, #tpu.memory_space<vmem>>
      %dma_start3A_148 = tpu.memref_squeeze %dma_start3A_147 : memref<1x80xi32, #tpu.memory_space<vmem>> -> memref<80xi32, #tpu.memory_space<vmem>>
      %dma_start3A_149 = tpu.memref_slice %arg3[%add3A_4] : memref<10240xi32, #tpu.memory_space<hbm>> -> memref<80xi32, #tpu.memory_space<hbm>>
      tpu.enqueue_dma source(%dma_start3A_149 : memref<80xi32, #tpu.memory_space<hbm>>) target(%dma_start3A_148 : memref<80xi32, #tpu.memory_space<vmem>>) target_semaphore(%run_scoped3A_141 : memref<!tpu.dma_semaphore, #tpu.memory_space<semaphore_mem>>)
      %dma_wait3A_150 = arith.constant 0 : i32
      %dma_wait3A_151 = tpu.memref_slice %arg5[%run_scoped3A, %dma_wait3A_150] : memref<2x80xi32, #tpu.memory_space<vmem>> -> memref<1x80xi32, #tpu.memory_space<vmem>>
      %dma_wait3A_152 = tpu.memref_squeeze %dma_wait3A_151 : memref<1x80xi32, #tpu.memory_space<vmem>> -> memref<80xi32, #tpu.memory_space<vmem>>
      %dma_wait3A_153 = tpu.memref_slice %arg3[%add3A_4] : memref<10240xi32, #tpu.memory_space<hbm>> -> memref<80xi32, #tpu.memory_space<hbm>>
      %dma_wait3A_154 = arith.constant 0 : i32
      %dma_wait3A_155 = tpu.memref_slice %arg5[%run_scoped3A, %dma_wait3A_154] : memref<2x80xi32, #tpu.memory_space<vmem>> -> memref<1x80xi32, #tpu.memory_space<vmem>>
      %dma_wait3A_156 = tpu.memref_squeeze %dma_wait3A_155 : memref<1x80xi32, #tpu.memory_space<vmem>> -> memref<80xi32, #tpu.memory_space<vmem>>
      %dma_wait3A_157 = tpu.memref_slice %arg3[%add3A_4] : memref<10240xi32, #tpu.memory_space<hbm>> -> memref<80xi32, #tpu.memory_space<hbm>>
      tpu.wait_dma2 semaphore(%run_scoped3A_141 : memref<!tpu.dma_semaphore, #tpu.memory_space<semaphore_mem>>) src(%dma_wait3A_157 : memref<80xi32, #tpu.memory_space<hbm>>) dst(%dma_wait3A_156 : memref<80xi32, #tpu.memory_space<vmem>>)
      tpu.yield
    }) : () -> ()
    %dma_start3A = arith.constant 0 : i32
    %dma_start3A_5 = arith.constant 0 : i32
    %dma_start3A_6 = arith.constant 0 : i32
    %dma_start3A_7 = arith.constant 0 : i32
    %dma_start3A_8 = tpu.memref_slice %arg6[%dma_start3A_5, %dma_start3A_6, %dma_start3A_7] : memref<2x80x128xf32, #tpu.memory_space<vmem>> -> memref<1x80x128xf32, #tpu.memory_space<vmem>>
    %dma_start3A_9 = tpu.memref_squeeze %dma_start3A_8 : memref<1x80x128xf32, #tpu.memory_space<vmem>> -> memref<80x128xf32, #tpu.memory_space<vmem>>
    %dma_start3A_10 = arith.constant 0 : i32
    %dma_start3A_11 = tpu.memref_slice %arg5[%dma_start3A, %dma_start3A_10] : memref<2x80xi32, #tpu.memory_space<vmem>> -> memref<1x80xi32, #tpu.memory_space<vmem>>
    %dma_start3A_12 = tpu.memref_squeeze %dma_start3A_11 : memref<1x80xi32, #tpu.memory_space<vmem>> -> memref<80xi32, #tpu.memory_space<vmem>>
    %dma_start3A_13 = arith.constant 0 : i32
    %dma_start3A_14 = arith.constant 0 : i32
    %dma_start3A_15 = tpu.memref_slice %arg2[%dma_start3A_13, %dma_start3A_14] : memref<2500x128xf32, #tpu.memory_space<hbm>> -> memref<2500x128xf32, #tpu.memory_space<hbm>>
    tpu.enqueue_indirect_dma source(%dma_start3A_15 : memref<2500x128xf32, #tpu.memory_space<hbm>>) target(%dma_start3A_9 : memref<80x128xf32, #tpu.memory_space<vmem>>) offsets(%dma_start3A_12 : memref<80xi32, #tpu.memory_space<vmem>>) semaphore(%arg7 : memref<!tpu.dma_semaphore, #tpu.memory_space<semaphore_mem>>)
    %add3A_16 = arith.constant 80 : i32
    %add3A_17 = arith.addi %mul3A_2, %add3A_16 : i32
    %run_scoped3A_18 = arith.constant 1 : i32
    "tpu.region"() ({
      %run_scoped3A_141 = tpu.sem_alloc : memref<!tpu.dma_semaphore, #tpu.memory_space<semaphore_mem>>
      %dma_start3A_142 = arith.constant 0 : i32
      %dma_start3A_143 = tpu.memref_slice %arg5[%run_scoped3A_18, %dma_start3A_142] : memref<2x80xi32, #tpu.memory_space<vmem>> -> memref<1x80xi32, #tpu.memory_space<vmem>>
      %dma_start3A_144 = tpu.memref_squeeze %dma_start3A_143 : memref<1x80xi32, #tpu.memory_space<vmem>> -> memref<80xi32, #tpu.memory_space<vmem>>
      %dma_start3A_145 = tpu.memref_slice %arg3[%add3A_17] : memref<10240xi32, #tpu.memory_space<hbm>> -> memref<80xi32, #tpu.memory_space<hbm>>
      %dma_start3A_146 = arith.constant 0 : i32
      %dma_start3A_147 = tpu.memref_slice %arg5[%run_scoped3A_18, %dma_start3A_146] : memref<2x80xi32, #tpu.memory_space<vmem>> -> memref<1x80xi32, #tpu.memory_space<vmem>>
      %dma_start3A_148 = tpu.memref_squeeze %dma_start3A_147 : memref<1x80xi32, #tpu.memory_space<vmem>> -> memref<80xi32, #tpu.memory_space<vmem>>
      %dma_start3A_149 = tpu.memref_slice %arg3[%add3A_17] : memref<10240xi32, #tpu.memory_space<hbm>> -> memref<80xi32, #tpu.memory_space<hbm>>
      tpu.enqueue_dma source(%dma_start3A_149 : memref<80xi32, #tpu.memory_space<hbm>>) target(%dma_start3A_148 : memref<80xi32, #tpu.memory_space<vmem>>) target_semaphore(%run_scoped3A_141 : memref<!tpu.dma_semaphore, #tpu.memory_space<semaphore_mem>>)
      %dma_wait3A_150 = arith.constant 0 : i32
      %dma_wait3A_151 = tpu.memref_slice %arg5[%run_scoped3A_18, %dma_wait3A_150] : memref<2x80xi32, #tpu.memory_space<vmem>> -> memref<1x80xi32, #tpu.memory_space<vmem>>
      %dma_wait3A_152 = tpu.memref_squeeze %dma_wait3A_151 : memref<1x80xi32, #tpu.memory_space<vmem>> -> memref<80xi32, #tpu.memory_space<vmem>>
      %dma_wait3A_153 = tpu.memref_slice %arg3[%add3A_17] : memref<10240xi32, #tpu.memory_space<hbm>> -> memref<80xi32, #tpu.memory_space<hbm>>
      %dma_wait3A_154 = arith.constant 0 : i32
      %dma_wait3A_155 = tpu.memref_slice %arg5[%run_scoped3A_18, %dma_wait3A_154] : memref<2x80xi32, #tpu.memory_space<vmem>> -> memref<1x80xi32, #tpu.memory_space<vmem>>
      %dma_wait3A_156 = tpu.memref_squeeze %dma_wait3A_155 : memref<1x80xi32, #tpu.memory_space<vmem>> -> memref<80xi32, #tpu.memory_space<vmem>>
      %dma_wait3A_157 = tpu.memref_slice %arg3[%add3A_17] : memref<10240xi32, #tpu.memory_space<hbm>> -> memref<80xi32, #tpu.memory_space<hbm>>
      tpu.wait_dma2 semaphore(%run_scoped3A_141 : memref<!tpu.dma_semaphore, #tpu.memory_space<semaphore_mem>>) src(%dma_wait3A_157 : memref<80xi32, #tpu.memory_space<hbm>>) dst(%dma_wait3A_156 : memref<80xi32, #tpu.memory_space<vmem>>)
      tpu.yield
    }) : () -> ()
    %dma_start3A_19 = arith.constant 1 : i32
    %dma_start3A_20 = arith.constant 1 : i32
    %dma_start3A_21 = arith.constant 0 : i32
    %dma_start3A_22 = arith.constant 0 : i32
    %dma_start3A_23 = tpu.memref_slice %arg6[%dma_start3A_20, %dma_start3A_21, %dma_start3A_22] : memref<2x80x128xf32, #tpu.memory_space<vmem>> -> memref<1x80x128xf32, #tpu.memory_space<vmem>>
    %dma_start3A_24 = tpu.memref_squeeze %dma_start3A_23 : memref<1x80x128xf32, #tpu.memory_space<vmem>> -> memref<80x128xf32, #tpu.memory_space<vmem>>
    %dma_start3A_25 = arith.constant 0 : i32
    %dma_start3A_26 = tpu.memref_slice %arg5[%dma_start3A_19, %dma_start3A_25] : memref<2x80xi32, #tpu.memory_space<vmem>> -> memref<1x80xi32, #tpu.memory_space<vmem>>
    %dma_start3A_27 = tpu.memref_squeeze %dma_start3A_26 : memref<1x80xi32, #tpu.memory_space<vmem>> -> memref<80xi32, #tpu.memory_space<vmem>>
    %dma_start3A_28 = arith.constant 0 : i32
    %dma_start3A_29 = arith.constant 0 : i32
    %dma_start3A_30 = tpu.memref_slice %arg2[%dma_start3A_28, %dma_start3A_29] : memref<2500x128xf32, #tpu.memory_space<hbm>> -> memref<2500x128xf32, #tpu.memory_space<hbm>>
    tpu.enqueue_indirect_dma source(%dma_start3A_30 : memref<2500x128xf32, #tpu.memory_space<hbm>>) target(%dma_start3A_24 : memref<80x128xf32, #tpu.memory_space<vmem>>) offsets(%dma_start3A_27 : memref<80xi32, #tpu.memory_space<vmem>>) semaphore(%arg8 : memref<!tpu.dma_semaphore, #tpu.memory_space<semaphore_mem>>)
    %scan3A = arith.constant 0 : i32
    %mul3A_31 = arith.constant 1 : i32
    %mul3A_32 = arith.muli %scan3A, %mul3A_31 : i32
    %add3A_33 = arith.constant 0 : i32
    %add3A_34 = arith.addi %add3A_33, %mul3A_32 : i32
    %mul3A_35 = arith.constant 2 : i32
    %mul3A_36 = arith.muli %mul3A_35, %add3A_34 : i32
    %add3A_37 = arith.constant 0 : i32
    %add3A_38 = arith.addi %mul3A_36, %add3A_37 : i32
    %mul3A_39 = arith.constant 80 : i32
    %mul3A_40 = arith.muli %add3A_38, %mul3A_39 : i32
    %add3A_41 = arith.addi %mul3A_2, %mul3A_40 : i32
    %dma_wait3A = arith.constant 0 : i32
    %dma_wait3A_42 = arith.constant 0 : i32
    %dma_wait3A_43 = arith.constant 0 : i32
    %dma_wait3A_44 = arith.constant 0 : i32
    %dma_wait3A_45 = tpu.memref_slice %arg6[%dma_wait3A_42, %dma_wait3A_43, %dma_wait3A_44] : memref<2x80x128xf32, #tpu.memory_space<vmem>> -> memref<1x80x128xf32, #tpu.memory_space<vmem>>
    %dma_wait3A_46 = tpu.memref_squeeze %dma_wait3A_45 : memref<1x80x128xf32, #tpu.memory_space<vmem>> -> memref<80x128xf32, #tpu.memory_space<vmem>>
    %dma_wait3A_47 = arith.constant 0 : i32
    %dma_wait3A_48 = tpu.memref_slice %arg5[%dma_wait3A, %dma_wait3A_47] : memref<2x80xi32, #tpu.memory_space<vmem>> -> memref<1x80xi32, #tpu.memory_space<vmem>>
    %dma_wait3A_49 = tpu.memref_squeeze %dma_wait3A_48 : memref<1x80xi32, #tpu.memory_space<vmem>> -> memref<80xi32, #tpu.memory_space<vmem>>
    %dma_wait3A_50 = arith.constant 0 : i32
    %dma_wait3A_51 = arith.constant 0 : i32
    %dma_wait3A_52 = tpu.memref_slice %arg2[%dma_wait3A_50, %dma_wait3A_51] : memref<2500x128xf32, #tpu.memory_space<hbm>> -> memref<2500x128xf32, #tpu.memory_space<hbm>>
    tpu.wait_indirect_dma semaphore(%arg7 : memref<!tpu.dma_semaphore, #tpu.memory_space<semaphore_mem>>) src(%dma_wait3A_52 : memref<2500x128xf32, #tpu.memory_space<hbm>>) dst(%dma_wait3A_46 : memref<80x128xf32, #tpu.memory_space<vmem>>)
    %run_scoped3A_53 = arith.constant 0 : i32
    "tpu.region"() ({
      %run_scoped3A_141 = tpu.sem_alloc : memref<!tpu.dma_semaphore, #tpu.memory_space<semaphore_mem>>
      %dma_start3A_142 = arith.constant 0 : i32
      %dma_start3A_143 = arith.constant 0 : i32
      %dma_start3A_144 = tpu.memref_slice %arg6[%run_scoped3A_53, %dma_start3A_142, %dma_start3A_143] : memref<2x80x128xf32, #tpu.memory_space<vmem>> -> memref<1x80x128xf32, #tpu.memory_space<vmem>>
      %dma_start3A_145 = tpu.memref_squeeze %dma_start3A_144 : memref<1x80x128xf32, #tpu.memory_space<vmem>> -> memref<80x128xf32, #tpu.memory_space<vmem>>
      %dma_start3A_146 = arith.constant 0 : i32
      %dma_start3A_147 = tpu.memref_slice %arg4[%add3A_41, %dma_start3A_146] : memref<10240x128xf32, #tpu.memory_space<hbm>> -> memref<80x128xf32, #tpu.memory_space<hbm>>
      %dma_start3A_148 = arith.constant 0 : i32
      %dma_start3A_149 = tpu.memref_slice %arg4[%add3A_41, %dma_start3A_148] : memref<10240x128xf32, #tpu.memory_space<hbm>> -> memref<80x128xf32, #tpu.memory_space<hbm>>
      %dma_start3A_150 = arith.constant 0 : i32
      %dma_start3A_151 = arith.constant 0 : i32
      %dma_start3A_152 = tpu.memref_slice %arg6[%run_scoped3A_53, %dma_start3A_150, %dma_start3A_151] : memref<2x80x128xf32, #tpu.memory_space<vmem>> -> memref<1x80x128xf32, #tpu.memory_space<vmem>>
      %dma_start3A_153 = tpu.memref_squeeze %dma_start3A_152 : memref<1x80x128xf32, #tpu.memory_space<vmem>> -> memref<80x128xf32, #tpu.memory_space<vmem>>
      tpu.enqueue_dma source(%dma_start3A_153 : memref<80x128xf32, #tpu.memory_space<vmem>>) target(%dma_start3A_149 : memref<80x128xf32, #tpu.memory_space<hbm>>) target_semaphore(%run_scoped3A_141 : memref<!tpu.dma_semaphore, #tpu.memory_space<semaphore_mem>>)
      %dma_wait3A_154 = arith.constant 0 : i32
      %dma_wait3A_155 = arith.constant 0 : i32
      %dma_wait3A_156 = tpu.memref_slice %arg6[%run_scoped3A_53, %dma_wait3A_154, %dma_wait3A_155] : memref<2x80x128xf32, #tpu.memory_space<vmem>> -> memref<1x80x128xf32, #tpu.memory_space<vmem>>
      %dma_wait3A_157 = tpu.memref_squeeze %dma_wait3A_156 : memref<1x80x128xf32, #tpu.memory_space<vmem>> -> memref<80x128xf32, #tpu.memory_space<vmem>>
      %dma_wait3A_158 = arith.constant 0 : i32
      %dma_wait3A_159 = tpu.memref_slice %arg4[%add3A_41, %dma_wait3A_158] : memref<10240x128xf32, #tpu.memory_space<hbm>> -> memref<80x128xf32, #tpu.memory_space<hbm>>
      %dma_wait3A_160 = arith.constant 0 : i32
      %dma_wait3A_161 = tpu.memref_slice %arg4[%add3A_41, %dma_wait3A_160] : memref<10240x128xf32, #tpu.memory_space<hbm>> -> memref<80x128xf32, #tpu.memory_space<hbm>>
      %dma_wait3A_162 = arith.constant 0 : i32
      %dma_wait3A_163 = arith.constant 0 : i32
      %dma_wait3A_164 = tpu.memref_slice %arg6[%run_scoped3A_53, %dma_wait3A_162, %dma_wait3A_163] : memref<2x80x128xf32, #tpu.memory_space<vmem>> -> memref<1x80x128xf32, #tpu.memory_space<vmem>>
      %dma_wait3A_165 = tpu.memref_squeeze %dma_wait3A_164 : memref<1x80x128xf32, #tpu.memory_space<vmem>> -> memref<80x128xf32, #tpu.memory_space<vmem>>
      tpu.wait_dma2 semaphore(%run_scoped3A_141 : memref<!tpu.dma_semaphore, #tpu.memory_space<semaphore_mem>>) src(%dma_wait3A_165 : memref<80x128xf32, #tpu.memory_space<vmem>>) dst(%dma_wait3A_161 : memref<80x128xf32, #tpu.memory_space<hbm>>)
      tpu.yield
    }) : () -> ()
    %add3A_54 = arith.constant 2 : i32
    %add3A_55 = arith.addi %add3A_38, %add3A_54 : i32
    %mul3A_56 = arith.constant 80 : i32
    %mul3A_57 = arith.muli %add3A_55, %mul3A_56 : i32
    %add3A_58 = arith.addi %mul3A_2, %mul3A_57 : i32
    %run_scoped3A_59 = arith.constant 0 : i32
    "tpu.region"() ({
      %run_scoped3A_141 = tpu.sem_alloc : memref<!tpu.dma_semaphore, #tpu.memory_space<semaphore_mem>>
      %dma_start3A_142 = arith.constant 0 : i32
      %dma_start3A_143 = tpu.memref_slice %arg5[%run_scoped3A_59, %dma_start3A_142] : memref<2x80xi32, #tpu.memory_space<vmem>> -> memref<1x80xi32, #tpu.memory_space<vmem>>
      %dma_start3A_144 = tpu.memref_squeeze %dma_start3A_143 : memref<1x80xi32, #tpu.memory_space<vmem>> -> memref<80xi32, #tpu.memory_space<vmem>>
      %dma_start3A_145 = tpu.memref_slice %arg3[%add3A_58] : memref<10240xi32, #tpu.memory_space<hbm>> -> memref<80xi32, #tpu.memory_space<hbm>>
      %dma_start3A_146 = arith.constant 0 : i32
      %dma_start3A_147 = tpu.memref_slice %arg5[%run_scoped3A_59, %dma_start3A_146] : memref<2x80xi32, #tpu.memory_space<vmem>> -> memref<1x80xi32, #tpu.memory_space<vmem>>
      %dma_start3A_148 = tpu.memref_squeeze %dma_start3A_147 : memref<1x80xi32, #tpu.memory_space<vmem>> -> memref<80xi32, #tpu.memory_space<vmem>>
      %dma_start3A_149 = tpu.memref_slice %arg3[%add3A_58] : memref<10240xi32, #tpu.memory_space<hbm>> -> memref<80xi32, #tpu.memory_space<hbm>>
      tpu.enqueue_dma source(%dma_start3A_149 : memref<80xi32, #tpu.memory_space<hbm>>) target(%dma_start3A_148 : memref<80xi32, #tpu.memory_space<vmem>>) target_semaphore(%run_scoped3A_141 : memref<!tpu.dma_semaphore, #tpu.memory_space<semaphore_mem>>)
      %dma_wait3A_150 = arith.constant 0 : i32
      %dma_wait3A_151 = tpu.memref_slice %arg5[%run_scoped3A_59, %dma_wait3A_150] : memref<2x80xi32, #tpu.memory_space<vmem>> -> memref<1x80xi32, #tpu.memory_space<vmem>>
      %dma_wait3A_152 = tpu.memref_squeeze %dma_wait3A_151 : memref<1x80xi32, #tpu.memory_space<vmem>> -> memref<80xi32, #tpu.memory_space<vmem>>
      %dma_wait3A_153 = tpu.memref_slice %arg3[%add3A_58] : memref<10240xi32, #tpu.memory_space<hbm>> -> memref<80xi32, #tpu.memory_space<hbm>>
      %dma_wait3A_154 = arith.constant 0 : i32
      %dma_wait3A_155 = tpu.memref_slice %arg5[%run_scoped3A_59, %dma_wait3A_154] : memref<2x80xi32, #tpu.memory_space<vmem>> -> memref<1x80xi32, #tpu.memory_space<vmem>>
      %dma_wait3A_156 = tpu.memref_squeeze %dma_wait3A_155 : memref<1x80xi32, #tpu.memory_space<vmem>> -> memref<80xi32, #tpu.memory_space<vmem>>
      %dma_wait3A_157 = tpu.memref_slice %arg3[%add3A_58] : memref<10240xi32, #tpu.memory_space<hbm>> -> memref<80xi32, #tpu.memory_space<hbm>>
      tpu.wait_dma2 semaphore(%run_scoped3A_141 : memref<!tpu.dma_semaphore, #tpu.memory_space<semaphore_mem>>) src(%dma_wait3A_157 : memref<80xi32, #tpu.memory_space<hbm>>) dst(%dma_wait3A_156 : memref<80xi32, #tpu.memory_space<vmem>>)
      tpu.yield
    }) : () -> ()
    %dma_start3A_60 = arith.constant 0 : i32
    %dma_start3A_61 = arith.constant 0 : i32
    %dma_start3A_62 = arith.constant 0 : i32
    %dma_start3A_63 = arith.constant 0 : i32
    %dma_start3A_64 = tpu.memref_slice %arg6[%dma_start3A_61, %dma_start3A_62, %dma_start3A_63] : memref<2x80x128xf32, #tpu.memory_space<vmem>> -> memref<1x80x128xf32, #tpu.memory_space<vmem>>
    %dma_start3A_65 = tpu.memref_squeeze %dma_start3A_64 : memref<1x80x128xf32, #tpu.memory_space<vmem>> -> memref<80x128xf32, #tpu.memory_space<vmem>>
    %dma_start3A_66 = arith.constant 0 : i32
    %dma_start3A_67 = tpu.memref_slice %arg5[%dma_start3A_60, %dma_start3A_66] : memref<2x80xi32, #tpu.memory_space<vmem>> -> memref<1x80xi32, #tpu.memory_space<vmem>>
    %dma_start3A_68 = tpu.memref_squeeze %dma_start3A_67 : memref<1x80xi32, #tpu.memory_space<vmem>> -> memref<80xi32, #tpu.memory_space<vmem>>
    %dma_start3A_69 = arith.constant 0 : i32
    %dma_start3A_70 = arith.constant 0 : i32
    %dma_start3A_71 = tpu.memref_slice %arg2[%dma_start3A_69, %dma_start3A_70] : memref<2500x128xf32, #tpu.memory_space<hbm>> -> memref<2500x128xf32, #tpu.memory_space<hbm>>
    tpu.enqueue_indirect_dma source(%dma_start3A_71 : memref<2500x128xf32, #tpu.memory_space<hbm>>) target(%dma_start3A_65 : memref<80x128xf32, #tpu.memory_space<vmem>>) offsets(%dma_start3A_68 : memref<80xi32, #tpu.memory_space<vmem>>) semaphore(%arg7 : memref<!tpu.dma_semaphore, #tpu.memory_space<semaphore_mem>>)
    %mul3A_72 = arith.constant 2 : i32
    %mul3A_73 = arith.muli %mul3A_72, %add3A_34 : i32
    %add3A_74 = arith.constant 1 : i32
    %add3A_75 = arith.addi %mul3A_73, %add3A_74 : i32
    %mul3A_76 = arith.constant 80 : i32
    %mul3A_77 = arith.muli %add3A_75, %mul3A_76 : i32
    %add3A_78 = arith.addi %mul3A_2, %mul3A_77 : i32
    %dma_wait3A_79 = arith.constant 1 : i32
    %dma_wait3A_80 = arith.constant 1 : i32
    %dma_wait3A_81 = arith.constant 0 : i32
    %dma_wait3A_82 = arith.constant 0 : i32
    %dma_wait3A_83 = tpu.memref_slice %arg6[%dma_wait3A_80, %dma_wait3A_81, %dma_wait3A_82] : memref<2x80x128xf32, #tpu.memory_space<vmem>> -> memref<1x80x128xf32, #tpu.memory_space<vmem>>
    %dma_wait3A_84 = tpu.memref_squeeze %dma_wait3A_83 : memref<1x80x128xf32, #tpu.memory_space<vmem>> -> memref<80x128xf32, #tpu.memory_space<vmem>>
    %dma_wait3A_85 = arith.constant 0 : i32
    %dma_wait3A_86 = tpu.memref_slice %arg5[%dma_wait3A_79, %dma_wait3A_85] : memref<2x80xi32, #tpu.memory_space<vmem>> -> memref<1x80xi32, #tpu.memory_space<vmem>>
    %dma_wait3A_87 = tpu.memref_squeeze %dma_wait3A_86 : memref<1x80xi32, #tpu.memory_space<vmem>> -> memref<80xi32, #tpu.memory_space<vmem>>
    %dma_wait3A_88 = arith.constant 0 : i32
    %dma_wait3A_89 = arith.constant 0 : i32
    %dma_wait3A_90 = tpu.memref_slice %arg2[%dma_wait3A_88, %dma_wait3A_89] : memref<2500x128xf32, #tpu.memory_space<hbm>> -> memref<2500x128xf32, #tpu.memory_space<hbm>>
    tpu.wait_indirect_dma semaphore(%arg8 : memref<!tpu.dma_semaphore, #tpu.memory_space<semaphore_mem>>) src(%dma_wait3A_90 : memref<2500x128xf32, #tpu.memory_space<hbm>>) dst(%dma_wait3A_84 : memref<80x128xf32, #tpu.memory_space<vmem>>)
    %run_scoped3A_91 = arith.constant 1 : i32
    "tpu.region"() ({
      %run_scoped3A_141 = tpu.sem_alloc : memref<!tpu.dma_semaphore, #tpu.memory_space<semaphore_mem>>
      %dma_start3A_142 = arith.constant 0 : i32
      %dma_start3A_143 = arith.constant 0 : i32
      %dma_start3A_144 = tpu.memref_slice %arg6[%run_scoped3A_91, %dma_start3A_142, %dma_start3A_143] : memref<2x80x128xf32, #tpu.memory_space<vmem>> -> memref<1x80x128xf32, #tpu.memory_space<vmem>>
      %dma_start3A_145 = tpu.memref_squeeze %dma_start3A_144 : memref<1x80x128xf32, #tpu.memory_space<vmem>> -> memref<80x128xf32, #tpu.memory_space<vmem>>
      %dma_start3A_146 = arith.constant 0 : i32
      %dma_start3A_147 = tpu.memref_slice %arg4[%add3A_78, %dma_start3A_146] : memref<10240x128xf32, #tpu.memory_space<hbm>> -> memref<80x128xf32, #tpu.memory_space<hbm>>
      %dma_start3A_148 = arith.constant 0 : i32
      %dma_start3A_149 = tpu.memref_slice %arg4[%add3A_78, %dma_start3A_148] : memref<10240x128xf32, #tpu.memory_space<hbm>> -> memref<80x128xf32, #tpu.memory_space<hbm>>
      %dma_start3A_150 = arith.constant 0 : i32
      %dma_start3A_151 = arith.constant 0 : i32
      %dma_start3A_152 = tpu.memref_slice %arg6[%run_scoped3A_91, %dma_start3A_150, %dma_start3A_151] : memref<2x80x128xf32, #tpu.memory_space<vmem>> -> memref<1x80x128xf32, #tpu.memory_space<vmem>>
      %dma_start3A_153 = tpu.memref_squeeze %dma_start3A_152 : memref<1x80x128xf32, #tpu.memory_space<vmem>> -> memref<80x128xf32, #tpu.memory_space<vmem>>
      tpu.enqueue_dma source(%dma_start3A_153 : memref<80x128xf32, #tpu.memory_space<vmem>>) target(%dma_start3A_149 : memref<80x128xf32, #tpu.memory_space<hbm>>) target_semaphore(%run_scoped3A_141 : memref<!tpu.dma_semaphore, #tpu.memory_space<semaphore_mem>>)
      %dma_wait3A_154 = arith.constant 0 : i32
      %dma_wait3A_155 = arith.constant 0 : i32
      %dma_wait3A_156 = tpu.memref_slice %arg6[%run_scoped3A_91, %dma_wait3A_154, %dma_wait3A_155] : memref<2x80x128xf32, #tpu.memory_space<vmem>> -> memref<1x80x128xf32, #tpu.memory_space<vmem>>
      %dma_wait3A_157 = tpu.memref_squeeze %dma_wait3A_156 : memref<1x80x128xf32, #tpu.memory_space<vmem>> -> memref<80x128xf32, #tpu.memory_space<vmem>>
      %dma_wait3A_158 = arith.constant 0 : i32
      %dma_wait3A_159 = tpu.memref_slice %arg4[%add3A_78, %dma_wait3A_158] : memref<10240x128xf32, #tpu.memory_space<hbm>> -> memref<80x128xf32, #tpu.memory_space<hbm>>
      %dma_wait3A_160 = arith.constant 0 : i32
      %dma_wait3A_161 = tpu.memref_slice %arg4[%add3A_78, %dma_wait3A_160] : memref<10240x128xf32, #tpu.memory_space<hbm>> -> memref<80x128xf32, #tpu.memory_space<hbm>>
      %dma_wait3A_162 = arith.constant 0 : i32
      %dma_wait3A_163 = arith.constant 0 : i32
      %dma_wait3A_164 = tpu.memref_slice %arg6[%run_scoped3A_91, %dma_wait3A_162, %dma_wait3A_163] : memref<2x80x128xf32, #tpu.memory_space<vmem>> -> memref<1x80x128xf32, #tpu.memory_space<vmem>>
      %dma_wait3A_165 = tpu.memref_squeeze %dma_wait3A_164 : memref<1x80x128xf32, #tpu.memory_space<vmem>> -> memref<80x128xf32, #tpu.memory_space<vmem>>
      tpu.wait_dma2 semaphore(%run_scoped3A_141 : memref<!tpu.dma_semaphore, #tpu.memory_space<semaphore_mem>>) src(%dma_wait3A_165 : memref<80x128xf32, #tpu.memory_space<vmem>>) dst(%dma_wait3A_161 : memref<80x128xf32, #tpu.memory_space<hbm>>)
      tpu.yield
    }) : () -> ()
    %add3A_92 = arith.constant 2 : i32
    %add3A_93 = arith.addi %add3A_75, %add3A_92 : i32
    %mul3A_94 = arith.constant 80 : i32
    %mul3A_95 = arith.muli %add3A_93, %mul3A_94 : i32
    %add3A_96 = arith.addi %mul3A_2, %mul3A_95 : i32
    %run_scoped3A_97 = arith.constant 1 : i32
    "tpu.region"() ({
      %run_scoped3A_141 = tpu.sem_alloc : memref<!tpu.dma_semaphore, #tpu.memory_space<semaphore_mem>>
      %dma_start3A_142 = arith.constant 0 : i32
      %dma_start3A_143 = tpu.memref_slice %arg5[%run_scoped3A_97, %dma_start3A_142] : memref<2x80xi32, #tpu.memory_space<vmem>> -> memref<1x80xi32, #tpu.memory_space<vmem>>
      %dma_start3A_144 = tpu.memref_squeeze %dma_start3A_143 : memref<1x80xi32, #tpu.memory_space<vmem>> -> memref<80xi32, #tpu.memory_space<vmem>>
      %dma_start3A_145 = tpu.memref_slice %arg3[%add3A_96] : memref<10240xi32, #tpu.memory_space<hbm>> -> memref<80xi32, #tpu.memory_space<hbm>>
      %dma_start3A_146 = arith.constant 0 : i32
      %dma_start3A_147 = tpu.memref_slice %arg5[%run_scoped3A_97, %dma_start3A_146] : memref<2x80xi32, #tpu.memory_space<vmem>> -> memref<1x80xi32, #tpu.memory_space<vmem>>
      %dma_start3A_148 = tpu.memref_squeeze %dma_start3A_147 : memref<1x80xi32, #tpu.memory_space<vmem>> -> memref<80xi32, #tpu.memory_space<vmem>>
      %dma_start3A_149 = tpu.memref_slice %arg3[%add3A_96] : memref<10240xi32, #tpu.memory_space<hbm>> -> memref<80xi32, #tpu.memory_space<hbm>>
      tpu.enqueue_dma source(%dma_start3A_149 : memref<80xi32, #tpu.memory_space<hbm>>) target(%dma_start3A_148 : memref<80xi32, #tpu.memory_space<vmem>>) target_semaphore(%run_scoped3A_141 : memref<!tpu.dma_semaphore, #tpu.memory_space<semaphore_mem>>)
      %dma_wait3A_150 = arith.constant 0 : i32
      %dma_wait3A_151 = tpu.memref_slice %arg5[%run_scoped3A_97, %dma_wait3A_150] : memref<2x80xi32, #tpu.memory_space<vmem>> -> memref<1x80xi32, #tpu.memory_space<vmem>>
      %dma_wait3A_152 = tpu.memref_squeeze %dma_wait3A_151 : memref<1x80xi32, #tpu.memory_space<vmem>> -> memref<80xi32, #tpu.memory_space<vmem>>
      %dma_wait3A_153 = tpu.memref_slice %arg3[%add3A_96] : memref<10240xi32, #tpu.memory_space<hbm>> -> memref<80xi32, #tpu.memory_space<hbm>>
      %dma_wait3A_154 = arith.constant 0 : i32
      %dma_wait3A_155 = tpu.memref_slice %arg5[%run_scoped3A_97, %dma_wait3A_154] : memref<2x80xi32, #tpu.memory_space<vmem>> -> memref<1x80xi32, #tpu.memory_space<vmem>>
      %dma_wait3A_156 = tpu.memref_squeeze %dma_wait3A_155 : memref<1x80xi32, #tpu.memory_space<vmem>> -> memref<80xi32, #tpu.memory_space<vmem>>
      %dma_wait3A_157 = tpu.memref_slice %arg3[%add3A_96] : memref<10240xi32, #tpu.memory_space<hbm>> -> memref<80xi32, #tpu.memory_space<hbm>>
      tpu.wait_dma2 semaphore(%run_scoped3A_141 : memref<!tpu.dma_semaphore, #tpu.memory_space<semaphore_mem>>) src(%dma_wait3A_157 : memref<80xi32, #tpu.memory_space<hbm>>) dst(%dma_wait3A_156 : memref<80xi32, #tpu.memory_space<vmem>>)
      tpu.yield
    }) : () -> ()
    %dma_start3A_98 = arith.constant 1 : i32
    %dma_start3A_99 = arith.constant 1 : i32
    %dma_start3A_100 = arith.constant 0 : i32
    %dma_start3A_101 = arith.constant 0 : i32
    %dma_start3A_102 = tpu.memref_slice %arg6[%dma_start3A_99, %dma_start3A_100, %dma_start3A_101] : memref<2x80x128xf32, #tpu.memory_space<vmem>> -> memref<1x80x128xf32, #tpu.memory_space<vmem>>
    %dma_start3A_103 = tpu.memref_squeeze %dma_start3A_102 : memref<1x80x128xf32, #tpu.memory_space<vmem>> -> memref<80x128xf32, #tpu.memory_space<vmem>>
    %dma_start3A_104 = arith.constant 0 : i32
    %dma_start3A_105 = tpu.memref_slice %arg5[%dma_start3A_98, %dma_start3A_104] : memref<2x80xi32, #tpu.memory_space<vmem>> -> memref<1x80xi32, #tpu.memory_space<vmem>>
    %dma_start3A_106 = tpu.memref_squeeze %dma_start3A_105 : memref<1x80xi32, #tpu.memory_space<vmem>> -> memref<80xi32, #tpu.memory_space<vmem>>
    %dma_start3A_107 = arith.constant 0 : i32
    %dma_start3A_108 = arith.constant 0 : i32
    %dma_start3A_109 = tpu.memref_slice %arg2[%dma_start3A_107, %dma_start3A_108] : memref<2500x128xf32, #tpu.memory_space<hbm>> -> memref<2500x128xf32, #tpu.memory_space<hbm>>
    tpu.enqueue_indirect_dma source(%dma_start3A_109 : memref<2500x128xf32, #tpu.memory_space<hbm>>) target(%dma_start3A_103 : memref<80x128xf32, #tpu.memory_space<vmem>>) offsets(%dma_start3A_106 : memref<80xi32, #tpu.memory_space<vmem>>) semaphore(%arg8 : memref<!tpu.dma_semaphore, #tpu.memory_space<semaphore_mem>>)
    %scan3A_110 = arith.constant 1 : i32
    %add3A_111 = arith.constant 160 : i32
    %add3A_112 = arith.addi %mul3A_2, %add3A_111 : i32
    %dma_wait3A_113 = arith.constant 0 : i32
    %dma_wait3A_114 = arith.constant 0 : i32
    %dma_wait3A_115 = arith.constant 0 : i32
    %dma_wait3A_116 = arith.constant 0 : i32
    %dma_wait3A_117 = tpu.memref_slice %arg6[%dma_wait3A_114, %dma_wait3A_115, %dma_wait3A_116] : memref<2x80x128xf32, #tpu.memory_space<vmem>> -> memref<1x80x128xf32, #tpu.memory_space<vmem>>
    %dma_wait3A_118 = tpu.memref_squeeze %dma_wait3A_117 : memref<1x80x128xf32, #tpu.memory_space<vmem>> -> memref<80x128xf32, #tpu.memory_space<vmem>>
    %dma_wait3A_119 = arith.constant 0 : i32
    %dma_wait3A_120 = tpu.memref_slice %arg5[%dma_wait3A_113, %dma_wait3A_119] : memref<2x80xi32, #tpu.memory_space<vmem>> -> memref<1x80xi32, #tpu.memory_space<vmem>>
    %dma_wait3A_121 = tpu.memref_squeeze %dma_wait3A_120 : memref<1x80xi32, #tpu.memory_space<vmem>> -> memref<80xi32, #tpu.memory_space<vmem>>
    %dma_wait3A_122 = arith.constant 0 : i32
    %dma_wait3A_123 = arith.constant 0 : i32
    %dma_wait3A_124 = tpu.memref_slice %arg2[%dma_wait3A_122, %dma_wait3A_123] : memref<2500x128xf32, #tpu.memory_space<hbm>> -> memref<2500x128xf32, #tpu.memory_space<hbm>>
    tpu.wait_indirect_dma semaphore(%arg7 : memref<!tpu.dma_semaphore, #tpu.memory_space<semaphore_mem>>) src(%dma_wait3A_124 : memref<2500x128xf32, #tpu.memory_space<hbm>>) dst(%dma_wait3A_118 : memref<80x128xf32, #tpu.memory_space<vmem>>)
    %run_scoped3A_125 = arith.constant 0 : i32
    "tpu.region"() ({
      %run_scoped3A_141 = tpu.sem_alloc : memref<!tpu.dma_semaphore, #tpu.memory_space<semaphore_mem>>
      %dma_start3A_142 = arith.constant 0 : i32
      %dma_start3A_143 = arith.constant 0 : i32
      %dma_start3A_144 = tpu.memref_slice %arg6[%run_scoped3A_125, %dma_start3A_142, %dma_start3A_143] : memref<2x80x128xf32, #tpu.memory_space<vmem>> -> memref<1x80x128xf32, #tpu.memory_space<vmem>>
      %dma_start3A_145 = tpu.memref_squeeze %dma_start3A_144 : memref<1x80x128xf32, #tpu.memory_space<vmem>> -> memref<80x128xf32, #tpu.memory_space<vmem>>
      %dma_start3A_146 = arith.constant 0 : i32
      %dma_start3A_147 = tpu.memref_slice %arg4[%add3A_112, %dma_start3A_146] : memref<10240x128xf32, #tpu.memory_space<hbm>> -> memref<80x128xf32, #tpu.memory_space<hbm>>
      %dma_start3A_148 = arith.constant 0 : i32
      %dma_start3A_149 = tpu.memref_slice %arg4[%add3A_112, %dma_start3A_148] : memref<10240x128xf32, #tpu.memory_space<hbm>> -> memref<80x128xf32, #tpu.memory_space<hbm>>
      %dma_start3A_150 = arith.constant 0 : i32
      %dma_start3A_151 = arith.constant 0 : i32
      %dma_start3A_152 = tpu.memref_slice %arg6[%run_scoped3A_125, %dma_start3A_150, %dma_start3A_151] : memref<2x80x128xf32, #tpu.memory_space<vmem>> -> memref<1x80x128xf32, #tpu.memory_space<vmem>>
      %dma_start3A_153 = tpu.memref_squeeze %dma_start3A_152 : memref<1x80x128xf32, #tpu.memory_space<vmem>> -> memref<80x128xf32, #tpu.memory_space<vmem>>
      tpu.enqueue_dma source(%dma_start3A_153 : memref<80x128xf32, #tpu.memory_space<vmem>>) target(%dma_start3A_149 : memref<80x128xf32, #tpu.memory_space<hbm>>) target_semaphore(%run_scoped3A_141 : memref<!tpu.dma_semaphore, #tpu.memory_space<semaphore_mem>>)
      %dma_wait3A_154 = arith.constant 0 : i32
      %dma_wait3A_155 = arith.constant 0 : i32
      %dma_wait3A_156 = tpu.memref_slice %arg6[%run_scoped3A_125, %dma_wait3A_154, %dma_wait3A_155] : memref<2x80x128xf32, #tpu.memory_space<vmem>> -> memref<1x80x128xf32, #tpu.memory_space<vmem>>
      %dma_wait3A_157 = tpu.memref_squeeze %dma_wait3A_156 : memref<1x80x128xf32, #tpu.memory_space<vmem>> -> memref<80x128xf32, #tpu.memory_space<vmem>>
      %dma_wait3A_158 = arith.constant 0 : i32
      %dma_wait3A_159 = tpu.memref_slice %arg4[%add3A_112, %dma_wait3A_158] : memref<10240x128xf32, #tpu.memory_space<hbm>> -> memref<80x128xf32, #tpu.memory_space<hbm>>
      %dma_wait3A_160 = arith.constant 0 : i32
      %dma_wait3A_161 = tpu.memref_slice %arg4[%add3A_112, %dma_wait3A_160] : memref<10240x128xf32, #tpu.memory_space<hbm>> -> memref<80x128xf32, #tpu.memory_space<hbm>>
      %dma_wait3A_162 = arith.constant 0 : i32
      %dma_wait3A_163 = arith.constant 0 : i32
      %dma_wait3A_164 = tpu.memref_slice %arg6[%run_scoped3A_125, %dma_wait3A_162, %dma_wait3A_163] : memref<2x80x128xf32, #tpu.memory_space<vmem>> -> memref<1x80x128xf32, #tpu.memory_space<vmem>>
      %dma_wait3A_165 = tpu.memref_squeeze %dma_wait3A_164 : memref<1x80x128xf32, #tpu.memory_space<vmem>> -> memref<80x128xf32, #tpu.memory_space<vmem>>
      tpu.wait_dma2 semaphore(%run_scoped3A_141 : memref<!tpu.dma_semaphore, #tpu.memory_space<semaphore_mem>>) src(%dma_wait3A_165 : memref<80x128xf32, #tpu.memory_space<vmem>>) dst(%dma_wait3A_161 : memref<80x128xf32, #tpu.memory_space<hbm>>)
      tpu.yield
    }) : () -> ()
    %add3A_126 = arith.constant 240 : i32
    %add3A_127 = arith.addi %mul3A_2, %add3A_126 : i32
    %dma_wait3A_128 = arith.constant 1 : i32
    %dma_wait3A_129 = arith.constant 1 : i32
    %dma_wait3A_130 = arith.constant 0 : i32
    %dma_wait3A_131 = arith.constant 0 : i32
    %dma_wait3A_132 = tpu.memref_slice %arg6[%dma_wait3A_129, %dma_wait3A_130, %dma_wait3A_131] : memref<2x80x128xf32, #tpu.memory_space<vmem>> -> memref<1x80x128xf32, #tpu.memory_space<vmem>>
    %dma_wait3A_133 = tpu.memref_squeeze %dma_wait3A_132 : memref<1x80x128xf32, #tpu.memory_space<vmem>> -> memref<80x128xf32, #tpu.memory_space<vmem>>
    %dma_wait3A_134 = arith.constant 0 : i32
    %dma_wait3A_135 = tpu.memref_slice %arg5[%dma_wait3A_128, %dma_wait3A_134] : memref<2x80xi32, #tpu.memory_space<vmem>> -> memref<1x80xi32, #tpu.memory_space<vmem>>
    %dma_wait3A_136 = tpu.memref_squeeze %dma_wait3A_135 : memref<1x80xi32, #tpu.memory_space<vmem>> -> memref<80xi32, #tpu.memory_space<vmem>>
    %dma_wait3A_137 = arith.constant 0 : i32
    %dma_wait3A_138 = arith.constant 0 : i32
    %dma_wait3A_139 = tpu.memref_slice %arg2[%dma_wait3A_137, %dma_wait3A_138] : memref<2500x128xf32, #tpu.memory_space<hbm>> -> memref<2500x128xf32, #tpu.memory_space<hbm>>
    tpu.wait_indirect_dma semaphore(%arg8 : memref<!tpu.dma_semaphore, #tpu.memory_space<semaphore_mem>>) src(%dma_wait3A_139 : memref<2500x128xf32, #tpu.memory_space<hbm>>) dst(%dma_wait3A_133 : memref<80x128xf32, #tpu.memory_space<vmem>>)
    %run_scoped3A_140 = arith.constant 1 : i32
    "tpu.region"() ({
      %run_scoped3A_141 = tpu.sem_alloc : memref<!tpu.dma_semaphore, #tpu.memory_space<semaphore_mem>>
      %dma_start3A_142 = arith.constant 0 : i32
      %dma_start3A_143 = arith.constant 0 : i32
      %dma_start3A_144 = tpu.memref_slice %arg6[%run_scoped3A_140, %dma_start3A_142, %dma_start3A_143] : memref<2x80x128xf32, #tpu.memory_space<vmem>> -> memref<1x80x128xf32, #tpu.memory_space<vmem>>
      %dma_start3A_145 = tpu.memref_squeeze %dma_start3A_144 : memref<1x80x128xf32, #tpu.memory_space<vmem>> -> memref<80x128xf32, #tpu.memory_space<vmem>>
      %dma_start3A_146 = arith.constant 0 : i32
      %dma_start3A_147 = tpu.memref_slice %arg4[%add3A_127, %dma_start3A_146] : memref<10240x128xf32, #tpu.memory_space<hbm>> -> memref<80x128xf32, #tpu.memory_space<hbm>>
      %dma_start3A_148 = arith.constant 0 : i32
      %dma_start3A_149 = tpu.memref_slice %arg4[%add3A_127, %dma_start3A_148] : memref<10240x128xf32, #tpu.memory_space<hbm>> -> memref<80x128xf32, #tpu.memory_space<hbm>>
      %dma_start3A_150 = arith.constant 0 : i32
      %dma_start3A_151 = arith.constant 0 : i32
      %dma_start3A_152 = tpu.memref_slice %arg6[%run_scoped3A_140, %dma_start3A_150, %dma_start3A_151] : memref<2x80x128xf32, #tpu.memory_space<vmem>> -> memref<1x80x128xf32, #tpu.memory_space<vmem>>
      %dma_start3A_153 = tpu.memref_squeeze %dma_start3A_152 : memref<1x80x128xf32, #tpu.memory_space<vmem>> -> memref<80x128xf32, #tpu.memory_space<vmem>>
      tpu.enqueue_dma source(%dma_start3A_153 : memref<80x128xf32, #tpu.memory_space<vmem>>) target(%dma_start3A_149 : memref<80x128xf32, #tpu.memory_space<hbm>>) target_semaphore(%run_scoped3A_141 : memref<!tpu.dma_semaphore, #tpu.memory_space<semaphore_mem>>)
      %dma_wait3A_154 = arith.constant 0 : i32
      %dma_wait3A_155 = arith.constant 0 : i32
      %dma_wait3A_156 = tpu.memref_slice %arg6[%run_scoped3A_140, %dma_wait3A_154, %dma_wait3A_155] : memref<2x80x128xf32, #tpu.memory_space<vmem>> -> memref<1x80x128xf32, #tpu.memory_space<vmem>>
      %dma_wait3A_157 = tpu.memref_squeeze %dma_wait3A_156 : memref<1x80x128xf32, #tpu.memory_space<vmem>> -> memref<80x128xf32, #tpu.memory_space<vmem>>
      %dma_wait3A_158 = arith.constant 0 : i32
      %dma_wait3A_159 = tpu.memref_slice %arg4[%add3A_127, %dma_wait3A_158] : memref<10240x128xf32, #tpu.memory_space<hbm>> -> memref<80x128xf32, #tpu.memory_space<hbm>>
      %dma_wait3A_160 = arith.constant 0 : i32
      %dma_wait3A_161 = tpu.memref_slice %arg4[%add3A_127, %dma_wait3A_160] : memref<10240x128xf32, #tpu.memory_space<hbm>> -> memref<80x128xf32, #tpu.memory_space<hbm>>
      %dma_wait3A_162 = arith.constant 0 : i32
      %dma_wait3A_163 = arith.constant 0 : i32
      %dma_wait3A_164 = tpu.memref_slice %arg6[%run_scoped3A_140, %dma_wait3A_162, %dma_wait3A_163] : memref<2x80x128xf32, #tpu.memory_space<vmem>> -> memref<1x80x128xf32, #tpu.memory_space<vmem>>
      %dma_wait3A_165 = tpu.memref_squeeze %dma_wait3A_164 : memref<1x80x128xf32, #tpu.memory_space<vmem>> -> memref<80x128xf32, #tpu.memory_space<vmem>>
      tpu.wait_dma2 semaphore(%run_scoped3A_141 : memref<!tpu.dma_semaphore, #tpu.memory_space<semaphore_mem>>) src(%dma_wait3A_165 : memref<80x128xf32, #tpu.memory_space<vmem>>) dst(%dma_wait3A_161 : memref<80x128xf32, #tpu.memory_space<hbm>>)
      tpu.yield
    }) : () -> ()
    return
  }
}

#map = affine_map<(d0, d1) -> (0, 0)>
#map1 = affine_map<(d0, d1) -> (0)>
module attributes {stable_mosaic.version = 14 : i64} {
  func.func @k(%arg0: i32, %arg1: i32, %arg2: memref<10000x128xf32, #tpu.memory_space<hbm>>, %arg3: memref<10000x128xf32, #tpu.memory_space<hbm>>, %arg4: memref<320000xi32, #tpu.memory_space<hbm>>, %arg5: memref<320000xi32, #tpu.memory_space<hbm>>, %arg6: memref<320000x128xf32, #tpu.memory_space<hbm>>, %arg7: memref<320000x128xf32, #tpu.memory_space<hbm>>, %arg8: memref<10000xi32, #tpu.memory_space<vmem>>, %arg9: memref<10000xi32, #tpu.memory_space<vmem>>, %arg10: memref<4x80x128xf32, #tpu.memory_space<vmem>>, %arg11: memref<4x80x128xf32, #tpu.memory_space<vmem>>, %arg12: memref<!tpu.dma_semaphore, #tpu.memory_space<semaphore_mem>>, %arg13: memref<!tpu.dma_semaphore, #tpu.memory_space<semaphore_mem>>, %arg14: memref<!tpu.dma_semaphore, #tpu.memory_space<semaphore_mem>>, %arg15: memref<!tpu.dma_semaphore, #tpu.memory_space<semaphore_mem>>, %arg16: memref<!tpu.dma_semaphore, #tpu.memory_space<semaphore_mem>>, %arg17: memref<!tpu.dma_semaphore, #tpu.memory_space<semaphore_mem>>, %arg18: memref<!tpu.dma_semaphore, #tpu.memory_space<semaphore_mem>>, %arg19: memref<!tpu.dma_semaphore, #tpu.memory_space<semaphore_mem>>, %arg20: memref<!tpu.dma_semaphore, #tpu.memory_space<semaphore_mem>>, %arg21: memref<!tpu.dma_semaphore, #tpu.memory_space<semaphore_mem>>, %arg22: memref<!tpu.dma_semaphore, #tpu.memory_space<semaphore_mem>>, %arg23: memref<!tpu.dma_semaphore, #tpu.memory_space<semaphore_mem>>) attributes {dimension_semantics = [#tpu.dimension_semantics<core_parallel>, #tpu.dimension_semantics<subcore_parallel>], iteration_bounds = array<i64: 2, 16>, scalar_prefetch = 0 : i64, scratch_operands = 16 : i64, tpu.core_type = #tpu.core_type<sc_vector_subcore>, window_params = [{transform_indices = #map}, {transform_indices = #map}, {transform_indices = #map1}, {transform_indices = #map1}, {transform_indices = #map}, {transform_indices = #map}]} {
    %mul3A = arith.constant 16 : i32
    %mul3A_0 = arith.muli %arg0, %mul3A : i32
    %add3A = arith.addi %mul3A_0, %arg1 : i32
    %mul3A_1 = arith.constant 10000 : i32
    %mul3A_2 = arith.muli %add3A, %mul3A_1 : i32
    %add3A_3 = arith.constant 0 : i32
    %add3A_4 = arith.addi %add3A_3, %mul3A_2 : i32
    "tpu.region"() ({
      %run_scoped3A = tpu.sem_alloc : memref<!tpu.dma_semaphore, #tpu.memory_space<semaphore_mem>>
      %dma_start3A_499 = tpu.memref_slice %arg4[%add3A_4] : memref<320000xi32, #tpu.memory_space<hbm>> -> memref<10000xi32, #tpu.memory_space<hbm>>
      %dma_start3A_500 = tpu.memref_slice %arg4[%add3A_4] : memref<320000xi32, #tpu.memory_space<hbm>> -> memref<10000xi32, #tpu.memory_space<hbm>>
      tpu.enqueue_dma source(%dma_start3A_500 : memref<10000xi32, #tpu.memory_space<hbm>>) target(%arg8 : memref<10000xi32, #tpu.memory_space<vmem>>) target_semaphore(%run_scoped3A : memref<!tpu.dma_semaphore, #tpu.memory_space<semaphore_mem>>)
      %dma_wait3A_501 = tpu.memref_slice %arg4[%add3A_4] : memref<320000xi32, #tpu.memory_space<hbm>> -> memref<10000xi32, #tpu.memory_space<hbm>>
      %dma_wait3A_502 = tpu.memref_slice %arg4[%add3A_4] : memref<320000xi32, #tpu.memory_space<hbm>> -> memref<10000xi32, #tpu.memory_space<hbm>>
      tpu.wait_dma2 semaphore(%run_scoped3A : memref<!tpu.dma_semaphore, #tpu.memory_space<semaphore_mem>>) src(%dma_wait3A_502 : memref<10000xi32, #tpu.memory_space<hbm>>) dst(%arg8 : memref<10000xi32, #tpu.memory_space<vmem>>)
      tpu.yield
    }) : () -> ()
    %add3A_5 = arith.constant 0 : i32
    %add3A_6 = arith.addi %add3A_5, %mul3A_2 : i32
    "tpu.region"() ({
      %run_scoped3A = tpu.sem_alloc : memref<!tpu.dma_semaphore, #tpu.memory_space<semaphore_mem>>
      %dma_start3A_499 = tpu.memref_slice %arg5[%add3A_6] : memref<320000xi32, #tpu.memory_space<hbm>> -> memref<10000xi32, #tpu.memory_space<hbm>>
      %dma_start3A_500 = tpu.memref_slice %arg5[%add3A_6] : memref<320000xi32, #tpu.memory_space<hbm>> -> memref<10000xi32, #tpu.memory_space<hbm>>
      tpu.enqueue_dma source(%dma_start3A_500 : memref<10000xi32, #tpu.memory_space<hbm>>) target(%arg9 : memref<10000xi32, #tpu.memory_space<vmem>>) target_semaphore(%run_scoped3A : memref<!tpu.dma_semaphore, #tpu.memory_space<semaphore_mem>>)
      %dma_wait3A_501 = tpu.memref_slice %arg5[%add3A_6] : memref<320000xi32, #tpu.memory_space<hbm>> -> memref<10000xi32, #tpu.memory_space<hbm>>
      %dma_wait3A_502 = tpu.memref_slice %arg5[%add3A_6] : memref<320000xi32, #tpu.memory_space<hbm>> -> memref<10000xi32, #tpu.memory_space<hbm>>
      tpu.wait_dma2 semaphore(%run_scoped3A : memref<!tpu.dma_semaphore, #tpu.memory_space<semaphore_mem>>) src(%dma_wait3A_502 : memref<10000xi32, #tpu.memory_space<hbm>>) dst(%arg9 : memref<10000xi32, #tpu.memory_space<vmem>>)
      tpu.yield
    }) : () -> ()
    %dma_start3A = arith.constant 0 : i32
    %dma_start3A_7 = arith.constant 0 : i32
    %dma_start3A_8 = arith.constant 0 : i32
    %dma_start3A_9 = tpu.memref_slice %arg10[%dma_start3A, %dma_start3A_7, %dma_start3A_8] : memref<4x80x128xf32, #tpu.memory_space<vmem>> -> memref<1x80x128xf32, #tpu.memory_space<vmem>>
    %dma_start3A_10 = tpu.memref_squeeze %dma_start3A_9 : memref<1x80x128xf32, #tpu.memory_space<vmem>> -> memref<80x128xf32, #tpu.memory_space<vmem>>
    %dma_start3A_11 = arith.constant 0 : i32
    %dma_start3A_12 = tpu.memref_slice %arg8[%dma_start3A_11] : memref<10000xi32, #tpu.memory_space<vmem>> -> memref<80xi32, #tpu.memory_space<vmem>>
    %dma_start3A_13 = arith.constant 0 : i32
    %dma_start3A_14 = arith.constant 0 : i32
    %dma_start3A_15 = tpu.memref_slice %arg2[%dma_start3A_13, %dma_start3A_14] : memref<10000x128xf32, #tpu.memory_space<hbm>> -> memref<10000x128xf32, #tpu.memory_space<hbm>>
    tpu.enqueue_indirect_dma source(%dma_start3A_15 : memref<10000x128xf32, #tpu.memory_space<hbm>>) target(%dma_start3A_10 : memref<80x128xf32, #tpu.memory_space<vmem>>) offsets(%dma_start3A_12 : memref<80xi32, #tpu.memory_space<vmem>>) semaphore(%arg12 : memref<!tpu.dma_semaphore, #tpu.memory_space<semaphore_mem>>)
    %dma_start3A_16 = arith.constant 0 : i32
    %dma_start3A_17 = arith.constant 0 : i32
    %dma_start3A_18 = arith.constant 0 : i32
    %dma_start3A_19 = tpu.memref_slice %arg11[%dma_start3A_16, %dma_start3A_17, %dma_start3A_18] : memref<4x80x128xf32, #tpu.memory_space<vmem>> -> memref<1x80x128xf32, #tpu.memory_space<vmem>>
    %dma_start3A_20 = tpu.memref_squeeze %dma_start3A_19 : memref<1x80x128xf32, #tpu.memory_space<vmem>> -> memref<80x128xf32, #tpu.memory_space<vmem>>
    %dma_start3A_21 = arith.constant 0 : i32
    %dma_start3A_22 = tpu.memref_slice %arg9[%dma_start3A_21] : memref<10000xi32, #tpu.memory_space<vmem>> -> memref<80xi32, #tpu.memory_space<vmem>>
    %dma_start3A_23 = arith.constant 0 : i32
    %dma_start3A_24 = arith.constant 0 : i32
    %dma_start3A_25 = tpu.memref_slice %arg3[%dma_start3A_23, %dma_start3A_24] : memref<10000x128xf32, #tpu.memory_space<hbm>> -> memref<10000x128xf32, #tpu.memory_space<hbm>>
    tpu.enqueue_indirect_dma source(%dma_start3A_25 : memref<10000x128xf32, #tpu.memory_space<hbm>>) target(%dma_start3A_20 : memref<80x128xf32, #tpu.memory_space<vmem>>) offsets(%dma_start3A_22 : memref<80xi32, #tpu.memory_space<vmem>>) semaphore(%arg16 : memref<!tpu.dma_semaphore, #tpu.memory_space<semaphore_mem>>)
    %dma_start3A_26 = arith.constant 1 : i32
    %dma_start3A_27 = arith.constant 0 : i32
    %dma_start3A_28 = arith.constant 0 : i32
    %dma_start3A_29 = tpu.memref_slice %arg10[%dma_start3A_26, %dma_start3A_27, %dma_start3A_28] : memref<4x80x128xf32, #tpu.memory_space<vmem>> -> memref<1x80x128xf32, #tpu.memory_space<vmem>>
    %dma_start3A_30 = tpu.memref_squeeze %dma_start3A_29 : memref<1x80x128xf32, #tpu.memory_space<vmem>> -> memref<80x128xf32, #tpu.memory_space<vmem>>
    %dma_start3A_31 = arith.constant 80 : i32
    %dma_start3A_32 = tpu.memref_slice %arg8[%dma_start3A_31] : memref<10000xi32, #tpu.memory_space<vmem>> -> memref<80xi32, #tpu.memory_space<vmem>>
    %dma_start3A_33 = arith.constant 0 : i32
    %dma_start3A_34 = arith.constant 0 : i32
    %dma_start3A_35 = tpu.memref_slice %arg2[%dma_start3A_33, %dma_start3A_34] : memref<10000x128xf32, #tpu.memory_space<hbm>> -> memref<10000x128xf32, #tpu.memory_space<hbm>>
    tpu.enqueue_indirect_dma source(%dma_start3A_35 : memref<10000x128xf32, #tpu.memory_space<hbm>>) target(%dma_start3A_30 : memref<80x128xf32, #tpu.memory_space<vmem>>) offsets(%dma_start3A_32 : memref<80xi32, #tpu.memory_space<vmem>>) semaphore(%arg13 : memref<!tpu.dma_semaphore, #tpu.memory_space<semaphore_mem>>)
    %dma_start3A_36 = arith.constant 1 : i32
    %dma_start3A_37 = arith.constant 0 : i32
    %dma_start3A_38 = arith.constant 0 : i32
    %dma_start3A_39 = tpu.memref_slice %arg11[%dma_start3A_36, %dma_start3A_37, %dma_start3A_38] : memref<4x80x128xf32, #tpu.memory_space<vmem>> -> memref<1x80x128xf32, #tpu.memory_space<vmem>>
    %dma_start3A_40 = tpu.memref_squeeze %dma_start3A_39 : memref<1x80x128xf32, #tpu.memory_space<vmem>> -> memref<80x128xf32, #tpu.memory_space<vmem>>
    %dma_start3A_41 = arith.constant 80 : i32
    %dma_start3A_42 = tpu.memref_slice %arg9[%dma_start3A_41] : memref<10000xi32, #tpu.memory_space<vmem>> -> memref<80xi32, #tpu.memory_space<vmem>>
    %dma_start3A_43 = arith.constant 0 : i32
    %dma_start3A_44 = arith.constant 0 : i32
    %dma_start3A_45 = tpu.memref_slice %arg3[%dma_start3A_43, %dma_start3A_44] : memref<10000x128xf32, #tpu.memory_space<hbm>> -> memref<10000x128xf32, #tpu.memory_space<hbm>>
    tpu.enqueue_indirect_dma source(%dma_start3A_45 : memref<10000x128xf32, #tpu.memory_space<hbm>>) target(%dma_start3A_40 : memref<80x128xf32, #tpu.memory_space<vmem>>) offsets(%dma_start3A_42 : memref<80xi32, #tpu.memory_space<vmem>>) semaphore(%arg17 : memref<!tpu.dma_semaphore, #tpu.memory_space<semaphore_mem>>)
    %dma_start3A_46 = arith.constant 2 : i32
    %dma_start3A_47 = arith.constant 0 : i32
    %dma_start3A_48 = arith.constant 0 : i32
    %dma_start3A_49 = tpu.memref_slice %arg10[%dma_start3A_46, %dma_start3A_47, %dma_start3A_48] : memref<4x80x128xf32, #tpu.memory_space<vmem>> -> memref<1x80x128xf32, #tpu.memory_space<vmem>>
    %dma_start3A_50 = tpu.memref_squeeze %dma_start3A_49 : memref<1x80x128xf32, #tpu.memory_space<vmem>> -> memref<80x128xf32, #tpu.memory_space<vmem>>
    %dma_start3A_51 = arith.constant 160 : i32
    %dma_start3A_52 = tpu.memref_slice %arg8[%dma_start3A_51] : memref<10000xi32, #tpu.memory_space<vmem>> -> memref<80xi32, #tpu.memory_space<vmem>>
    %dma_start3A_53 = arith.constant 0 : i32
    %dma_start3A_54 = arith.constant 0 : i32
    %dma_start3A_55 = tpu.memref_slice %arg2[%dma_start3A_53, %dma_start3A_54] : memref<10000x128xf32, #tpu.memory_space<hbm>> -> memref<10000x128xf32, #tpu.memory_space<hbm>>
    tpu.enqueue_indirect_dma source(%dma_start3A_55 : memref<10000x128xf32, #tpu.memory_space<hbm>>) target(%dma_start3A_50 : memref<80x128xf32, #tpu.memory_space<vmem>>) offsets(%dma_start3A_52 : memref<80xi32, #tpu.memory_space<vmem>>) semaphore(%arg14 : memref<!tpu.dma_semaphore, #tpu.memory_space<semaphore_mem>>)
    %dma_start3A_56 = arith.constant 2 : i32
    %dma_start3A_57 = arith.constant 0 : i32
    %dma_start3A_58 = arith.constant 0 : i32
    %dma_start3A_59 = tpu.memref_slice %arg11[%dma_start3A_56, %dma_start3A_57, %dma_start3A_58] : memref<4x80x128xf32, #tpu.memory_space<vmem>> -> memref<1x80x128xf32, #tpu.memory_space<vmem>>
    %dma_start3A_60 = tpu.memref_squeeze %dma_start3A_59 : memref<1x80x128xf32, #tpu.memory_space<vmem>> -> memref<80x128xf32, #tpu.memory_space<vmem>>
    %dma_start3A_61 = arith.constant 160 : i32
    %dma_start3A_62 = tpu.memref_slice %arg9[%dma_start3A_61] : memref<10000xi32, #tpu.memory_space<vmem>> -> memref<80xi32, #tpu.memory_space<vmem>>
    %dma_start3A_63 = arith.constant 0 : i32
    %dma_start3A_64 = arith.constant 0 : i32
    %dma_start3A_65 = tpu.memref_slice %arg3[%dma_start3A_63, %dma_start3A_64] : memref<10000x128xf32, #tpu.memory_space<hbm>> -> memref<10000x128xf32, #tpu.memory_space<hbm>>
    tpu.enqueue_indirect_dma source(%dma_start3A_65 : memref<10000x128xf32, #tpu.memory_space<hbm>>) target(%dma_start3A_60 : memref<80x128xf32, #tpu.memory_space<vmem>>) offsets(%dma_start3A_62 : memref<80xi32, #tpu.memory_space<vmem>>) semaphore(%arg18 : memref<!tpu.dma_semaphore, #tpu.memory_space<semaphore_mem>>)
    %dma_start3A_66 = arith.constant 3 : i32
    %dma_start3A_67 = arith.constant 0 : i32
    %dma_start3A_68 = arith.constant 0 : i32
    %dma_start3A_69 = tpu.memref_slice %arg10[%dma_start3A_66, %dma_start3A_67, %dma_start3A_68] : memref<4x80x128xf32, #tpu.memory_space<vmem>> -> memref<1x80x128xf32, #tpu.memory_space<vmem>>
    %dma_start3A_70 = tpu.memref_squeeze %dma_start3A_69 : memref<1x80x128xf32, #tpu.memory_space<vmem>> -> memref<80x128xf32, #tpu.memory_space<vmem>>
    %dma_start3A_71 = arith.constant 240 : i32
    %dma_start3A_72 = tpu.memref_slice %arg8[%dma_start3A_71] : memref<10000xi32, #tpu.memory_space<vmem>> -> memref<80xi32, #tpu.memory_space<vmem>>
    %dma_start3A_73 = arith.constant 0 : i32
    %dma_start3A_74 = arith.constant 0 : i32
    %dma_start3A_75 = tpu.memref_slice %arg2[%dma_start3A_73, %dma_start3A_74] : memref<10000x128xf32, #tpu.memory_space<hbm>> -> memref<10000x128xf32, #tpu.memory_space<hbm>>
    tpu.enqueue_indirect_dma source(%dma_start3A_75 : memref<10000x128xf32, #tpu.memory_space<hbm>>) target(%dma_start3A_70 : memref<80x128xf32, #tpu.memory_space<vmem>>) offsets(%dma_start3A_72 : memref<80xi32, #tpu.memory_space<vmem>>) semaphore(%arg15 : memref<!tpu.dma_semaphore, #tpu.memory_space<semaphore_mem>>)
    %dma_start3A_76 = arith.constant 3 : i32
    %dma_start3A_77 = arith.constant 0 : i32
    %dma_start3A_78 = arith.constant 0 : i32
    %dma_start3A_79 = tpu.memref_slice %arg11[%dma_start3A_76, %dma_start3A_77, %dma_start3A_78] : memref<4x80x128xf32, #tpu.memory_space<vmem>> -> memref<1x80x128xf32, #tpu.memory_space<vmem>>
    %dma_start3A_80 = tpu.memref_squeeze %dma_start3A_79 : memref<1x80x128xf32, #tpu.memory_space<vmem>> -> memref<80x128xf32, #tpu.memory_space<vmem>>
    %dma_start3A_81 = arith.constant 240 : i32
    %dma_start3A_82 = tpu.memref_slice %arg9[%dma_start3A_81] : memref<10000xi32, #tpu.memory_space<vmem>> -> memref<80xi32, #tpu.memory_space<vmem>>
    %dma_start3A_83 = arith.constant 0 : i32
    %dma_start3A_84 = arith.constant 0 : i32
    %dma_start3A_85 = tpu.memref_slice %arg3[%dma_start3A_83, %dma_start3A_84] : memref<10000x128xf32, #tpu.memory_space<hbm>> -> memref<10000x128xf32, #tpu.memory_space<hbm>>
    tpu.enqueue_indirect_dma source(%dma_start3A_85 : memref<10000x128xf32, #tpu.memory_space<hbm>>) target(%dma_start3A_80 : memref<80x128xf32, #tpu.memory_space<vmem>>) offsets(%dma_start3A_82 : memref<80xi32, #tpu.memory_space<vmem>>) semaphore(%arg19 : memref<!tpu.dma_semaphore, #tpu.memory_space<semaphore_mem>>)
    %scan3A = arith.constant 0 : i32
    %scan3A_86 = arith.constant 30 : i32
    %scan3A_87 = arith.addi %scan3A, %scan3A_86 : i32
    %scan3A_88 = arith.constant 1 : i32
    scf.for %scan3A_499 = %scan3A to %scan3A_87 step %scan3A_88  : i32 {
      %mul3A_500 = arith.constant 1 : i32
      %mul3A_501 = arith.muli %scan3A_499, %mul3A_500 : i32
      %add3A_502 = arith.constant 0 : i32
      %add3A_503 = arith.addi %add3A_502, %mul3A_501 : i32
      %mul3A_504 = arith.constant 4 : i32
      %mul3A_505 = arith.muli %mul3A_504, %add3A_503 : i32
      %add3A_506 = arith.constant 0 : i32
      %add3A_507 = arith.addi %mul3A_505, %add3A_506 : i32
      %mul3A_508 = arith.constant 80 : i32
      %mul3A_509 = arith.muli %add3A_507, %mul3A_508 : i32
      %add3A_510 = arith.addi %mul3A_2, %mul3A_509 : i32
      %dma_wait3A_511 = arith.constant 0 : i32
      %dma_wait3A_512 = arith.constant 0 : i32
      %dma_wait3A_513 = arith.constant 0 : i32
      %dma_wait3A_514 = tpu.memref_slice %arg10[%dma_wait3A_511, %dma_wait3A_512, %dma_wait3A_513] : memref<4x80x128xf32, #tpu.memory_space<vmem>> -> memref<1x80x128xf32, #tpu.memory_space<vmem>>
      %dma_wait3A_515 = tpu.memref_squeeze %dma_wait3A_514 : memref<1x80x128xf32, #tpu.memory_space<vmem>> -> memref<80x128xf32, #tpu.memory_space<vmem>>
      %dma_wait3A_516 = arith.constant 0 : i32
      %dma_wait3A_517 = tpu.memref_slice %arg8[%dma_wait3A_516] : memref<10000xi32, #tpu.memory_space<vmem>> -> memref<80xi32, #tpu.memory_space<vmem>>
      %dma_wait3A_518 = arith.constant 0 : i32
      %dma_wait3A_519 = arith.constant 0 : i32
      %dma_wait3A_520 = tpu.memref_slice %arg2[%dma_wait3A_518, %dma_wait3A_519] : memref<10000x128xf32, #tpu.memory_space<hbm>> -> memref<10000x128xf32, #tpu.memory_space<hbm>>
      tpu.wait_indirect_dma semaphore(%arg12 : memref<!tpu.dma_semaphore, #tpu.memory_space<semaphore_mem>>) src(%dma_wait3A_520 : memref<10000x128xf32, #tpu.memory_space<hbm>>) dst(%dma_wait3A_515 : memref<80x128xf32, #tpu.memory_space<vmem>>)
      %dma_wait3A_521 = arith.constant 0 : i32
      %dma_wait3A_522 = arith.constant 0 : i32
      %dma_wait3A_523 = arith.constant 0 : i32
      %dma_wait3A_524 = tpu.memref_slice %arg11[%dma_wait3A_521, %dma_wait3A_522, %dma_wait3A_523] : memref<4x80x128xf32, #tpu.memory_space<vmem>> -> memref<1x80x128xf32, #tpu.memory_space<vmem>>
      %dma_wait3A_525 = tpu.memref_squeeze %dma_wait3A_524 : memref<1x80x128xf32, #tpu.memory_space<vmem>> -> memref<80x128xf32, #tpu.memory_space<vmem>>
      %dma_wait3A_526 = arith.constant 0 : i32
      %dma_wait3A_527 = tpu.memref_slice %arg9[%dma_wait3A_526] : memref<10000xi32, #tpu.memory_space<vmem>> -> memref<80xi32, #tpu.memory_space<vmem>>
      %dma_wait3A_528 = arith.constant 0 : i32
      %dma_wait3A_529 = arith.constant 0 : i32
      %dma_wait3A_530 = tpu.memref_slice %arg3[%dma_wait3A_528, %dma_wait3A_529] : memref<10000x128xf32, #tpu.memory_space<hbm>> -> memref<10000x128xf32, #tpu.memory_space<hbm>>
      tpu.wait_indirect_dma semaphore(%arg16 : memref<!tpu.dma_semaphore, #tpu.memory_space<semaphore_mem>>) src(%dma_wait3A_530 : memref<10000x128xf32, #tpu.memory_space<hbm>>) dst(%dma_wait3A_525 : memref<80x128xf32, #tpu.memory_space<vmem>>)
      %dma_start3A_531 = arith.constant 0 : i32
      %dma_start3A_532 = arith.constant 0 : i32
      %dma_start3A_533 = arith.constant 0 : i32
      %dma_start3A_534 = tpu.memref_slice %arg10[%dma_start3A_531, %dma_start3A_532, %dma_start3A_533] : memref<4x80x128xf32, #tpu.memory_space<vmem>> -> memref<1x80x128xf32, #tpu.memory_space<vmem>>
      %dma_start3A_535 = tpu.memref_squeeze %dma_start3A_534 : memref<1x80x128xf32, #tpu.memory_space<vmem>> -> memref<80x128xf32, #tpu.memory_space<vmem>>
      %dma_start3A_536 = arith.constant 0 : i32
      %dma_start3A_537 = tpu.memref_slice %arg6[%add3A_510, %dma_start3A_536] : memref<320000x128xf32, #tpu.memory_space<hbm>> -> memref<80x128xf32, #tpu.memory_space<hbm>>
      %dma_start3A_538 = arith.constant 0 : i32
      %dma_start3A_539 = tpu.memref_slice %arg6[%add3A_510, %dma_start3A_538] : memref<320000x128xf32, #tpu.memory_space<hbm>> -> memref<80x128xf32, #tpu.memory_space<hbm>>
      %dma_start3A_540 = arith.constant 0 : i32
      %dma_start3A_541 = arith.constant 0 : i32
      %dma_start3A_542 = tpu.memref_slice %arg10[%dma_start3A_531, %dma_start3A_540, %dma_start3A_541] : memref<4x80x128xf32, #tpu.memory_space<vmem>> -> memref<1x80x128xf32, #tpu.memory_space<vmem>>
      %dma_start3A_543 = tpu.memref_squeeze %dma_start3A_542 : memref<1x80x128xf32, #tpu.memory_space<vmem>> -> memref<80x128xf32, #tpu.memory_space<vmem>>
      tpu.enqueue_dma source(%dma_start3A_543 : memref<80x128xf32, #tpu.memory_space<vmem>>) target(%dma_start3A_539 : memref<80x128xf32, #tpu.memory_space<hbm>>) target_semaphore(%arg20 : memref<!tpu.dma_semaphore, #tpu.memory_space<semaphore_mem>>)
      %dma_start3A_544 = arith.constant 0 : i32
      %dma_start3A_545 = arith.constant 0 : i32
      %dma_start3A_546 = arith.constant 0 : i32
      %dma_start3A_547 = tpu.memref_slice %arg11[%dma_start3A_544, %dma_start3A_545, %dma_start3A_546] : memref<4x80x128xf32, #tpu.memory_space<vmem>> -> memref<1x80x128xf32, #tpu.memory_space<vmem>>
      %dma_start3A_548 = tpu.memref_squeeze %dma_start3A_547 : memref<1x80x128xf32, #tpu.memory_space<vmem>> -> memref<80x128xf32, #tpu.memory_space<vmem>>
      %dma_start3A_549 = arith.constant 0 : i32
      %dma_start3A_550 = tpu.memref_slice %arg7[%add3A_510, %dma_start3A_549] : memref<320000x128xf32, #tpu.memory_space<hbm>> -> memref<80x128xf32, #tpu.memory_space<hbm>>
      %dma_start3A_551 = arith.constant 0 : i32
      %dma_start3A_552 = tpu.memref_slice %arg7[%add3A_510, %dma_start3A_551] : memref<320000x128xf32, #tpu.memory_space<hbm>> -> memref<80x128xf32, #tpu.memory_space<hbm>>
      %dma_start3A_553 = arith.constant 0 : i32
      %dma_start3A_554 = arith.constant 0 : i32
      %dma_start3A_555 = tpu.memref_slice %arg11[%dma_start3A_544, %dma_start3A_553, %dma_start3A_554] : memref<4x80x128xf32, #tpu.memory_space<vmem>> -> memref<1x80x128xf32, #tpu.memory_space<vmem>>
      %dma_start3A_556 = tpu.memref_squeeze %dma_start3A_555 : memref<1x80x128xf32, #tpu.memory_space<vmem>> -> memref<80x128xf32, #tpu.memory_space<vmem>>
      tpu.enqueue_dma source(%dma_start3A_556 : memref<80x128xf32, #tpu.memory_space<vmem>>) target(%dma_start3A_552 : memref<80x128xf32, #tpu.memory_space<hbm>>) target_semaphore(%arg20 : memref<!tpu.dma_semaphore, #tpu.memory_space<semaphore_mem>>)
      %add3A_557 = arith.constant 4 : i32
      %add3A_558 = arith.addi %add3A_507, %add3A_557 : i32
      %dma_wait3A_559 = arith.constant 0 : i32
      %dma_wait3A_560 = arith.constant 0 : i32
      %dma_wait3A_561 = arith.constant 0 : i32
      %dma_wait3A_562 = tpu.memref_slice %arg10[%dma_wait3A_559, %dma_wait3A_560, %dma_wait3A_561] : memref<4x80x128xf32, #tpu.memory_space<vmem>> -> memref<1x80x128xf32, #tpu.memory_space<vmem>>
      %dma_wait3A_563 = tpu.memref_squeeze %dma_wait3A_562 : memref<1x80x128xf32, #tpu.memory_space<vmem>> -> memref<80x128xf32, #tpu.memory_space<vmem>>
      %dma_wait3A_564 = arith.constant 0 : i32
      %dma_wait3A_565 = arith.constant 0 : i32
      %dma_wait3A_566 = tpu.memref_slice %arg6[%dma_wait3A_564, %dma_wait3A_565] : memref<320000x128xf32, #tpu.memory_space<hbm>> -> memref<80x128xf32, #tpu.memory_space<hbm>>
      %dma_wait3A_567 = arith.constant 0 : i32
      %dma_wait3A_568 = arith.constant 0 : i32
      %dma_wait3A_569 = tpu.memref_slice %arg6[%dma_wait3A_567, %dma_wait3A_568] : memref<320000x128xf32, #tpu.memory_space<hbm>> -> memref<80x128xf32, #tpu.memory_space<hbm>>
      %dma_wait3A_570 = arith.constant 0 : i32
      %dma_wait3A_571 = arith.constant 0 : i32
      %dma_wait3A_572 = tpu.memref_slice %arg10[%dma_wait3A_559, %dma_wait3A_570, %dma_wait3A_571] : memref<4x80x128xf32, #tpu.memory_space<vmem>> -> memref<1x80x128xf32, #tpu.memory_space<vmem>>
      %dma_wait3A_573 = tpu.memref_squeeze %dma_wait3A_572 : memref<1x80x128xf32, #tpu.memory_space<vmem>> -> memref<80x128xf32, #tpu.memory_space<vmem>>
      tpu.wait_dma2 semaphore(%arg20 : memref<!tpu.dma_semaphore, #tpu.memory_space<semaphore_mem>>) src(%dma_wait3A_573 : memref<80x128xf32, #tpu.memory_space<vmem>>) dst(%dma_wait3A_569 : memref<80x128xf32, #tpu.memory_space<hbm>>)
      %dma_wait3A_574 = arith.constant 0 : i32
      %dma_wait3A_575 = arith.constant 0 : i32
      %dma_wait3A_576 = arith.constant 0 : i32
      %dma_wait3A_577 = tpu.memref_slice %arg11[%dma_wait3A_574, %dma_wait3A_575, %dma_wait3A_576] : memref<4x80x128xf32, #tpu.memory_space<vmem>> -> memref<1x80x128xf32, #tpu.memory_space<vmem>>
      %dma_wait3A_578 = tpu.memref_squeeze %dma_wait3A_577 : memref<1x80x128xf32, #tpu.memory_space<vmem>> -> memref<80x128xf32, #tpu.memory_space<vmem>>
      %dma_wait3A_579 = arith.constant 0 : i32
      %dma_wait3A_580 = arith.constant 0 : i32
      %dma_wait3A_581 = tpu.memref_slice %arg7[%dma_wait3A_579, %dma_wait3A_580] : memref<320000x128xf32, #tpu.memory_space<hbm>> -> memref<80x128xf32, #tpu.memory_space<hbm>>
      %dma_wait3A_582 = arith.constant 0 : i32
      %dma_wait3A_583 = arith.constant 0 : i32
      %dma_wait3A_584 = tpu.memref_slice %arg7[%dma_wait3A_582, %dma_wait3A_583] : memref<320000x128xf32, #tpu.memory_space<hbm>> -> memref<80x128xf32, #tpu.memory_space<hbm>>
      %dma_wait3A_585 = arith.constant 0 : i32
      %dma_wait3A_586 = arith.constant 0 : i32
      %dma_wait3A_587 = tpu.memref_slice %arg11[%dma_wait3A_574, %dma_wait3A_585, %dma_wait3A_586] : memref<4x80x128xf32, #tpu.memory_space<vmem>> -> memref<1x80x128xf32, #tpu.memory_space<vmem>>
      %dma_wait3A_588 = tpu.memref_squeeze %dma_wait3A_587 : memref<1x80x128xf32, #tpu.memory_space<vmem>> -> memref<80x128xf32, #tpu.memory_space<vmem>>
      tpu.wait_dma2 semaphore(%arg20 : memref<!tpu.dma_semaphore, #tpu.memory_space<semaphore_mem>>) src(%dma_wait3A_588 : memref<80x128xf32, #tpu.memory_space<vmem>>) dst(%dma_wait3A_584 : memref<80x128xf32, #tpu.memory_space<hbm>>)
      %mul3A_589 = arith.constant 80 : i32
      %mul3A_590 = arith.muli %add3A_558, %mul3A_589 : i32
      %dma_start3A_591 = arith.constant 0 : i32
      %dma_start3A_592 = arith.constant 0 : i32
      %dma_start3A_593 = arith.constant 0 : i32
      %dma_start3A_594 = tpu.memref_slice %arg10[%dma_start3A_591, %dma_start3A_592, %dma_start3A_593] : memref<4x80x128xf32, #tpu.memory_space<vmem>> -> memref<1x80x128xf32, #tpu.memory_space<vmem>>
      %dma_start3A_595 = tpu.memref_squeeze %dma_start3A_594 : memref<1x80x128xf32, #tpu.memory_space<vmem>> -> memref<80x128xf32, #tpu.memory_space<vmem>>
      %dma_start3A_596 = tpu.memref_slice %arg8[%mul3A_590] : memref<10000xi32, #tpu.memory_space<vmem>> -> memref<80xi32, #tpu.memory_space<vmem>>
      %dma_start3A_597 = arith.constant 0 : i32
      %dma_start3A_598 = arith.constant 0 : i32
      %dma_start3A_599 = tpu.memref_slice %arg2[%dma_start3A_597, %dma_start3A_598] : memref<10000x128xf32, #tpu.memory_space<hbm>> -> memref<10000x128xf32, #tpu.memory_space<hbm>>
      tpu.enqueue_indirect_dma source(%dma_start3A_599 : memref<10000x128xf32, #tpu.memory_space<hbm>>) target(%dma_start3A_595 : memref<80x128xf32, #tpu.memory_space<vmem>>) offsets(%dma_start3A_596 : memref<80xi32, #tpu.memory_space<vmem>>) semaphore(%arg12 : memref<!tpu.dma_semaphore, #tpu.memory_space<semaphore_mem>>)
      %dma_start3A_600 = arith.constant 0 : i32
      %dma_start3A_601 = arith.constant 0 : i32
      %dma_start3A_602 = arith.constant 0 : i32
      %dma_start3A_603 = tpu.memref_slice %arg11[%dma_start3A_600, %dma_start3A_601, %dma_start3A_602] : memref<4x80x128xf32, #tpu.memory_space<vmem>> -> memref<1x80x128xf32, #tpu.memory_space<vmem>>
      %dma_start3A_604 = tpu.memref_squeeze %dma_start3A_603 : memref<1x80x128xf32, #tpu.memory_space<vmem>> -> memref<80x128xf32, #tpu.memory_space<vmem>>
      %dma_start3A_605 = tpu.memref_slice %arg9[%mul3A_590] : memref<10000xi32, #tpu.memory_space<vmem>> -> memref<80xi32, #tpu.memory_space<vmem>>
      %dma_start3A_606 = arith.constant 0 : i32
      %dma_start3A_607 = arith.constant 0 : i32
      %dma_start3A_608 = tpu.memref_slice %arg3[%dma_start3A_606, %dma_start3A_607] : memref<10000x128xf32, #tpu.memory_space<hbm>> -> memref<10000x128xf32, #tpu.memory_space<hbm>>
      tpu.enqueue_indirect_dma source(%dma_start3A_608 : memref<10000x128xf32, #tpu.memory_space<hbm>>) target(%dma_start3A_604 : memref<80x128xf32, #tpu.memory_space<vmem>>) offsets(%dma_start3A_605 : memref<80xi32, #tpu.memory_space<vmem>>) semaphore(%arg16 : memref<!tpu.dma_semaphore, #tpu.memory_space<semaphore_mem>>)
      %mul3A_609 = arith.constant 4 : i32
      %mul3A_610 = arith.muli %mul3A_609, %add3A_503 : i32
      %add3A_611 = arith.constant 1 : i32
      %add3A_612 = arith.addi %mul3A_610, %add3A_611 : i32
      %mul3A_613 = arith.constant 80 : i32
      %mul3A_614 = arith.muli %add3A_612, %mul3A_613 : i32
      %add3A_615 = arith.addi %mul3A_2, %mul3A_614 : i32
      %dma_wait3A_616 = arith.constant 1 : i32
      %dma_wait3A_617 = arith.constant 0 : i32
      %dma_wait3A_618 = arith.constant 0 : i32
      %dma_wait3A_619 = tpu.memref_slice %arg10[%dma_wait3A_616, %dma_wait3A_617, %dma_wait3A_618] : memref<4x80x128xf32, #tpu.memory_space<vmem>> -> memref<1x80x128xf32, #tpu.memory_space<vmem>>
      %dma_wait3A_620 = tpu.memref_squeeze %dma_wait3A_619 : memref<1x80x128xf32, #tpu.memory_space<vmem>> -> memref<80x128xf32, #tpu.memory_space<vmem>>
      %dma_wait3A_621 = arith.constant 0 : i32
      %dma_wait3A_622 = tpu.memref_slice %arg8[%dma_wait3A_621] : memref<10000xi32, #tpu.memory_space<vmem>> -> memref<80xi32, #tpu.memory_space<vmem>>
      %dma_wait3A_623 = arith.constant 0 : i32
      %dma_wait3A_624 = arith.constant 0 : i32
      %dma_wait3A_625 = tpu.memref_slice %arg2[%dma_wait3A_623, %dma_wait3A_624] : memref<10000x128xf32, #tpu.memory_space<hbm>> -> memref<10000x128xf32, #tpu.memory_space<hbm>>
      tpu.wait_indirect_dma semaphore(%arg13 : memref<!tpu.dma_semaphore, #tpu.memory_space<semaphore_mem>>) src(%dma_wait3A_625 : memref<10000x128xf32, #tpu.memory_space<hbm>>) dst(%dma_wait3A_620 : memref<80x128xf32, #tpu.memory_space<vmem>>)
      %dma_wait3A_626 = arith.constant 1 : i32
      %dma_wait3A_627 = arith.constant 0 : i32
      %dma_wait3A_628 = arith.constant 0 : i32
      %dma_wait3A_629 = tpu.memref_slice %arg11[%dma_wait3A_626, %dma_wait3A_627, %dma_wait3A_628] : memref<4x80x128xf32, #tpu.memory_space<vmem>> -> memref<1x80x128xf32, #tpu.memory_space<vmem>>
      %dma_wait3A_630 = tpu.memref_squeeze %dma_wait3A_629 : memref<1x80x128xf32, #tpu.memory_space<vmem>> -> memref<80x128xf32, #tpu.memory_space<vmem>>
      %dma_wait3A_631 = arith.constant 0 : i32
      %dma_wait3A_632 = tpu.memref_slice %arg9[%dma_wait3A_631] : memref<10000xi32, #tpu.memory_space<vmem>> -> memref<80xi32, #tpu.memory_space<vmem>>
      %dma_wait3A_633 = arith.constant 0 : i32
      %dma_wait3A_634 = arith.constant 0 : i32
      %dma_wait3A_635 = tpu.memref_slice %arg3[%dma_wait3A_633, %dma_wait3A_634] : memref<10000x128xf32, #tpu.memory_space<hbm>> -> memref<10000x128xf32, #tpu.memory_space<hbm>>
      tpu.wait_indirect_dma semaphore(%arg17 : memref<!tpu.dma_semaphore, #tpu.memory_space<semaphore_mem>>) src(%dma_wait3A_635 : memref<10000x128xf32, #tpu.memory_space<hbm>>) dst(%dma_wait3A_630 : memref<80x128xf32, #tpu.memory_space<vmem>>)
      %dma_start3A_636 = arith.constant 1 : i32
      %dma_start3A_637 = arith.constant 0 : i32
      %dma_start3A_638 = arith.constant 0 : i32
      %dma_start3A_639 = tpu.memref_slice %arg10[%dma_start3A_636, %dma_start3A_637, %dma_start3A_638] : memref<4x80x128xf32, #tpu.memory_space<vmem>> -> memref<1x80x128xf32, #tpu.memory_space<vmem>>
      %dma_start3A_640 = tpu.memref_squeeze %dma_start3A_639 : memref<1x80x128xf32, #tpu.memory_space<vmem>> -> memref<80x128xf32, #tpu.memory_space<vmem>>
      %dma_start3A_641 = arith.constant 0 : i32
      %dma_start3A_642 = tpu.memref_slice %arg6[%add3A_615, %dma_start3A_641] : memref<320000x128xf32, #tpu.memory_space<hbm>> -> memref<80x128xf32, #tpu.memory_space<hbm>>
      %dma_start3A_643 = arith.constant 0 : i32
      %dma_start3A_644 = tpu.memref_slice %arg6[%add3A_615, %dma_start3A_643] : memref<320000x128xf32, #tpu.memory_space<hbm>> -> memref<80x128xf32, #tpu.memory_space<hbm>>
      %dma_start3A_645 = arith.constant 0 : i32
      %dma_start3A_646 = arith.constant 0 : i32
      %dma_start3A_647 = tpu.memref_slice %arg10[%dma_start3A_636, %dma_start3A_645, %dma_start3A_646] : memref<4x80x128xf32, #tpu.memory_space<vmem>> -> memref<1x80x128xf32, #tpu.memory_space<vmem>>
      %dma_start3A_648 = tpu.memref_squeeze %dma_start3A_647 : memref<1x80x128xf32, #tpu.memory_space<vmem>> -> memref<80x128xf32, #tpu.memory_space<vmem>>
      tpu.enqueue_dma source(%dma_start3A_648 : memref<80x128xf32, #tpu.memory_space<vmem>>) target(%dma_start3A_644 : memref<80x128xf32, #tpu.memory_space<hbm>>) target_semaphore(%arg21 : memref<!tpu.dma_semaphore, #tpu.memory_space<semaphore_mem>>)
      %dma_start3A_649 = arith.constant 1 : i32
      %dma_start3A_650 = arith.constant 0 : i32
      %dma_start3A_651 = arith.constant 0 : i32
      %dma_start3A_652 = tpu.memref_slice %arg11[%dma_start3A_649, %dma_start3A_650, %dma_start3A_651] : memref<4x80x128xf32, #tpu.memory_space<vmem>> -> memref<1x80x128xf32, #tpu.memory_space<vmem>>
      %dma_start3A_653 = tpu.memref_squeeze %dma_start3A_652 : memref<1x80x128xf32, #tpu.memory_space<vmem>> -> memref<80x128xf32, #tpu.memory_space<vmem>>
      %dma_start3A_654 = arith.constant 0 : i32
      %dma_start3A_655 = tpu.memref_slice %arg7[%add3A_615, %dma_start3A_654] : memref<320000x128xf32, #tpu.memory_space<hbm>> -> memref<80x128xf32, #tpu.memory_space<hbm>>
      %dma_start3A_656 = arith.constant 0 : i32
      %dma_start3A_657 = tpu.memref_slice %arg7[%add3A_615, %dma_start3A_656] : memref<320000x128xf32, #tpu.memory_space<hbm>> -> memref<80x128xf32, #tpu.memory_space<hbm>>
      %dma_start3A_658 = arith.constant 0 : i32
      %dma_start3A_659 = arith.constant 0 : i32
      %dma_start3A_660 = tpu.memref_slice %arg11[%dma_start3A_649, %dma_start3A_658, %dma_start3A_659] : memref<4x80x128xf32, #tpu.memory_space<vmem>> -> memref<1x80x128xf32, #tpu.memory_space<vmem>>
      %dma_start3A_661 = tpu.memref_squeeze %dma_start3A_660 : memref<1x80x128xf32, #tpu.memory_space<vmem>> -> memref<80x128xf32, #tpu.memory_space<vmem>>
      tpu.enqueue_dma source(%dma_start3A_661 : memref<80x128xf32, #tpu.memory_space<vmem>>) target(%dma_start3A_657 : memref<80x128xf32, #tpu.memory_space<hbm>>) target_semaphore(%arg21 : memref<!tpu.dma_semaphore, #tpu.memory_space<semaphore_mem>>)
      %add3A_662 = arith.constant 4 : i32
      %add3A_663 = arith.addi %add3A_612, %add3A_662 : i32
      %dma_wait3A_664 = arith.constant 1 : i32
      %dma_wait3A_665 = arith.constant 0 : i32
      %dma_wait3A_666 = arith.constant 0 : i32
      %dma_wait3A_667 = tpu.memref_slice %arg10[%dma_wait3A_664, %dma_wait3A_665, %dma_wait3A_666] : memref<4x80x128xf32, #tpu.memory_space<vmem>> -> memref<1x80x128xf32, #tpu.memory_space<vmem>>
      %dma_wait3A_668 = tpu.memref_squeeze %dma_wait3A_667 : memref<1x80x128xf32, #tpu.memory_space<vmem>> -> memref<80x128xf32, #tpu.memory_space<vmem>>
      %dma_wait3A_669 = arith.constant 0 : i32
      %dma_wait3A_670 = arith.constant 0 : i32
      %dma_wait3A_671 = tpu.memref_slice %arg6[%dma_wait3A_669, %dma_wait3A_670] : memref<320000x128xf32, #tpu.memory_space<hbm>> -> memref<80x128xf32, #tpu.memory_space<hbm>>
      %dma_wait3A_672 = arith.constant 0 : i32
      %dma_wait3A_673 = arith.constant 0 : i32
      %dma_wait3A_674 = tpu.memref_slice %arg6[%dma_wait3A_672, %dma_wait3A_673] : memref<320000x128xf32, #tpu.memory_space<hbm>> -> memref<80x128xf32, #tpu.memory_space<hbm>>
      %dma_wait3A_675 = arith.constant 0 : i32
      %dma_wait3A_676 = arith.constant 0 : i32
      %dma_wait3A_677 = tpu.memref_slice %arg10[%dma_wait3A_664, %dma_wait3A_675, %dma_wait3A_676] : memref<4x80x128xf32, #tpu.memory_space<vmem>> -> memref<1x80x128xf32, #tpu.memory_space<vmem>>
      %dma_wait3A_678 = tpu.memref_squeeze %dma_wait3A_677 : memref<1x80x128xf32, #tpu.memory_space<vmem>> -> memref<80x128xf32, #tpu.memory_space<vmem>>
      tpu.wait_dma2 semaphore(%arg21 : memref<!tpu.dma_semaphore, #tpu.memory_space<semaphore_mem>>) src(%dma_wait3A_678 : memref<80x128xf32, #tpu.memory_space<vmem>>) dst(%dma_wait3A_674 : memref<80x128xf32, #tpu.memory_space<hbm>>)
      %dma_wait3A_679 = arith.constant 1 : i32
      %dma_wait3A_680 = arith.constant 0 : i32
      %dma_wait3A_681 = arith.constant 0 : i32
      %dma_wait3A_682 = tpu.memref_slice %arg11[%dma_wait3A_679, %dma_wait3A_680, %dma_wait3A_681] : memref<4x80x128xf32, #tpu.memory_space<vmem>> -> memref<1x80x128xf32, #tpu.memory_space<vmem>>
      %dma_wait3A_683 = tpu.memref_squeeze %dma_wait3A_682 : memref<1x80x128xf32, #tpu.memory_space<vmem>> -> memref<80x128xf32, #tpu.memory_space<vmem>>
      %dma_wait3A_684 = arith.constant 0 : i32
      %dma_wait3A_685 = arith.constant 0 : i32
      %dma_wait3A_686 = tpu.memref_slice %arg7[%dma_wait3A_684, %dma_wait3A_685] : memref<320000x128xf32, #tpu.memory_space<hbm>> -> memref<80x128xf32, #tpu.memory_space<hbm>>
      %dma_wait3A_687 = arith.constant 0 : i32
      %dma_wait3A_688 = arith.constant 0 : i32
      %dma_wait3A_689 = tpu.memref_slice %arg7[%dma_wait3A_687, %dma_wait3A_688] : memref<320000x128xf32, #tpu.memory_space<hbm>> -> memref<80x128xf32, #tpu.memory_space<hbm>>
      %dma_wait3A_690 = arith.constant 0 : i32
      %dma_wait3A_691 = arith.constant 0 : i32
      %dma_wait3A_692 = tpu.memref_slice %arg11[%dma_wait3A_679, %dma_wait3A_690, %dma_wait3A_691] : memref<4x80x128xf32, #tpu.memory_space<vmem>> -> memref<1x80x128xf32, #tpu.memory_space<vmem>>
      %dma_wait3A_693 = tpu.memref_squeeze %dma_wait3A_692 : memref<1x80x128xf32, #tpu.memory_space<vmem>> -> memref<80x128xf32, #tpu.memory_space<vmem>>
      tpu.wait_dma2 semaphore(%arg21 : memref<!tpu.dma_semaphore, #tpu.memory_space<semaphore_mem>>) src(%dma_wait3A_693 : memref<80x128xf32, #tpu.memory_space<vmem>>) dst(%dma_wait3A_689 : memref<80x128xf32, #tpu.memory_space<hbm>>)
      %mul3A_694 = arith.constant 80 : i32
      %mul3A_695 = arith.muli %add3A_663, %mul3A_694 : i32
      %dma_start3A_696 = arith.constant 1 : i32
      %dma_start3A_697 = arith.constant 0 : i32
      %dma_start3A_698 = arith.constant 0 : i32
      %dma_start3A_699 = tpu.memref_slice %arg10[%dma_start3A_696, %dma_start3A_697, %dma_start3A_698] : memref<4x80x128xf32, #tpu.memory_space<vmem>> -> memref<1x80x128xf32, #tpu.memory_space<vmem>>
      %dma_start3A_700 = tpu.memref_squeeze %dma_start3A_699 : memref<1x80x128xf32, #tpu.memory_space<vmem>> -> memref<80x128xf32, #tpu.memory_space<vmem>>
      %dma_start3A_701 = tpu.memref_slice %arg8[%mul3A_695] : memref<10000xi32, #tpu.memory_space<vmem>> -> memref<80xi32, #tpu.memory_space<vmem>>
      %dma_start3A_702 = arith.constant 0 : i32
      %dma_start3A_703 = arith.constant 0 : i32
      %dma_start3A_704 = tpu.memref_slice %arg2[%dma_start3A_702, %dma_start3A_703] : memref<10000x128xf32, #tpu.memory_space<hbm>> -> memref<10000x128xf32, #tpu.memory_space<hbm>>
      tpu.enqueue_indirect_dma source(%dma_start3A_704 : memref<10000x128xf32, #tpu.memory_space<hbm>>) target(%dma_start3A_700 : memref<80x128xf32, #tpu.memory_space<vmem>>) offsets(%dma_start3A_701 : memref<80xi32, #tpu.memory_space<vmem>>) semaphore(%arg13 : memref<!tpu.dma_semaphore, #tpu.memory_space<semaphore_mem>>)
      %dma_start3A_705 = arith.constant 1 : i32
      %dma_start3A_706 = arith.constant 0 : i32
      %dma_start3A_707 = arith.constant 0 : i32
      %dma_start3A_708 = tpu.memref_slice %arg11[%dma_start3A_705, %dma_start3A_706, %dma_start3A_707] : memref<4x80x128xf32, #tpu.memory_space<vmem>> -> memref<1x80x128xf32, #tpu.memory_space<vmem>>
      %dma_start3A_709 = tpu.memref_squeeze %dma_start3A_708 : memref<1x80x128xf32, #tpu.memory_space<vmem>> -> memref<80x128xf32, #tpu.memory_space<vmem>>
      %dma_start3A_710 = tpu.memref_slice %arg9[%mul3A_695] : memref<10000xi32, #tpu.memory_space<vmem>> -> memref<80xi32, #tpu.memory_space<vmem>>
      %dma_start3A_711 = arith.constant 0 : i32
      %dma_start3A_712 = arith.constant 0 : i32
      %dma_start3A_713 = tpu.memref_slice %arg3[%dma_start3A_711, %dma_start3A_712] : memref<10000x128xf32, #tpu.memory_space<hbm>> -> memref<10000x128xf32, #tpu.memory_space<hbm>>
      tpu.enqueue_indirect_dma source(%dma_start3A_713 : memref<10000x128xf32, #tpu.memory_space<hbm>>) target(%dma_start3A_709 : memref<80x128xf32, #tpu.memory_space<vmem>>) offsets(%dma_start3A_710 : memref<80xi32, #tpu.memory_space<vmem>>) semaphore(%arg17 : memref<!tpu.dma_semaphore, #tpu.memory_space<semaphore_mem>>)
      %mul3A_714 = arith.constant 4 : i32
      %mul3A_715 = arith.muli %mul3A_714, %add3A_503 : i32
      %add3A_716 = arith.constant 2 : i32
      %add3A_717 = arith.addi %mul3A_715, %add3A_716 : i32
      %mul3A_718 = arith.constant 80 : i32
      %mul3A_719 = arith.muli %add3A_717, %mul3A_718 : i32
      %add3A_720 = arith.addi %mul3A_2, %mul3A_719 : i32
      %dma_wait3A_721 = arith.constant 2 : i32
      %dma_wait3A_722 = arith.constant 0 : i32
      %dma_wait3A_723 = arith.constant 0 : i32
      %dma_wait3A_724 = tpu.memref_slice %arg10[%dma_wait3A_721, %dma_wait3A_722, %dma_wait3A_723] : memref<4x80x128xf32, #tpu.memory_space<vmem>> -> memref<1x80x128xf32, #tpu.memory_space<vmem>>
      %dma_wait3A_725 = tpu.memref_squeeze %dma_wait3A_724 : memref<1x80x128xf32, #tpu.memory_space<vmem>> -> memref<80x128xf32, #tpu.memory_space<vmem>>
      %dma_wait3A_726 = arith.constant 0 : i32
      %dma_wait3A_727 = tpu.memref_slice %arg8[%dma_wait3A_726] : memref<10000xi32, #tpu.memory_space<vmem>> -> memref<80xi32, #tpu.memory_space<vmem>>
      %dma_wait3A_728 = arith.constant 0 : i32
      %dma_wait3A_729 = arith.constant 0 : i32
      %dma_wait3A_730 = tpu.memref_slice %arg2[%dma_wait3A_728, %dma_wait3A_729] : memref<10000x128xf32, #tpu.memory_space<hbm>> -> memref<10000x128xf32, #tpu.memory_space<hbm>>
      tpu.wait_indirect_dma semaphore(%arg14 : memref<!tpu.dma_semaphore, #tpu.memory_space<semaphore_mem>>) src(%dma_wait3A_730 : memref<10000x128xf32, #tpu.memory_space<hbm>>) dst(%dma_wait3A_725 : memref<80x128xf32, #tpu.memory_space<vmem>>)
      %dma_wait3A_731 = arith.constant 2 : i32
      %dma_wait3A_732 = arith.constant 0 : i32
      %dma_wait3A_733 = arith.constant 0 : i32
      %dma_wait3A_734 = tpu.memref_slice %arg11[%dma_wait3A_731, %dma_wait3A_732, %dma_wait3A_733] : memref<4x80x128xf32, #tpu.memory_space<vmem>> -> memref<1x80x128xf32, #tpu.memory_space<vmem>>
      %dma_wait3A_735 = tpu.memref_squeeze %dma_wait3A_734 : memref<1x80x128xf32, #tpu.memory_space<vmem>> -> memref<80x128xf32, #tpu.memory_space<vmem>>
      %dma_wait3A_736 = arith.constant 0 : i32
      %dma_wait3A_737 = tpu.memref_slice %arg9[%dma_wait3A_736] : memref<10000xi32, #tpu.memory_space<vmem>> -> memref<80xi32, #tpu.memory_space<vmem>>
      %dma_wait3A_738 = arith.constant 0 : i32
      %dma_wait3A_739 = arith.constant 0 : i32
      %dma_wait3A_740 = tpu.memref_slice %arg3[%dma_wait3A_738, %dma_wait3A_739] : memref<10000x128xf32, #tpu.memory_space<hbm>> -> memref<10000x128xf32, #tpu.memory_space<hbm>>
      tpu.wait_indirect_dma semaphore(%arg18 : memref<!tpu.dma_semaphore, #tpu.memory_space<semaphore_mem>>) src(%dma_wait3A_740 : memref<10000x128xf32, #tpu.memory_space<hbm>>) dst(%dma_wait3A_735 : memref<80x128xf32, #tpu.memory_space<vmem>>)
      %dma_start3A_741 = arith.constant 2 : i32
      %dma_start3A_742 = arith.constant 0 : i32
      %dma_start3A_743 = arith.constant 0 : i32
      %dma_start3A_744 = tpu.memref_slice %arg10[%dma_start3A_741, %dma_start3A_742, %dma_start3A_743] : memref<4x80x128xf32, #tpu.memory_space<vmem>> -> memref<1x80x128xf32, #tpu.memory_space<vmem>>
      %dma_start3A_745 = tpu.memref_squeeze %dma_start3A_744 : memref<1x80x128xf32, #tpu.memory_space<vmem>> -> memref<80x128xf32, #tpu.memory_space<vmem>>
      %dma_start3A_746 = arith.constant 0 : i32
      %dma_start3A_747 = tpu.memref_slice %arg6[%add3A_720, %dma_start3A_746] : memref<320000x128xf32, #tpu.memory_space<hbm>> -> memref<80x128xf32, #tpu.memory_space<hbm>>
      %dma_start3A_748 = arith.constant 0 : i32
      %dma_start3A_749 = tpu.memref_slice %arg6[%add3A_720, %dma_start3A_748] : memref<320000x128xf32, #tpu.memory_space<hbm>> -> memref<80x128xf32, #tpu.memory_space<hbm>>
      %dma_start3A_750 = arith.constant 0 : i32
      %dma_start3A_751 = arith.constant 0 : i32
      %dma_start3A_752 = tpu.memref_slice %arg10[%dma_start3A_741, %dma_start3A_750, %dma_start3A_751] : memref<4x80x128xf32, #tpu.memory_space<vmem>> -> memref<1x80x128xf32, #tpu.memory_space<vmem>>
      %dma_start3A_753 = tpu.memref_squeeze %dma_start3A_752 : memref<1x80x128xf32, #tpu.memory_space<vmem>> -> memref<80x128xf32, #tpu.memory_space<vmem>>
      tpu.enqueue_dma source(%dma_start3A_753 : memref<80x128xf32, #tpu.memory_space<vmem>>) target(%dma_start3A_749 : memref<80x128xf32, #tpu.memory_space<hbm>>) target_semaphore(%arg22 : memref<!tpu.dma_semaphore, #tpu.memory_space<semaphore_mem>>)
      %dma_start3A_754 = arith.constant 2 : i32
      %dma_start3A_755 = arith.constant 0 : i32
      %dma_start3A_756 = arith.constant 0 : i32
      %dma_start3A_757 = tpu.memref_slice %arg11[%dma_start3A_754, %dma_start3A_755, %dma_start3A_756] : memref<4x80x128xf32, #tpu.memory_space<vmem>> -> memref<1x80x128xf32, #tpu.memory_space<vmem>>
      %dma_start3A_758 = tpu.memref_squeeze %dma_start3A_757 : memref<1x80x128xf32, #tpu.memory_space<vmem>> -> memref<80x128xf32, #tpu.memory_space<vmem>>
      %dma_start3A_759 = arith.constant 0 : i32
      %dma_start3A_760 = tpu.memref_slice %arg7[%add3A_720, %dma_start3A_759] : memref<320000x128xf32, #tpu.memory_space<hbm>> -> memref<80x128xf32, #tpu.memory_space<hbm>>
      %dma_start3A_761 = arith.constant 0 : i32
      %dma_start3A_762 = tpu.memref_slice %arg7[%add3A_720, %dma_start3A_761] : memref<320000x128xf32, #tpu.memory_space<hbm>> -> memref<80x128xf32, #tpu.memory_space<hbm>>
      %dma_start3A_763 = arith.constant 0 : i32
      %dma_start3A_764 = arith.constant 0 : i32
      %dma_start3A_765 = tpu.memref_slice %arg11[%dma_start3A_754, %dma_start3A_763, %dma_start3A_764] : memref<4x80x128xf32, #tpu.memory_space<vmem>> -> memref<1x80x128xf32, #tpu.memory_space<vmem>>
      %dma_start3A_766 = tpu.memref_squeeze %dma_start3A_765 : memref<1x80x128xf32, #tpu.memory_space<vmem>> -> memref<80x128xf32, #tpu.memory_space<vmem>>
      tpu.enqueue_dma source(%dma_start3A_766 : memref<80x128xf32, #tpu.memory_space<vmem>>) target(%dma_start3A_762 : memref<80x128xf32, #tpu.memory_space<hbm>>) target_semaphore(%arg22 : memref<!tpu.dma_semaphore, #tpu.memory_space<semaphore_mem>>)
      %add3A_767 = arith.constant 4 : i32
      %add3A_768 = arith.addi %add3A_717, %add3A_767 : i32
      %dma_wait3A_769 = arith.constant 2 : i32
      %dma_wait3A_770 = arith.constant 0 : i32
      %dma_wait3A_771 = arith.constant 0 : i32
      %dma_wait3A_772 = tpu.memref_slice %arg10[%dma_wait3A_769, %dma_wait3A_770, %dma_wait3A_771] : memref<4x80x128xf32, #tpu.memory_space<vmem>> -> memref<1x80x128xf32, #tpu.memory_space<vmem>>
      %dma_wait3A_773 = tpu.memref_squeeze %dma_wait3A_772 : memref<1x80x128xf32, #tpu.memory_space<vmem>> -> memref<80x128xf32, #tpu.memory_space<vmem>>
      %dma_wait3A_774 = arith.constant 0 : i32
      %dma_wait3A_775 = arith.constant 0 : i32
      %dma_wait3A_776 = tpu.memref_slice %arg6[%dma_wait3A_774, %dma_wait3A_775] : memref<320000x128xf32, #tpu.memory_space<hbm>> -> memref<80x128xf32, #tpu.memory_space<hbm>>
      %dma_wait3A_777 = arith.constant 0 : i32
      %dma_wait3A_778 = arith.constant 0 : i32
      %dma_wait3A_779 = tpu.memref_slice %arg6[%dma_wait3A_777, %dma_wait3A_778] : memref<320000x128xf32, #tpu.memory_space<hbm>> -> memref<80x128xf32, #tpu.memory_space<hbm>>
      %dma_wait3A_780 = arith.constant 0 : i32
      %dma_wait3A_781 = arith.constant 0 : i32
      %dma_wait3A_782 = tpu.memref_slice %arg10[%dma_wait3A_769, %dma_wait3A_780, %dma_wait3A_781] : memref<4x80x128xf32, #tpu.memory_space<vmem>> -> memref<1x80x128xf32, #tpu.memory_space<vmem>>
      %dma_wait3A_783 = tpu.memref_squeeze %dma_wait3A_782 : memref<1x80x128xf32, #tpu.memory_space<vmem>> -> memref<80x128xf32, #tpu.memory_space<vmem>>
      tpu.wait_dma2 semaphore(%arg22 : memref<!tpu.dma_semaphore, #tpu.memory_space<semaphore_mem>>) src(%dma_wait3A_783 : memref<80x128xf32, #tpu.memory_space<vmem>>) dst(%dma_wait3A_779 : memref<80x128xf32, #tpu.memory_space<hbm>>)
      %dma_wait3A_784 = arith.constant 2 : i32
      %dma_wait3A_785 = arith.constant 0 : i32
      %dma_wait3A_786 = arith.constant 0 : i32
      %dma_wait3A_787 = tpu.memref_slice %arg11[%dma_wait3A_784, %dma_wait3A_785, %dma_wait3A_786] : memref<4x80x128xf32, #tpu.memory_space<vmem>> -> memref<1x80x128xf32, #tpu.memory_space<vmem>>
      %dma_wait3A_788 = tpu.memref_squeeze %dma_wait3A_787 : memref<1x80x128xf32, #tpu.memory_space<vmem>> -> memref<80x128xf32, #tpu.memory_space<vmem>>
      %dma_wait3A_789 = arith.constant 0 : i32
      %dma_wait3A_790 = arith.constant 0 : i32
      %dma_wait3A_791 = tpu.memref_slice %arg7[%dma_wait3A_789, %dma_wait3A_790] : memref<320000x128xf32, #tpu.memory_space<hbm>> -> memref<80x128xf32, #tpu.memory_space<hbm>>
      %dma_wait3A_792 = arith.constant 0 : i32
      %dma_wait3A_793 = arith.constant 0 : i32
      %dma_wait3A_794 = tpu.memref_slice %arg7[%dma_wait3A_792, %dma_wait3A_793] : memref<320000x128xf32, #tpu.memory_space<hbm>> -> memref<80x128xf32, #tpu.memory_space<hbm>>
      %dma_wait3A_795 = arith.constant 0 : i32
      %dma_wait3A_796 = arith.constant 0 : i32
      %dma_wait3A_797 = tpu.memref_slice %arg11[%dma_wait3A_784, %dma_wait3A_795, %dma_wait3A_796] : memref<4x80x128xf32, #tpu.memory_space<vmem>> -> memref<1x80x128xf32, #tpu.memory_space<vmem>>
      %dma_wait3A_798 = tpu.memref_squeeze %dma_wait3A_797 : memref<1x80x128xf32, #tpu.memory_space<vmem>> -> memref<80x128xf32, #tpu.memory_space<vmem>>
      tpu.wait_dma2 semaphore(%arg22 : memref<!tpu.dma_semaphore, #tpu.memory_space<semaphore_mem>>) src(%dma_wait3A_798 : memref<80x128xf32, #tpu.memory_space<vmem>>) dst(%dma_wait3A_794 : memref<80x128xf32, #tpu.memory_space<hbm>>)
      %mul3A_799 = arith.constant 80 : i32
      %mul3A_800 = arith.muli %add3A_768, %mul3A_799 : i32
      %dma_start3A_801 = arith.constant 2 : i32
      %dma_start3A_802 = arith.constant 0 : i32
      %dma_start3A_803 = arith.constant 0 : i32
      %dma_start3A_804 = tpu.memref_slice %arg10[%dma_start3A_801, %dma_start3A_802, %dma_start3A_803] : memref<4x80x128xf32, #tpu.memory_space<vmem>> -> memref<1x80x128xf32, #tpu.memory_space<vmem>>
      %dma_start3A_805 = tpu.memref_squeeze %dma_start3A_804 : memref<1x80x128xf32, #tpu.memory_space<vmem>> -> memref<80x128xf32, #tpu.memory_space<vmem>>
      %dma_start3A_806 = tpu.memref_slice %arg8[%mul3A_800] : memref<10000xi32, #tpu.memory_space<vmem>> -> memref<80xi32, #tpu.memory_space<vmem>>
      %dma_start3A_807 = arith.constant 0 : i32
      %dma_start3A_808 = arith.constant 0 : i32
      %dma_start3A_809 = tpu.memref_slice %arg2[%dma_start3A_807, %dma_start3A_808] : memref<10000x128xf32, #tpu.memory_space<hbm>> -> memref<10000x128xf32, #tpu.memory_space<hbm>>
      tpu.enqueue_indirect_dma source(%dma_start3A_809 : memref<10000x128xf32, #tpu.memory_space<hbm>>) target(%dma_start3A_805 : memref<80x128xf32, #tpu.memory_space<vmem>>) offsets(%dma_start3A_806 : memref<80xi32, #tpu.memory_space<vmem>>) semaphore(%arg14 : memref<!tpu.dma_semaphore, #tpu.memory_space<semaphore_mem>>)
      %dma_start3A_810 = arith.constant 2 : i32
      %dma_start3A_811 = arith.constant 0 : i32
      %dma_start3A_812 = arith.constant 0 : i32
      %dma_start3A_813 = tpu.memref_slice %arg11[%dma_start3A_810, %dma_start3A_811, %dma_start3A_812] : memref<4x80x128xf32, #tpu.memory_space<vmem>> -> memref<1x80x128xf32, #tpu.memory_space<vmem>>
      %dma_start3A_814 = tpu.memref_squeeze %dma_start3A_813 : memref<1x80x128xf32, #tpu.memory_space<vmem>> -> memref<80x128xf32, #tpu.memory_space<vmem>>
      %dma_start3A_815 = tpu.memref_slice %arg9[%mul3A_800] : memref<10000xi32, #tpu.memory_space<vmem>> -> memref<80xi32, #tpu.memory_space<vmem>>
      %dma_start3A_816 = arith.constant 0 : i32
      %dma_start3A_817 = arith.constant 0 : i32
      %dma_start3A_818 = tpu.memref_slice %arg3[%dma_start3A_816, %dma_start3A_817] : memref<10000x128xf32, #tpu.memory_space<hbm>> -> memref<10000x128xf32, #tpu.memory_space<hbm>>
      tpu.enqueue_indirect_dma source(%dma_start3A_818 : memref<10000x128xf32, #tpu.memory_space<hbm>>) target(%dma_start3A_814 : memref<80x128xf32, #tpu.memory_space<vmem>>) offsets(%dma_start3A_815 : memref<80xi32, #tpu.memory_space<vmem>>) semaphore(%arg18 : memref<!tpu.dma_semaphore, #tpu.memory_space<semaphore_mem>>)
      %mul3A_819 = arith.constant 4 : i32
      %mul3A_820 = arith.muli %mul3A_819, %add3A_503 : i32
      %add3A_821 = arith.constant 3 : i32
      %add3A_822 = arith.addi %mul3A_820, %add3A_821 : i32
      %mul3A_823 = arith.constant 80 : i32
      %mul3A_824 = arith.muli %add3A_822, %mul3A_823 : i32
      %add3A_825 = arith.addi %mul3A_2, %mul3A_824 : i32
      %dma_wait3A_826 = arith.constant 3 : i32
      %dma_wait3A_827 = arith.constant 0 : i32
      %dma_wait3A_828 = arith.constant 0 : i32
      %dma_wait3A_829 = tpu.memref_slice %arg10[%dma_wait3A_826, %dma_wait3A_827, %dma_wait3A_828] : memref<4x80x128xf32, #tpu.memory_space<vmem>> -> memref<1x80x128xf32, #tpu.memory_space<vmem>>
      %dma_wait3A_830 = tpu.memref_squeeze %dma_wait3A_829 : memref<1x80x128xf32, #tpu.memory_space<vmem>> -> memref<80x128xf32, #tpu.memory_space<vmem>>
      %dma_wait3A_831 = arith.constant 0 : i32
      %dma_wait3A_832 = tpu.memref_slice %arg8[%dma_wait3A_831] : memref<10000xi32, #tpu.memory_space<vmem>> -> memref<80xi32, #tpu.memory_space<vmem>>
      %dma_wait3A_833 = arith.constant 0 : i32
      %dma_wait3A_834 = arith.constant 0 : i32
      %dma_wait3A_835 = tpu.memref_slice %arg2[%dma_wait3A_833, %dma_wait3A_834] : memref<10000x128xf32, #tpu.memory_space<hbm>> -> memref<10000x128xf32, #tpu.memory_space<hbm>>
      tpu.wait_indirect_dma semaphore(%arg15 : memref<!tpu.dma_semaphore, #tpu.memory_space<semaphore_mem>>) src(%dma_wait3A_835 : memref<10000x128xf32, #tpu.memory_space<hbm>>) dst(%dma_wait3A_830 : memref<80x128xf32, #tpu.memory_space<vmem>>)
      %dma_wait3A_836 = arith.constant 3 : i32
      %dma_wait3A_837 = arith.constant 0 : i32
      %dma_wait3A_838 = arith.constant 0 : i32
      %dma_wait3A_839 = tpu.memref_slice %arg11[%dma_wait3A_836, %dma_wait3A_837, %dma_wait3A_838] : memref<4x80x128xf32, #tpu.memory_space<vmem>> -> memref<1x80x128xf32, #tpu.memory_space<vmem>>
      %dma_wait3A_840 = tpu.memref_squeeze %dma_wait3A_839 : memref<1x80x128xf32, #tpu.memory_space<vmem>> -> memref<80x128xf32, #tpu.memory_space<vmem>>
      %dma_wait3A_841 = arith.constant 0 : i32
      %dma_wait3A_842 = tpu.memref_slice %arg9[%dma_wait3A_841] : memref<10000xi32, #tpu.memory_space<vmem>> -> memref<80xi32, #tpu.memory_space<vmem>>
      %dma_wait3A_843 = arith.constant 0 : i32
      %dma_wait3A_844 = arith.constant 0 : i32
      %dma_wait3A_845 = tpu.memref_slice %arg3[%dma_wait3A_843, %dma_wait3A_844] : memref<10000x128xf32, #tpu.memory_space<hbm>> -> memref<10000x128xf32, #tpu.memory_space<hbm>>
      tpu.wait_indirect_dma semaphore(%arg19 : memref<!tpu.dma_semaphore, #tpu.memory_space<semaphore_mem>>) src(%dma_wait3A_845 : memref<10000x128xf32, #tpu.memory_space<hbm>>) dst(%dma_wait3A_840 : memref<80x128xf32, #tpu.memory_space<vmem>>)
      %dma_start3A_846 = arith.constant 3 : i32
      %dma_start3A_847 = arith.constant 0 : i32
      %dma_start3A_848 = arith.constant 0 : i32
      %dma_start3A_849 = tpu.memref_slice %arg10[%dma_start3A_846, %dma_start3A_847, %dma_start3A_848] : memref<4x80x128xf32, #tpu.memory_space<vmem>> -> memref<1x80x128xf32, #tpu.memory_space<vmem>>
      %dma_start3A_850 = tpu.memref_squeeze %dma_start3A_849 : memref<1x80x128xf32, #tpu.memory_space<vmem>> -> memref<80x128xf32, #tpu.memory_space<vmem>>
      %dma_start3A_851 = arith.constant 0 : i32
      %dma_start3A_852 = tpu.memref_slice %arg6[%add3A_825, %dma_start3A_851] : memref<320000x128xf32, #tpu.memory_space<hbm>> -> memref<80x128xf32, #tpu.memory_space<hbm>>
      %dma_start3A_853 = arith.constant 0 : i32
      %dma_start3A_854 = tpu.memref_slice %arg6[%add3A_825, %dma_start3A_853] : memref<320000x128xf32, #tpu.memory_space<hbm>> -> memref<80x128xf32, #tpu.memory_space<hbm>>
      %dma_start3A_855 = arith.constant 0 : i32
      %dma_start3A_856 = arith.constant 0 : i32
      %dma_start3A_857 = tpu.memref_slice %arg10[%dma_start3A_846, %dma_start3A_855, %dma_start3A_856] : memref<4x80x128xf32, #tpu.memory_space<vmem>> -> memref<1x80x128xf32, #tpu.memory_space<vmem>>
      %dma_start3A_858 = tpu.memref_squeeze %dma_start3A_857 : memref<1x80x128xf32, #tpu.memory_space<vmem>> -> memref<80x128xf32, #tpu.memory_space<vmem>>
      tpu.enqueue_dma source(%dma_start3A_858 : memref<80x128xf32, #tpu.memory_space<vmem>>) target(%dma_start3A_854 : memref<80x128xf32, #tpu.memory_space<hbm>>) target_semaphore(%arg23 : memref<!tpu.dma_semaphore, #tpu.memory_space<semaphore_mem>>)
      %dma_start3A_859 = arith.constant 3 : i32
      %dma_start3A_860 = arith.constant 0 : i32
      %dma_start3A_861 = arith.constant 0 : i32
      %dma_start3A_862 = tpu.memref_slice %arg11[%dma_start3A_859, %dma_start3A_860, %dma_start3A_861] : memref<4x80x128xf32, #tpu.memory_space<vmem>> -> memref<1x80x128xf32, #tpu.memory_space<vmem>>
      %dma_start3A_863 = tpu.memref_squeeze %dma_start3A_862 : memref<1x80x128xf32, #tpu.memory_space<vmem>> -> memref<80x128xf32, #tpu.memory_space<vmem>>
      %dma_start3A_864 = arith.constant 0 : i32
      %dma_start3A_865 = tpu.memref_slice %arg7[%add3A_825, %dma_start3A_864] : memref<320000x128xf32, #tpu.memory_space<hbm>> -> memref<80x128xf32, #tpu.memory_space<hbm>>
      %dma_start3A_866 = arith.constant 0 : i32
      %dma_start3A_867 = tpu.memref_slice %arg7[%add3A_825, %dma_start3A_866] : memref<320000x128xf32, #tpu.memory_space<hbm>> -> memref<80x128xf32, #tpu.memory_space<hbm>>
      %dma_start3A_868 = arith.constant 0 : i32
      %dma_start3A_869 = arith.constant 0 : i32
      %dma_start3A_870 = tpu.memref_slice %arg11[%dma_start3A_859, %dma_start3A_868, %dma_start3A_869] : memref<4x80x128xf32, #tpu.memory_space<vmem>> -> memref<1x80x128xf32, #tpu.memory_space<vmem>>
      %dma_start3A_871 = tpu.memref_squeeze %dma_start3A_870 : memref<1x80x128xf32, #tpu.memory_space<vmem>> -> memref<80x128xf32, #tpu.memory_space<vmem>>
      tpu.enqueue_dma source(%dma_start3A_871 : memref<80x128xf32, #tpu.memory_space<vmem>>) target(%dma_start3A_867 : memref<80x128xf32, #tpu.memory_space<hbm>>) target_semaphore(%arg23 : memref<!tpu.dma_semaphore, #tpu.memory_space<semaphore_mem>>)
      %add3A_872 = arith.constant 4 : i32
      %add3A_873 = arith.addi %add3A_822, %add3A_872 : i32
      %dma_wait3A_874 = arith.constant 3 : i32
      %dma_wait3A_875 = arith.constant 0 : i32
      %dma_wait3A_876 = arith.constant 0 : i32
      %dma_wait3A_877 = tpu.memref_slice %arg10[%dma_wait3A_874, %dma_wait3A_875, %dma_wait3A_876] : memref<4x80x128xf32, #tpu.memory_space<vmem>> -> memref<1x80x128xf32, #tpu.memory_space<vmem>>
      %dma_wait3A_878 = tpu.memref_squeeze %dma_wait3A_877 : memref<1x80x128xf32, #tpu.memory_space<vmem>> -> memref<80x128xf32, #tpu.memory_space<vmem>>
      %dma_wait3A_879 = arith.constant 0 : i32
      %dma_wait3A_880 = arith.constant 0 : i32
      %dma_wait3A_881 = tpu.memref_slice %arg6[%dma_wait3A_879, %dma_wait3A_880] : memref<320000x128xf32, #tpu.memory_space<hbm>> -> memref<80x128xf32, #tpu.memory_space<hbm>>
      %dma_wait3A_882 = arith.constant 0 : i32
      %dma_wait3A_883 = arith.constant 0 : i32
      %dma_wait3A_884 = tpu.memref_slice %arg6[%dma_wait3A_882, %dma_wait3A_883] : memref<320000x128xf32, #tpu.memory_space<hbm>> -> memref<80x128xf32, #tpu.memory_space<hbm>>
      %dma_wait3A_885 = arith.constant 0 : i32
      %dma_wait3A_886 = arith.constant 0 : i32
      %dma_wait3A_887 = tpu.memref_slice %arg10[%dma_wait3A_874, %dma_wait3A_885, %dma_wait3A_886] : memref<4x80x128xf32, #tpu.memory_space<vmem>> -> memref<1x80x128xf32, #tpu.memory_space<vmem>>
      %dma_wait3A_888 = tpu.memref_squeeze %dma_wait3A_887 : memref<1x80x128xf32, #tpu.memory_space<vmem>> -> memref<80x128xf32, #tpu.memory_space<vmem>>
      tpu.wait_dma2 semaphore(%arg23 : memref<!tpu.dma_semaphore, #tpu.memory_space<semaphore_mem>>) src(%dma_wait3A_888 : memref<80x128xf32, #tpu.memory_space<vmem>>) dst(%dma_wait3A_884 : memref<80x128xf32, #tpu.memory_space<hbm>>)
      %dma_wait3A_889 = arith.constant 3 : i32
      %dma_wait3A_890 = arith.constant 0 : i32
      %dma_wait3A_891 = arith.constant 0 : i32
      %dma_wait3A_892 = tpu.memref_slice %arg11[%dma_wait3A_889, %dma_wait3A_890, %dma_wait3A_891] : memref<4x80x128xf32, #tpu.memory_space<vmem>> -> memref<1x80x128xf32, #tpu.memory_space<vmem>>
      %dma_wait3A_893 = tpu.memref_squeeze %dma_wait3A_892 : memref<1x80x128xf32, #tpu.memory_space<vmem>> -> memref<80x128xf32, #tpu.memory_space<vmem>>
      %dma_wait3A_894 = arith.constant 0 : i32
      %dma_wait3A_895 = arith.constant 0 : i32
      %dma_wait3A_896 = tpu.memref_slice %arg7[%dma_wait3A_894, %dma_wait3A_895] : memref<320000x128xf32, #tpu.memory_space<hbm>> -> memref<80x128xf32, #tpu.memory_space<hbm>>
      %dma_wait3A_897 = arith.constant 0 : i32
      %dma_wait3A_898 = arith.constant 0 : i32
      %dma_wait3A_899 = tpu.memref_slice %arg7[%dma_wait3A_897, %dma_wait3A_898] : memref<320000x128xf32, #tpu.memory_space<hbm>> -> memref<80x128xf32, #tpu.memory_space<hbm>>
      %dma_wait3A_900 = arith.constant 0 : i32
      %dma_wait3A_901 = arith.constant 0 : i32
      %dma_wait3A_902 = tpu.memref_slice %arg11[%dma_wait3A_889, %dma_wait3A_900, %dma_wait3A_901] : memref<4x80x128xf32, #tpu.memory_space<vmem>> -> memref<1x80x128xf32, #tpu.memory_space<vmem>>
      %dma_wait3A_903 = tpu.memref_squeeze %dma_wait3A_902 : memref<1x80x128xf32, #tpu.memory_space<vmem>> -> memref<80x128xf32, #tpu.memory_space<vmem>>
      tpu.wait_dma2 semaphore(%arg23 : memref<!tpu.dma_semaphore, #tpu.memory_space<semaphore_mem>>) src(%dma_wait3A_903 : memref<80x128xf32, #tpu.memory_space<vmem>>) dst(%dma_wait3A_899 : memref<80x128xf32, #tpu.memory_space<hbm>>)
      %mul3A_904 = arith.constant 80 : i32
      %mul3A_905 = arith.muli %add3A_873, %mul3A_904 : i32
      %dma_start3A_906 = arith.constant 3 : i32
      %dma_start3A_907 = arith.constant 0 : i32
      %dma_start3A_908 = arith.constant 0 : i32
      %dma_start3A_909 = tpu.memref_slice %arg10[%dma_start3A_906, %dma_start3A_907, %dma_start3A_908] : memref<4x80x128xf32, #tpu.memory_space<vmem>> -> memref<1x80x128xf32, #tpu.memory_space<vmem>>
      %dma_start3A_910 = tpu.memref_squeeze %dma_start3A_909 : memref<1x80x128xf32, #tpu.memory_space<vmem>> -> memref<80x128xf32, #tpu.memory_space<vmem>>
      %dma_start3A_911 = tpu.memref_slice %arg8[%mul3A_905] : memref<10000xi32, #tpu.memory_space<vmem>> -> memref<80xi32, #tpu.memory_space<vmem>>
      %dma_start3A_912 = arith.constant 0 : i32
      %dma_start3A_913 = arith.constant 0 : i32
      %dma_start3A_914 = tpu.memref_slice %arg2[%dma_start3A_912, %dma_start3A_913] : memref<10000x128xf32, #tpu.memory_space<hbm>> -> memref<10000x128xf32, #tpu.memory_space<hbm>>
      tpu.enqueue_indirect_dma source(%dma_start3A_914 : memref<10000x128xf32, #tpu.memory_space<hbm>>) target(%dma_start3A_910 : memref<80x128xf32, #tpu.memory_space<vmem>>) offsets(%dma_start3A_911 : memref<80xi32, #tpu.memory_space<vmem>>) semaphore(%arg15 : memref<!tpu.dma_semaphore, #tpu.memory_space<semaphore_mem>>)
      %dma_start3A_915 = arith.constant 3 : i32
      %dma_start3A_916 = arith.constant 0 : i32
      %dma_start3A_917 = arith.constant 0 : i32
      %dma_start3A_918 = tpu.memref_slice %arg11[%dma_start3A_915, %dma_start3A_916, %dma_start3A_917] : memref<4x80x128xf32, #tpu.memory_space<vmem>> -> memref<1x80x128xf32, #tpu.memory_space<vmem>>
      %dma_start3A_919 = tpu.memref_squeeze %dma_start3A_918 : memref<1x80x128xf32, #tpu.memory_space<vmem>> -> memref<80x128xf32, #tpu.memory_space<vmem>>
      %dma_start3A_920 = tpu.memref_slice %arg9[%mul3A_905] : memref<10000xi32, #tpu.memory_space<vmem>> -> memref<80xi32, #tpu.memory_space<vmem>>
      %dma_start3A_921 = arith.constant 0 : i32
      %dma_start3A_922 = arith.constant 0 : i32
      %dma_start3A_923 = tpu.memref_slice %arg3[%dma_start3A_921, %dma_start3A_922] : memref<10000x128xf32, #tpu.memory_space<hbm>> -> memref<10000x128xf32, #tpu.memory_space<hbm>>
      tpu.enqueue_indirect_dma source(%dma_start3A_923 : memref<10000x128xf32, #tpu.memory_space<hbm>>) target(%dma_start3A_919 : memref<80x128xf32, #tpu.memory_space<vmem>>) offsets(%dma_start3A_920 : memref<80xi32, #tpu.memory_space<vmem>>) semaphore(%arg19 : memref<!tpu.dma_semaphore, #tpu.memory_space<semaphore_mem>>)
    }
    %scan3A_89 = arith.constant 30 : i32
    %add3A_90 = arith.constant 9600 : i32
    %add3A_91 = arith.addi %mul3A_2, %add3A_90 : i32
    %dma_wait3A = arith.constant 0 : i32
    %dma_wait3A_92 = arith.constant 0 : i32
    %dma_wait3A_93 = arith.constant 0 : i32
    %dma_wait3A_94 = tpu.memref_slice %arg10[%dma_wait3A, %dma_wait3A_92, %dma_wait3A_93] : memref<4x80x128xf32, #tpu.memory_space<vmem>> -> memref<1x80x128xf32, #tpu.memory_space<vmem>>
    %dma_wait3A_95 = tpu.memref_squeeze %dma_wait3A_94 : memref<1x80x128xf32, #tpu.memory_space<vmem>> -> memref<80x128xf32, #tpu.memory_space<vmem>>
    %dma_wait3A_96 = arith.constant 0 : i32
    %dma_wait3A_97 = tpu.memref_slice %arg8[%dma_wait3A_96] : memref<10000xi32, #tpu.memory_space<vmem>> -> memref<80xi32, #tpu.memory_space<vmem>>
    %dma_wait3A_98 = arith.constant 0 : i32
    %dma_wait3A_99 = arith.constant 0 : i32
    %dma_wait3A_100 = tpu.memref_slice %arg2[%dma_wait3A_98, %dma_wait3A_99] : memref<10000x128xf32, #tpu.memory_space<hbm>> -> memref<10000x128xf32, #tpu.memory_space<hbm>>
    tpu.wait_indirect_dma semaphore(%arg12 : memref<!tpu.dma_semaphore, #tpu.memory_space<semaphore_mem>>) src(%dma_wait3A_100 : memref<10000x128xf32, #tpu.memory_space<hbm>>) dst(%dma_wait3A_95 : memref<80x128xf32, #tpu.memory_space<vmem>>)
    %dma_wait3A_101 = arith.constant 0 : i32
    %dma_wait3A_102 = arith.constant 0 : i32
    %dma_wait3A_103 = arith.constant 0 : i32
    %dma_wait3A_104 = tpu.memref_slice %arg11[%dma_wait3A_101, %dma_wait3A_102, %dma_wait3A_103] : memref<4x80x128xf32, #tpu.memory_space<vmem>> -> memref<1x80x128xf32, #tpu.memory_space<vmem>>
    %dma_wait3A_105 = tpu.memref_squeeze %dma_wait3A_104 : memref<1x80x128xf32, #tpu.memory_space<vmem>> -> memref<80x128xf32, #tpu.memory_space<vmem>>
    %dma_wait3A_106 = arith.constant 0 : i32
    %dma_wait3A_107 = tpu.memref_slice %arg9[%dma_wait3A_106] : memref<10000xi32, #tpu.memory_space<vmem>> -> memref<80xi32, #tpu.memory_space<vmem>>
    %dma_wait3A_108 = arith.constant 0 : i32
    %dma_wait3A_109 = arith.constant 0 : i32
    %dma_wait3A_110 = tpu.memref_slice %arg3[%dma_wait3A_108, %dma_wait3A_109] : memref<10000x128xf32, #tpu.memory_space<hbm>> -> memref<10000x128xf32, #tpu.memory_space<hbm>>
    tpu.wait_indirect_dma semaphore(%arg16 : memref<!tpu.dma_semaphore, #tpu.memory_space<semaphore_mem>>) src(%dma_wait3A_110 : memref<10000x128xf32, #tpu.memory_space<hbm>>) dst(%dma_wait3A_105 : memref<80x128xf32, #tpu.memory_space<vmem>>)
    %dma_start3A_111 = arith.constant 0 : i32
    %dma_start3A_112 = arith.constant 0 : i32
    %dma_start3A_113 = arith.constant 0 : i32
    %dma_start3A_114 = tpu.memref_slice %arg10[%dma_start3A_111, %dma_start3A_112, %dma_start3A_113] : memref<4x80x128xf32, #tpu.memory_space<vmem>> -> memref<1x80x128xf32, #tpu.memory_space<vmem>>
    %dma_start3A_115 = tpu.memref_squeeze %dma_start3A_114 : memref<1x80x128xf32, #tpu.memory_space<vmem>> -> memref<80x128xf32, #tpu.memory_space<vmem>>
    %dma_start3A_116 = arith.constant 0 : i32
    %dma_start3A_117 = tpu.memref_slice %arg6[%add3A_91, %dma_start3A_116] : memref<320000x128xf32, #tpu.memory_space<hbm>> -> memref<80x128xf32, #tpu.memory_space<hbm>>
    %dma_start3A_118 = arith.constant 0 : i32
    %dma_start3A_119 = tpu.memref_slice %arg6[%add3A_91, %dma_start3A_118] : memref<320000x128xf32, #tpu.memory_space<hbm>> -> memref<80x128xf32, #tpu.memory_space<hbm>>
    %dma_start3A_120 = arith.constant 0 : i32
    %dma_start3A_121 = arith.constant 0 : i32
    %dma_start3A_122 = tpu.memref_slice %arg10[%dma_start3A_111, %dma_start3A_120, %dma_start3A_121] : memref<4x80x128xf32, #tpu.memory_space<vmem>> -> memref<1x80x128xf32, #tpu.memory_space<vmem>>
    %dma_start3A_123 = tpu.memref_squeeze %dma_start3A_122 : memref<1x80x128xf32, #tpu.memory_space<vmem>> -> memref<80x128xf32, #tpu.memory_space<vmem>>
    tpu.enqueue_dma source(%dma_start3A_123 : memref<80x128xf32, #tpu.memory_space<vmem>>) target(%dma_start3A_119 : memref<80x128xf32, #tpu.memory_space<hbm>>) target_semaphore(%arg20 : memref<!tpu.dma_semaphore, #tpu.memory_space<semaphore_mem>>)
    %dma_start3A_124 = arith.constant 0 : i32
    %dma_start3A_125 = arith.constant 0 : i32
    %dma_start3A_126 = arith.constant 0 : i32
    %dma_start3A_127 = tpu.memref_slice %arg11[%dma_start3A_124, %dma_start3A_125, %dma_start3A_126] : memref<4x80x128xf32, #tpu.memory_space<vmem>> -> memref<1x80x128xf32, #tpu.memory_space<vmem>>
    %dma_start3A_128 = tpu.memref_squeeze %dma_start3A_127 : memref<1x80x128xf32, #tpu.memory_space<vmem>> -> memref<80x128xf32, #tpu.memory_space<vmem>>
    %dma_start3A_129 = arith.constant 0 : i32
    %dma_start3A_130 = tpu.memref_slice %arg7[%add3A_91, %dma_start3A_129] : memref<320000x128xf32, #tpu.memory_space<hbm>> -> memref<80x128xf32, #tpu.memory_space<hbm>>
    %dma_start3A_131 = arith.constant 0 : i32
    %dma_start3A_132 = tpu.memref_slice %arg7[%add3A_91, %dma_start3A_131] : memref<320000x128xf32, #tpu.memory_space<hbm>> -> memref<80x128xf32, #tpu.memory_space<hbm>>
    %dma_start3A_133 = arith.constant 0 : i32
    %dma_start3A_134 = arith.constant 0 : i32
    %dma_start3A_135 = tpu.memref_slice %arg11[%dma_start3A_124, %dma_start3A_133, %dma_start3A_134] : memref<4x80x128xf32, #tpu.memory_space<vmem>> -> memref<1x80x128xf32, #tpu.memory_space<vmem>>
    %dma_start3A_136 = tpu.memref_squeeze %dma_start3A_135 : memref<1x80x128xf32, #tpu.memory_space<vmem>> -> memref<80x128xf32, #tpu.memory_space<vmem>>
    tpu.enqueue_dma source(%dma_start3A_136 : memref<80x128xf32, #tpu.memory_space<vmem>>) target(%dma_start3A_132 : memref<80x128xf32, #tpu.memory_space<hbm>>) target_semaphore(%arg20 : memref<!tpu.dma_semaphore, #tpu.memory_space<semaphore_mem>>)
    %dma_wait3A_137 = arith.constant 0 : i32
    %dma_wait3A_138 = arith.constant 0 : i32
    %dma_wait3A_139 = arith.constant 0 : i32
    %dma_wait3A_140 = tpu.memref_slice %arg10[%dma_wait3A_137, %dma_wait3A_138, %dma_wait3A_139] : memref<4x80x128xf32, #tpu.memory_space<vmem>> -> memref<1x80x128xf32, #tpu.memory_space<vmem>>
    %dma_wait3A_141 = tpu.memref_squeeze %dma_wait3A_140 : memref<1x80x128xf32, #tpu.memory_space<vmem>> -> memref<80x128xf32, #tpu.memory_space<vmem>>
    %dma_wait3A_142 = arith.constant 0 : i32
    %dma_wait3A_143 = arith.constant 0 : i32
    %dma_wait3A_144 = tpu.memref_slice %arg6[%dma_wait3A_142, %dma_wait3A_143] : memref<320000x128xf32, #tpu.memory_space<hbm>> -> memref<80x128xf32, #tpu.memory_space<hbm>>
    %dma_wait3A_145 = arith.constant 0 : i32
    %dma_wait3A_146 = arith.constant 0 : i32
    %dma_wait3A_147 = tpu.memref_slice %arg6[%dma_wait3A_145, %dma_wait3A_146] : memref<320000x128xf32, #tpu.memory_space<hbm>> -> memref<80x128xf32, #tpu.memory_space<hbm>>
    %dma_wait3A_148 = arith.constant 0 : i32
    %dma_wait3A_149 = arith.constant 0 : i32
    %dma_wait3A_150 = tpu.memref_slice %arg10[%dma_wait3A_137, %dma_wait3A_148, %dma_wait3A_149] : memref<4x80x128xf32, #tpu.memory_space<vmem>> -> memref<1x80x128xf32, #tpu.memory_space<vmem>>
    %dma_wait3A_151 = tpu.memref_squeeze %dma_wait3A_150 : memref<1x80x128xf32, #tpu.memory_space<vmem>> -> memref<80x128xf32, #tpu.memory_space<vmem>>
    tpu.wait_dma2 semaphore(%arg20 : memref<!tpu.dma_semaphore, #tpu.memory_space<semaphore_mem>>) src(%dma_wait3A_151 : memref<80x128xf32, #tpu.memory_space<vmem>>) dst(%dma_wait3A_147 : memref<80x128xf32, #tpu.memory_space<hbm>>)
    %dma_wait3A_152 = arith.constant 0 : i32
    %dma_wait3A_153 = arith.constant 0 : i32
    %dma_wait3A_154 = arith.constant 0 : i32
    %dma_wait3A_155 = tpu.memref_slice %arg11[%dma_wait3A_152, %dma_wait3A_153, %dma_wait3A_154] : memref<4x80x128xf32, #tpu.memory_space<vmem>> -> memref<1x80x128xf32, #tpu.memory_space<vmem>>
    %dma_wait3A_156 = tpu.memref_squeeze %dma_wait3A_155 : memref<1x80x128xf32, #tpu.memory_space<vmem>> -> memref<80x128xf32, #tpu.memory_space<vmem>>
    %dma_wait3A_157 = arith.constant 0 : i32
    %dma_wait3A_158 = arith.constant 0 : i32
    %dma_wait3A_159 = tpu.memref_slice %arg7[%dma_wait3A_157, %dma_wait3A_158] : memref<320000x128xf32, #tpu.memory_space<hbm>> -> memref<80x128xf32, #tpu.memory_space<hbm>>
    %dma_wait3A_160 = arith.constant 0 : i32
    %dma_wait3A_161 = arith.constant 0 : i32
    %dma_wait3A_162 = tpu.memref_slice %arg7[%dma_wait3A_160, %dma_wait3A_161] : memref<320000x128xf32, #tpu.memory_space<hbm>> -> memref<80x128xf32, #tpu.memory_space<hbm>>
    %dma_wait3A_163 = arith.constant 0 : i32
    %dma_wait3A_164 = arith.constant 0 : i32
    %dma_wait3A_165 = tpu.memref_slice %arg11[%dma_wait3A_152, %dma_wait3A_163, %dma_wait3A_164] : memref<4x80x128xf32, #tpu.memory_space<vmem>> -> memref<1x80x128xf32, #tpu.memory_space<vmem>>
    %dma_wait3A_166 = tpu.memref_squeeze %dma_wait3A_165 : memref<1x80x128xf32, #tpu.memory_space<vmem>> -> memref<80x128xf32, #tpu.memory_space<vmem>>
    tpu.wait_dma2 semaphore(%arg20 : memref<!tpu.dma_semaphore, #tpu.memory_space<semaphore_mem>>) src(%dma_wait3A_166 : memref<80x128xf32, #tpu.memory_space<vmem>>) dst(%dma_wait3A_162 : memref<80x128xf32, #tpu.memory_space<hbm>>)
    %dma_start3A_167 = arith.constant 0 : i32
    %dma_start3A_168 = arith.constant 0 : i32
    %dma_start3A_169 = arith.constant 0 : i32
    %dma_start3A_170 = tpu.memref_slice %arg10[%dma_start3A_167, %dma_start3A_168, %dma_start3A_169] : memref<4x80x128xf32, #tpu.memory_space<vmem>> -> memref<1x80x128xf32, #tpu.memory_space<vmem>>
    %dma_start3A_171 = tpu.memref_squeeze %dma_start3A_170 : memref<1x80x128xf32, #tpu.memory_space<vmem>> -> memref<80x128xf32, #tpu.memory_space<vmem>>
    %dma_start3A_172 = arith.constant 9920 : i32
    %dma_start3A_173 = tpu.memref_slice %arg8[%dma_start3A_172] : memref<10000xi32, #tpu.memory_space<vmem>> -> memref<80xi32, #tpu.memory_space<vmem>>
    %dma_start3A_174 = arith.constant 0 : i32
    %dma_start3A_175 = arith.constant 0 : i32
    %dma_start3A_176 = tpu.memref_slice %arg2[%dma_start3A_174, %dma_start3A_175] : memref<10000x128xf32, #tpu.memory_space<hbm>> -> memref<10000x128xf32, #tpu.memory_space<hbm>>
    tpu.enqueue_indirect_dma source(%dma_start3A_176 : memref<10000x128xf32, #tpu.memory_space<hbm>>) target(%dma_start3A_171 : memref<80x128xf32, #tpu.memory_space<vmem>>) offsets(%dma_start3A_173 : memref<80xi32, #tpu.memory_space<vmem>>) semaphore(%arg12 : memref<!tpu.dma_semaphore, #tpu.memory_space<semaphore_mem>>)
    %dma_start3A_177 = arith.constant 0 : i32
    %dma_start3A_178 = arith.constant 0 : i32
    %dma_start3A_179 = arith.constant 0 : i32
    %dma_start3A_180 = tpu.memref_slice %arg11[%dma_start3A_177, %dma_start3A_178, %dma_start3A_179] : memref<4x80x128xf32, #tpu.memory_space<vmem>> -> memref<1x80x128xf32, #tpu.memory_space<vmem>>
    %dma_start3A_181 = tpu.memref_squeeze %dma_start3A_180 : memref<1x80x128xf32, #tpu.memory_space<vmem>> -> memref<80x128xf32, #tpu.memory_space<vmem>>
    %dma_start3A_182 = arith.constant 9920 : i32
    %dma_start3A_183 = tpu.memref_slice %arg9[%dma_start3A_182] : memref<10000xi32, #tpu.memory_space<vmem>> -> memref<80xi32, #tpu.memory_space<vmem>>
    %dma_start3A_184 = arith.constant 0 : i32
    %dma_start3A_185 = arith.constant 0 : i32
    %dma_start3A_186 = tpu.memref_slice %arg3[%dma_start3A_184, %dma_start3A_185] : memref<10000x128xf32, #tpu.memory_space<hbm>> -> memref<10000x128xf32, #tpu.memory_space<hbm>>
    tpu.enqueue_indirect_dma source(%dma_start3A_186 : memref<10000x128xf32, #tpu.memory_space<hbm>>) target(%dma_start3A_181 : memref<80x128xf32, #tpu.memory_space<vmem>>) offsets(%dma_start3A_183 : memref<80xi32, #tpu.memory_space<vmem>>) semaphore(%arg16 : memref<!tpu.dma_semaphore, #tpu.memory_space<semaphore_mem>>)
    %add3A_187 = arith.constant 9680 : i32
    %add3A_188 = arith.addi %mul3A_2, %add3A_187 : i32
    %dma_wait3A_189 = arith.constant 1 : i32
    %dma_wait3A_190 = arith.constant 0 : i32
    %dma_wait3A_191 = arith.constant 0 : i32
    %dma_wait3A_192 = tpu.memref_slice %arg10[%dma_wait3A_189, %dma_wait3A_190, %dma_wait3A_191] : memref<4x80x128xf32, #tpu.memory_space<vmem>> -> memref<1x80x128xf32, #tpu.memory_space<vmem>>
    %dma_wait3A_193 = tpu.memref_squeeze %dma_wait3A_192 : memref<1x80x128xf32, #tpu.memory_space<vmem>> -> memref<80x128xf32, #tpu.memory_space<vmem>>
    %dma_wait3A_194 = arith.constant 0 : i32
    %dma_wait3A_195 = tpu.memref_slice %arg8[%dma_wait3A_194] : memref<10000xi32, #tpu.memory_space<vmem>> -> memref<80xi32, #tpu.memory_space<vmem>>
    %dma_wait3A_196 = arith.constant 0 : i32
    %dma_wait3A_197 = arith.constant 0 : i32
    %dma_wait3A_198 = tpu.memref_slice %arg2[%dma_wait3A_196, %dma_wait3A_197] : memref<10000x128xf32, #tpu.memory_space<hbm>> -> memref<10000x128xf32, #tpu.memory_space<hbm>>
    tpu.wait_indirect_dma semaphore(%arg13 : memref<!tpu.dma_semaphore, #tpu.memory_space<semaphore_mem>>) src(%dma_wait3A_198 : memref<10000x128xf32, #tpu.memory_space<hbm>>) dst(%dma_wait3A_193 : memref<80x128xf32, #tpu.memory_space<vmem>>)
    %dma_wait3A_199 = arith.constant 1 : i32
    %dma_wait3A_200 = arith.constant 0 : i32
    %dma_wait3A_201 = arith.constant 0 : i32
    %dma_wait3A_202 = tpu.memref_slice %arg11[%dma_wait3A_199, %dma_wait3A_200, %dma_wait3A_201] : memref<4x80x128xf32, #tpu.memory_space<vmem>> -> memref<1x80x128xf32, #tpu.memory_space<vmem>>
    %dma_wait3A_203 = tpu.memref_squeeze %dma_wait3A_202 : memref<1x80x128xf32, #tpu.memory_space<vmem>> -> memref<80x128xf32, #tpu.memory_space<vmem>>
    %dma_wait3A_204 = arith.constant 0 : i32
    %dma_wait3A_205 = tpu.memref_slice %arg9[%dma_wait3A_204] : memref<10000xi32, #tpu.memory_space<vmem>> -> memref<80xi32, #tpu.memory_space<vmem>>
    %dma_wait3A_206 = arith.constant 0 : i32
    %dma_wait3A_207 = arith.constant 0 : i32
    %dma_wait3A_208 = tpu.memref_slice %arg3[%dma_wait3A_206, %dma_wait3A_207] : memref<10000x128xf32, #tpu.memory_space<hbm>> -> memref<10000x128xf32, #tpu.memory_space<hbm>>
    tpu.wait_indirect_dma semaphore(%arg17 : memref<!tpu.dma_semaphore, #tpu.memory_space<semaphore_mem>>) src(%dma_wait3A_208 : memref<10000x128xf32, #tpu.memory_space<hbm>>) dst(%dma_wait3A_203 : memref<80x128xf32, #tpu.memory_space<vmem>>)
    %dma_start3A_209 = arith.constant 1 : i32
    %dma_start3A_210 = arith.constant 0 : i32
    %dma_start3A_211 = arith.constant 0 : i32
    %dma_start3A_212 = tpu.memref_slice %arg10[%dma_start3A_209, %dma_start3A_210, %dma_start3A_211] : memref<4x80x128xf32, #tpu.memory_space<vmem>> -> memref<1x80x128xf32, #tpu.memory_space<vmem>>
    %dma_start3A_213 = tpu.memref_squeeze %dma_start3A_212 : memref<1x80x128xf32, #tpu.memory_space<vmem>> -> memref<80x128xf32, #tpu.memory_space<vmem>>
    %dma_start3A_214 = arith.constant 0 : i32
    %dma_start3A_215 = tpu.memref_slice %arg6[%add3A_188, %dma_start3A_214] : memref<320000x128xf32, #tpu.memory_space<hbm>> -> memref<80x128xf32, #tpu.memory_space<hbm>>
    %dma_start3A_216 = arith.constant 0 : i32
    %dma_start3A_217 = tpu.memref_slice %arg6[%add3A_188, %dma_start3A_216] : memref<320000x128xf32, #tpu.memory_space<hbm>> -> memref<80x128xf32, #tpu.memory_space<hbm>>
    %dma_start3A_218 = arith.constant 0 : i32
    %dma_start3A_219 = arith.constant 0 : i32
    %dma_start3A_220 = tpu.memref_slice %arg10[%dma_start3A_209, %dma_start3A_218, %dma_start3A_219] : memref<4x80x128xf32, #tpu.memory_space<vmem>> -> memref<1x80x128xf32, #tpu.memory_space<vmem>>
    %dma_start3A_221 = tpu.memref_squeeze %dma_start3A_220 : memref<1x80x128xf32, #tpu.memory_space<vmem>> -> memref<80x128xf32, #tpu.memory_space<vmem>>
    tpu.enqueue_dma source(%dma_start3A_221 : memref<80x128xf32, #tpu.memory_space<vmem>>) target(%dma_start3A_217 : memref<80x128xf32, #tpu.memory_space<hbm>>) target_semaphore(%arg21 : memref<!tpu.dma_semaphore, #tpu.memory_space<semaphore_mem>>)
    %dma_start3A_222 = arith.constant 1 : i32
    %dma_start3A_223 = arith.constant 0 : i32
    %dma_start3A_224 = arith.constant 0 : i32
    %dma_start3A_225 = tpu.memref_slice %arg11[%dma_start3A_222, %dma_start3A_223, %dma_start3A_224] : memref<4x80x128xf32, #tpu.memory_space<vmem>> -> memref<1x80x128xf32, #tpu.memory_space<vmem>>
    %dma_start3A_226 = tpu.memref_squeeze %dma_start3A_225 : memref<1x80x128xf32, #tpu.memory_space<vmem>> -> memref<80x128xf32, #tpu.memory_space<vmem>>
    %dma_start3A_227 = arith.constant 0 : i32
    %dma_start3A_228 = tpu.memref_slice %arg7[%add3A_188, %dma_start3A_227] : memref<320000x128xf32, #tpu.memory_space<hbm>> -> memref<80x128xf32, #tpu.memory_space<hbm>>
    %dma_start3A_229 = arith.constant 0 : i32
    %dma_start3A_230 = tpu.memref_slice %arg7[%add3A_188, %dma_start3A_229] : memref<320000x128xf32, #tpu.memory_space<hbm>> -> memref<80x128xf32, #tpu.memory_space<hbm>>
    %dma_start3A_231 = arith.constant 0 : i32
    %dma_start3A_232 = arith.constant 0 : i32
    %dma_start3A_233 = tpu.memref_slice %arg11[%dma_start3A_222, %dma_start3A_231, %dma_start3A_232] : memref<4x80x128xf32, #tpu.memory_space<vmem>> -> memref<1x80x128xf32, #tpu.memory_space<vmem>>
    %dma_start3A_234 = tpu.memref_squeeze %dma_start3A_233 : memref<1x80x128xf32, #tpu.memory_space<vmem>> -> memref<80x128xf32, #tpu.memory_space<vmem>>
    tpu.enqueue_dma source(%dma_start3A_234 : memref<80x128xf32, #tpu.memory_space<vmem>>) target(%dma_start3A_230 : memref<80x128xf32, #tpu.memory_space<hbm>>) target_semaphore(%arg21 : memref<!tpu.dma_semaphore, #tpu.memory_space<semaphore_mem>>)
    %add3A_235 = arith.constant 9760 : i32
    %add3A_236 = arith.addi %mul3A_2, %add3A_235 : i32
    %dma_wait3A_237 = arith.constant 2 : i32
    %dma_wait3A_238 = arith.constant 0 : i32
    %dma_wait3A_239 = arith.constant 0 : i32
    %dma_wait3A_240 = tpu.memref_slice %arg10[%dma_wait3A_237, %dma_wait3A_238, %dma_wait3A_239] : memref<4x80x128xf32, #tpu.memory_space<vmem>> -> memref<1x80x128xf32, #tpu.memory_space<vmem>>
    %dma_wait3A_241 = tpu.memref_squeeze %dma_wait3A_240 : memref<1x80x128xf32, #tpu.memory_space<vmem>> -> memref<80x128xf32, #tpu.memory_space<vmem>>
    %dma_wait3A_242 = arith.constant 0 : i32
    %dma_wait3A_243 = tpu.memref_slice %arg8[%dma_wait3A_242] : memref<10000xi32, #tpu.memory_space<vmem>> -> memref<80xi32, #tpu.memory_space<vmem>>
    %dma_wait3A_244 = arith.constant 0 : i32
    %dma_wait3A_245 = arith.constant 0 : i32
    %dma_wait3A_246 = tpu.memref_slice %arg2[%dma_wait3A_244, %dma_wait3A_245] : memref<10000x128xf32, #tpu.memory_space<hbm>> -> memref<10000x128xf32, #tpu.memory_space<hbm>>
    tpu.wait_indirect_dma semaphore(%arg14 : memref<!tpu.dma_semaphore, #tpu.memory_space<semaphore_mem>>) src(%dma_wait3A_246 : memref<10000x128xf32, #tpu.memory_space<hbm>>) dst(%dma_wait3A_241 : memref<80x128xf32, #tpu.memory_space<vmem>>)
    %dma_wait3A_247 = arith.constant 2 : i32
    %dma_wait3A_248 = arith.constant 0 : i32
    %dma_wait3A_249 = arith.constant 0 : i32
    %dma_wait3A_250 = tpu.memref_slice %arg11[%dma_wait3A_247, %dma_wait3A_248, %dma_wait3A_249] : memref<4x80x128xf32, #tpu.memory_space<vmem>> -> memref<1x80x128xf32, #tpu.memory_space<vmem>>
    %dma_wait3A_251 = tpu.memref_squeeze %dma_wait3A_250 : memref<1x80x128xf32, #tpu.memory_space<vmem>> -> memref<80x128xf32, #tpu.memory_space<vmem>>
    %dma_wait3A_252 = arith.constant 0 : i32
    %dma_wait3A_253 = tpu.memref_slice %arg9[%dma_wait3A_252] : memref<10000xi32, #tpu.memory_space<vmem>> -> memref<80xi32, #tpu.memory_space<vmem>>
    %dma_wait3A_254 = arith.constant 0 : i32
    %dma_wait3A_255 = arith.constant 0 : i32
    %dma_wait3A_256 = tpu.memref_slice %arg3[%dma_wait3A_254, %dma_wait3A_255] : memref<10000x128xf32, #tpu.memory_space<hbm>> -> memref<10000x128xf32, #tpu.memory_space<hbm>>
    tpu.wait_indirect_dma semaphore(%arg18 : memref<!tpu.dma_semaphore, #tpu.memory_space<semaphore_mem>>) src(%dma_wait3A_256 : memref<10000x128xf32, #tpu.memory_space<hbm>>) dst(%dma_wait3A_251 : memref<80x128xf32, #tpu.memory_space<vmem>>)
    %dma_start3A_257 = arith.constant 2 : i32
    %dma_start3A_258 = arith.constant 0 : i32
    %dma_start3A_259 = arith.constant 0 : i32
    %dma_start3A_260 = tpu.memref_slice %arg10[%dma_start3A_257, %dma_start3A_258, %dma_start3A_259] : memref<4x80x128xf32, #tpu.memory_space<vmem>> -> memref<1x80x128xf32, #tpu.memory_space<vmem>>
    %dma_start3A_261 = tpu.memref_squeeze %dma_start3A_260 : memref<1x80x128xf32, #tpu.memory_space<vmem>> -> memref<80x128xf32, #tpu.memory_space<vmem>>
    %dma_start3A_262 = arith.constant 0 : i32
    %dma_start3A_263 = tpu.memref_slice %arg6[%add3A_236, %dma_start3A_262] : memref<320000x128xf32, #tpu.memory_space<hbm>> -> memref<80x128xf32, #tpu.memory_space<hbm>>
    %dma_start3A_264 = arith.constant 0 : i32
    %dma_start3A_265 = tpu.memref_slice %arg6[%add3A_236, %dma_start3A_264] : memref<320000x128xf32, #tpu.memory_space<hbm>> -> memref<80x128xf32, #tpu.memory_space<hbm>>
    %dma_start3A_266 = arith.constant 0 : i32
    %dma_start3A_267 = arith.constant 0 : i32
    %dma_start3A_268 = tpu.memref_slice %arg10[%dma_start3A_257, %dma_start3A_266, %dma_start3A_267] : memref<4x80x128xf32, #tpu.memory_space<vmem>> -> memref<1x80x128xf32, #tpu.memory_space<vmem>>
    %dma_start3A_269 = tpu.memref_squeeze %dma_start3A_268 : memref<1x80x128xf32, #tpu.memory_space<vmem>> -> memref<80x128xf32, #tpu.memory_space<vmem>>
    tpu.enqueue_dma source(%dma_start3A_269 : memref<80x128xf32, #tpu.memory_space<vmem>>) target(%dma_start3A_265 : memref<80x128xf32, #tpu.memory_space<hbm>>) target_semaphore(%arg22 : memref<!tpu.dma_semaphore, #tpu.memory_space<semaphore_mem>>)
    %dma_start3A_270 = arith.constant 2 : i32
    %dma_start3A_271 = arith.constant 0 : i32
    %dma_start3A_272 = arith.constant 0 : i32
    %dma_start3A_273 = tpu.memref_slice %arg11[%dma_start3A_270, %dma_start3A_271, %dma_start3A_272] : memref<4x80x128xf32, #tpu.memory_space<vmem>> -> memref<1x80x128xf32, #tpu.memory_space<vmem>>
    %dma_start3A_274 = tpu.memref_squeeze %dma_start3A_273 : memref<1x80x128xf32, #tpu.memory_space<vmem>> -> memref<80x128xf32, #tpu.memory_space<vmem>>
    %dma_start3A_275 = arith.constant 0 : i32
    %dma_start3A_276 = tpu.memref_slice %arg7[%add3A_236, %dma_start3A_275] : memref<320000x128xf32, #tpu.memory_space<hbm>> -> memref<80x128xf32, #tpu.memory_space<hbm>>
    %dma_start3A_277 = arith.constant 0 : i32
    %dma_start3A_278 = tpu.memref_slice %arg7[%add3A_236, %dma_start3A_277] : memref<320000x128xf32, #tpu.memory_space<hbm>> -> memref<80x128xf32, #tpu.memory_space<hbm>>
    %dma_start3A_279 = arith.constant 0 : i32
    %dma_start3A_280 = arith.constant 0 : i32
    %dma_start3A_281 = tpu.memref_slice %arg11[%dma_start3A_270, %dma_start3A_279, %dma_start3A_280] : memref<4x80x128xf32, #tpu.memory_space<vmem>> -> memref<1x80x128xf32, #tpu.memory_space<vmem>>
    %dma_start3A_282 = tpu.memref_squeeze %dma_start3A_281 : memref<1x80x128xf32, #tpu.memory_space<vmem>> -> memref<80x128xf32, #tpu.memory_space<vmem>>
    tpu.enqueue_dma source(%dma_start3A_282 : memref<80x128xf32, #tpu.memory_space<vmem>>) target(%dma_start3A_278 : memref<80x128xf32, #tpu.memory_space<hbm>>) target_semaphore(%arg22 : memref<!tpu.dma_semaphore, #tpu.memory_space<semaphore_mem>>)
    %add3A_283 = arith.constant 9840 : i32
    %add3A_284 = arith.addi %mul3A_2, %add3A_283 : i32
    %dma_wait3A_285 = arith.constant 3 : i32
    %dma_wait3A_286 = arith.constant 0 : i32
    %dma_wait3A_287 = arith.constant 0 : i32
    %dma_wait3A_288 = tpu.memref_slice %arg10[%dma_wait3A_285, %dma_wait3A_286, %dma_wait3A_287] : memref<4x80x128xf32, #tpu.memory_space<vmem>> -> memref<1x80x128xf32, #tpu.memory_space<vmem>>
    %dma_wait3A_289 = tpu.memref_squeeze %dma_wait3A_288 : memref<1x80x128xf32, #tpu.memory_space<vmem>> -> memref<80x128xf32, #tpu.memory_space<vmem>>
    %dma_wait3A_290 = arith.constant 0 : i32
    %dma_wait3A_291 = tpu.memref_slice %arg8[%dma_wait3A_290] : memref<10000xi32, #tpu.memory_space<vmem>> -> memref<80xi32, #tpu.memory_space<vmem>>
    %dma_wait3A_292 = arith.constant 0 : i32
    %dma_wait3A_293 = arith.constant 0 : i32
    %dma_wait3A_294 = tpu.memref_slice %arg2[%dma_wait3A_292, %dma_wait3A_293] : memref<10000x128xf32, #tpu.memory_space<hbm>> -> memref<10000x128xf32, #tpu.memory_space<hbm>>
    tpu.wait_indirect_dma semaphore(%arg15 : memref<!tpu.dma_semaphore, #tpu.memory_space<semaphore_mem>>) src(%dma_wait3A_294 : memref<10000x128xf32, #tpu.memory_space<hbm>>) dst(%dma_wait3A_289 : memref<80x128xf32, #tpu.memory_space<vmem>>)
    %dma_wait3A_295 = arith.constant 3 : i32
    %dma_wait3A_296 = arith.constant 0 : i32
    %dma_wait3A_297 = arith.constant 0 : i32
    %dma_wait3A_298 = tpu.memref_slice %arg11[%dma_wait3A_295, %dma_wait3A_296, %dma_wait3A_297] : memref<4x80x128xf32, #tpu.memory_space<vmem>> -> memref<1x80x128xf32, #tpu.memory_space<vmem>>
    %dma_wait3A_299 = tpu.memref_squeeze %dma_wait3A_298 : memref<1x80x128xf32, #tpu.memory_space<vmem>> -> memref<80x128xf32, #tpu.memory_space<vmem>>
    %dma_wait3A_300 = arith.constant 0 : i32
    %dma_wait3A_301 = tpu.memref_slice %arg9[%dma_wait3A_300] : memref<10000xi32, #tpu.memory_space<vmem>> -> memref<80xi32, #tpu.memory_space<vmem>>
    %dma_wait3A_302 = arith.constant 0 : i32
    %dma_wait3A_303 = arith.constant 0 : i32
    %dma_wait3A_304 = tpu.memref_slice %arg3[%dma_wait3A_302, %dma_wait3A_303] : memref<10000x128xf32, #tpu.memory_space<hbm>> -> memref<10000x128xf32, #tpu.memory_space<hbm>>
    tpu.wait_indirect_dma semaphore(%arg19 : memref<!tpu.dma_semaphore, #tpu.memory_space<semaphore_mem>>) src(%dma_wait3A_304 : memref<10000x128xf32, #tpu.memory_space<hbm>>) dst(%dma_wait3A_299 : memref<80x128xf32, #tpu.memory_space<vmem>>)
    %dma_start3A_305 = arith.constant 3 : i32
    %dma_start3A_306 = arith.constant 0 : i32
    %dma_start3A_307 = arith.constant 0 : i32
    %dma_start3A_308 = tpu.memref_slice %arg10[%dma_start3A_305, %dma_start3A_306, %dma_start3A_307] : memref<4x80x128xf32, #tpu.memory_space<vmem>> -> memref<1x80x128xf32, #tpu.memory_space<vmem>>
    %dma_start3A_309 = tpu.memref_squeeze %dma_start3A_308 : memref<1x80x128xf32, #tpu.memory_space<vmem>> -> memref<80x128xf32, #tpu.memory_space<vmem>>
    %dma_start3A_310 = arith.constant 0 : i32
    %dma_start3A_311 = tpu.memref_slice %arg6[%add3A_284, %dma_start3A_310] : memref<320000x128xf32, #tpu.memory_space<hbm>> -> memref<80x128xf32, #tpu.memory_space<hbm>>
    %dma_start3A_312 = arith.constant 0 : i32
    %dma_start3A_313 = tpu.memref_slice %arg6[%add3A_284, %dma_start3A_312] : memref<320000x128xf32, #tpu.memory_space<hbm>> -> memref<80x128xf32, #tpu.memory_space<hbm>>
    %dma_start3A_314 = arith.constant 0 : i32
    %dma_start3A_315 = arith.constant 0 : i32
    %dma_start3A_316 = tpu.memref_slice %arg10[%dma_start3A_305, %dma_start3A_314, %dma_start3A_315] : memref<4x80x128xf32, #tpu.memory_space<vmem>> -> memref<1x80x128xf32, #tpu.memory_space<vmem>>
    %dma_start3A_317 = tpu.memref_squeeze %dma_start3A_316 : memref<1x80x128xf32, #tpu.memory_space<vmem>> -> memref<80x128xf32, #tpu.memory_space<vmem>>
    tpu.enqueue_dma source(%dma_start3A_317 : memref<80x128xf32, #tpu.memory_space<vmem>>) target(%dma_start3A_313 : memref<80x128xf32, #tpu.memory_space<hbm>>) target_semaphore(%arg23 : memref<!tpu.dma_semaphore, #tpu.memory_space<semaphore_mem>>)
    %dma_start3A_318 = arith.constant 3 : i32
    %dma_start3A_319 = arith.constant 0 : i32
    %dma_start3A_320 = arith.constant 0 : i32
    %dma_start3A_321 = tpu.memref_slice %arg11[%dma_start3A_318, %dma_start3A_319, %dma_start3A_320] : memref<4x80x128xf32, #tpu.memory_space<vmem>> -> memref<1x80x128xf32, #tpu.memory_space<vmem>>
    %dma_start3A_322 = tpu.memref_squeeze %dma_start3A_321 : memref<1x80x128xf32, #tpu.memory_space<vmem>> -> memref<80x128xf32, #tpu.memory_space<vmem>>
    %dma_start3A_323 = arith.constant 0 : i32
    %dma_start3A_324 = tpu.memref_slice %arg7[%add3A_284, %dma_start3A_323] : memref<320000x128xf32, #tpu.memory_space<hbm>> -> memref<80x128xf32, #tpu.memory_space<hbm>>
    %dma_start3A_325 = arith.constant 0 : i32
    %dma_start3A_326 = tpu.memref_slice %arg7[%add3A_284, %dma_start3A_325] : memref<320000x128xf32, #tpu.memory_space<hbm>> -> memref<80x128xf32, #tpu.memory_space<hbm>>
    %dma_start3A_327 = arith.constant 0 : i32
    %dma_start3A_328 = arith.constant 0 : i32
    %dma_start3A_329 = tpu.memref_slice %arg11[%dma_start3A_318, %dma_start3A_327, %dma_start3A_328] : memref<4x80x128xf32, #tpu.memory_space<vmem>> -> memref<1x80x128xf32, #tpu.memory_space<vmem>>
    %dma_start3A_330 = tpu.memref_squeeze %dma_start3A_329 : memref<1x80x128xf32, #tpu.memory_space<vmem>> -> memref<80x128xf32, #tpu.memory_space<vmem>>
    tpu.enqueue_dma source(%dma_start3A_330 : memref<80x128xf32, #tpu.memory_space<vmem>>) target(%dma_start3A_326 : memref<80x128xf32, #tpu.memory_space<hbm>>) target_semaphore(%arg23 : memref<!tpu.dma_semaphore, #tpu.memory_space<semaphore_mem>>)
    %add3A_331 = arith.constant 9920 : i32
    %add3A_332 = arith.addi %mul3A_2, %add3A_331 : i32
    %dma_wait3A_333 = arith.constant 0 : i32
    %dma_wait3A_334 = arith.constant 0 : i32
    %dma_wait3A_335 = arith.constant 0 : i32
    %dma_wait3A_336 = tpu.memref_slice %arg10[%dma_wait3A_333, %dma_wait3A_334, %dma_wait3A_335] : memref<4x80x128xf32, #tpu.memory_space<vmem>> -> memref<1x80x128xf32, #tpu.memory_space<vmem>>
    %dma_wait3A_337 = tpu.memref_squeeze %dma_wait3A_336 : memref<1x80x128xf32, #tpu.memory_space<vmem>> -> memref<80x128xf32, #tpu.memory_space<vmem>>
    %dma_wait3A_338 = arith.constant 0 : i32
    %dma_wait3A_339 = tpu.memref_slice %arg8[%dma_wait3A_338] : memref<10000xi32, #tpu.memory_space<vmem>> -> memref<80xi32, #tpu.memory_space<vmem>>
    %dma_wait3A_340 = arith.constant 0 : i32
    %dma_wait3A_341 = arith.constant 0 : i32
    %dma_wait3A_342 = tpu.memref_slice %arg2[%dma_wait3A_340, %dma_wait3A_341] : memref<10000x128xf32, #tpu.memory_space<hbm>> -> memref<10000x128xf32, #tpu.memory_space<hbm>>
    tpu.wait_indirect_dma semaphore(%arg12 : memref<!tpu.dma_semaphore, #tpu.memory_space<semaphore_mem>>) src(%dma_wait3A_342 : memref<10000x128xf32, #tpu.memory_space<hbm>>) dst(%dma_wait3A_337 : memref<80x128xf32, #tpu.memory_space<vmem>>)
    %dma_wait3A_343 = arith.constant 0 : i32
    %dma_wait3A_344 = arith.constant 0 : i32
    %dma_wait3A_345 = arith.constant 0 : i32
    %dma_wait3A_346 = tpu.memref_slice %arg11[%dma_wait3A_343, %dma_wait3A_344, %dma_wait3A_345] : memref<4x80x128xf32, #tpu.memory_space<vmem>> -> memref<1x80x128xf32, #tpu.memory_space<vmem>>
    %dma_wait3A_347 = tpu.memref_squeeze %dma_wait3A_346 : memref<1x80x128xf32, #tpu.memory_space<vmem>> -> memref<80x128xf32, #tpu.memory_space<vmem>>
    %dma_wait3A_348 = arith.constant 0 : i32
    %dma_wait3A_349 = tpu.memref_slice %arg9[%dma_wait3A_348] : memref<10000xi32, #tpu.memory_space<vmem>> -> memref<80xi32, #tpu.memory_space<vmem>>
    %dma_wait3A_350 = arith.constant 0 : i32
    %dma_wait3A_351 = arith.constant 0 : i32
    %dma_wait3A_352 = tpu.memref_slice %arg3[%dma_wait3A_350, %dma_wait3A_351] : memref<10000x128xf32, #tpu.memory_space<hbm>> -> memref<10000x128xf32, #tpu.memory_space<hbm>>
    tpu.wait_indirect_dma semaphore(%arg16 : memref<!tpu.dma_semaphore, #tpu.memory_space<semaphore_mem>>) src(%dma_wait3A_352 : memref<10000x128xf32, #tpu.memory_space<hbm>>) dst(%dma_wait3A_347 : memref<80x128xf32, #tpu.memory_space<vmem>>)
    %dma_start3A_353 = arith.constant 0 : i32
    %dma_start3A_354 = arith.constant 0 : i32
    %dma_start3A_355 = arith.constant 0 : i32
    %dma_start3A_356 = tpu.memref_slice %arg10[%dma_start3A_353, %dma_start3A_354, %dma_start3A_355] : memref<4x80x128xf32, #tpu.memory_space<vmem>> -> memref<1x80x128xf32, #tpu.memory_space<vmem>>
    %dma_start3A_357 = tpu.memref_squeeze %dma_start3A_356 : memref<1x80x128xf32, #tpu.memory_space<vmem>> -> memref<80x128xf32, #tpu.memory_space<vmem>>
    %dma_start3A_358 = arith.constant 0 : i32
    %dma_start3A_359 = tpu.memref_slice %arg6[%add3A_332, %dma_start3A_358] : memref<320000x128xf32, #tpu.memory_space<hbm>> -> memref<80x128xf32, #tpu.memory_space<hbm>>
    %dma_start3A_360 = arith.constant 0 : i32
    %dma_start3A_361 = tpu.memref_slice %arg6[%add3A_332, %dma_start3A_360] : memref<320000x128xf32, #tpu.memory_space<hbm>> -> memref<80x128xf32, #tpu.memory_space<hbm>>
    %dma_start3A_362 = arith.constant 0 : i32
    %dma_start3A_363 = arith.constant 0 : i32
    %dma_start3A_364 = tpu.memref_slice %arg10[%dma_start3A_353, %dma_start3A_362, %dma_start3A_363] : memref<4x80x128xf32, #tpu.memory_space<vmem>> -> memref<1x80x128xf32, #tpu.memory_space<vmem>>
    %dma_start3A_365 = tpu.memref_squeeze %dma_start3A_364 : memref<1x80x128xf32, #tpu.memory_space<vmem>> -> memref<80x128xf32, #tpu.memory_space<vmem>>
    tpu.enqueue_dma source(%dma_start3A_365 : memref<80x128xf32, #tpu.memory_space<vmem>>) target(%dma_start3A_361 : memref<80x128xf32, #tpu.memory_space<hbm>>) target_semaphore(%arg20 : memref<!tpu.dma_semaphore, #tpu.memory_space<semaphore_mem>>)
    %dma_start3A_366 = arith.constant 0 : i32
    %dma_start3A_367 = arith.constant 0 : i32
    %dma_start3A_368 = arith.constant 0 : i32
    %dma_start3A_369 = tpu.memref_slice %arg11[%dma_start3A_366, %dma_start3A_367, %dma_start3A_368] : memref<4x80x128xf32, #tpu.memory_space<vmem>> -> memref<1x80x128xf32, #tpu.memory_space<vmem>>
    %dma_start3A_370 = tpu.memref_squeeze %dma_start3A_369 : memref<1x80x128xf32, #tpu.memory_space<vmem>> -> memref<80x128xf32, #tpu.memory_space<vmem>>
    %dma_start3A_371 = arith.constant 0 : i32
    %dma_start3A_372 = tpu.memref_slice %arg7[%add3A_332, %dma_start3A_371] : memref<320000x128xf32, #tpu.memory_space<hbm>> -> memref<80x128xf32, #tpu.memory_space<hbm>>
    %dma_start3A_373 = arith.constant 0 : i32
    %dma_start3A_374 = tpu.memref_slice %arg7[%add3A_332, %dma_start3A_373] : memref<320000x128xf32, #tpu.memory_space<hbm>> -> memref<80x128xf32, #tpu.memory_space<hbm>>
    %dma_start3A_375 = arith.constant 0 : i32
    %dma_start3A_376 = arith.constant 0 : i32
    %dma_start3A_377 = tpu.memref_slice %arg11[%dma_start3A_366, %dma_start3A_375, %dma_start3A_376] : memref<4x80x128xf32, #tpu.memory_space<vmem>> -> memref<1x80x128xf32, #tpu.memory_space<vmem>>
    %dma_start3A_378 = tpu.memref_squeeze %dma_start3A_377 : memref<1x80x128xf32, #tpu.memory_space<vmem>> -> memref<80x128xf32, #tpu.memory_space<vmem>>
    tpu.enqueue_dma source(%dma_start3A_378 : memref<80x128xf32, #tpu.memory_space<vmem>>) target(%dma_start3A_374 : memref<80x128xf32, #tpu.memory_space<hbm>>) target_semaphore(%arg20 : memref<!tpu.dma_semaphore, #tpu.memory_space<semaphore_mem>>)
    %dma_wait3A_379 = arith.constant 0 : i32
    %dma_wait3A_380 = arith.constant 0 : i32
    %dma_wait3A_381 = arith.constant 0 : i32
    %dma_wait3A_382 = tpu.memref_slice %arg10[%dma_wait3A_379, %dma_wait3A_380, %dma_wait3A_381] : memref<4x80x128xf32, #tpu.memory_space<vmem>> -> memref<1x80x128xf32, #tpu.memory_space<vmem>>
    %dma_wait3A_383 = tpu.memref_squeeze %dma_wait3A_382 : memref<1x80x128xf32, #tpu.memory_space<vmem>> -> memref<80x128xf32, #tpu.memory_space<vmem>>
    %dma_wait3A_384 = arith.constant 0 : i32
    %dma_wait3A_385 = arith.constant 0 : i32
    %dma_wait3A_386 = tpu.memref_slice %arg6[%dma_wait3A_384, %dma_wait3A_385] : memref<320000x128xf32, #tpu.memory_space<hbm>> -> memref<80x128xf32, #tpu.memory_space<hbm>>
    %dma_wait3A_387 = arith.constant 0 : i32
    %dma_wait3A_388 = arith.constant 0 : i32
    %dma_wait3A_389 = tpu.memref_slice %arg6[%dma_wait3A_387, %dma_wait3A_388] : memref<320000x128xf32, #tpu.memory_space<hbm>> -> memref<80x128xf32, #tpu.memory_space<hbm>>
    %dma_wait3A_390 = arith.constant 0 : i32
    %dma_wait3A_391 = arith.constant 0 : i32
    %dma_wait3A_392 = tpu.memref_slice %arg10[%dma_wait3A_379, %dma_wait3A_390, %dma_wait3A_391] : memref<4x80x128xf32, #tpu.memory_space<vmem>> -> memref<1x80x128xf32, #tpu.memory_space<vmem>>
    %dma_wait3A_393 = tpu.memref_squeeze %dma_wait3A_392 : memref<1x80x128xf32, #tpu.memory_space<vmem>> -> memref<80x128xf32, #tpu.memory_space<vmem>>
    tpu.wait_dma2 semaphore(%arg20 : memref<!tpu.dma_semaphore, #tpu.memory_space<semaphore_mem>>) src(%dma_wait3A_393 : memref<80x128xf32, #tpu.memory_space<vmem>>) dst(%dma_wait3A_389 : memref<80x128xf32, #tpu.memory_space<hbm>>)
    %dma_wait3A_394 = arith.constant 0 : i32
    %dma_wait3A_395 = arith.constant 0 : i32
    %dma_wait3A_396 = arith.constant 0 : i32
    %dma_wait3A_397 = tpu.memref_slice %arg11[%dma_wait3A_394, %dma_wait3A_395, %dma_wait3A_396] : memref<4x80x128xf32, #tpu.memory_space<vmem>> -> memref<1x80x128xf32, #tpu.memory_space<vmem>>
    %dma_wait3A_398 = tpu.memref_squeeze %dma_wait3A_397 : memref<1x80x128xf32, #tpu.memory_space<vmem>> -> memref<80x128xf32, #tpu.memory_space<vmem>>
    %dma_wait3A_399 = arith.constant 0 : i32
    %dma_wait3A_400 = arith.constant 0 : i32
    %dma_wait3A_401 = tpu.memref_slice %arg7[%dma_wait3A_399, %dma_wait3A_400] : memref<320000x128xf32, #tpu.memory_space<hbm>> -> memref<80x128xf32, #tpu.memory_space<hbm>>
    %dma_wait3A_402 = arith.constant 0 : i32
    %dma_wait3A_403 = arith.constant 0 : i32
    %dma_wait3A_404 = tpu.memref_slice %arg7[%dma_wait3A_402, %dma_wait3A_403] : memref<320000x128xf32, #tpu.memory_space<hbm>> -> memref<80x128xf32, #tpu.memory_space<hbm>>
    %dma_wait3A_405 = arith.constant 0 : i32
    %dma_wait3A_406 = arith.constant 0 : i32
    %dma_wait3A_407 = tpu.memref_slice %arg11[%dma_wait3A_394, %dma_wait3A_405, %dma_wait3A_406] : memref<4x80x128xf32, #tpu.memory_space<vmem>> -> memref<1x80x128xf32, #tpu.memory_space<vmem>>
    %dma_wait3A_408 = tpu.memref_squeeze %dma_wait3A_407 : memref<1x80x128xf32, #tpu.memory_space<vmem>> -> memref<80x128xf32, #tpu.memory_space<vmem>>
    tpu.wait_dma2 semaphore(%arg20 : memref<!tpu.dma_semaphore, #tpu.memory_space<semaphore_mem>>) src(%dma_wait3A_408 : memref<80x128xf32, #tpu.memory_space<vmem>>) dst(%dma_wait3A_404 : memref<80x128xf32, #tpu.memory_space<hbm>>)
    %dma_wait3A_409 = arith.constant 1 : i32
    %dma_wait3A_410 = arith.constant 0 : i32
    %dma_wait3A_411 = arith.constant 0 : i32
    %dma_wait3A_412 = tpu.memref_slice %arg10[%dma_wait3A_409, %dma_wait3A_410, %dma_wait3A_411] : memref<4x80x128xf32, #tpu.memory_space<vmem>> -> memref<1x80x128xf32, #tpu.memory_space<vmem>>
    %dma_wait3A_413 = tpu.memref_squeeze %dma_wait3A_412 : memref<1x80x128xf32, #tpu.memory_space<vmem>> -> memref<80x128xf32, #tpu.memory_space<vmem>>
    %dma_wait3A_414 = arith.constant 0 : i32
    %dma_wait3A_415 = arith.constant 0 : i32
    %dma_wait3A_416 = tpu.memref_slice %arg6[%dma_wait3A_414, %dma_wait3A_415] : memref<320000x128xf32, #tpu.memory_space<hbm>> -> memref<80x128xf32, #tpu.memory_space<hbm>>
    %dma_wait3A_417 = arith.constant 0 : i32
    %dma_wait3A_418 = arith.constant 0 : i32
    %dma_wait3A_419 = tpu.memref_slice %arg6[%dma_wait3A_417, %dma_wait3A_418] : memref<320000x128xf32, #tpu.memory_space<hbm>> -> memref<80x128xf32, #tpu.memory_space<hbm>>
    %dma_wait3A_420 = arith.constant 0 : i32
    %dma_wait3A_421 = arith.constant 0 : i32
    %dma_wait3A_422 = tpu.memref_slice %arg10[%dma_wait3A_409, %dma_wait3A_420, %dma_wait3A_421] : memref<4x80x128xf32, #tpu.memory_space<vmem>> -> memref<1x80x128xf32, #tpu.memory_space<vmem>>
    %dma_wait3A_423 = tpu.memref_squeeze %dma_wait3A_422 : memref<1x80x128xf32, #tpu.memory_space<vmem>> -> memref<80x128xf32, #tpu.memory_space<vmem>>
    tpu.wait_dma2 semaphore(%arg21 : memref<!tpu.dma_semaphore, #tpu.memory_space<semaphore_mem>>) src(%dma_wait3A_423 : memref<80x128xf32, #tpu.memory_space<vmem>>) dst(%dma_wait3A_419 : memref<80x128xf32, #tpu.memory_space<hbm>>)
    %dma_wait3A_424 = arith.constant 1 : i32
    %dma_wait3A_425 = arith.constant 0 : i32
    %dma_wait3A_426 = arith.constant 0 : i32
    %dma_wait3A_427 = tpu.memref_slice %arg11[%dma_wait3A_424, %dma_wait3A_425, %dma_wait3A_426] : memref<4x80x128xf32, #tpu.memory_space<vmem>> -> memref<1x80x128xf32, #tpu.memory_space<vmem>>
    %dma_wait3A_428 = tpu.memref_squeeze %dma_wait3A_427 : memref<1x80x128xf32, #tpu.memory_space<vmem>> -> memref<80x128xf32, #tpu.memory_space<vmem>>
    %dma_wait3A_429 = arith.constant 0 : i32
    %dma_wait3A_430 = arith.constant 0 : i32
    %dma_wait3A_431 = tpu.memref_slice %arg7[%dma_wait3A_429, %dma_wait3A_430] : memref<320000x128xf32, #tpu.memory_space<hbm>> -> memref<80x128xf32, #tpu.memory_space<hbm>>
    %dma_wait3A_432 = arith.constant 0 : i32
    %dma_wait3A_433 = arith.constant 0 : i32
    %dma_wait3A_434 = tpu.memref_slice %arg7[%dma_wait3A_432, %dma_wait3A_433] : memref<320000x128xf32, #tpu.memory_space<hbm>> -> memref<80x128xf32, #tpu.memory_space<hbm>>
    %dma_wait3A_435 = arith.constant 0 : i32
    %dma_wait3A_436 = arith.constant 0 : i32
    %dma_wait3A_437 = tpu.memref_slice %arg11[%dma_wait3A_424, %dma_wait3A_435, %dma_wait3A_436] : memref<4x80x128xf32, #tpu.memory_space<vmem>> -> memref<1x80x128xf32, #tpu.memory_space<vmem>>
    %dma_wait3A_438 = tpu.memref_squeeze %dma_wait3A_437 : memref<1x80x128xf32, #tpu.memory_space<vmem>> -> memref<80x128xf32, #tpu.memory_space<vmem>>
    tpu.wait_dma2 semaphore(%arg21 : memref<!tpu.dma_semaphore, #tpu.memory_space<semaphore_mem>>) src(%dma_wait3A_438 : memref<80x128xf32, #tpu.memory_space<vmem>>) dst(%dma_wait3A_434 : memref<80x128xf32, #tpu.memory_space<hbm>>)
    %dma_wait3A_439 = arith.constant 2 : i32
    %dma_wait3A_440 = arith.constant 0 : i32
    %dma_wait3A_441 = arith.constant 0 : i32
    %dma_wait3A_442 = tpu.memref_slice %arg10[%dma_wait3A_439, %dma_wait3A_440, %dma_wait3A_441] : memref<4x80x128xf32, #tpu.memory_space<vmem>> -> memref<1x80x128xf32, #tpu.memory_space<vmem>>
    %dma_wait3A_443 = tpu.memref_squeeze %dma_wait3A_442 : memref<1x80x128xf32, #tpu.memory_space<vmem>> -> memref<80x128xf32, #tpu.memory_space<vmem>>
    %dma_wait3A_444 = arith.constant 0 : i32
    %dma_wait3A_445 = arith.constant 0 : i32
    %dma_wait3A_446 = tpu.memref_slice %arg6[%dma_wait3A_444, %dma_wait3A_445] : memref<320000x128xf32, #tpu.memory_space<hbm>> -> memref<80x128xf32, #tpu.memory_space<hbm>>
    %dma_wait3A_447 = arith.constant 0 : i32
    %dma_wait3A_448 = arith.constant 0 : i32
    %dma_wait3A_449 = tpu.memref_slice %arg6[%dma_wait3A_447, %dma_wait3A_448] : memref<320000x128xf32, #tpu.memory_space<hbm>> -> memref<80x128xf32, #tpu.memory_space<hbm>>
    %dma_wait3A_450 = arith.constant 0 : i32
    %dma_wait3A_451 = arith.constant 0 : i32
    %dma_wait3A_452 = tpu.memref_slice %arg10[%dma_wait3A_439, %dma_wait3A_450, %dma_wait3A_451] : memref<4x80x128xf32, #tpu.memory_space<vmem>> -> memref<1x80x128xf32, #tpu.memory_space<vmem>>
    %dma_wait3A_453 = tpu.memref_squeeze %dma_wait3A_452 : memref<1x80x128xf32, #tpu.memory_space<vmem>> -> memref<80x128xf32, #tpu.memory_space<vmem>>
    tpu.wait_dma2 semaphore(%arg22 : memref<!tpu.dma_semaphore, #tpu.memory_space<semaphore_mem>>) src(%dma_wait3A_453 : memref<80x128xf32, #tpu.memory_space<vmem>>) dst(%dma_wait3A_449 : memref<80x128xf32, #tpu.memory_space<hbm>>)
    %dma_wait3A_454 = arith.constant 2 : i32
    %dma_wait3A_455 = arith.constant 0 : i32
    %dma_wait3A_456 = arith.constant 0 : i32
    %dma_wait3A_457 = tpu.memref_slice %arg11[%dma_wait3A_454, %dma_wait3A_455, %dma_wait3A_456] : memref<4x80x128xf32, #tpu.memory_space<vmem>> -> memref<1x80x128xf32, #tpu.memory_space<vmem>>
    %dma_wait3A_458 = tpu.memref_squeeze %dma_wait3A_457 : memref<1x80x128xf32, #tpu.memory_space<vmem>> -> memref<80x128xf32, #tpu.memory_space<vmem>>
    %dma_wait3A_459 = arith.constant 0 : i32
    %dma_wait3A_460 = arith.constant 0 : i32
    %dma_wait3A_461 = tpu.memref_slice %arg7[%dma_wait3A_459, %dma_wait3A_460] : memref<320000x128xf32, #tpu.memory_space<hbm>> -> memref<80x128xf32, #tpu.memory_space<hbm>>
    %dma_wait3A_462 = arith.constant 0 : i32
    %dma_wait3A_463 = arith.constant 0 : i32
    %dma_wait3A_464 = tpu.memref_slice %arg7[%dma_wait3A_462, %dma_wait3A_463] : memref<320000x128xf32, #tpu.memory_space<hbm>> -> memref<80x128xf32, #tpu.memory_space<hbm>>
    %dma_wait3A_465 = arith.constant 0 : i32
    %dma_wait3A_466 = arith.constant 0 : i32
    %dma_wait3A_467 = tpu.memref_slice %arg11[%dma_wait3A_454, %dma_wait3A_465, %dma_wait3A_466] : memref<4x80x128xf32, #tpu.memory_space<vmem>> -> memref<1x80x128xf32, #tpu.memory_space<vmem>>
    %dma_wait3A_468 = tpu.memref_squeeze %dma_wait3A_467 : memref<1x80x128xf32, #tpu.memory_space<vmem>> -> memref<80x128xf32, #tpu.memory_space<vmem>>
    tpu.wait_dma2 semaphore(%arg22 : memref<!tpu.dma_semaphore, #tpu.memory_space<semaphore_mem>>) src(%dma_wait3A_468 : memref<80x128xf32, #tpu.memory_space<vmem>>) dst(%dma_wait3A_464 : memref<80x128xf32, #tpu.memory_space<hbm>>)
    %dma_wait3A_469 = arith.constant 3 : i32
    %dma_wait3A_470 = arith.constant 0 : i32
    %dma_wait3A_471 = arith.constant 0 : i32
    %dma_wait3A_472 = tpu.memref_slice %arg10[%dma_wait3A_469, %dma_wait3A_470, %dma_wait3A_471] : memref<4x80x128xf32, #tpu.memory_space<vmem>> -> memref<1x80x128xf32, #tpu.memory_space<vmem>>
    %dma_wait3A_473 = tpu.memref_squeeze %dma_wait3A_472 : memref<1x80x128xf32, #tpu.memory_space<vmem>> -> memref<80x128xf32, #tpu.memory_space<vmem>>
    %dma_wait3A_474 = arith.constant 0 : i32
    %dma_wait3A_475 = arith.constant 0 : i32
    %dma_wait3A_476 = tpu.memref_slice %arg6[%dma_wait3A_474, %dma_wait3A_475] : memref<320000x128xf32, #tpu.memory_space<hbm>> -> memref<80x128xf32, #tpu.memory_space<hbm>>
    %dma_wait3A_477 = arith.constant 0 : i32
    %dma_wait3A_478 = arith.constant 0 : i32
    %dma_wait3A_479 = tpu.memref_slice %arg6[%dma_wait3A_477, %dma_wait3A_478] : memref<320000x128xf32, #tpu.memory_space<hbm>> -> memref<80x128xf32, #tpu.memory_space<hbm>>
    %dma_wait3A_480 = arith.constant 0 : i32
    %dma_wait3A_481 = arith.constant 0 : i32
    %dma_wait3A_482 = tpu.memref_slice %arg10[%dma_wait3A_469, %dma_wait3A_480, %dma_wait3A_481] : memref<4x80x128xf32, #tpu.memory_space<vmem>> -> memref<1x80x128xf32, #tpu.memory_space<vmem>>
    %dma_wait3A_483 = tpu.memref_squeeze %dma_wait3A_482 : memref<1x80x128xf32, #tpu.memory_space<vmem>> -> memref<80x128xf32, #tpu.memory_space<vmem>>
    tpu.wait_dma2 semaphore(%arg23 : memref<!tpu.dma_semaphore, #tpu.memory_space<semaphore_mem>>) src(%dma_wait3A_483 : memref<80x128xf32, #tpu.memory_space<vmem>>) dst(%dma_wait3A_479 : memref<80x128xf32, #tpu.memory_space<hbm>>)
    %dma_wait3A_484 = arith.constant 3 : i32
    %dma_wait3A_485 = arith.constant 0 : i32
    %dma_wait3A_486 = arith.constant 0 : i32
    %dma_wait3A_487 = tpu.memref_slice %arg11[%dma_wait3A_484, %dma_wait3A_485, %dma_wait3A_486] : memref<4x80x128xf32, #tpu.memory_space<vmem>> -> memref<1x80x128xf32, #tpu.memory_space<vmem>>
    %dma_wait3A_488 = tpu.memref_squeeze %dma_wait3A_487 : memref<1x80x128xf32, #tpu.memory_space<vmem>> -> memref<80x128xf32, #tpu.memory_space<vmem>>
    %dma_wait3A_489 = arith.constant 0 : i32
    %dma_wait3A_490 = arith.constant 0 : i32
    %dma_wait3A_491 = tpu.memref_slice %arg7[%dma_wait3A_489, %dma_wait3A_490] : memref<320000x128xf32, #tpu.memory_space<hbm>> -> memref<80x128xf32, #tpu.memory_space<hbm>>
    %dma_wait3A_492 = arith.constant 0 : i32
    %dma_wait3A_493 = arith.constant 0 : i32
    %dma_wait3A_494 = tpu.memref_slice %arg7[%dma_wait3A_492, %dma_wait3A_493] : memref<320000x128xf32, #tpu.memory_space<hbm>> -> memref<80x128xf32, #tpu.memory_space<hbm>>
    %dma_wait3A_495 = arith.constant 0 : i32
    %dma_wait3A_496 = arith.constant 0 : i32
    %dma_wait3A_497 = tpu.memref_slice %arg11[%dma_wait3A_484, %dma_wait3A_495, %dma_wait3A_496] : memref<4x80x128xf32, #tpu.memory_space<vmem>> -> memref<1x80x128xf32, #tpu.memory_space<vmem>>
    %dma_wait3A_498 = tpu.memref_squeeze %dma_wait3A_497 : memref<1x80x128xf32, #tpu.memory_space<vmem>> -> memref<80x128xf32, #tpu.memory_space<vmem>>
    tpu.wait_dma2 semaphore(%arg23 : memref<!tpu.dma_semaphore, #tpu.memory_space<semaphore_mem>>) src(%dma_wait3A_498 : memref<80x128xf32, #tpu.memory_space<vmem>>) dst(%dma_wait3A_494 : memref<80x128xf32, #tpu.memory_space<hbm>>)
    return
  }
}

#map = affine_map<(d0, d1) -> (0, 0)>
#map1 = affine_map<(d0, d1) -> (0)>
module attributes {stable_mosaic.version = 14 : i64} {
  func.func @k(%arg0: i32, %arg1: i32, %arg2: memref<10000x128xf32, #tpu.memory_space<hbm>>, %arg3: memref<10000x128xf32, #tpu.memory_space<hbm>>, %arg4: memref<320000xi32, #tpu.memory_space<hbm>>, %arg5: memref<320000xi32, #tpu.memory_space<hbm>>, %arg6: memref<320000x128xf32, #tpu.memory_space<hbm>>, %arg7: memref<320000x128xf32, #tpu.memory_space<hbm>>, %arg8: memref<10000xi32, #tpu.memory_space<vmem>>, %arg9: memref<10000xi32, #tpu.memory_space<vmem>>, %arg10: memref<4x80x128xf32, #tpu.memory_space<vmem>>, %arg11: memref<4x80x128xf32, #tpu.memory_space<vmem>>, %arg12: memref<!tpu.dma_semaphore, #tpu.memory_space<semaphore_mem>>, %arg13: memref<!tpu.dma_semaphore, #tpu.memory_space<semaphore_mem>>, %arg14: memref<!tpu.dma_semaphore, #tpu.memory_space<semaphore_mem>>, %arg15: memref<!tpu.dma_semaphore, #tpu.memory_space<semaphore_mem>>, %arg16: memref<!tpu.dma_semaphore, #tpu.memory_space<semaphore_mem>>, %arg17: memref<!tpu.dma_semaphore, #tpu.memory_space<semaphore_mem>>, %arg18: memref<!tpu.dma_semaphore, #tpu.memory_space<semaphore_mem>>, %arg19: memref<!tpu.dma_semaphore, #tpu.memory_space<semaphore_mem>>, %arg20: memref<!tpu.dma_semaphore, #tpu.memory_space<semaphore_mem>>, %arg21: memref<!tpu.dma_semaphore, #tpu.memory_space<semaphore_mem>>, %arg22: memref<!tpu.dma_semaphore, #tpu.memory_space<semaphore_mem>>, %arg23: memref<!tpu.dma_semaphore, #tpu.memory_space<semaphore_mem>>) attributes {dimension_semantics = [#tpu.dimension_semantics<core_parallel>, #tpu.dimension_semantics<subcore_parallel>], iteration_bounds = array<i64: 2, 16>, scalar_prefetch = 0 : i64, scratch_operands = 16 : i64, tpu.core_type = #tpu.core_type<sc_vector_subcore>, window_params = [{transform_indices = #map}, {transform_indices = #map}, {transform_indices = #map1}, {transform_indices = #map1}, {transform_indices = #map}, {transform_indices = #map}]} {
    %mul3A = arith.constant 16 : i32
    %mul3A_0 = arith.muli %arg0, %mul3A : i32
    %add3A = arith.addi %mul3A_0, %arg1 : i32
    %mul3A_1 = arith.constant 10000 : i32
    %mul3A_2 = arith.muli %add3A, %mul3A_1 : i32
    %add3A_3 = arith.constant 0 : i32
    %add3A_4 = arith.addi %add3A_3, %mul3A_2 : i32
    "tpu.region"() ({
      %run_scoped3A = tpu.sem_alloc : memref<!tpu.dma_semaphore, #tpu.memory_space<semaphore_mem>>
      %dma_start3A_499 = tpu.memref_slice %arg4[%add3A_4] : memref<320000xi32, #tpu.memory_space<hbm>> -> memref<10000xi32, #tpu.memory_space<hbm>>
      %dma_start3A_500 = tpu.memref_slice %arg4[%add3A_4] : memref<320000xi32, #tpu.memory_space<hbm>> -> memref<10000xi32, #tpu.memory_space<hbm>>
      tpu.enqueue_dma source(%dma_start3A_500 : memref<10000xi32, #tpu.memory_space<hbm>>) target(%arg8 : memref<10000xi32, #tpu.memory_space<vmem>>) target_semaphore(%run_scoped3A : memref<!tpu.dma_semaphore, #tpu.memory_space<semaphore_mem>>)
      %dma_wait3A_501 = tpu.memref_slice %arg4[%add3A_4] : memref<320000xi32, #tpu.memory_space<hbm>> -> memref<10000xi32, #tpu.memory_space<hbm>>
      %dma_wait3A_502 = tpu.memref_slice %arg4[%add3A_4] : memref<320000xi32, #tpu.memory_space<hbm>> -> memref<10000xi32, #tpu.memory_space<hbm>>
      tpu.wait_dma2 semaphore(%run_scoped3A : memref<!tpu.dma_semaphore, #tpu.memory_space<semaphore_mem>>) src(%dma_wait3A_502 : memref<10000xi32, #tpu.memory_space<hbm>>) dst(%arg8 : memref<10000xi32, #tpu.memory_space<vmem>>)
      tpu.yield
    }) : () -> ()
    %add3A_5 = arith.constant 0 : i32
    %add3A_6 = arith.addi %add3A_5, %mul3A_2 : i32
    "tpu.region"() ({
      %run_scoped3A = tpu.sem_alloc : memref<!tpu.dma_semaphore, #tpu.memory_space<semaphore_mem>>
      %dma_start3A_499 = tpu.memref_slice %arg5[%add3A_6] : memref<320000xi32, #tpu.memory_space<hbm>> -> memref<10000xi32, #tpu.memory_space<hbm>>
      %dma_start3A_500 = tpu.memref_slice %arg5[%add3A_6] : memref<320000xi32, #tpu.memory_space<hbm>> -> memref<10000xi32, #tpu.memory_space<hbm>>
      tpu.enqueue_dma source(%dma_start3A_500 : memref<10000xi32, #tpu.memory_space<hbm>>) target(%arg9 : memref<10000xi32, #tpu.memory_space<vmem>>) target_semaphore(%run_scoped3A : memref<!tpu.dma_semaphore, #tpu.memory_space<semaphore_mem>>)
      %dma_wait3A_501 = tpu.memref_slice %arg5[%add3A_6] : memref<320000xi32, #tpu.memory_space<hbm>> -> memref<10000xi32, #tpu.memory_space<hbm>>
      %dma_wait3A_502 = tpu.memref_slice %arg5[%add3A_6] : memref<320000xi32, #tpu.memory_space<hbm>> -> memref<10000xi32, #tpu.memory_space<hbm>>
      tpu.wait_dma2 semaphore(%run_scoped3A : memref<!tpu.dma_semaphore, #tpu.memory_space<semaphore_mem>>) src(%dma_wait3A_502 : memref<10000xi32, #tpu.memory_space<hbm>>) dst(%arg9 : memref<10000xi32, #tpu.memory_space<vmem>>)
      tpu.yield
    }) : () -> ()
    %dma_start3A = arith.constant 0 : i32
    %dma_start3A_7 = arith.constant 0 : i32
    %dma_start3A_8 = arith.constant 0 : i32
    %dma_start3A_9 = tpu.memref_slice %arg10[%dma_start3A, %dma_start3A_7, %dma_start3A_8] : memref<4x80x128xf32, #tpu.memory_space<vmem>> -> memref<1x80x128xf32, #tpu.memory_space<vmem>>
    %dma_start3A_10 = tpu.memref_squeeze %dma_start3A_9 : memref<1x80x128xf32, #tpu.memory_space<vmem>> -> memref<80x128xf32, #tpu.memory_space<vmem>>
    %dma_start3A_11 = arith.constant 0 : i32
    %dma_start3A_12 = tpu.memref_slice %arg8[%dma_start3A_11] : memref<10000xi32, #tpu.memory_space<vmem>> -> memref<80xi32, #tpu.memory_space<vmem>>
    %dma_start3A_13 = arith.constant 0 : i32
    %dma_start3A_14 = arith.constant 0 : i32
    %dma_start3A_15 = tpu.memref_slice %arg2[%dma_start3A_13, %dma_start3A_14] : memref<10000x128xf32, #tpu.memory_space<hbm>> -> memref<10000x128xf32, #tpu.memory_space<hbm>>
    tpu.enqueue_indirect_dma source(%dma_start3A_15 : memref<10000x128xf32, #tpu.memory_space<hbm>>) target(%dma_start3A_10 : memref<80x128xf32, #tpu.memory_space<vmem>>) offsets(%dma_start3A_12 : memref<80xi32, #tpu.memory_space<vmem>>) semaphore(%arg12 : memref<!tpu.dma_semaphore, #tpu.memory_space<semaphore_mem>>)
    %dma_start3A_16 = arith.constant 0 : i32
    %dma_start3A_17 = arith.constant 0 : i32
    %dma_start3A_18 = arith.constant 0 : i32
    %dma_start3A_19 = tpu.memref_slice %arg11[%dma_start3A_16, %dma_start3A_17, %dma_start3A_18] : memref<4x80x128xf32, #tpu.memory_space<vmem>> -> memref<1x80x128xf32, #tpu.memory_space<vmem>>
    %dma_start3A_20 = tpu.memref_squeeze %dma_start3A_19 : memref<1x80x128xf32, #tpu.memory_space<vmem>> -> memref<80x128xf32, #tpu.memory_space<vmem>>
    %dma_start3A_21 = arith.constant 0 : i32
    %dma_start3A_22 = tpu.memref_slice %arg9[%dma_start3A_21] : memref<10000xi32, #tpu.memory_space<vmem>> -> memref<80xi32, #tpu.memory_space<vmem>>
    %dma_start3A_23 = arith.constant 0 : i32
    %dma_start3A_24 = arith.constant 0 : i32
    %dma_start3A_25 = tpu.memref_slice %arg3[%dma_start3A_23, %dma_start3A_24] : memref<10000x128xf32, #tpu.memory_space<hbm>> -> memref<10000x128xf32, #tpu.memory_space<hbm>>
    tpu.enqueue_indirect_dma source(%dma_start3A_25 : memref<10000x128xf32, #tpu.memory_space<hbm>>) target(%dma_start3A_20 : memref<80x128xf32, #tpu.memory_space<vmem>>) offsets(%dma_start3A_22 : memref<80xi32, #tpu.memory_space<vmem>>) semaphore(%arg16 : memref<!tpu.dma_semaphore, #tpu.memory_space<semaphore_mem>>)
    %dma_start3A_26 = arith.constant 1 : i32
    %dma_start3A_27 = arith.constant 0 : i32
    %dma_start3A_28 = arith.constant 0 : i32
    %dma_start3A_29 = tpu.memref_slice %arg10[%dma_start3A_26, %dma_start3A_27, %dma_start3A_28] : memref<4x80x128xf32, #tpu.memory_space<vmem>> -> memref<1x80x128xf32, #tpu.memory_space<vmem>>
    %dma_start3A_30 = tpu.memref_squeeze %dma_start3A_29 : memref<1x80x128xf32, #tpu.memory_space<vmem>> -> memref<80x128xf32, #tpu.memory_space<vmem>>
    %dma_start3A_31 = arith.constant 80 : i32
    %dma_start3A_32 = tpu.memref_slice %arg8[%dma_start3A_31] : memref<10000xi32, #tpu.memory_space<vmem>> -> memref<80xi32, #tpu.memory_space<vmem>>
    %dma_start3A_33 = arith.constant 0 : i32
    %dma_start3A_34 = arith.constant 0 : i32
    %dma_start3A_35 = tpu.memref_slice %arg2[%dma_start3A_33, %dma_start3A_34] : memref<10000x128xf32, #tpu.memory_space<hbm>> -> memref<10000x128xf32, #tpu.memory_space<hbm>>
    tpu.enqueue_indirect_dma source(%dma_start3A_35 : memref<10000x128xf32, #tpu.memory_space<hbm>>) target(%dma_start3A_30 : memref<80x128xf32, #tpu.memory_space<vmem>>) offsets(%dma_start3A_32 : memref<80xi32, #tpu.memory_space<vmem>>) semaphore(%arg13 : memref<!tpu.dma_semaphore, #tpu.memory_space<semaphore_mem>>)
    %dma_start3A_36 = arith.constant 1 : i32
    %dma_start3A_37 = arith.constant 0 : i32
    %dma_start3A_38 = arith.constant 0 : i32
    %dma_start3A_39 = tpu.memref_slice %arg11[%dma_start3A_36, %dma_start3A_37, %dma_start3A_38] : memref<4x80x128xf32, #tpu.memory_space<vmem>> -> memref<1x80x128xf32, #tpu.memory_space<vmem>>
    %dma_start3A_40 = tpu.memref_squeeze %dma_start3A_39 : memref<1x80x128xf32, #tpu.memory_space<vmem>> -> memref<80x128xf32, #tpu.memory_space<vmem>>
    %dma_start3A_41 = arith.constant 80 : i32
    %dma_start3A_42 = tpu.memref_slice %arg9[%dma_start3A_41] : memref<10000xi32, #tpu.memory_space<vmem>> -> memref<80xi32, #tpu.memory_space<vmem>>
    %dma_start3A_43 = arith.constant 0 : i32
    %dma_start3A_44 = arith.constant 0 : i32
    %dma_start3A_45 = tpu.memref_slice %arg3[%dma_start3A_43, %dma_start3A_44] : memref<10000x128xf32, #tpu.memory_space<hbm>> -> memref<10000x128xf32, #tpu.memory_space<hbm>>
    tpu.enqueue_indirect_dma source(%dma_start3A_45 : memref<10000x128xf32, #tpu.memory_space<hbm>>) target(%dma_start3A_40 : memref<80x128xf32, #tpu.memory_space<vmem>>) offsets(%dma_start3A_42 : memref<80xi32, #tpu.memory_space<vmem>>) semaphore(%arg17 : memref<!tpu.dma_semaphore, #tpu.memory_space<semaphore_mem>>)
    %dma_start3A_46 = arith.constant 2 : i32
    %dma_start3A_47 = arith.constant 0 : i32
    %dma_start3A_48 = arith.constant 0 : i32
    %dma_start3A_49 = tpu.memref_slice %arg10[%dma_start3A_46, %dma_start3A_47, %dma_start3A_48] : memref<4x80x128xf32, #tpu.memory_space<vmem>> -> memref<1x80x128xf32, #tpu.memory_space<vmem>>
    %dma_start3A_50 = tpu.memref_squeeze %dma_start3A_49 : memref<1x80x128xf32, #tpu.memory_space<vmem>> -> memref<80x128xf32, #tpu.memory_space<vmem>>
    %dma_start3A_51 = arith.constant 160 : i32
    %dma_start3A_52 = tpu.memref_slice %arg8[%dma_start3A_51] : memref<10000xi32, #tpu.memory_space<vmem>> -> memref<80xi32, #tpu.memory_space<vmem>>
    %dma_start3A_53 = arith.constant 0 : i32
    %dma_start3A_54 = arith.constant 0 : i32
    %dma_start3A_55 = tpu.memref_slice %arg2[%dma_start3A_53, %dma_start3A_54] : memref<10000x128xf32, #tpu.memory_space<hbm>> -> memref<10000x128xf32, #tpu.memory_space<hbm>>
    tpu.enqueue_indirect_dma source(%dma_start3A_55 : memref<10000x128xf32, #tpu.memory_space<hbm>>) target(%dma_start3A_50 : memref<80x128xf32, #tpu.memory_space<vmem>>) offsets(%dma_start3A_52 : memref<80xi32, #tpu.memory_space<vmem>>) semaphore(%arg14 : memref<!tpu.dma_semaphore, #tpu.memory_space<semaphore_mem>>)
    %dma_start3A_56 = arith.constant 2 : i32
    %dma_start3A_57 = arith.constant 0 : i32
    %dma_start3A_58 = arith.constant 0 : i32
    %dma_start3A_59 = tpu.memref_slice %arg11[%dma_start3A_56, %dma_start3A_57, %dma_start3A_58] : memref<4x80x128xf32, #tpu.memory_space<vmem>> -> memref<1x80x128xf32, #tpu.memory_space<vmem>>
    %dma_start3A_60 = tpu.memref_squeeze %dma_start3A_59 : memref<1x80x128xf32, #tpu.memory_space<vmem>> -> memref<80x128xf32, #tpu.memory_space<vmem>>
    %dma_start3A_61 = arith.constant 160 : i32
    %dma_start3A_62 = tpu.memref_slice %arg9[%dma_start3A_61] : memref<10000xi32, #tpu.memory_space<vmem>> -> memref<80xi32, #tpu.memory_space<vmem>>
    %dma_start3A_63 = arith.constant 0 : i32
    %dma_start3A_64 = arith.constant 0 : i32
    %dma_start3A_65 = tpu.memref_slice %arg3[%dma_start3A_63, %dma_start3A_64] : memref<10000x128xf32, #tpu.memory_space<hbm>> -> memref<10000x128xf32, #tpu.memory_space<hbm>>
    tpu.enqueue_indirect_dma source(%dma_start3A_65 : memref<10000x128xf32, #tpu.memory_space<hbm>>) target(%dma_start3A_60 : memref<80x128xf32, #tpu.memory_space<vmem>>) offsets(%dma_start3A_62 : memref<80xi32, #tpu.memory_space<vmem>>) semaphore(%arg18 : memref<!tpu.dma_semaphore, #tpu.memory_space<semaphore_mem>>)
    %dma_start3A_66 = arith.constant 3 : i32
    %dma_start3A_67 = arith.constant 0 : i32
    %dma_start3A_68 = arith.constant 0 : i32
    %dma_start3A_69 = tpu.memref_slice %arg10[%dma_start3A_66, %dma_start3A_67, %dma_start3A_68] : memref<4x80x128xf32, #tpu.memory_space<vmem>> -> memref<1x80x128xf32, #tpu.memory_space<vmem>>
    %dma_start3A_70 = tpu.memref_squeeze %dma_start3A_69 : memref<1x80x128xf32, #tpu.memory_space<vmem>> -> memref<80x128xf32, #tpu.memory_space<vmem>>
    %dma_start3A_71 = arith.constant 240 : i32
    %dma_start3A_72 = tpu.memref_slice %arg8[%dma_start3A_71] : memref<10000xi32, #tpu.memory_space<vmem>> -> memref<80xi32, #tpu.memory_space<vmem>>
    %dma_start3A_73 = arith.constant 0 : i32
    %dma_start3A_74 = arith.constant 0 : i32
    %dma_start3A_75 = tpu.memref_slice %arg2[%dma_start3A_73, %dma_start3A_74] : memref<10000x128xf32, #tpu.memory_space<hbm>> -> memref<10000x128xf32, #tpu.memory_space<hbm>>
    tpu.enqueue_indirect_dma source(%dma_start3A_75 : memref<10000x128xf32, #tpu.memory_space<hbm>>) target(%dma_start3A_70 : memref<80x128xf32, #tpu.memory_space<vmem>>) offsets(%dma_start3A_72 : memref<80xi32, #tpu.memory_space<vmem>>) semaphore(%arg15 : memref<!tpu.dma_semaphore, #tpu.memory_space<semaphore_mem>>)
    %dma_start3A_76 = arith.constant 3 : i32
    %dma_start3A_77 = arith.constant 0 : i32
    %dma_start3A_78 = arith.constant 0 : i32
    %dma_start3A_79 = tpu.memref_slice %arg11[%dma_start3A_76, %dma_start3A_77, %dma_start3A_78] : memref<4x80x128xf32, #tpu.memory_space<vmem>> -> memref<1x80x128xf32, #tpu.memory_space<vmem>>
    %dma_start3A_80 = tpu.memref_squeeze %dma_start3A_79 : memref<1x80x128xf32, #tpu.memory_space<vmem>> -> memref<80x128xf32, #tpu.memory_space<vmem>>
    %dma_start3A_81 = arith.constant 240 : i32
    %dma_start3A_82 = tpu.memref_slice %arg9[%dma_start3A_81] : memref<10000xi32, #tpu.memory_space<vmem>> -> memref<80xi32, #tpu.memory_space<vmem>>
    %dma_start3A_83 = arith.constant 0 : i32
    %dma_start3A_84 = arith.constant 0 : i32
    %dma_start3A_85 = tpu.memref_slice %arg3[%dma_start3A_83, %dma_start3A_84] : memref<10000x128xf32, #tpu.memory_space<hbm>> -> memref<10000x128xf32, #tpu.memory_space<hbm>>
    tpu.enqueue_indirect_dma source(%dma_start3A_85 : memref<10000x128xf32, #tpu.memory_space<hbm>>) target(%dma_start3A_80 : memref<80x128xf32, #tpu.memory_space<vmem>>) offsets(%dma_start3A_82 : memref<80xi32, #tpu.memory_space<vmem>>) semaphore(%arg19 : memref<!tpu.dma_semaphore, #tpu.memory_space<semaphore_mem>>)
    %scan3A = arith.constant 0 : i32
    %scan3A_86 = arith.constant 30 : i32
    %scan3A_87 = arith.addi %scan3A, %scan3A_86 : i32
    %scan3A_88 = arith.constant 1 : i32
    scf.for %scan3A_499 = %scan3A to %scan3A_87 step %scan3A_88  : i32 {
      %mul3A_500 = arith.constant 1 : i32
      %mul3A_501 = arith.muli %scan3A_499, %mul3A_500 : i32
      %add3A_502 = arith.constant 0 : i32
      %add3A_503 = arith.addi %add3A_502, %mul3A_501 : i32
      %mul3A_504 = arith.constant 4 : i32
      %mul3A_505 = arith.muli %mul3A_504, %add3A_503 : i32
      %add3A_506 = arith.constant 0 : i32
      %add3A_507 = arith.addi %mul3A_505, %add3A_506 : i32
      %mul3A_508 = arith.constant 80 : i32
      %mul3A_509 = arith.muli %add3A_507, %mul3A_508 : i32
      %add3A_510 = arith.addi %mul3A_2, %mul3A_509 : i32
      %dma_wait3A_511 = arith.constant 0 : i32
      %dma_wait3A_512 = arith.constant 0 : i32
      %dma_wait3A_513 = arith.constant 0 : i32
      %dma_wait3A_514 = tpu.memref_slice %arg10[%dma_wait3A_511, %dma_wait3A_512, %dma_wait3A_513] : memref<4x80x128xf32, #tpu.memory_space<vmem>> -> memref<1x80x128xf32, #tpu.memory_space<vmem>>
      %dma_wait3A_515 = tpu.memref_squeeze %dma_wait3A_514 : memref<1x80x128xf32, #tpu.memory_space<vmem>> -> memref<80x128xf32, #tpu.memory_space<vmem>>
      %dma_wait3A_516 = arith.constant 0 : i32
      %dma_wait3A_517 = tpu.memref_slice %arg8[%dma_wait3A_516] : memref<10000xi32, #tpu.memory_space<vmem>> -> memref<80xi32, #tpu.memory_space<vmem>>
      %dma_wait3A_518 = arith.constant 0 : i32
      %dma_wait3A_519 = arith.constant 0 : i32
      %dma_wait3A_520 = tpu.memref_slice %arg2[%dma_wait3A_518, %dma_wait3A_519] : memref<10000x128xf32, #tpu.memory_space<hbm>> -> memref<10000x128xf32, #tpu.memory_space<hbm>>
      tpu.wait_indirect_dma semaphore(%arg12 : memref<!tpu.dma_semaphore, #tpu.memory_space<semaphore_mem>>) src(%dma_wait3A_520 : memref<10000x128xf32, #tpu.memory_space<hbm>>) dst(%dma_wait3A_515 : memref<80x128xf32, #tpu.memory_space<vmem>>)
      %dma_wait3A_521 = arith.constant 0 : i32
      %dma_wait3A_522 = arith.constant 0 : i32
      %dma_wait3A_523 = arith.constant 0 : i32
      %dma_wait3A_524 = tpu.memref_slice %arg11[%dma_wait3A_521, %dma_wait3A_522, %dma_wait3A_523] : memref<4x80x128xf32, #tpu.memory_space<vmem>> -> memref<1x80x128xf32, #tpu.memory_space<vmem>>
      %dma_wait3A_525 = tpu.memref_squeeze %dma_wait3A_524 : memref<1x80x128xf32, #tpu.memory_space<vmem>> -> memref<80x128xf32, #tpu.memory_space<vmem>>
      %dma_wait3A_526 = arith.constant 0 : i32
      %dma_wait3A_527 = tpu.memref_slice %arg9[%dma_wait3A_526] : memref<10000xi32, #tpu.memory_space<vmem>> -> memref<80xi32, #tpu.memory_space<vmem>>
      %dma_wait3A_528 = arith.constant 0 : i32
      %dma_wait3A_529 = arith.constant 0 : i32
      %dma_wait3A_530 = tpu.memref_slice %arg3[%dma_wait3A_528, %dma_wait3A_529] : memref<10000x128xf32, #tpu.memory_space<hbm>> -> memref<10000x128xf32, #tpu.memory_space<hbm>>
      tpu.wait_indirect_dma semaphore(%arg16 : memref<!tpu.dma_semaphore, #tpu.memory_space<semaphore_mem>>) src(%dma_wait3A_530 : memref<10000x128xf32, #tpu.memory_space<hbm>>) dst(%dma_wait3A_525 : memref<80x128xf32, #tpu.memory_space<vmem>>)
      %dma_start3A_531 = arith.constant 0 : i32
      %dma_start3A_532 = arith.constant 0 : i32
      %dma_start3A_533 = arith.constant 0 : i32
      %dma_start3A_534 = tpu.memref_slice %arg10[%dma_start3A_531, %dma_start3A_532, %dma_start3A_533] : memref<4x80x128xf32, #tpu.memory_space<vmem>> -> memref<1x80x128xf32, #tpu.memory_space<vmem>>
      %dma_start3A_535 = tpu.memref_squeeze %dma_start3A_534 : memref<1x80x128xf32, #tpu.memory_space<vmem>> -> memref<80x128xf32, #tpu.memory_space<vmem>>
      %dma_start3A_536 = arith.constant 0 : i32
      %dma_start3A_537 = tpu.memref_slice %arg6[%add3A_510, %dma_start3A_536] : memref<320000x128xf32, #tpu.memory_space<hbm>> -> memref<80x128xf32, #tpu.memory_space<hbm>>
      %dma_start3A_538 = arith.constant 0 : i32
      %dma_start3A_539 = tpu.memref_slice %arg6[%add3A_510, %dma_start3A_538] : memref<320000x128xf32, #tpu.memory_space<hbm>> -> memref<80x128xf32, #tpu.memory_space<hbm>>
      %dma_start3A_540 = arith.constant 0 : i32
      %dma_start3A_541 = arith.constant 0 : i32
      %dma_start3A_542 = tpu.memref_slice %arg10[%dma_start3A_531, %dma_start3A_540, %dma_start3A_541] : memref<4x80x128xf32, #tpu.memory_space<vmem>> -> memref<1x80x128xf32, #tpu.memory_space<vmem>>
      %dma_start3A_543 = tpu.memref_squeeze %dma_start3A_542 : memref<1x80x128xf32, #tpu.memory_space<vmem>> -> memref<80x128xf32, #tpu.memory_space<vmem>>
      tpu.enqueue_dma source(%dma_start3A_543 : memref<80x128xf32, #tpu.memory_space<vmem>>) target(%dma_start3A_539 : memref<80x128xf32, #tpu.memory_space<hbm>>) target_semaphore(%arg20 : memref<!tpu.dma_semaphore, #tpu.memory_space<semaphore_mem>>)
      %dma_start3A_544 = arith.constant 0 : i32
      %dma_start3A_545 = arith.constant 0 : i32
      %dma_start3A_546 = arith.constant 0 : i32
      %dma_start3A_547 = tpu.memref_slice %arg11[%dma_start3A_544, %dma_start3A_545, %dma_start3A_546] : memref<4x80x128xf32, #tpu.memory_space<vmem>> -> memref<1x80x128xf32, #tpu.memory_space<vmem>>
      %dma_start3A_548 = tpu.memref_squeeze %dma_start3A_547 : memref<1x80x128xf32, #tpu.memory_space<vmem>> -> memref<80x128xf32, #tpu.memory_space<vmem>>
      %dma_start3A_549 = arith.constant 0 : i32
      %dma_start3A_550 = tpu.memref_slice %arg7[%add3A_510, %dma_start3A_549] : memref<320000x128xf32, #tpu.memory_space<hbm>> -> memref<80x128xf32, #tpu.memory_space<hbm>>
      %dma_start3A_551 = arith.constant 0 : i32
      %dma_start3A_552 = tpu.memref_slice %arg7[%add3A_510, %dma_start3A_551] : memref<320000x128xf32, #tpu.memory_space<hbm>> -> memref<80x128xf32, #tpu.memory_space<hbm>>
      %dma_start3A_553 = arith.constant 0 : i32
      %dma_start3A_554 = arith.constant 0 : i32
      %dma_start3A_555 = tpu.memref_slice %arg11[%dma_start3A_544, %dma_start3A_553, %dma_start3A_554] : memref<4x80x128xf32, #tpu.memory_space<vmem>> -> memref<1x80x128xf32, #tpu.memory_space<vmem>>
      %dma_start3A_556 = tpu.memref_squeeze %dma_start3A_555 : memref<1x80x128xf32, #tpu.memory_space<vmem>> -> memref<80x128xf32, #tpu.memory_space<vmem>>
      tpu.enqueue_dma source(%dma_start3A_556 : memref<80x128xf32, #tpu.memory_space<vmem>>) target(%dma_start3A_552 : memref<80x128xf32, #tpu.memory_space<hbm>>) target_semaphore(%arg20 : memref<!tpu.dma_semaphore, #tpu.memory_space<semaphore_mem>>)
      %add3A_557 = arith.constant 4 : i32
      %add3A_558 = arith.addi %add3A_507, %add3A_557 : i32
      %dma_wait3A_559 = arith.constant 0 : i32
      %dma_wait3A_560 = arith.constant 0 : i32
      %dma_wait3A_561 = arith.constant 0 : i32
      %dma_wait3A_562 = tpu.memref_slice %arg10[%dma_wait3A_559, %dma_wait3A_560, %dma_wait3A_561] : memref<4x80x128xf32, #tpu.memory_space<vmem>> -> memref<1x80x128xf32, #tpu.memory_space<vmem>>
      %dma_wait3A_563 = tpu.memref_squeeze %dma_wait3A_562 : memref<1x80x128xf32, #tpu.memory_space<vmem>> -> memref<80x128xf32, #tpu.memory_space<vmem>>
      %dma_wait3A_564 = arith.constant 0 : i32
      %dma_wait3A_565 = arith.constant 0 : i32
      %dma_wait3A_566 = tpu.memref_slice %arg6[%dma_wait3A_564, %dma_wait3A_565] : memref<320000x128xf32, #tpu.memory_space<hbm>> -> memref<80x128xf32, #tpu.memory_space<hbm>>
      %dma_wait3A_567 = arith.constant 0 : i32
      %dma_wait3A_568 = arith.constant 0 : i32
      %dma_wait3A_569 = tpu.memref_slice %arg6[%dma_wait3A_567, %dma_wait3A_568] : memref<320000x128xf32, #tpu.memory_space<hbm>> -> memref<80x128xf32, #tpu.memory_space<hbm>>
      %dma_wait3A_570 = arith.constant 0 : i32
      %dma_wait3A_571 = arith.constant 0 : i32
      %dma_wait3A_572 = tpu.memref_slice %arg10[%dma_wait3A_559, %dma_wait3A_570, %dma_wait3A_571] : memref<4x80x128xf32, #tpu.memory_space<vmem>> -> memref<1x80x128xf32, #tpu.memory_space<vmem>>
      %dma_wait3A_573 = tpu.memref_squeeze %dma_wait3A_572 : memref<1x80x128xf32, #tpu.memory_space<vmem>> -> memref<80x128xf32, #tpu.memory_space<vmem>>
      tpu.wait_dma2 semaphore(%arg20 : memref<!tpu.dma_semaphore, #tpu.memory_space<semaphore_mem>>) src(%dma_wait3A_573 : memref<80x128xf32, #tpu.memory_space<vmem>>) dst(%dma_wait3A_569 : memref<80x128xf32, #tpu.memory_space<hbm>>)
      %dma_wait3A_574 = arith.constant 0 : i32
      %dma_wait3A_575 = arith.constant 0 : i32
      %dma_wait3A_576 = arith.constant 0 : i32
      %dma_wait3A_577 = tpu.memref_slice %arg11[%dma_wait3A_574, %dma_wait3A_575, %dma_wait3A_576] : memref<4x80x128xf32, #tpu.memory_space<vmem>> -> memref<1x80x128xf32, #tpu.memory_space<vmem>>
      %dma_wait3A_578 = tpu.memref_squeeze %dma_wait3A_577 : memref<1x80x128xf32, #tpu.memory_space<vmem>> -> memref<80x128xf32, #tpu.memory_space<vmem>>
      %dma_wait3A_579 = arith.constant 0 : i32
      %dma_wait3A_580 = arith.constant 0 : i32
      %dma_wait3A_581 = tpu.memref_slice %arg7[%dma_wait3A_579, %dma_wait3A_580] : memref<320000x128xf32, #tpu.memory_space<hbm>> -> memref<80x128xf32, #tpu.memory_space<hbm>>
      %dma_wait3A_582 = arith.constant 0 : i32
      %dma_wait3A_583 = arith.constant 0 : i32
      %dma_wait3A_584 = tpu.memref_slice %arg7[%dma_wait3A_582, %dma_wait3A_583] : memref<320000x128xf32, #tpu.memory_space<hbm>> -> memref<80x128xf32, #tpu.memory_space<hbm>>
      %dma_wait3A_585 = arith.constant 0 : i32
      %dma_wait3A_586 = arith.constant 0 : i32
      %dma_wait3A_587 = tpu.memref_slice %arg11[%dma_wait3A_574, %dma_wait3A_585, %dma_wait3A_586] : memref<4x80x128xf32, #tpu.memory_space<vmem>> -> memref<1x80x128xf32, #tpu.memory_space<vmem>>
      %dma_wait3A_588 = tpu.memref_squeeze %dma_wait3A_587 : memref<1x80x128xf32, #tpu.memory_space<vmem>> -> memref<80x128xf32, #tpu.memory_space<vmem>>
      tpu.wait_dma2 semaphore(%arg20 : memref<!tpu.dma_semaphore, #tpu.memory_space<semaphore_mem>>) src(%dma_wait3A_588 : memref<80x128xf32, #tpu.memory_space<vmem>>) dst(%dma_wait3A_584 : memref<80x128xf32, #tpu.memory_space<hbm>>)
      %mul3A_589 = arith.constant 80 : i32
      %mul3A_590 = arith.muli %add3A_558, %mul3A_589 : i32
      %dma_start3A_591 = arith.constant 0 : i32
      %dma_start3A_592 = arith.constant 0 : i32
      %dma_start3A_593 = arith.constant 0 : i32
      %dma_start3A_594 = tpu.memref_slice %arg10[%dma_start3A_591, %dma_start3A_592, %dma_start3A_593] : memref<4x80x128xf32, #tpu.memory_space<vmem>> -> memref<1x80x128xf32, #tpu.memory_space<vmem>>
      %dma_start3A_595 = tpu.memref_squeeze %dma_start3A_594 : memref<1x80x128xf32, #tpu.memory_space<vmem>> -> memref<80x128xf32, #tpu.memory_space<vmem>>
      %dma_start3A_596 = tpu.memref_slice %arg8[%mul3A_590] : memref<10000xi32, #tpu.memory_space<vmem>> -> memref<80xi32, #tpu.memory_space<vmem>>
      %dma_start3A_597 = arith.constant 0 : i32
      %dma_start3A_598 = arith.constant 0 : i32
      %dma_start3A_599 = tpu.memref_slice %arg2[%dma_start3A_597, %dma_start3A_598] : memref<10000x128xf32, #tpu.memory_space<hbm>> -> memref<10000x128xf32, #tpu.memory_space<hbm>>
      tpu.enqueue_indirect_dma source(%dma_start3A_599 : memref<10000x128xf32, #tpu.memory_space<hbm>>) target(%dma_start3A_595 : memref<80x128xf32, #tpu.memory_space<vmem>>) offsets(%dma_start3A_596 : memref<80xi32, #tpu.memory_space<vmem>>) semaphore(%arg12 : memref<!tpu.dma_semaphore, #tpu.memory_space<semaphore_mem>>)
      %dma_start3A_600 = arith.constant 0 : i32
      %dma_start3A_601 = arith.constant 0 : i32
      %dma_start3A_602 = arith.constant 0 : i32
      %dma_start3A_603 = tpu.memref_slice %arg11[%dma_start3A_600, %dma_start3A_601, %dma_start3A_602] : memref<4x80x128xf32, #tpu.memory_space<vmem>> -> memref<1x80x128xf32, #tpu.memory_space<vmem>>
      %dma_start3A_604 = tpu.memref_squeeze %dma_start3A_603 : memref<1x80x128xf32, #tpu.memory_space<vmem>> -> memref<80x128xf32, #tpu.memory_space<vmem>>
      %dma_start3A_605 = tpu.memref_slice %arg9[%mul3A_590] : memref<10000xi32, #tpu.memory_space<vmem>> -> memref<80xi32, #tpu.memory_space<vmem>>
      %dma_start3A_606 = arith.constant 0 : i32
      %dma_start3A_607 = arith.constant 0 : i32
      %dma_start3A_608 = tpu.memref_slice %arg3[%dma_start3A_606, %dma_start3A_607] : memref<10000x128xf32, #tpu.memory_space<hbm>> -> memref<10000x128xf32, #tpu.memory_space<hbm>>
      tpu.enqueue_indirect_dma source(%dma_start3A_608 : memref<10000x128xf32, #tpu.memory_space<hbm>>) target(%dma_start3A_604 : memref<80x128xf32, #tpu.memory_space<vmem>>) offsets(%dma_start3A_605 : memref<80xi32, #tpu.memory_space<vmem>>) semaphore(%arg16 : memref<!tpu.dma_semaphore, #tpu.memory_space<semaphore_mem>>)
      %mul3A_609 = arith.constant 4 : i32
      %mul3A_610 = arith.muli %mul3A_609, %add3A_503 : i32
      %add3A_611 = arith.constant 1 : i32
      %add3A_612 = arith.addi %mul3A_610, %add3A_611 : i32
      %mul3A_613 = arith.constant 80 : i32
      %mul3A_614 = arith.muli %add3A_612, %mul3A_613 : i32
      %add3A_615 = arith.addi %mul3A_2, %mul3A_614 : i32
      %dma_wait3A_616 = arith.constant 1 : i32
      %dma_wait3A_617 = arith.constant 0 : i32
      %dma_wait3A_618 = arith.constant 0 : i32
      %dma_wait3A_619 = tpu.memref_slice %arg10[%dma_wait3A_616, %dma_wait3A_617, %dma_wait3A_618] : memref<4x80x128xf32, #tpu.memory_space<vmem>> -> memref<1x80x128xf32, #tpu.memory_space<vmem>>
      %dma_wait3A_620 = tpu.memref_squeeze %dma_wait3A_619 : memref<1x80x128xf32, #tpu.memory_space<vmem>> -> memref<80x128xf32, #tpu.memory_space<vmem>>
      %dma_wait3A_621 = arith.constant 0 : i32
      %dma_wait3A_622 = tpu.memref_slice %arg8[%dma_wait3A_621] : memref<10000xi32, #tpu.memory_space<vmem>> -> memref<80xi32, #tpu.memory_space<vmem>>
      %dma_wait3A_623 = arith.constant 0 : i32
      %dma_wait3A_624 = arith.constant 0 : i32
      %dma_wait3A_625 = tpu.memref_slice %arg2[%dma_wait3A_623, %dma_wait3A_624] : memref<10000x128xf32, #tpu.memory_space<hbm>> -> memref<10000x128xf32, #tpu.memory_space<hbm>>
      tpu.wait_indirect_dma semaphore(%arg13 : memref<!tpu.dma_semaphore, #tpu.memory_space<semaphore_mem>>) src(%dma_wait3A_625 : memref<10000x128xf32, #tpu.memory_space<hbm>>) dst(%dma_wait3A_620 : memref<80x128xf32, #tpu.memory_space<vmem>>)
      %dma_wait3A_626 = arith.constant 1 : i32
      %dma_wait3A_627 = arith.constant 0 : i32
      %dma_wait3A_628 = arith.constant 0 : i32
      %dma_wait3A_629 = tpu.memref_slice %arg11[%dma_wait3A_626, %dma_wait3A_627, %dma_wait3A_628] : memref<4x80x128xf32, #tpu.memory_space<vmem>> -> memref<1x80x128xf32, #tpu.memory_space<vmem>>
      %dma_wait3A_630 = tpu.memref_squeeze %dma_wait3A_629 : memref<1x80x128xf32, #tpu.memory_space<vmem>> -> memref<80x128xf32, #tpu.memory_space<vmem>>
      %dma_wait3A_631 = arith.constant 0 : i32
      %dma_wait3A_632 = tpu.memref_slice %arg9[%dma_wait3A_631] : memref<10000xi32, #tpu.memory_space<vmem>> -> memref<80xi32, #tpu.memory_space<vmem>>
      %dma_wait3A_633 = arith.constant 0 : i32
      %dma_wait3A_634 = arith.constant 0 : i32
      %dma_wait3A_635 = tpu.memref_slice %arg3[%dma_wait3A_633, %dma_wait3A_634] : memref<10000x128xf32, #tpu.memory_space<hbm>> -> memref<10000x128xf32, #tpu.memory_space<hbm>>
      tpu.wait_indirect_dma semaphore(%arg17 : memref<!tpu.dma_semaphore, #tpu.memory_space<semaphore_mem>>) src(%dma_wait3A_635 : memref<10000x128xf32, #tpu.memory_space<hbm>>) dst(%dma_wait3A_630 : memref<80x128xf32, #tpu.memory_space<vmem>>)
      %dma_start3A_636 = arith.constant 1 : i32
      %dma_start3A_637 = arith.constant 0 : i32
      %dma_start3A_638 = arith.constant 0 : i32
      %dma_start3A_639 = tpu.memref_slice %arg10[%dma_start3A_636, %dma_start3A_637, %dma_start3A_638] : memref<4x80x128xf32, #tpu.memory_space<vmem>> -> memref<1x80x128xf32, #tpu.memory_space<vmem>>
      %dma_start3A_640 = tpu.memref_squeeze %dma_start3A_639 : memref<1x80x128xf32, #tpu.memory_space<vmem>> -> memref<80x128xf32, #tpu.memory_space<vmem>>
      %dma_start3A_641 = arith.constant 0 : i32
      %dma_start3A_642 = tpu.memref_slice %arg6[%add3A_615, %dma_start3A_641] : memref<320000x128xf32, #tpu.memory_space<hbm>> -> memref<80x128xf32, #tpu.memory_space<hbm>>
      %dma_start3A_643 = arith.constant 0 : i32
      %dma_start3A_644 = tpu.memref_slice %arg6[%add3A_615, %dma_start3A_643] : memref<320000x128xf32, #tpu.memory_space<hbm>> -> memref<80x128xf32, #tpu.memory_space<hbm>>
      %dma_start3A_645 = arith.constant 0 : i32
      %dma_start3A_646 = arith.constant 0 : i32
      %dma_start3A_647 = tpu.memref_slice %arg10[%dma_start3A_636, %dma_start3A_645, %dma_start3A_646] : memref<4x80x128xf32, #tpu.memory_space<vmem>> -> memref<1x80x128xf32, #tpu.memory_space<vmem>>
      %dma_start3A_648 = tpu.memref_squeeze %dma_start3A_647 : memref<1x80x128xf32, #tpu.memory_space<vmem>> -> memref<80x128xf32, #tpu.memory_space<vmem>>
      tpu.enqueue_dma source(%dma_start3A_648 : memref<80x128xf32, #tpu.memory_space<vmem>>) target(%dma_start3A_644 : memref<80x128xf32, #tpu.memory_space<hbm>>) target_semaphore(%arg21 : memref<!tpu.dma_semaphore, #tpu.memory_space<semaphore_mem>>)
      %dma_start3A_649 = arith.constant 1 : i32
      %dma_start3A_650 = arith.constant 0 : i32
      %dma_start3A_651 = arith.constant 0 : i32
      %dma_start3A_652 = tpu.memref_slice %arg11[%dma_start3A_649, %dma_start3A_650, %dma_start3A_651] : memref<4x80x128xf32, #tpu.memory_space<vmem>> -> memref<1x80x128xf32, #tpu.memory_space<vmem>>
      %dma_start3A_653 = tpu.memref_squeeze %dma_start3A_652 : memref<1x80x128xf32, #tpu.memory_space<vmem>> -> memref<80x128xf32, #tpu.memory_space<vmem>>
      %dma_start3A_654 = arith.constant 0 : i32
      %dma_start3A_655 = tpu.memref_slice %arg7[%add3A_615, %dma_start3A_654] : memref<320000x128xf32, #tpu.memory_space<hbm>> -> memref<80x128xf32, #tpu.memory_space<hbm>>
      %dma_start3A_656 = arith.constant 0 : i32
      %dma_start3A_657 = tpu.memref_slice %arg7[%add3A_615, %dma_start3A_656] : memref<320000x128xf32, #tpu.memory_space<hbm>> -> memref<80x128xf32, #tpu.memory_space<hbm>>
      %dma_start3A_658 = arith.constant 0 : i32
      %dma_start3A_659 = arith.constant 0 : i32
      %dma_start3A_660 = tpu.memref_slice %arg11[%dma_start3A_649, %dma_start3A_658, %dma_start3A_659] : memref<4x80x128xf32, #tpu.memory_space<vmem>> -> memref<1x80x128xf32, #tpu.memory_space<vmem>>
      %dma_start3A_661 = tpu.memref_squeeze %dma_start3A_660 : memref<1x80x128xf32, #tpu.memory_space<vmem>> -> memref<80x128xf32, #tpu.memory_space<vmem>>
      tpu.enqueue_dma source(%dma_start3A_661 : memref<80x128xf32, #tpu.memory_space<vmem>>) target(%dma_start3A_657 : memref<80x128xf32, #tpu.memory_space<hbm>>) target_semaphore(%arg21 : memref<!tpu.dma_semaphore, #tpu.memory_space<semaphore_mem>>)
      %add3A_662 = arith.constant 4 : i32
      %add3A_663 = arith.addi %add3A_612, %add3A_662 : i32
      %dma_wait3A_664 = arith.constant 1 : i32
      %dma_wait3A_665 = arith.constant 0 : i32
      %dma_wait3A_666 = arith.constant 0 : i32
      %dma_wait3A_667 = tpu.memref_slice %arg10[%dma_wait3A_664, %dma_wait3A_665, %dma_wait3A_666] : memref<4x80x128xf32, #tpu.memory_space<vmem>> -> memref<1x80x128xf32, #tpu.memory_space<vmem>>
      %dma_wait3A_668 = tpu.memref_squeeze %dma_wait3A_667 : memref<1x80x128xf32, #tpu.memory_space<vmem>> -> memref<80x128xf32, #tpu.memory_space<vmem>>
      %dma_wait3A_669 = arith.constant 0 : i32
      %dma_wait3A_670 = arith.constant 0 : i32
      %dma_wait3A_671 = tpu.memref_slice %arg6[%dma_wait3A_669, %dma_wait3A_670] : memref<320000x128xf32, #tpu.memory_space<hbm>> -> memref<80x128xf32, #tpu.memory_space<hbm>>
      %dma_wait3A_672 = arith.constant 0 : i32
      %dma_wait3A_673 = arith.constant 0 : i32
      %dma_wait3A_674 = tpu.memref_slice %arg6[%dma_wait3A_672, %dma_wait3A_673] : memref<320000x128xf32, #tpu.memory_space<hbm>> -> memref<80x128xf32, #tpu.memory_space<hbm>>
      %dma_wait3A_675 = arith.constant 0 : i32
      %dma_wait3A_676 = arith.constant 0 : i32
      %dma_wait3A_677 = tpu.memref_slice %arg10[%dma_wait3A_664, %dma_wait3A_675, %dma_wait3A_676] : memref<4x80x128xf32, #tpu.memory_space<vmem>> -> memref<1x80x128xf32, #tpu.memory_space<vmem>>
      %dma_wait3A_678 = tpu.memref_squeeze %dma_wait3A_677 : memref<1x80x128xf32, #tpu.memory_space<vmem>> -> memref<80x128xf32, #tpu.memory_space<vmem>>
      tpu.wait_dma2 semaphore(%arg21 : memref<!tpu.dma_semaphore, #tpu.memory_space<semaphore_mem>>) src(%dma_wait3A_678 : memref<80x128xf32, #tpu.memory_space<vmem>>) dst(%dma_wait3A_674 : memref<80x128xf32, #tpu.memory_space<hbm>>)
      %dma_wait3A_679 = arith.constant 1 : i32
      %dma_wait3A_680 = arith.constant 0 : i32
      %dma_wait3A_681 = arith.constant 0 : i32
      %dma_wait3A_682 = tpu.memref_slice %arg11[%dma_wait3A_679, %dma_wait3A_680, %dma_wait3A_681] : memref<4x80x128xf32, #tpu.memory_space<vmem>> -> memref<1x80x128xf32, #tpu.memory_space<vmem>>
      %dma_wait3A_683 = tpu.memref_squeeze %dma_wait3A_682 : memref<1x80x128xf32, #tpu.memory_space<vmem>> -> memref<80x128xf32, #tpu.memory_space<vmem>>
      %dma_wait3A_684 = arith.constant 0 : i32
      %dma_wait3A_685 = arith.constant 0 : i32
      %dma_wait3A_686 = tpu.memref_slice %arg7[%dma_wait3A_684, %dma_wait3A_685] : memref<320000x128xf32, #tpu.memory_space<hbm>> -> memref<80x128xf32, #tpu.memory_space<hbm>>
      %dma_wait3A_687 = arith.constant 0 : i32
      %dma_wait3A_688 = arith.constant 0 : i32
      %dma_wait3A_689 = tpu.memref_slice %arg7[%dma_wait3A_687, %dma_wait3A_688] : memref<320000x128xf32, #tpu.memory_space<hbm>> -> memref<80x128xf32, #tpu.memory_space<hbm>>
      %dma_wait3A_690 = arith.constant 0 : i32
      %dma_wait3A_691 = arith.constant 0 : i32
      %dma_wait3A_692 = tpu.memref_slice %arg11[%dma_wait3A_679, %dma_wait3A_690, %dma_wait3A_691] : memref<4x80x128xf32, #tpu.memory_space<vmem>> -> memref<1x80x128xf32, #tpu.memory_space<vmem>>
      %dma_wait3A_693 = tpu.memref_squeeze %dma_wait3A_692 : memref<1x80x128xf32, #tpu.memory_space<vmem>> -> memref<80x128xf32, #tpu.memory_space<vmem>>
      tpu.wait_dma2 semaphore(%arg21 : memref<!tpu.dma_semaphore, #tpu.memory_space<semaphore_mem>>) src(%dma_wait3A_693 : memref<80x128xf32, #tpu.memory_space<vmem>>) dst(%dma_wait3A_689 : memref<80x128xf32, #tpu.memory_space<hbm>>)
      %mul3A_694 = arith.constant 80 : i32
      %mul3A_695 = arith.muli %add3A_663, %mul3A_694 : i32
      %dma_start3A_696 = arith.constant 1 : i32
      %dma_start3A_697 = arith.constant 0 : i32
      %dma_start3A_698 = arith.constant 0 : i32
      %dma_start3A_699 = tpu.memref_slice %arg10[%dma_start3A_696, %dma_start3A_697, %dma_start3A_698] : memref<4x80x128xf32, #tpu.memory_space<vmem>> -> memref<1x80x128xf32, #tpu.memory_space<vmem>>
      %dma_start3A_700 = tpu.memref_squeeze %dma_start3A_699 : memref<1x80x128xf32, #tpu.memory_space<vmem>> -> memref<80x128xf32, #tpu.memory_space<vmem>>
      %dma_start3A_701 = tpu.memref_slice %arg8[%mul3A_695] : memref<10000xi32, #tpu.memory_space<vmem>> -> memref<80xi32, #tpu.memory_space<vmem>>
      %dma_start3A_702 = arith.constant 0 : i32
      %dma_start3A_703 = arith.constant 0 : i32
      %dma_start3A_704 = tpu.memref_slice %arg2[%dma_start3A_702, %dma_start3A_703] : memref<10000x128xf32, #tpu.memory_space<hbm>> -> memref<10000x128xf32, #tpu.memory_space<hbm>>
      tpu.enqueue_indirect_dma source(%dma_start3A_704 : memref<10000x128xf32, #tpu.memory_space<hbm>>) target(%dma_start3A_700 : memref<80x128xf32, #tpu.memory_space<vmem>>) offsets(%dma_start3A_701 : memref<80xi32, #tpu.memory_space<vmem>>) semaphore(%arg13 : memref<!tpu.dma_semaphore, #tpu.memory_space<semaphore_mem>>)
      %dma_start3A_705 = arith.constant 1 : i32
      %dma_start3A_706 = arith.constant 0 : i32
      %dma_start3A_707 = arith.constant 0 : i32
      %dma_start3A_708 = tpu.memref_slice %arg11[%dma_start3A_705, %dma_start3A_706, %dma_start3A_707] : memref<4x80x128xf32, #tpu.memory_space<vmem>> -> memref<1x80x128xf32, #tpu.memory_space<vmem>>
      %dma_start3A_709 = tpu.memref_squeeze %dma_start3A_708 : memref<1x80x128xf32, #tpu.memory_space<vmem>> -> memref<80x128xf32, #tpu.memory_space<vmem>>
      %dma_start3A_710 = tpu.memref_slice %arg9[%mul3A_695] : memref<10000xi32, #tpu.memory_space<vmem>> -> memref<80xi32, #tpu.memory_space<vmem>>
      %dma_start3A_711 = arith.constant 0 : i32
      %dma_start3A_712 = arith.constant 0 : i32
      %dma_start3A_713 = tpu.memref_slice %arg3[%dma_start3A_711, %dma_start3A_712] : memref<10000x128xf32, #tpu.memory_space<hbm>> -> memref<10000x128xf32, #tpu.memory_space<hbm>>
      tpu.enqueue_indirect_dma source(%dma_start3A_713 : memref<10000x128xf32, #tpu.memory_space<hbm>>) target(%dma_start3A_709 : memref<80x128xf32, #tpu.memory_space<vmem>>) offsets(%dma_start3A_710 : memref<80xi32, #tpu.memory_space<vmem>>) semaphore(%arg17 : memref<!tpu.dma_semaphore, #tpu.memory_space<semaphore_mem>>)
      %mul3A_714 = arith.constant 4 : i32
      %mul3A_715 = arith.muli %mul3A_714, %add3A_503 : i32
      %add3A_716 = arith.constant 2 : i32
      %add3A_717 = arith.addi %mul3A_715, %add3A_716 : i32
      %mul3A_718 = arith.constant 80 : i32
      %mul3A_719 = arith.muli %add3A_717, %mul3A_718 : i32
      %add3A_720 = arith.addi %mul3A_2, %mul3A_719 : i32
      %dma_wait3A_721 = arith.constant 2 : i32
      %dma_wait3A_722 = arith.constant 0 : i32
      %dma_wait3A_723 = arith.constant 0 : i32
      %dma_wait3A_724 = tpu.memref_slice %arg10[%dma_wait3A_721, %dma_wait3A_722, %dma_wait3A_723] : memref<4x80x128xf32, #tpu.memory_space<vmem>> -> memref<1x80x128xf32, #tpu.memory_space<vmem>>
      %dma_wait3A_725 = tpu.memref_squeeze %dma_wait3A_724 : memref<1x80x128xf32, #tpu.memory_space<vmem>> -> memref<80x128xf32, #tpu.memory_space<vmem>>
      %dma_wait3A_726 = arith.constant 0 : i32
      %dma_wait3A_727 = tpu.memref_slice %arg8[%dma_wait3A_726] : memref<10000xi32, #tpu.memory_space<vmem>> -> memref<80xi32, #tpu.memory_space<vmem>>
      %dma_wait3A_728 = arith.constant 0 : i32
      %dma_wait3A_729 = arith.constant 0 : i32
      %dma_wait3A_730 = tpu.memref_slice %arg2[%dma_wait3A_728, %dma_wait3A_729] : memref<10000x128xf32, #tpu.memory_space<hbm>> -> memref<10000x128xf32, #tpu.memory_space<hbm>>
      tpu.wait_indirect_dma semaphore(%arg14 : memref<!tpu.dma_semaphore, #tpu.memory_space<semaphore_mem>>) src(%dma_wait3A_730 : memref<10000x128xf32, #tpu.memory_space<hbm>>) dst(%dma_wait3A_725 : memref<80x128xf32, #tpu.memory_space<vmem>>)
      %dma_wait3A_731 = arith.constant 2 : i32
      %dma_wait3A_732 = arith.constant 0 : i32
      %dma_wait3A_733 = arith.constant 0 : i32
      %dma_wait3A_734 = tpu.memref_slice %arg11[%dma_wait3A_731, %dma_wait3A_732, %dma_wait3A_733] : memref<4x80x128xf32, #tpu.memory_space<vmem>> -> memref<1x80x128xf32, #tpu.memory_space<vmem>>
      %dma_wait3A_735 = tpu.memref_squeeze %dma_wait3A_734 : memref<1x80x128xf32, #tpu.memory_space<vmem>> -> memref<80x128xf32, #tpu.memory_space<vmem>>
      %dma_wait3A_736 = arith.constant 0 : i32
      %dma_wait3A_737 = tpu.memref_slice %arg9[%dma_wait3A_736] : memref<10000xi32, #tpu.memory_space<vmem>> -> memref<80xi32, #tpu.memory_space<vmem>>
      %dma_wait3A_738 = arith.constant 0 : i32
      %dma_wait3A_739 = arith.constant 0 : i32
      %dma_wait3A_740 = tpu.memref_slice %arg3[%dma_wait3A_738, %dma_wait3A_739] : memref<10000x128xf32, #tpu.memory_space<hbm>> -> memref<10000x128xf32, #tpu.memory_space<hbm>>
      tpu.wait_indirect_dma semaphore(%arg18 : memref<!tpu.dma_semaphore, #tpu.memory_space<semaphore_mem>>) src(%dma_wait3A_740 : memref<10000x128xf32, #tpu.memory_space<hbm>>) dst(%dma_wait3A_735 : memref<80x128xf32, #tpu.memory_space<vmem>>)
      %dma_start3A_741 = arith.constant 2 : i32
      %dma_start3A_742 = arith.constant 0 : i32
      %dma_start3A_743 = arith.constant 0 : i32
      %dma_start3A_744 = tpu.memref_slice %arg10[%dma_start3A_741, %dma_start3A_742, %dma_start3A_743] : memref<4x80x128xf32, #tpu.memory_space<vmem>> -> memref<1x80x128xf32, #tpu.memory_space<vmem>>
      %dma_start3A_745 = tpu.memref_squeeze %dma_start3A_744 : memref<1x80x128xf32, #tpu.memory_space<vmem>> -> memref<80x128xf32, #tpu.memory_space<vmem>>
      %dma_start3A_746 = arith.constant 0 : i32
      %dma_start3A_747 = tpu.memref_slice %arg6[%add3A_720, %dma_start3A_746] : memref<320000x128xf32, #tpu.memory_space<hbm>> -> memref<80x128xf32, #tpu.memory_space<hbm>>
      %dma_start3A_748 = arith.constant 0 : i32
      %dma_start3A_749 = tpu.memref_slice %arg6[%add3A_720, %dma_start3A_748] : memref<320000x128xf32, #tpu.memory_space<hbm>> -> memref<80x128xf32, #tpu.memory_space<hbm>>
      %dma_start3A_750 = arith.constant 0 : i32
      %dma_start3A_751 = arith.constant 0 : i32
      %dma_start3A_752 = tpu.memref_slice %arg10[%dma_start3A_741, %dma_start3A_750, %dma_start3A_751] : memref<4x80x128xf32, #tpu.memory_space<vmem>> -> memref<1x80x128xf32, #tpu.memory_space<vmem>>
      %dma_start3A_753 = tpu.memref_squeeze %dma_start3A_752 : memref<1x80x128xf32, #tpu.memory_space<vmem>> -> memref<80x128xf32, #tpu.memory_space<vmem>>
      tpu.enqueue_dma source(%dma_start3A_753 : memref<80x128xf32, #tpu.memory_space<vmem>>) target(%dma_start3A_749 : memref<80x128xf32, #tpu.memory_space<hbm>>) target_semaphore(%arg22 : memref<!tpu.dma_semaphore, #tpu.memory_space<semaphore_mem>>)
      %dma_start3A_754 = arith.constant 2 : i32
      %dma_start3A_755 = arith.constant 0 : i32
      %dma_start3A_756 = arith.constant 0 : i32
      %dma_start3A_757 = tpu.memref_slice %arg11[%dma_start3A_754, %dma_start3A_755, %dma_start3A_756] : memref<4x80x128xf32, #tpu.memory_space<vmem>> -> memref<1x80x128xf32, #tpu.memory_space<vmem>>
      %dma_start3A_758 = tpu.memref_squeeze %dma_start3A_757 : memref<1x80x128xf32, #tpu.memory_space<vmem>> -> memref<80x128xf32, #tpu.memory_space<vmem>>
      %dma_start3A_759 = arith.constant 0 : i32
      %dma_start3A_760 = tpu.memref_slice %arg7[%add3A_720, %dma_start3A_759] : memref<320000x128xf32, #tpu.memory_space<hbm>> -> memref<80x128xf32, #tpu.memory_space<hbm>>
      %dma_start3A_761 = arith.constant 0 : i32
      %dma_start3A_762 = tpu.memref_slice %arg7[%add3A_720, %dma_start3A_761] : memref<320000x128xf32, #tpu.memory_space<hbm>> -> memref<80x128xf32, #tpu.memory_space<hbm>>
      %dma_start3A_763 = arith.constant 0 : i32
      %dma_start3A_764 = arith.constant 0 : i32
      %dma_start3A_765 = tpu.memref_slice %arg11[%dma_start3A_754, %dma_start3A_763, %dma_start3A_764] : memref<4x80x128xf32, #tpu.memory_space<vmem>> -> memref<1x80x128xf32, #tpu.memory_space<vmem>>
      %dma_start3A_766 = tpu.memref_squeeze %dma_start3A_765 : memref<1x80x128xf32, #tpu.memory_space<vmem>> -> memref<80x128xf32, #tpu.memory_space<vmem>>
      tpu.enqueue_dma source(%dma_start3A_766 : memref<80x128xf32, #tpu.memory_space<vmem>>) target(%dma_start3A_762 : memref<80x128xf32, #tpu.memory_space<hbm>>) target_semaphore(%arg22 : memref<!tpu.dma_semaphore, #tpu.memory_space<semaphore_mem>>)
      %add3A_767 = arith.constant 4 : i32
      %add3A_768 = arith.addi %add3A_717, %add3A_767 : i32
      %dma_wait3A_769 = arith.constant 2 : i32
      %dma_wait3A_770 = arith.constant 0 : i32
      %dma_wait3A_771 = arith.constant 0 : i32
      %dma_wait3A_772 = tpu.memref_slice %arg10[%dma_wait3A_769, %dma_wait3A_770, %dma_wait3A_771] : memref<4x80x128xf32, #tpu.memory_space<vmem>> -> memref<1x80x128xf32, #tpu.memory_space<vmem>>
      %dma_wait3A_773 = tpu.memref_squeeze %dma_wait3A_772 : memref<1x80x128xf32, #tpu.memory_space<vmem>> -> memref<80x128xf32, #tpu.memory_space<vmem>>
      %dma_wait3A_774 = arith.constant 0 : i32
      %dma_wait3A_775 = arith.constant 0 : i32
      %dma_wait3A_776 = tpu.memref_slice %arg6[%dma_wait3A_774, %dma_wait3A_775] : memref<320000x128xf32, #tpu.memory_space<hbm>> -> memref<80x128xf32, #tpu.memory_space<hbm>>
      %dma_wait3A_777 = arith.constant 0 : i32
      %dma_wait3A_778 = arith.constant 0 : i32
      %dma_wait3A_779 = tpu.memref_slice %arg6[%dma_wait3A_777, %dma_wait3A_778] : memref<320000x128xf32, #tpu.memory_space<hbm>> -> memref<80x128xf32, #tpu.memory_space<hbm>>
      %dma_wait3A_780 = arith.constant 0 : i32
      %dma_wait3A_781 = arith.constant 0 : i32
      %dma_wait3A_782 = tpu.memref_slice %arg10[%dma_wait3A_769, %dma_wait3A_780, %dma_wait3A_781] : memref<4x80x128xf32, #tpu.memory_space<vmem>> -> memref<1x80x128xf32, #tpu.memory_space<vmem>>
      %dma_wait3A_783 = tpu.memref_squeeze %dma_wait3A_782 : memref<1x80x128xf32, #tpu.memory_space<vmem>> -> memref<80x128xf32, #tpu.memory_space<vmem>>
      tpu.wait_dma2 semaphore(%arg22 : memref<!tpu.dma_semaphore, #tpu.memory_space<semaphore_mem>>) src(%dma_wait3A_783 : memref<80x128xf32, #tpu.memory_space<vmem>>) dst(%dma_wait3A_779 : memref<80x128xf32, #tpu.memory_space<hbm>>)
      %dma_wait3A_784 = arith.constant 2 : i32
      %dma_wait3A_785 = arith.constant 0 : i32
      %dma_wait3A_786 = arith.constant 0 : i32
      %dma_wait3A_787 = tpu.memref_slice %arg11[%dma_wait3A_784, %dma_wait3A_785, %dma_wait3A_786] : memref<4x80x128xf32, #tpu.memory_space<vmem>> -> memref<1x80x128xf32, #tpu.memory_space<vmem>>
      %dma_wait3A_788 = tpu.memref_squeeze %dma_wait3A_787 : memref<1x80x128xf32, #tpu.memory_space<vmem>> -> memref<80x128xf32, #tpu.memory_space<vmem>>
      %dma_wait3A_789 = arith.constant 0 : i32
      %dma_wait3A_790 = arith.constant 0 : i32
      %dma_wait3A_791 = tpu.memref_slice %arg7[%dma_wait3A_789, %dma_wait3A_790] : memref<320000x128xf32, #tpu.memory_space<hbm>> -> memref<80x128xf32, #tpu.memory_space<hbm>>
      %dma_wait3A_792 = arith.constant 0 : i32
      %dma_wait3A_793 = arith.constant 0 : i32
      %dma_wait3A_794 = tpu.memref_slice %arg7[%dma_wait3A_792, %dma_wait3A_793] : memref<320000x128xf32, #tpu.memory_space<hbm>> -> memref<80x128xf32, #tpu.memory_space<hbm>>
      %dma_wait3A_795 = arith.constant 0 : i32
      %dma_wait3A_796 = arith.constant 0 : i32
      %dma_wait3A_797 = tpu.memref_slice %arg11[%dma_wait3A_784, %dma_wait3A_795, %dma_wait3A_796] : memref<4x80x128xf32, #tpu.memory_space<vmem>> -> memref<1x80x128xf32, #tpu.memory_space<vmem>>
      %dma_wait3A_798 = tpu.memref_squeeze %dma_wait3A_797 : memref<1x80x128xf32, #tpu.memory_space<vmem>> -> memref<80x128xf32, #tpu.memory_space<vmem>>
      tpu.wait_dma2 semaphore(%arg22 : memref<!tpu.dma_semaphore, #tpu.memory_space<semaphore_mem>>) src(%dma_wait3A_798 : memref<80x128xf32, #tpu.memory_space<vmem>>) dst(%dma_wait3A_794 : memref<80x128xf32, #tpu.memory_space<hbm>>)
      %mul3A_799 = arith.constant 80 : i32
      %mul3A_800 = arith.muli %add3A_768, %mul3A_799 : i32
      %dma_start3A_801 = arith.constant 2 : i32
      %dma_start3A_802 = arith.constant 0 : i32
      %dma_start3A_803 = arith.constant 0 : i32
      %dma_start3A_804 = tpu.memref_slice %arg10[%dma_start3A_801, %dma_start3A_802, %dma_start3A_803] : memref<4x80x128xf32, #tpu.memory_space<vmem>> -> memref<1x80x128xf32, #tpu.memory_space<vmem>>
      %dma_start3A_805 = tpu.memref_squeeze %dma_start3A_804 : memref<1x80x128xf32, #tpu.memory_space<vmem>> -> memref<80x128xf32, #tpu.memory_space<vmem>>
      %dma_start3A_806 = tpu.memref_slice %arg8[%mul3A_800] : memref<10000xi32, #tpu.memory_space<vmem>> -> memref<80xi32, #tpu.memory_space<vmem>>
      %dma_start3A_807 = arith.constant 0 : i32
      %dma_start3A_808 = arith.constant 0 : i32
      %dma_start3A_809 = tpu.memref_slice %arg2[%dma_start3A_807, %dma_start3A_808] : memref<10000x128xf32, #tpu.memory_space<hbm>> -> memref<10000x128xf32, #tpu.memory_space<hbm>>
      tpu.enqueue_indirect_dma source(%dma_start3A_809 : memref<10000x128xf32, #tpu.memory_space<hbm>>) target(%dma_start3A_805 : memref<80x128xf32, #tpu.memory_space<vmem>>) offsets(%dma_start3A_806 : memref<80xi32, #tpu.memory_space<vmem>>) semaphore(%arg14 : memref<!tpu.dma_semaphore, #tpu.memory_space<semaphore_mem>>)
      %dma_start3A_810 = arith.constant 2 : i32
      %dma_start3A_811 = arith.constant 0 : i32
      %dma_start3A_812 = arith.constant 0 : i32
      %dma_start3A_813 = tpu.memref_slice %arg11[%dma_start3A_810, %dma_start3A_811, %dma_start3A_812] : memref<4x80x128xf32, #tpu.memory_space<vmem>> -> memref<1x80x128xf32, #tpu.memory_space<vmem>>
      %dma_start3A_814 = tpu.memref_squeeze %dma_start3A_813 : memref<1x80x128xf32, #tpu.memory_space<vmem>> -> memref<80x128xf32, #tpu.memory_space<vmem>>
      %dma_start3A_815 = tpu.memref_slice %arg9[%mul3A_800] : memref<10000xi32, #tpu.memory_space<vmem>> -> memref<80xi32, #tpu.memory_space<vmem>>
      %dma_start3A_816 = arith.constant 0 : i32
      %dma_start3A_817 = arith.constant 0 : i32
      %dma_start3A_818 = tpu.memref_slice %arg3[%dma_start3A_816, %dma_start3A_817] : memref<10000x128xf32, #tpu.memory_space<hbm>> -> memref<10000x128xf32, #tpu.memory_space<hbm>>
      tpu.enqueue_indirect_dma source(%dma_start3A_818 : memref<10000x128xf32, #tpu.memory_space<hbm>>) target(%dma_start3A_814 : memref<80x128xf32, #tpu.memory_space<vmem>>) offsets(%dma_start3A_815 : memref<80xi32, #tpu.memory_space<vmem>>) semaphore(%arg18 : memref<!tpu.dma_semaphore, #tpu.memory_space<semaphore_mem>>)
      %mul3A_819 = arith.constant 4 : i32
      %mul3A_820 = arith.muli %mul3A_819, %add3A_503 : i32
      %add3A_821 = arith.constant 3 : i32
      %add3A_822 = arith.addi %mul3A_820, %add3A_821 : i32
      %mul3A_823 = arith.constant 80 : i32
      %mul3A_824 = arith.muli %add3A_822, %mul3A_823 : i32
      %add3A_825 = arith.addi %mul3A_2, %mul3A_824 : i32
      %dma_wait3A_826 = arith.constant 3 : i32
      %dma_wait3A_827 = arith.constant 0 : i32
      %dma_wait3A_828 = arith.constant 0 : i32
      %dma_wait3A_829 = tpu.memref_slice %arg10[%dma_wait3A_826, %dma_wait3A_827, %dma_wait3A_828] : memref<4x80x128xf32, #tpu.memory_space<vmem>> -> memref<1x80x128xf32, #tpu.memory_space<vmem>>
      %dma_wait3A_830 = tpu.memref_squeeze %dma_wait3A_829 : memref<1x80x128xf32, #tpu.memory_space<vmem>> -> memref<80x128xf32, #tpu.memory_space<vmem>>
      %dma_wait3A_831 = arith.constant 0 : i32
      %dma_wait3A_832 = tpu.memref_slice %arg8[%dma_wait3A_831] : memref<10000xi32, #tpu.memory_space<vmem>> -> memref<80xi32, #tpu.memory_space<vmem>>
      %dma_wait3A_833 = arith.constant 0 : i32
      %dma_wait3A_834 = arith.constant 0 : i32
      %dma_wait3A_835 = tpu.memref_slice %arg2[%dma_wait3A_833, %dma_wait3A_834] : memref<10000x128xf32, #tpu.memory_space<hbm>> -> memref<10000x128xf32, #tpu.memory_space<hbm>>
      tpu.wait_indirect_dma semaphore(%arg15 : memref<!tpu.dma_semaphore, #tpu.memory_space<semaphore_mem>>) src(%dma_wait3A_835 : memref<10000x128xf32, #tpu.memory_space<hbm>>) dst(%dma_wait3A_830 : memref<80x128xf32, #tpu.memory_space<vmem>>)
      %dma_wait3A_836 = arith.constant 3 : i32
      %dma_wait3A_837 = arith.constant 0 : i32
      %dma_wait3A_838 = arith.constant 0 : i32
      %dma_wait3A_839 = tpu.memref_slice %arg11[%dma_wait3A_836, %dma_wait3A_837, %dma_wait3A_838] : memref<4x80x128xf32, #tpu.memory_space<vmem>> -> memref<1x80x128xf32, #tpu.memory_space<vmem>>
      %dma_wait3A_840 = tpu.memref_squeeze %dma_wait3A_839 : memref<1x80x128xf32, #tpu.memory_space<vmem>> -> memref<80x128xf32, #tpu.memory_space<vmem>>
      %dma_wait3A_841 = arith.constant 0 : i32
      %dma_wait3A_842 = tpu.memref_slice %arg9[%dma_wait3A_841] : memref<10000xi32, #tpu.memory_space<vmem>> -> memref<80xi32, #tpu.memory_space<vmem>>
      %dma_wait3A_843 = arith.constant 0 : i32
      %dma_wait3A_844 = arith.constant 0 : i32
      %dma_wait3A_845 = tpu.memref_slice %arg3[%dma_wait3A_843, %dma_wait3A_844] : memref<10000x128xf32, #tpu.memory_space<hbm>> -> memref<10000x128xf32, #tpu.memory_space<hbm>>
      tpu.wait_indirect_dma semaphore(%arg19 : memref<!tpu.dma_semaphore, #tpu.memory_space<semaphore_mem>>) src(%dma_wait3A_845 : memref<10000x128xf32, #tpu.memory_space<hbm>>) dst(%dma_wait3A_840 : memref<80x128xf32, #tpu.memory_space<vmem>>)
      %dma_start3A_846 = arith.constant 3 : i32
      %dma_start3A_847 = arith.constant 0 : i32
      %dma_start3A_848 = arith.constant 0 : i32
      %dma_start3A_849 = tpu.memref_slice %arg10[%dma_start3A_846, %dma_start3A_847, %dma_start3A_848] : memref<4x80x128xf32, #tpu.memory_space<vmem>> -> memref<1x80x128xf32, #tpu.memory_space<vmem>>
      %dma_start3A_850 = tpu.memref_squeeze %dma_start3A_849 : memref<1x80x128xf32, #tpu.memory_space<vmem>> -> memref<80x128xf32, #tpu.memory_space<vmem>>
      %dma_start3A_851 = arith.constant 0 : i32
      %dma_start3A_852 = tpu.memref_slice %arg6[%add3A_825, %dma_start3A_851] : memref<320000x128xf32, #tpu.memory_space<hbm>> -> memref<80x128xf32, #tpu.memory_space<hbm>>
      %dma_start3A_853 = arith.constant 0 : i32
      %dma_start3A_854 = tpu.memref_slice %arg6[%add3A_825, %dma_start3A_853] : memref<320000x128xf32, #tpu.memory_space<hbm>> -> memref<80x128xf32, #tpu.memory_space<hbm>>
      %dma_start3A_855 = arith.constant 0 : i32
      %dma_start3A_856 = arith.constant 0 : i32
      %dma_start3A_857 = tpu.memref_slice %arg10[%dma_start3A_846, %dma_start3A_855, %dma_start3A_856] : memref<4x80x128xf32, #tpu.memory_space<vmem>> -> memref<1x80x128xf32, #tpu.memory_space<vmem>>
      %dma_start3A_858 = tpu.memref_squeeze %dma_start3A_857 : memref<1x80x128xf32, #tpu.memory_space<vmem>> -> memref<80x128xf32, #tpu.memory_space<vmem>>
      tpu.enqueue_dma source(%dma_start3A_858 : memref<80x128xf32, #tpu.memory_space<vmem>>) target(%dma_start3A_854 : memref<80x128xf32, #tpu.memory_space<hbm>>) target_semaphore(%arg23 : memref<!tpu.dma_semaphore, #tpu.memory_space<semaphore_mem>>)
      %dma_start3A_859 = arith.constant 3 : i32
      %dma_start3A_860 = arith.constant 0 : i32
      %dma_start3A_861 = arith.constant 0 : i32
      %dma_start3A_862 = tpu.memref_slice %arg11[%dma_start3A_859, %dma_start3A_860, %dma_start3A_861] : memref<4x80x128xf32, #tpu.memory_space<vmem>> -> memref<1x80x128xf32, #tpu.memory_space<vmem>>
      %dma_start3A_863 = tpu.memref_squeeze %dma_start3A_862 : memref<1x80x128xf32, #tpu.memory_space<vmem>> -> memref<80x128xf32, #tpu.memory_space<vmem>>
      %dma_start3A_864 = arith.constant 0 : i32
      %dma_start3A_865 = tpu.memref_slice %arg7[%add3A_825, %dma_start3A_864] : memref<320000x128xf32, #tpu.memory_space<hbm>> -> memref<80x128xf32, #tpu.memory_space<hbm>>
      %dma_start3A_866 = arith.constant 0 : i32
      %dma_start3A_867 = tpu.memref_slice %arg7[%add3A_825, %dma_start3A_866] : memref<320000x128xf32, #tpu.memory_space<hbm>> -> memref<80x128xf32, #tpu.memory_space<hbm>>
      %dma_start3A_868 = arith.constant 0 : i32
      %dma_start3A_869 = arith.constant 0 : i32
      %dma_start3A_870 = tpu.memref_slice %arg11[%dma_start3A_859, %dma_start3A_868, %dma_start3A_869] : memref<4x80x128xf32, #tpu.memory_space<vmem>> -> memref<1x80x128xf32, #tpu.memory_space<vmem>>
      %dma_start3A_871 = tpu.memref_squeeze %dma_start3A_870 : memref<1x80x128xf32, #tpu.memory_space<vmem>> -> memref<80x128xf32, #tpu.memory_space<vmem>>
      tpu.enqueue_dma source(%dma_start3A_871 : memref<80x128xf32, #tpu.memory_space<vmem>>) target(%dma_start3A_867 : memref<80x128xf32, #tpu.memory_space<hbm>>) target_semaphore(%arg23 : memref<!tpu.dma_semaphore, #tpu.memory_space<semaphore_mem>>)
      %add3A_872 = arith.constant 4 : i32
      %add3A_873 = arith.addi %add3A_822, %add3A_872 : i32
      %dma_wait3A_874 = arith.constant 3 : i32
      %dma_wait3A_875 = arith.constant 0 : i32
      %dma_wait3A_876 = arith.constant 0 : i32
      %dma_wait3A_877 = tpu.memref_slice %arg10[%dma_wait3A_874, %dma_wait3A_875, %dma_wait3A_876] : memref<4x80x128xf32, #tpu.memory_space<vmem>> -> memref<1x80x128xf32, #tpu.memory_space<vmem>>
      %dma_wait3A_878 = tpu.memref_squeeze %dma_wait3A_877 : memref<1x80x128xf32, #tpu.memory_space<vmem>> -> memref<80x128xf32, #tpu.memory_space<vmem>>
      %dma_wait3A_879 = arith.constant 0 : i32
      %dma_wait3A_880 = arith.constant 0 : i32
      %dma_wait3A_881 = tpu.memref_slice %arg6[%dma_wait3A_879, %dma_wait3A_880] : memref<320000x128xf32, #tpu.memory_space<hbm>> -> memref<80x128xf32, #tpu.memory_space<hbm>>
      %dma_wait3A_882 = arith.constant 0 : i32
      %dma_wait3A_883 = arith.constant 0 : i32
      %dma_wait3A_884 = tpu.memref_slice %arg6[%dma_wait3A_882, %dma_wait3A_883] : memref<320000x128xf32, #tpu.memory_space<hbm>> -> memref<80x128xf32, #tpu.memory_space<hbm>>
      %dma_wait3A_885 = arith.constant 0 : i32
      %dma_wait3A_886 = arith.constant 0 : i32
      %dma_wait3A_887 = tpu.memref_slice %arg10[%dma_wait3A_874, %dma_wait3A_885, %dma_wait3A_886] : memref<4x80x128xf32, #tpu.memory_space<vmem>> -> memref<1x80x128xf32, #tpu.memory_space<vmem>>
      %dma_wait3A_888 = tpu.memref_squeeze %dma_wait3A_887 : memref<1x80x128xf32, #tpu.memory_space<vmem>> -> memref<80x128xf32, #tpu.memory_space<vmem>>
      tpu.wait_dma2 semaphore(%arg23 : memref<!tpu.dma_semaphore, #tpu.memory_space<semaphore_mem>>) src(%dma_wait3A_888 : memref<80x128xf32, #tpu.memory_space<vmem>>) dst(%dma_wait3A_884 : memref<80x128xf32, #tpu.memory_space<hbm>>)
      %dma_wait3A_889 = arith.constant 3 : i32
      %dma_wait3A_890 = arith.constant 0 : i32
      %dma_wait3A_891 = arith.constant 0 : i32
      %dma_wait3A_892 = tpu.memref_slice %arg11[%dma_wait3A_889, %dma_wait3A_890, %dma_wait3A_891] : memref<4x80x128xf32, #tpu.memory_space<vmem>> -> memref<1x80x128xf32, #tpu.memory_space<vmem>>
      %dma_wait3A_893 = tpu.memref_squeeze %dma_wait3A_892 : memref<1x80x128xf32, #tpu.memory_space<vmem>> -> memref<80x128xf32, #tpu.memory_space<vmem>>
      %dma_wait3A_894 = arith.constant 0 : i32
      %dma_wait3A_895 = arith.constant 0 : i32
      %dma_wait3A_896 = tpu.memref_slice %arg7[%dma_wait3A_894, %dma_wait3A_895] : memref<320000x128xf32, #tpu.memory_space<hbm>> -> memref<80x128xf32, #tpu.memory_space<hbm>>
      %dma_wait3A_897 = arith.constant 0 : i32
      %dma_wait3A_898 = arith.constant 0 : i32
      %dma_wait3A_899 = tpu.memref_slice %arg7[%dma_wait3A_897, %dma_wait3A_898] : memref<320000x128xf32, #tpu.memory_space<hbm>> -> memref<80x128xf32, #tpu.memory_space<hbm>>
      %dma_wait3A_900 = arith.constant 0 : i32
      %dma_wait3A_901 = arith.constant 0 : i32
      %dma_wait3A_902 = tpu.memref_slice %arg11[%dma_wait3A_889, %dma_wait3A_900, %dma_wait3A_901] : memref<4x80x128xf32, #tpu.memory_space<vmem>> -> memref<1x80x128xf32, #tpu.memory_space<vmem>>
      %dma_wait3A_903 = tpu.memref_squeeze %dma_wait3A_902 : memref<1x80x128xf32, #tpu.memory_space<vmem>> -> memref<80x128xf32, #tpu.memory_space<vmem>>
      tpu.wait_dma2 semaphore(%arg23 : memref<!tpu.dma_semaphore, #tpu.memory_space<semaphore_mem>>) src(%dma_wait3A_903 : memref<80x128xf32, #tpu.memory_space<vmem>>) dst(%dma_wait3A_899 : memref<80x128xf32, #tpu.memory_space<hbm>>)
      %mul3A_904 = arith.constant 80 : i32
      %mul3A_905 = arith.muli %add3A_873, %mul3A_904 : i32
      %dma_start3A_906 = arith.constant 3 : i32
      %dma_start3A_907 = arith.constant 0 : i32
      %dma_start3A_908 = arith.constant 0 : i32
      %dma_start3A_909 = tpu.memref_slice %arg10[%dma_start3A_906, %dma_start3A_907, %dma_start3A_908] : memref<4x80x128xf32, #tpu.memory_space<vmem>> -> memref<1x80x128xf32, #tpu.memory_space<vmem>>
      %dma_start3A_910 = tpu.memref_squeeze %dma_start3A_909 : memref<1x80x128xf32, #tpu.memory_space<vmem>> -> memref<80x128xf32, #tpu.memory_space<vmem>>
      %dma_start3A_911 = tpu.memref_slice %arg8[%mul3A_905] : memref<10000xi32, #tpu.memory_space<vmem>> -> memref<80xi32, #tpu.memory_space<vmem>>
      %dma_start3A_912 = arith.constant 0 : i32
      %dma_start3A_913 = arith.constant 0 : i32
      %dma_start3A_914 = tpu.memref_slice %arg2[%dma_start3A_912, %dma_start3A_913] : memref<10000x128xf32, #tpu.memory_space<hbm>> -> memref<10000x128xf32, #tpu.memory_space<hbm>>
      tpu.enqueue_indirect_dma source(%dma_start3A_914 : memref<10000x128xf32, #tpu.memory_space<hbm>>) target(%dma_start3A_910 : memref<80x128xf32, #tpu.memory_space<vmem>>) offsets(%dma_start3A_911 : memref<80xi32, #tpu.memory_space<vmem>>) semaphore(%arg15 : memref<!tpu.dma_semaphore, #tpu.memory_space<semaphore_mem>>)
      %dma_start3A_915 = arith.constant 3 : i32
      %dma_start3A_916 = arith.constant 0 : i32
      %dma_start3A_917 = arith.constant 0 : i32
      %dma_start3A_918 = tpu.memref_slice %arg11[%dma_start3A_915, %dma_start3A_916, %dma_start3A_917] : memref<4x80x128xf32, #tpu.memory_space<vmem>> -> memref<1x80x128xf32, #tpu.memory_space<vmem>>
      %dma_start3A_919 = tpu.memref_squeeze %dma_start3A_918 : memref<1x80x128xf32, #tpu.memory_space<vmem>> -> memref<80x128xf32, #tpu.memory_space<vmem>>
      %dma_start3A_920 = tpu.memref_slice %arg9[%mul3A_905] : memref<10000xi32, #tpu.memory_space<vmem>> -> memref<80xi32, #tpu.memory_space<vmem>>
      %dma_start3A_921 = arith.constant 0 : i32
      %dma_start3A_922 = arith.constant 0 : i32
      %dma_start3A_923 = tpu.memref_slice %arg3[%dma_start3A_921, %dma_start3A_922] : memref<10000x128xf32, #tpu.memory_space<hbm>> -> memref<10000x128xf32, #tpu.memory_space<hbm>>
      tpu.enqueue_indirect_dma source(%dma_start3A_923 : memref<10000x128xf32, #tpu.memory_space<hbm>>) target(%dma_start3A_919 : memref<80x128xf32, #tpu.memory_space<vmem>>) offsets(%dma_start3A_920 : memref<80xi32, #tpu.memory_space<vmem>>) semaphore(%arg19 : memref<!tpu.dma_semaphore, #tpu.memory_space<semaphore_mem>>)
    }
    %scan3A_89 = arith.constant 30 : i32
    %add3A_90 = arith.constant 9600 : i32
    %add3A_91 = arith.addi %mul3A_2, %add3A_90 : i32
    %dma_wait3A = arith.constant 0 : i32
    %dma_wait3A_92 = arith.constant 0 : i32
    %dma_wait3A_93 = arith.constant 0 : i32
    %dma_wait3A_94 = tpu.memref_slice %arg10[%dma_wait3A, %dma_wait3A_92, %dma_wait3A_93] : memref<4x80x128xf32, #tpu.memory_space<vmem>> -> memref<1x80x128xf32, #tpu.memory_space<vmem>>
    %dma_wait3A_95 = tpu.memref_squeeze %dma_wait3A_94 : memref<1x80x128xf32, #tpu.memory_space<vmem>> -> memref<80x128xf32, #tpu.memory_space<vmem>>
    %dma_wait3A_96 = arith.constant 0 : i32
    %dma_wait3A_97 = tpu.memref_slice %arg8[%dma_wait3A_96] : memref<10000xi32, #tpu.memory_space<vmem>> -> memref<80xi32, #tpu.memory_space<vmem>>
    %dma_wait3A_98 = arith.constant 0 : i32
    %dma_wait3A_99 = arith.constant 0 : i32
    %dma_wait3A_100 = tpu.memref_slice %arg2[%dma_wait3A_98, %dma_wait3A_99] : memref<10000x128xf32, #tpu.memory_space<hbm>> -> memref<10000x128xf32, #tpu.memory_space<hbm>>
    tpu.wait_indirect_dma semaphore(%arg12 : memref<!tpu.dma_semaphore, #tpu.memory_space<semaphore_mem>>) src(%dma_wait3A_100 : memref<10000x128xf32, #tpu.memory_space<hbm>>) dst(%dma_wait3A_95 : memref<80x128xf32, #tpu.memory_space<vmem>>)
    %dma_wait3A_101 = arith.constant 0 : i32
    %dma_wait3A_102 = arith.constant 0 : i32
    %dma_wait3A_103 = arith.constant 0 : i32
    %dma_wait3A_104 = tpu.memref_slice %arg11[%dma_wait3A_101, %dma_wait3A_102, %dma_wait3A_103] : memref<4x80x128xf32, #tpu.memory_space<vmem>> -> memref<1x80x128xf32, #tpu.memory_space<vmem>>
    %dma_wait3A_105 = tpu.memref_squeeze %dma_wait3A_104 : memref<1x80x128xf32, #tpu.memory_space<vmem>> -> memref<80x128xf32, #tpu.memory_space<vmem>>
    %dma_wait3A_106 = arith.constant 0 : i32
    %dma_wait3A_107 = tpu.memref_slice %arg9[%dma_wait3A_106] : memref<10000xi32, #tpu.memory_space<vmem>> -> memref<80xi32, #tpu.memory_space<vmem>>
    %dma_wait3A_108 = arith.constant 0 : i32
    %dma_wait3A_109 = arith.constant 0 : i32
    %dma_wait3A_110 = tpu.memref_slice %arg3[%dma_wait3A_108, %dma_wait3A_109] : memref<10000x128xf32, #tpu.memory_space<hbm>> -> memref<10000x128xf32, #tpu.memory_space<hbm>>
    tpu.wait_indirect_dma semaphore(%arg16 : memref<!tpu.dma_semaphore, #tpu.memory_space<semaphore_mem>>) src(%dma_wait3A_110 : memref<10000x128xf32, #tpu.memory_space<hbm>>) dst(%dma_wait3A_105 : memref<80x128xf32, #tpu.memory_space<vmem>>)
    %dma_start3A_111 = arith.constant 0 : i32
    %dma_start3A_112 = arith.constant 0 : i32
    %dma_start3A_113 = arith.constant 0 : i32
    %dma_start3A_114 = tpu.memref_slice %arg10[%dma_start3A_111, %dma_start3A_112, %dma_start3A_113] : memref<4x80x128xf32, #tpu.memory_space<vmem>> -> memref<1x80x128xf32, #tpu.memory_space<vmem>>
    %dma_start3A_115 = tpu.memref_squeeze %dma_start3A_114 : memref<1x80x128xf32, #tpu.memory_space<vmem>> -> memref<80x128xf32, #tpu.memory_space<vmem>>
    %dma_start3A_116 = arith.constant 0 : i32
    %dma_start3A_117 = tpu.memref_slice %arg6[%add3A_91, %dma_start3A_116] : memref<320000x128xf32, #tpu.memory_space<hbm>> -> memref<80x128xf32, #tpu.memory_space<hbm>>
    %dma_start3A_118 = arith.constant 0 : i32
    %dma_start3A_119 = tpu.memref_slice %arg6[%add3A_91, %dma_start3A_118] : memref<320000x128xf32, #tpu.memory_space<hbm>> -> memref<80x128xf32, #tpu.memory_space<hbm>>
    %dma_start3A_120 = arith.constant 0 : i32
    %dma_start3A_121 = arith.constant 0 : i32
    %dma_start3A_122 = tpu.memref_slice %arg10[%dma_start3A_111, %dma_start3A_120, %dma_start3A_121] : memref<4x80x128xf32, #tpu.memory_space<vmem>> -> memref<1x80x128xf32, #tpu.memory_space<vmem>>
    %dma_start3A_123 = tpu.memref_squeeze %dma_start3A_122 : memref<1x80x128xf32, #tpu.memory_space<vmem>> -> memref<80x128xf32, #tpu.memory_space<vmem>>
    tpu.enqueue_dma source(%dma_start3A_123 : memref<80x128xf32, #tpu.memory_space<vmem>>) target(%dma_start3A_119 : memref<80x128xf32, #tpu.memory_space<hbm>>) target_semaphore(%arg20 : memref<!tpu.dma_semaphore, #tpu.memory_space<semaphore_mem>>)
    %dma_start3A_124 = arith.constant 0 : i32
    %dma_start3A_125 = arith.constant 0 : i32
    %dma_start3A_126 = arith.constant 0 : i32
    %dma_start3A_127 = tpu.memref_slice %arg11[%dma_start3A_124, %dma_start3A_125, %dma_start3A_126] : memref<4x80x128xf32, #tpu.memory_space<vmem>> -> memref<1x80x128xf32, #tpu.memory_space<vmem>>
    %dma_start3A_128 = tpu.memref_squeeze %dma_start3A_127 : memref<1x80x128xf32, #tpu.memory_space<vmem>> -> memref<80x128xf32, #tpu.memory_space<vmem>>
    %dma_start3A_129 = arith.constant 0 : i32
    %dma_start3A_130 = tpu.memref_slice %arg7[%add3A_91, %dma_start3A_129] : memref<320000x128xf32, #tpu.memory_space<hbm>> -> memref<80x128xf32, #tpu.memory_space<hbm>>
    %dma_start3A_131 = arith.constant 0 : i32
    %dma_start3A_132 = tpu.memref_slice %arg7[%add3A_91, %dma_start3A_131] : memref<320000x128xf32, #tpu.memory_space<hbm>> -> memref<80x128xf32, #tpu.memory_space<hbm>>
    %dma_start3A_133 = arith.constant 0 : i32
    %dma_start3A_134 = arith.constant 0 : i32
    %dma_start3A_135 = tpu.memref_slice %arg11[%dma_start3A_124, %dma_start3A_133, %dma_start3A_134] : memref<4x80x128xf32, #tpu.memory_space<vmem>> -> memref<1x80x128xf32, #tpu.memory_space<vmem>>
    %dma_start3A_136 = tpu.memref_squeeze %dma_start3A_135 : memref<1x80x128xf32, #tpu.memory_space<vmem>> -> memref<80x128xf32, #tpu.memory_space<vmem>>
    tpu.enqueue_dma source(%dma_start3A_136 : memref<80x128xf32, #tpu.memory_space<vmem>>) target(%dma_start3A_132 : memref<80x128xf32, #tpu.memory_space<hbm>>) target_semaphore(%arg20 : memref<!tpu.dma_semaphore, #tpu.memory_space<semaphore_mem>>)
    %dma_wait3A_137 = arith.constant 0 : i32
    %dma_wait3A_138 = arith.constant 0 : i32
    %dma_wait3A_139 = arith.constant 0 : i32
    %dma_wait3A_140 = tpu.memref_slice %arg10[%dma_wait3A_137, %dma_wait3A_138, %dma_wait3A_139] : memref<4x80x128xf32, #tpu.memory_space<vmem>> -> memref<1x80x128xf32, #tpu.memory_space<vmem>>
    %dma_wait3A_141 = tpu.memref_squeeze %dma_wait3A_140 : memref<1x80x128xf32, #tpu.memory_space<vmem>> -> memref<80x128xf32, #tpu.memory_space<vmem>>
    %dma_wait3A_142 = arith.constant 0 : i32
    %dma_wait3A_143 = arith.constant 0 : i32
    %dma_wait3A_144 = tpu.memref_slice %arg6[%dma_wait3A_142, %dma_wait3A_143] : memref<320000x128xf32, #tpu.memory_space<hbm>> -> memref<80x128xf32, #tpu.memory_space<hbm>>
    %dma_wait3A_145 = arith.constant 0 : i32
    %dma_wait3A_146 = arith.constant 0 : i32
    %dma_wait3A_147 = tpu.memref_slice %arg6[%dma_wait3A_145, %dma_wait3A_146] : memref<320000x128xf32, #tpu.memory_space<hbm>> -> memref<80x128xf32, #tpu.memory_space<hbm>>
    %dma_wait3A_148 = arith.constant 0 : i32
    %dma_wait3A_149 = arith.constant 0 : i32
    %dma_wait3A_150 = tpu.memref_slice %arg10[%dma_wait3A_137, %dma_wait3A_148, %dma_wait3A_149] : memref<4x80x128xf32, #tpu.memory_space<vmem>> -> memref<1x80x128xf32, #tpu.memory_space<vmem>>
    %dma_wait3A_151 = tpu.memref_squeeze %dma_wait3A_150 : memref<1x80x128xf32, #tpu.memory_space<vmem>> -> memref<80x128xf32, #tpu.memory_space<vmem>>
    tpu.wait_dma2 semaphore(%arg20 : memref<!tpu.dma_semaphore, #tpu.memory_space<semaphore_mem>>) src(%dma_wait3A_151 : memref<80x128xf32, #tpu.memory_space<vmem>>) dst(%dma_wait3A_147 : memref<80x128xf32, #tpu.memory_space<hbm>>)
    %dma_wait3A_152 = arith.constant 0 : i32
    %dma_wait3A_153 = arith.constant 0 : i32
    %dma_wait3A_154 = arith.constant 0 : i32
    %dma_wait3A_155 = tpu.memref_slice %arg11[%dma_wait3A_152, %dma_wait3A_153, %dma_wait3A_154] : memref<4x80x128xf32, #tpu.memory_space<vmem>> -> memref<1x80x128xf32, #tpu.memory_space<vmem>>
    %dma_wait3A_156 = tpu.memref_squeeze %dma_wait3A_155 : memref<1x80x128xf32, #tpu.memory_space<vmem>> -> memref<80x128xf32, #tpu.memory_space<vmem>>
    %dma_wait3A_157 = arith.constant 0 : i32
    %dma_wait3A_158 = arith.constant 0 : i32
    %dma_wait3A_159 = tpu.memref_slice %arg7[%dma_wait3A_157, %dma_wait3A_158] : memref<320000x128xf32, #tpu.memory_space<hbm>> -> memref<80x128xf32, #tpu.memory_space<hbm>>
    %dma_wait3A_160 = arith.constant 0 : i32
    %dma_wait3A_161 = arith.constant 0 : i32
    %dma_wait3A_162 = tpu.memref_slice %arg7[%dma_wait3A_160, %dma_wait3A_161] : memref<320000x128xf32, #tpu.memory_space<hbm>> -> memref<80x128xf32, #tpu.memory_space<hbm>>
    %dma_wait3A_163 = arith.constant 0 : i32
    %dma_wait3A_164 = arith.constant 0 : i32
    %dma_wait3A_165 = tpu.memref_slice %arg11[%dma_wait3A_152, %dma_wait3A_163, %dma_wait3A_164] : memref<4x80x128xf32, #tpu.memory_space<vmem>> -> memref<1x80x128xf32, #tpu.memory_space<vmem>>
    %dma_wait3A_166 = tpu.memref_squeeze %dma_wait3A_165 : memref<1x80x128xf32, #tpu.memory_space<vmem>> -> memref<80x128xf32, #tpu.memory_space<vmem>>
    tpu.wait_dma2 semaphore(%arg20 : memref<!tpu.dma_semaphore, #tpu.memory_space<semaphore_mem>>) src(%dma_wait3A_166 : memref<80x128xf32, #tpu.memory_space<vmem>>) dst(%dma_wait3A_162 : memref<80x128xf32, #tpu.memory_space<hbm>>)
    %dma_start3A_167 = arith.constant 0 : i32
    %dma_start3A_168 = arith.constant 0 : i32
    %dma_start3A_169 = arith.constant 0 : i32
    %dma_start3A_170 = tpu.memref_slice %arg10[%dma_start3A_167, %dma_start3A_168, %dma_start3A_169] : memref<4x80x128xf32, #tpu.memory_space<vmem>> -> memref<1x80x128xf32, #tpu.memory_space<vmem>>
    %dma_start3A_171 = tpu.memref_squeeze %dma_start3A_170 : memref<1x80x128xf32, #tpu.memory_space<vmem>> -> memref<80x128xf32, #tpu.memory_space<vmem>>
    %dma_start3A_172 = arith.constant 9920 : i32
    %dma_start3A_173 = tpu.memref_slice %arg8[%dma_start3A_172] : memref<10000xi32, #tpu.memory_space<vmem>> -> memref<80xi32, #tpu.memory_space<vmem>>
    %dma_start3A_174 = arith.constant 0 : i32
    %dma_start3A_175 = arith.constant 0 : i32
    %dma_start3A_176 = tpu.memref_slice %arg2[%dma_start3A_174, %dma_start3A_175] : memref<10000x128xf32, #tpu.memory_space<hbm>> -> memref<10000x128xf32, #tpu.memory_space<hbm>>
    tpu.enqueue_indirect_dma source(%dma_start3A_176 : memref<10000x128xf32, #tpu.memory_space<hbm>>) target(%dma_start3A_171 : memref<80x128xf32, #tpu.memory_space<vmem>>) offsets(%dma_start3A_173 : memref<80xi32, #tpu.memory_space<vmem>>) semaphore(%arg12 : memref<!tpu.dma_semaphore, #tpu.memory_space<semaphore_mem>>)
    %dma_start3A_177 = arith.constant 0 : i32
    %dma_start3A_178 = arith.constant 0 : i32
    %dma_start3A_179 = arith.constant 0 : i32
    %dma_start3A_180 = tpu.memref_slice %arg11[%dma_start3A_177, %dma_start3A_178, %dma_start3A_179] : memref<4x80x128xf32, #tpu.memory_space<vmem>> -> memref<1x80x128xf32, #tpu.memory_space<vmem>>
    %dma_start3A_181 = tpu.memref_squeeze %dma_start3A_180 : memref<1x80x128xf32, #tpu.memory_space<vmem>> -> memref<80x128xf32, #tpu.memory_space<vmem>>
    %dma_start3A_182 = arith.constant 9920 : i32
    %dma_start3A_183 = tpu.memref_slice %arg9[%dma_start3A_182] : memref<10000xi32, #tpu.memory_space<vmem>> -> memref<80xi32, #tpu.memory_space<vmem>>
    %dma_start3A_184 = arith.constant 0 : i32
    %dma_start3A_185 = arith.constant 0 : i32
    %dma_start3A_186 = tpu.memref_slice %arg3[%dma_start3A_184, %dma_start3A_185] : memref<10000x128xf32, #tpu.memory_space<hbm>> -> memref<10000x128xf32, #tpu.memory_space<hbm>>
    tpu.enqueue_indirect_dma source(%dma_start3A_186 : memref<10000x128xf32, #tpu.memory_space<hbm>>) target(%dma_start3A_181 : memref<80x128xf32, #tpu.memory_space<vmem>>) offsets(%dma_start3A_183 : memref<80xi32, #tpu.memory_space<vmem>>) semaphore(%arg16 : memref<!tpu.dma_semaphore, #tpu.memory_space<semaphore_mem>>)
    %add3A_187 = arith.constant 9680 : i32
    %add3A_188 = arith.addi %mul3A_2, %add3A_187 : i32
    %dma_wait3A_189 = arith.constant 1 : i32
    %dma_wait3A_190 = arith.constant 0 : i32
    %dma_wait3A_191 = arith.constant 0 : i32
    %dma_wait3A_192 = tpu.memref_slice %arg10[%dma_wait3A_189, %dma_wait3A_190, %dma_wait3A_191] : memref<4x80x128xf32, #tpu.memory_space<vmem>> -> memref<1x80x128xf32, #tpu.memory_space<vmem>>
    %dma_wait3A_193 = tpu.memref_squeeze %dma_wait3A_192 : memref<1x80x128xf32, #tpu.memory_space<vmem>> -> memref<80x128xf32, #tpu.memory_space<vmem>>
    %dma_wait3A_194 = arith.constant 0 : i32
    %dma_wait3A_195 = tpu.memref_slice %arg8[%dma_wait3A_194] : memref<10000xi32, #tpu.memory_space<vmem>> -> memref<80xi32, #tpu.memory_space<vmem>>
    %dma_wait3A_196 = arith.constant 0 : i32
    %dma_wait3A_197 = arith.constant 0 : i32
    %dma_wait3A_198 = tpu.memref_slice %arg2[%dma_wait3A_196, %dma_wait3A_197] : memref<10000x128xf32, #tpu.memory_space<hbm>> -> memref<10000x128xf32, #tpu.memory_space<hbm>>
    tpu.wait_indirect_dma semaphore(%arg13 : memref<!tpu.dma_semaphore, #tpu.memory_space<semaphore_mem>>) src(%dma_wait3A_198 : memref<10000x128xf32, #tpu.memory_space<hbm>>) dst(%dma_wait3A_193 : memref<80x128xf32, #tpu.memory_space<vmem>>)
    %dma_wait3A_199 = arith.constant 1 : i32
    %dma_wait3A_200 = arith.constant 0 : i32
    %dma_wait3A_201 = arith.constant 0 : i32
    %dma_wait3A_202 = tpu.memref_slice %arg11[%dma_wait3A_199, %dma_wait3A_200, %dma_wait3A_201] : memref<4x80x128xf32, #tpu.memory_space<vmem>> -> memref<1x80x128xf32, #tpu.memory_space<vmem>>
    %dma_wait3A_203 = tpu.memref_squeeze %dma_wait3A_202 : memref<1x80x128xf32, #tpu.memory_space<vmem>> -> memref<80x128xf32, #tpu.memory_space<vmem>>
    %dma_wait3A_204 = arith.constant 0 : i32
    %dma_wait3A_205 = tpu.memref_slice %arg9[%dma_wait3A_204] : memref<10000xi32, #tpu.memory_space<vmem>> -> memref<80xi32, #tpu.memory_space<vmem>>
    %dma_wait3A_206 = arith.constant 0 : i32
    %dma_wait3A_207 = arith.constant 0 : i32
    %dma_wait3A_208 = tpu.memref_slice %arg3[%dma_wait3A_206, %dma_wait3A_207] : memref<10000x128xf32, #tpu.memory_space<hbm>> -> memref<10000x128xf32, #tpu.memory_space<hbm>>
    tpu.wait_indirect_dma semaphore(%arg17 : memref<!tpu.dma_semaphore, #tpu.memory_space<semaphore_mem>>) src(%dma_wait3A_208 : memref<10000x128xf32, #tpu.memory_space<hbm>>) dst(%dma_wait3A_203 : memref<80x128xf32, #tpu.memory_space<vmem>>)
    %dma_start3A_209 = arith.constant 1 : i32
    %dma_start3A_210 = arith.constant 0 : i32
    %dma_start3A_211 = arith.constant 0 : i32
    %dma_start3A_212 = tpu.memref_slice %arg10[%dma_start3A_209, %dma_start3A_210, %dma_start3A_211] : memref<4x80x128xf32, #tpu.memory_space<vmem>> -> memref<1x80x128xf32, #tpu.memory_space<vmem>>
    %dma_start3A_213 = tpu.memref_squeeze %dma_start3A_212 : memref<1x80x128xf32, #tpu.memory_space<vmem>> -> memref<80x128xf32, #tpu.memory_space<vmem>>
    %dma_start3A_214 = arith.constant 0 : i32
    %dma_start3A_215 = tpu.memref_slice %arg6[%add3A_188, %dma_start3A_214] : memref<320000x128xf32, #tpu.memory_space<hbm>> -> memref<80x128xf32, #tpu.memory_space<hbm>>
    %dma_start3A_216 = arith.constant 0 : i32
    %dma_start3A_217 = tpu.memref_slice %arg6[%add3A_188, %dma_start3A_216] : memref<320000x128xf32, #tpu.memory_space<hbm>> -> memref<80x128xf32, #tpu.memory_space<hbm>>
    %dma_start3A_218 = arith.constant 0 : i32
    %dma_start3A_219 = arith.constant 0 : i32
    %dma_start3A_220 = tpu.memref_slice %arg10[%dma_start3A_209, %dma_start3A_218, %dma_start3A_219] : memref<4x80x128xf32, #tpu.memory_space<vmem>> -> memref<1x80x128xf32, #tpu.memory_space<vmem>>
    %dma_start3A_221 = tpu.memref_squeeze %dma_start3A_220 : memref<1x80x128xf32, #tpu.memory_space<vmem>> -> memref<80x128xf32, #tpu.memory_space<vmem>>
    tpu.enqueue_dma source(%dma_start3A_221 : memref<80x128xf32, #tpu.memory_space<vmem>>) target(%dma_start3A_217 : memref<80x128xf32, #tpu.memory_space<hbm>>) target_semaphore(%arg21 : memref<!tpu.dma_semaphore, #tpu.memory_space<semaphore_mem>>)
    %dma_start3A_222 = arith.constant 1 : i32
    %dma_start3A_223 = arith.constant 0 : i32
    %dma_start3A_224 = arith.constant 0 : i32
    %dma_start3A_225 = tpu.memref_slice %arg11[%dma_start3A_222, %dma_start3A_223, %dma_start3A_224] : memref<4x80x128xf32, #tpu.memory_space<vmem>> -> memref<1x80x128xf32, #tpu.memory_space<vmem>>
    %dma_start3A_226 = tpu.memref_squeeze %dma_start3A_225 : memref<1x80x128xf32, #tpu.memory_space<vmem>> -> memref<80x128xf32, #tpu.memory_space<vmem>>
    %dma_start3A_227 = arith.constant 0 : i32
    %dma_start3A_228 = tpu.memref_slice %arg7[%add3A_188, %dma_start3A_227] : memref<320000x128xf32, #tpu.memory_space<hbm>> -> memref<80x128xf32, #tpu.memory_space<hbm>>
    %dma_start3A_229 = arith.constant 0 : i32
    %dma_start3A_230 = tpu.memref_slice %arg7[%add3A_188, %dma_start3A_229] : memref<320000x128xf32, #tpu.memory_space<hbm>> -> memref<80x128xf32, #tpu.memory_space<hbm>>
    %dma_start3A_231 = arith.constant 0 : i32
    %dma_start3A_232 = arith.constant 0 : i32
    %dma_start3A_233 = tpu.memref_slice %arg11[%dma_start3A_222, %dma_start3A_231, %dma_start3A_232] : memref<4x80x128xf32, #tpu.memory_space<vmem>> -> memref<1x80x128xf32, #tpu.memory_space<vmem>>
    %dma_start3A_234 = tpu.memref_squeeze %dma_start3A_233 : memref<1x80x128xf32, #tpu.memory_space<vmem>> -> memref<80x128xf32, #tpu.memory_space<vmem>>
    tpu.enqueue_dma source(%dma_start3A_234 : memref<80x128xf32, #tpu.memory_space<vmem>>) target(%dma_start3A_230 : memref<80x128xf32, #tpu.memory_space<hbm>>) target_semaphore(%arg21 : memref<!tpu.dma_semaphore, #tpu.memory_space<semaphore_mem>>)
    %add3A_235 = arith.constant 9760 : i32
    %add3A_236 = arith.addi %mul3A_2, %add3A_235 : i32
    %dma_wait3A_237 = arith.constant 2 : i32
    %dma_wait3A_238 = arith.constant 0 : i32
    %dma_wait3A_239 = arith.constant 0 : i32
    %dma_wait3A_240 = tpu.memref_slice %arg10[%dma_wait3A_237, %dma_wait3A_238, %dma_wait3A_239] : memref<4x80x128xf32, #tpu.memory_space<vmem>> -> memref<1x80x128xf32, #tpu.memory_space<vmem>>
    %dma_wait3A_241 = tpu.memref_squeeze %dma_wait3A_240 : memref<1x80x128xf32, #tpu.memory_space<vmem>> -> memref<80x128xf32, #tpu.memory_space<vmem>>
    %dma_wait3A_242 = arith.constant 0 : i32
    %dma_wait3A_243 = tpu.memref_slice %arg8[%dma_wait3A_242] : memref<10000xi32, #tpu.memory_space<vmem>> -> memref<80xi32, #tpu.memory_space<vmem>>
    %dma_wait3A_244 = arith.constant 0 : i32
    %dma_wait3A_245 = arith.constant 0 : i32
    %dma_wait3A_246 = tpu.memref_slice %arg2[%dma_wait3A_244, %dma_wait3A_245] : memref<10000x128xf32, #tpu.memory_space<hbm>> -> memref<10000x128xf32, #tpu.memory_space<hbm>>
    tpu.wait_indirect_dma semaphore(%arg14 : memref<!tpu.dma_semaphore, #tpu.memory_space<semaphore_mem>>) src(%dma_wait3A_246 : memref<10000x128xf32, #tpu.memory_space<hbm>>) dst(%dma_wait3A_241 : memref<80x128xf32, #tpu.memory_space<vmem>>)
    %dma_wait3A_247 = arith.constant 2 : i32
    %dma_wait3A_248 = arith.constant 0 : i32
    %dma_wait3A_249 = arith.constant 0 : i32
    %dma_wait3A_250 = tpu.memref_slice %arg11[%dma_wait3A_247, %dma_wait3A_248, %dma_wait3A_249] : memref<4x80x128xf32, #tpu.memory_space<vmem>> -> memref<1x80x128xf32, #tpu.memory_space<vmem>>
    %dma_wait3A_251 = tpu.memref_squeeze %dma_wait3A_250 : memref<1x80x128xf32, #tpu.memory_space<vmem>> -> memref<80x128xf32, #tpu.memory_space<vmem>>
    %dma_wait3A_252 = arith.constant 0 : i32
    %dma_wait3A_253 = tpu.memref_slice %arg9[%dma_wait3A_252] : memref<10000xi32, #tpu.memory_space<vmem>> -> memref<80xi32, #tpu.memory_space<vmem>>
    %dma_wait3A_254 = arith.constant 0 : i32
    %dma_wait3A_255 = arith.constant 0 : i32
    %dma_wait3A_256 = tpu.memref_slice %arg3[%dma_wait3A_254, %dma_wait3A_255] : memref<10000x128xf32, #tpu.memory_space<hbm>> -> memref<10000x128xf32, #tpu.memory_space<hbm>>
    tpu.wait_indirect_dma semaphore(%arg18 : memref<!tpu.dma_semaphore, #tpu.memory_space<semaphore_mem>>) src(%dma_wait3A_256 : memref<10000x128xf32, #tpu.memory_space<hbm>>) dst(%dma_wait3A_251 : memref<80x128xf32, #tpu.memory_space<vmem>>)
    %dma_start3A_257 = arith.constant 2 : i32
    %dma_start3A_258 = arith.constant 0 : i32
    %dma_start3A_259 = arith.constant 0 : i32
    %dma_start3A_260 = tpu.memref_slice %arg10[%dma_start3A_257, %dma_start3A_258, %dma_start3A_259] : memref<4x80x128xf32, #tpu.memory_space<vmem>> -> memref<1x80x128xf32, #tpu.memory_space<vmem>>
    %dma_start3A_261 = tpu.memref_squeeze %dma_start3A_260 : memref<1x80x128xf32, #tpu.memory_space<vmem>> -> memref<80x128xf32, #tpu.memory_space<vmem>>
    %dma_start3A_262 = arith.constant 0 : i32
    %dma_start3A_263 = tpu.memref_slice %arg6[%add3A_236, %dma_start3A_262] : memref<320000x128xf32, #tpu.memory_space<hbm>> -> memref<80x128xf32, #tpu.memory_space<hbm>>
    %dma_start3A_264 = arith.constant 0 : i32
    %dma_start3A_265 = tpu.memref_slice %arg6[%add3A_236, %dma_start3A_264] : memref<320000x128xf32, #tpu.memory_space<hbm>> -> memref<80x128xf32, #tpu.memory_space<hbm>>
    %dma_start3A_266 = arith.constant 0 : i32
    %dma_start3A_267 = arith.constant 0 : i32
    %dma_start3A_268 = tpu.memref_slice %arg10[%dma_start3A_257, %dma_start3A_266, %dma_start3A_267] : memref<4x80x128xf32, #tpu.memory_space<vmem>> -> memref<1x80x128xf32, #tpu.memory_space<vmem>>
    %dma_start3A_269 = tpu.memref_squeeze %dma_start3A_268 : memref<1x80x128xf32, #tpu.memory_space<vmem>> -> memref<80x128xf32, #tpu.memory_space<vmem>>
    tpu.enqueue_dma source(%dma_start3A_269 : memref<80x128xf32, #tpu.memory_space<vmem>>) target(%dma_start3A_265 : memref<80x128xf32, #tpu.memory_space<hbm>>) target_semaphore(%arg22 : memref<!tpu.dma_semaphore, #tpu.memory_space<semaphore_mem>>)
    %dma_start3A_270 = arith.constant 2 : i32
    %dma_start3A_271 = arith.constant 0 : i32
    %dma_start3A_272 = arith.constant 0 : i32
    %dma_start3A_273 = tpu.memref_slice %arg11[%dma_start3A_270, %dma_start3A_271, %dma_start3A_272] : memref<4x80x128xf32, #tpu.memory_space<vmem>> -> memref<1x80x128xf32, #tpu.memory_space<vmem>>
    %dma_start3A_274 = tpu.memref_squeeze %dma_start3A_273 : memref<1x80x128xf32, #tpu.memory_space<vmem>> -> memref<80x128xf32, #tpu.memory_space<vmem>>
    %dma_start3A_275 = arith.constant 0 : i32
    %dma_start3A_276 = tpu.memref_slice %arg7[%add3A_236, %dma_start3A_275] : memref<320000x128xf32, #tpu.memory_space<hbm>> -> memref<80x128xf32, #tpu.memory_space<hbm>>
    %dma_start3A_277 = arith.constant 0 : i32
    %dma_start3A_278 = tpu.memref_slice %arg7[%add3A_236, %dma_start3A_277] : memref<320000x128xf32, #tpu.memory_space<hbm>> -> memref<80x128xf32, #tpu.memory_space<hbm>>
    %dma_start3A_279 = arith.constant 0 : i32
    %dma_start3A_280 = arith.constant 0 : i32
    %dma_start3A_281 = tpu.memref_slice %arg11[%dma_start3A_270, %dma_start3A_279, %dma_start3A_280] : memref<4x80x128xf32, #tpu.memory_space<vmem>> -> memref<1x80x128xf32, #tpu.memory_space<vmem>>
    %dma_start3A_282 = tpu.memref_squeeze %dma_start3A_281 : memref<1x80x128xf32, #tpu.memory_space<vmem>> -> memref<80x128xf32, #tpu.memory_space<vmem>>
    tpu.enqueue_dma source(%dma_start3A_282 : memref<80x128xf32, #tpu.memory_space<vmem>>) target(%dma_start3A_278 : memref<80x128xf32, #tpu.memory_space<hbm>>) target_semaphore(%arg22 : memref<!tpu.dma_semaphore, #tpu.memory_space<semaphore_mem>>)
    %add3A_283 = arith.constant 9840 : i32
    %add3A_284 = arith.addi %mul3A_2, %add3A_283 : i32
    %dma_wait3A_285 = arith.constant 3 : i32
    %dma_wait3A_286 = arith.constant 0 : i32
    %dma_wait3A_287 = arith.constant 0 : i32
    %dma_wait3A_288 = tpu.memref_slice %arg10[%dma_wait3A_285, %dma_wait3A_286, %dma_wait3A_287] : memref<4x80x128xf32, #tpu.memory_space<vmem>> -> memref<1x80x128xf32, #tpu.memory_space<vmem>>
    %dma_wait3A_289 = tpu.memref_squeeze %dma_wait3A_288 : memref<1x80x128xf32, #tpu.memory_space<vmem>> -> memref<80x128xf32, #tpu.memory_space<vmem>>
    %dma_wait3A_290 = arith.constant 0 : i32
    %dma_wait3A_291 = tpu.memref_slice %arg8[%dma_wait3A_290] : memref<10000xi32, #tpu.memory_space<vmem>> -> memref<80xi32, #tpu.memory_space<vmem>>
    %dma_wait3A_292 = arith.constant 0 : i32
    %dma_wait3A_293 = arith.constant 0 : i32
    %dma_wait3A_294 = tpu.memref_slice %arg2[%dma_wait3A_292, %dma_wait3A_293] : memref<10000x128xf32, #tpu.memory_space<hbm>> -> memref<10000x128xf32, #tpu.memory_space<hbm>>
    tpu.wait_indirect_dma semaphore(%arg15 : memref<!tpu.dma_semaphore, #tpu.memory_space<semaphore_mem>>) src(%dma_wait3A_294 : memref<10000x128xf32, #tpu.memory_space<hbm>>) dst(%dma_wait3A_289 : memref<80x128xf32, #tpu.memory_space<vmem>>)
    %dma_wait3A_295 = arith.constant 3 : i32
    %dma_wait3A_296 = arith.constant 0 : i32
    %dma_wait3A_297 = arith.constant 0 : i32
    %dma_wait3A_298 = tpu.memref_slice %arg11[%dma_wait3A_295, %dma_wait3A_296, %dma_wait3A_297] : memref<4x80x128xf32, #tpu.memory_space<vmem>> -> memref<1x80x128xf32, #tpu.memory_space<vmem>>
    %dma_wait3A_299 = tpu.memref_squeeze %dma_wait3A_298 : memref<1x80x128xf32, #tpu.memory_space<vmem>> -> memref<80x128xf32, #tpu.memory_space<vmem>>
    %dma_wait3A_300 = arith.constant 0 : i32
    %dma_wait3A_301 = tpu.memref_slice %arg9[%dma_wait3A_300] : memref<10000xi32, #tpu.memory_space<vmem>> -> memref<80xi32, #tpu.memory_space<vmem>>
    %dma_wait3A_302 = arith.constant 0 : i32
    %dma_wait3A_303 = arith.constant 0 : i32
    %dma_wait3A_304 = tpu.memref_slice %arg3[%dma_wait3A_302, %dma_wait3A_303] : memref<10000x128xf32, #tpu.memory_space<hbm>> -> memref<10000x128xf32, #tpu.memory_space<hbm>>
    tpu.wait_indirect_dma semaphore(%arg19 : memref<!tpu.dma_semaphore, #tpu.memory_space<semaphore_mem>>) src(%dma_wait3A_304 : memref<10000x128xf32, #tpu.memory_space<hbm>>) dst(%dma_wait3A_299 : memref<80x128xf32, #tpu.memory_space<vmem>>)
    %dma_start3A_305 = arith.constant 3 : i32
    %dma_start3A_306 = arith.constant 0 : i32
    %dma_start3A_307 = arith.constant 0 : i32
    %dma_start3A_308 = tpu.memref_slice %arg10[%dma_start3A_305, %dma_start3A_306, %dma_start3A_307] : memref<4x80x128xf32, #tpu.memory_space<vmem>> -> memref<1x80x128xf32, #tpu.memory_space<vmem>>
    %dma_start3A_309 = tpu.memref_squeeze %dma_start3A_308 : memref<1x80x128xf32, #tpu.memory_space<vmem>> -> memref<80x128xf32, #tpu.memory_space<vmem>>
    %dma_start3A_310 = arith.constant 0 : i32
    %dma_start3A_311 = tpu.memref_slice %arg6[%add3A_284, %dma_start3A_310] : memref<320000x128xf32, #tpu.memory_space<hbm>> -> memref<80x128xf32, #tpu.memory_space<hbm>>
    %dma_start3A_312 = arith.constant 0 : i32
    %dma_start3A_313 = tpu.memref_slice %arg6[%add3A_284, %dma_start3A_312] : memref<320000x128xf32, #tpu.memory_space<hbm>> -> memref<80x128xf32, #tpu.memory_space<hbm>>
    %dma_start3A_314 = arith.constant 0 : i32
    %dma_start3A_315 = arith.constant 0 : i32
    %dma_start3A_316 = tpu.memref_slice %arg10[%dma_start3A_305, %dma_start3A_314, %dma_start3A_315] : memref<4x80x128xf32, #tpu.memory_space<vmem>> -> memref<1x80x128xf32, #tpu.memory_space<vmem>>
    %dma_start3A_317 = tpu.memref_squeeze %dma_start3A_316 : memref<1x80x128xf32, #tpu.memory_space<vmem>> -> memref<80x128xf32, #tpu.memory_space<vmem>>
    tpu.enqueue_dma source(%dma_start3A_317 : memref<80x128xf32, #tpu.memory_space<vmem>>) target(%dma_start3A_313 : memref<80x128xf32, #tpu.memory_space<hbm>>) target_semaphore(%arg23 : memref<!tpu.dma_semaphore, #tpu.memory_space<semaphore_mem>>)
    %dma_start3A_318 = arith.constant 3 : i32
    %dma_start3A_319 = arith.constant 0 : i32
    %dma_start3A_320 = arith.constant 0 : i32
    %dma_start3A_321 = tpu.memref_slice %arg11[%dma_start3A_318, %dma_start3A_319, %dma_start3A_320] : memref<4x80x128xf32, #tpu.memory_space<vmem>> -> memref<1x80x128xf32, #tpu.memory_space<vmem>>
    %dma_start3A_322 = tpu.memref_squeeze %dma_start3A_321 : memref<1x80x128xf32, #tpu.memory_space<vmem>> -> memref<80x128xf32, #tpu.memory_space<vmem>>
    %dma_start3A_323 = arith.constant 0 : i32
    %dma_start3A_324 = tpu.memref_slice %arg7[%add3A_284, %dma_start3A_323] : memref<320000x128xf32, #tpu.memory_space<hbm>> -> memref<80x128xf32, #tpu.memory_space<hbm>>
    %dma_start3A_325 = arith.constant 0 : i32
    %dma_start3A_326 = tpu.memref_slice %arg7[%add3A_284, %dma_start3A_325] : memref<320000x128xf32, #tpu.memory_space<hbm>> -> memref<80x128xf32, #tpu.memory_space<hbm>>
    %dma_start3A_327 = arith.constant 0 : i32
    %dma_start3A_328 = arith.constant 0 : i32
    %dma_start3A_329 = tpu.memref_slice %arg11[%dma_start3A_318, %dma_start3A_327, %dma_start3A_328] : memref<4x80x128xf32, #tpu.memory_space<vmem>> -> memref<1x80x128xf32, #tpu.memory_space<vmem>>
    %dma_start3A_330 = tpu.memref_squeeze %dma_start3A_329 : memref<1x80x128xf32, #tpu.memory_space<vmem>> -> memref<80x128xf32, #tpu.memory_space<vmem>>
    tpu.enqueue_dma source(%dma_start3A_330 : memref<80x128xf32, #tpu.memory_space<vmem>>) target(%dma_start3A_326 : memref<80x128xf32, #tpu.memory_space<hbm>>) target_semaphore(%arg23 : memref<!tpu.dma_semaphore, #tpu.memory_space<semaphore_mem>>)
    %add3A_331 = arith.constant 9920 : i32
    %add3A_332 = arith.addi %mul3A_2, %add3A_331 : i32
    %dma_wait3A_333 = arith.constant 0 : i32
    %dma_wait3A_334 = arith.constant 0 : i32
    %dma_wait3A_335 = arith.constant 0 : i32
    %dma_wait3A_336 = tpu.memref_slice %arg10[%dma_wait3A_333, %dma_wait3A_334, %dma_wait3A_335] : memref<4x80x128xf32, #tpu.memory_space<vmem>> -> memref<1x80x128xf32, #tpu.memory_space<vmem>>
    %dma_wait3A_337 = tpu.memref_squeeze %dma_wait3A_336 : memref<1x80x128xf32, #tpu.memory_space<vmem>> -> memref<80x128xf32, #tpu.memory_space<vmem>>
    %dma_wait3A_338 = arith.constant 0 : i32
    %dma_wait3A_339 = tpu.memref_slice %arg8[%dma_wait3A_338] : memref<10000xi32, #tpu.memory_space<vmem>> -> memref<80xi32, #tpu.memory_space<vmem>>
    %dma_wait3A_340 = arith.constant 0 : i32
    %dma_wait3A_341 = arith.constant 0 : i32
    %dma_wait3A_342 = tpu.memref_slice %arg2[%dma_wait3A_340, %dma_wait3A_341] : memref<10000x128xf32, #tpu.memory_space<hbm>> -> memref<10000x128xf32, #tpu.memory_space<hbm>>
    tpu.wait_indirect_dma semaphore(%arg12 : memref<!tpu.dma_semaphore, #tpu.memory_space<semaphore_mem>>) src(%dma_wait3A_342 : memref<10000x128xf32, #tpu.memory_space<hbm>>) dst(%dma_wait3A_337 : memref<80x128xf32, #tpu.memory_space<vmem>>)
    %dma_wait3A_343 = arith.constant 0 : i32
    %dma_wait3A_344 = arith.constant 0 : i32
    %dma_wait3A_345 = arith.constant 0 : i32
    %dma_wait3A_346 = tpu.memref_slice %arg11[%dma_wait3A_343, %dma_wait3A_344, %dma_wait3A_345] : memref<4x80x128xf32, #tpu.memory_space<vmem>> -> memref<1x80x128xf32, #tpu.memory_space<vmem>>
    %dma_wait3A_347 = tpu.memref_squeeze %dma_wait3A_346 : memref<1x80x128xf32, #tpu.memory_space<vmem>> -> memref<80x128xf32, #tpu.memory_space<vmem>>
    %dma_wait3A_348 = arith.constant 0 : i32
    %dma_wait3A_349 = tpu.memref_slice %arg9[%dma_wait3A_348] : memref<10000xi32, #tpu.memory_space<vmem>> -> memref<80xi32, #tpu.memory_space<vmem>>
    %dma_wait3A_350 = arith.constant 0 : i32
    %dma_wait3A_351 = arith.constant 0 : i32
    %dma_wait3A_352 = tpu.memref_slice %arg3[%dma_wait3A_350, %dma_wait3A_351] : memref<10000x128xf32, #tpu.memory_space<hbm>> -> memref<10000x128xf32, #tpu.memory_space<hbm>>
    tpu.wait_indirect_dma semaphore(%arg16 : memref<!tpu.dma_semaphore, #tpu.memory_space<semaphore_mem>>) src(%dma_wait3A_352 : memref<10000x128xf32, #tpu.memory_space<hbm>>) dst(%dma_wait3A_347 : memref<80x128xf32, #tpu.memory_space<vmem>>)
    %dma_start3A_353 = arith.constant 0 : i32
    %dma_start3A_354 = arith.constant 0 : i32
    %dma_start3A_355 = arith.constant 0 : i32
    %dma_start3A_356 = tpu.memref_slice %arg10[%dma_start3A_353, %dma_start3A_354, %dma_start3A_355] : memref<4x80x128xf32, #tpu.memory_space<vmem>> -> memref<1x80x128xf32, #tpu.memory_space<vmem>>
    %dma_start3A_357 = tpu.memref_squeeze %dma_start3A_356 : memref<1x80x128xf32, #tpu.memory_space<vmem>> -> memref<80x128xf32, #tpu.memory_space<vmem>>
    %dma_start3A_358 = arith.constant 0 : i32
    %dma_start3A_359 = tpu.memref_slice %arg6[%add3A_332, %dma_start3A_358] : memref<320000x128xf32, #tpu.memory_space<hbm>> -> memref<80x128xf32, #tpu.memory_space<hbm>>
    %dma_start3A_360 = arith.constant 0 : i32
    %dma_start3A_361 = tpu.memref_slice %arg6[%add3A_332, %dma_start3A_360] : memref<320000x128xf32, #tpu.memory_space<hbm>> -> memref<80x128xf32, #tpu.memory_space<hbm>>
    %dma_start3A_362 = arith.constant 0 : i32
    %dma_start3A_363 = arith.constant 0 : i32
    %dma_start3A_364 = tpu.memref_slice %arg10[%dma_start3A_353, %dma_start3A_362, %dma_start3A_363] : memref<4x80x128xf32, #tpu.memory_space<vmem>> -> memref<1x80x128xf32, #tpu.memory_space<vmem>>
    %dma_start3A_365 = tpu.memref_squeeze %dma_start3A_364 : memref<1x80x128xf32, #tpu.memory_space<vmem>> -> memref<80x128xf32, #tpu.memory_space<vmem>>
    tpu.enqueue_dma source(%dma_start3A_365 : memref<80x128xf32, #tpu.memory_space<vmem>>) target(%dma_start3A_361 : memref<80x128xf32, #tpu.memory_space<hbm>>) target_semaphore(%arg20 : memref<!tpu.dma_semaphore, #tpu.memory_space<semaphore_mem>>)
    %dma_start3A_366 = arith.constant 0 : i32
    %dma_start3A_367 = arith.constant 0 : i32
    %dma_start3A_368 = arith.constant 0 : i32
    %dma_start3A_369 = tpu.memref_slice %arg11[%dma_start3A_366, %dma_start3A_367, %dma_start3A_368] : memref<4x80x128xf32, #tpu.memory_space<vmem>> -> memref<1x80x128xf32, #tpu.memory_space<vmem>>
    %dma_start3A_370 = tpu.memref_squeeze %dma_start3A_369 : memref<1x80x128xf32, #tpu.memory_space<vmem>> -> memref<80x128xf32, #tpu.memory_space<vmem>>
    %dma_start3A_371 = arith.constant 0 : i32
    %dma_start3A_372 = tpu.memref_slice %arg7[%add3A_332, %dma_start3A_371] : memref<320000x128xf32, #tpu.memory_space<hbm>> -> memref<80x128xf32, #tpu.memory_space<hbm>>
    %dma_start3A_373 = arith.constant 0 : i32
    %dma_start3A_374 = tpu.memref_slice %arg7[%add3A_332, %dma_start3A_373] : memref<320000x128xf32, #tpu.memory_space<hbm>> -> memref<80x128xf32, #tpu.memory_space<hbm>>
    %dma_start3A_375 = arith.constant 0 : i32
    %dma_start3A_376 = arith.constant 0 : i32
    %dma_start3A_377 = tpu.memref_slice %arg11[%dma_start3A_366, %dma_start3A_375, %dma_start3A_376] : memref<4x80x128xf32, #tpu.memory_space<vmem>> -> memref<1x80x128xf32, #tpu.memory_space<vmem>>
    %dma_start3A_378 = tpu.memref_squeeze %dma_start3A_377 : memref<1x80x128xf32, #tpu.memory_space<vmem>> -> memref<80x128xf32, #tpu.memory_space<vmem>>
    tpu.enqueue_dma source(%dma_start3A_378 : memref<80x128xf32, #tpu.memory_space<vmem>>) target(%dma_start3A_374 : memref<80x128xf32, #tpu.memory_space<hbm>>) target_semaphore(%arg20 : memref<!tpu.dma_semaphore, #tpu.memory_space<semaphore_mem>>)
    %dma_wait3A_379 = arith.constant 0 : i32
    %dma_wait3A_380 = arith.constant 0 : i32
    %dma_wait3A_381 = arith.constant 0 : i32
    %dma_wait3A_382 = tpu.memref_slice %arg10[%dma_wait3A_379, %dma_wait3A_380, %dma_wait3A_381] : memref<4x80x128xf32, #tpu.memory_space<vmem>> -> memref<1x80x128xf32, #tpu.memory_space<vmem>>
    %dma_wait3A_383 = tpu.memref_squeeze %dma_wait3A_382 : memref<1x80x128xf32, #tpu.memory_space<vmem>> -> memref<80x128xf32, #tpu.memory_space<vmem>>
    %dma_wait3A_384 = arith.constant 0 : i32
    %dma_wait3A_385 = arith.constant 0 : i32
    %dma_wait3A_386 = tpu.memref_slice %arg6[%dma_wait3A_384, %dma_wait3A_385] : memref<320000x128xf32, #tpu.memory_space<hbm>> -> memref<80x128xf32, #tpu.memory_space<hbm>>
    %dma_wait3A_387 = arith.constant 0 : i32
    %dma_wait3A_388 = arith.constant 0 : i32
    %dma_wait3A_389 = tpu.memref_slice %arg6[%dma_wait3A_387, %dma_wait3A_388] : memref<320000x128xf32, #tpu.memory_space<hbm>> -> memref<80x128xf32, #tpu.memory_space<hbm>>
    %dma_wait3A_390 = arith.constant 0 : i32
    %dma_wait3A_391 = arith.constant 0 : i32
    %dma_wait3A_392 = tpu.memref_slice %arg10[%dma_wait3A_379, %dma_wait3A_390, %dma_wait3A_391] : memref<4x80x128xf32, #tpu.memory_space<vmem>> -> memref<1x80x128xf32, #tpu.memory_space<vmem>>
    %dma_wait3A_393 = tpu.memref_squeeze %dma_wait3A_392 : memref<1x80x128xf32, #tpu.memory_space<vmem>> -> memref<80x128xf32, #tpu.memory_space<vmem>>
    tpu.wait_dma2 semaphore(%arg20 : memref<!tpu.dma_semaphore, #tpu.memory_space<semaphore_mem>>) src(%dma_wait3A_393 : memref<80x128xf32, #tpu.memory_space<vmem>>) dst(%dma_wait3A_389 : memref<80x128xf32, #tpu.memory_space<hbm>>)
    %dma_wait3A_394 = arith.constant 0 : i32
    %dma_wait3A_395 = arith.constant 0 : i32
    %dma_wait3A_396 = arith.constant 0 : i32
    %dma_wait3A_397 = tpu.memref_slice %arg11[%dma_wait3A_394, %dma_wait3A_395, %dma_wait3A_396] : memref<4x80x128xf32, #tpu.memory_space<vmem>> -> memref<1x80x128xf32, #tpu.memory_space<vmem>>
    %dma_wait3A_398 = tpu.memref_squeeze %dma_wait3A_397 : memref<1x80x128xf32, #tpu.memory_space<vmem>> -> memref<80x128xf32, #tpu.memory_space<vmem>>
    %dma_wait3A_399 = arith.constant 0 : i32
    %dma_wait3A_400 = arith.constant 0 : i32
    %dma_wait3A_401 = tpu.memref_slice %arg7[%dma_wait3A_399, %dma_wait3A_400] : memref<320000x128xf32, #tpu.memory_space<hbm>> -> memref<80x128xf32, #tpu.memory_space<hbm>>
    %dma_wait3A_402 = arith.constant 0 : i32
    %dma_wait3A_403 = arith.constant 0 : i32
    %dma_wait3A_404 = tpu.memref_slice %arg7[%dma_wait3A_402, %dma_wait3A_403] : memref<320000x128xf32, #tpu.memory_space<hbm>> -> memref<80x128xf32, #tpu.memory_space<hbm>>
    %dma_wait3A_405 = arith.constant 0 : i32
    %dma_wait3A_406 = arith.constant 0 : i32
    %dma_wait3A_407 = tpu.memref_slice %arg11[%dma_wait3A_394, %dma_wait3A_405, %dma_wait3A_406] : memref<4x80x128xf32, #tpu.memory_space<vmem>> -> memref<1x80x128xf32, #tpu.memory_space<vmem>>
    %dma_wait3A_408 = tpu.memref_squeeze %dma_wait3A_407 : memref<1x80x128xf32, #tpu.memory_space<vmem>> -> memref<80x128xf32, #tpu.memory_space<vmem>>
    tpu.wait_dma2 semaphore(%arg20 : memref<!tpu.dma_semaphore, #tpu.memory_space<semaphore_mem>>) src(%dma_wait3A_408 : memref<80x128xf32, #tpu.memory_space<vmem>>) dst(%dma_wait3A_404 : memref<80x128xf32, #tpu.memory_space<hbm>>)
    %dma_wait3A_409 = arith.constant 1 : i32
    %dma_wait3A_410 = arith.constant 0 : i32
    %dma_wait3A_411 = arith.constant 0 : i32
    %dma_wait3A_412 = tpu.memref_slice %arg10[%dma_wait3A_409, %dma_wait3A_410, %dma_wait3A_411] : memref<4x80x128xf32, #tpu.memory_space<vmem>> -> memref<1x80x128xf32, #tpu.memory_space<vmem>>
    %dma_wait3A_413 = tpu.memref_squeeze %dma_wait3A_412 : memref<1x80x128xf32, #tpu.memory_space<vmem>> -> memref<80x128xf32, #tpu.memory_space<vmem>>
    %dma_wait3A_414 = arith.constant 0 : i32
    %dma_wait3A_415 = arith.constant 0 : i32
    %dma_wait3A_416 = tpu.memref_slice %arg6[%dma_wait3A_414, %dma_wait3A_415] : memref<320000x128xf32, #tpu.memory_space<hbm>> -> memref<80x128xf32, #tpu.memory_space<hbm>>
    %dma_wait3A_417 = arith.constant 0 : i32
    %dma_wait3A_418 = arith.constant 0 : i32
    %dma_wait3A_419 = tpu.memref_slice %arg6[%dma_wait3A_417, %dma_wait3A_418] : memref<320000x128xf32, #tpu.memory_space<hbm>> -> memref<80x128xf32, #tpu.memory_space<hbm>>
    %dma_wait3A_420 = arith.constant 0 : i32
    %dma_wait3A_421 = arith.constant 0 : i32
    %dma_wait3A_422 = tpu.memref_slice %arg10[%dma_wait3A_409, %dma_wait3A_420, %dma_wait3A_421] : memref<4x80x128xf32, #tpu.memory_space<vmem>> -> memref<1x80x128xf32, #tpu.memory_space<vmem>>
    %dma_wait3A_423 = tpu.memref_squeeze %dma_wait3A_422 : memref<1x80x128xf32, #tpu.memory_space<vmem>> -> memref<80x128xf32, #tpu.memory_space<vmem>>
    tpu.wait_dma2 semaphore(%arg21 : memref<!tpu.dma_semaphore, #tpu.memory_space<semaphore_mem>>) src(%dma_wait3A_423 : memref<80x128xf32, #tpu.memory_space<vmem>>) dst(%dma_wait3A_419 : memref<80x128xf32, #tpu.memory_space<hbm>>)
    %dma_wait3A_424 = arith.constant 1 : i32
    %dma_wait3A_425 = arith.constant 0 : i32
    %dma_wait3A_426 = arith.constant 0 : i32
    %dma_wait3A_427 = tpu.memref_slice %arg11[%dma_wait3A_424, %dma_wait3A_425, %dma_wait3A_426] : memref<4x80x128xf32, #tpu.memory_space<vmem>> -> memref<1x80x128xf32, #tpu.memory_space<vmem>>
    %dma_wait3A_428 = tpu.memref_squeeze %dma_wait3A_427 : memref<1x80x128xf32, #tpu.memory_space<vmem>> -> memref<80x128xf32, #tpu.memory_space<vmem>>
    %dma_wait3A_429 = arith.constant 0 : i32
    %dma_wait3A_430 = arith.constant 0 : i32
    %dma_wait3A_431 = tpu.memref_slice %arg7[%dma_wait3A_429, %dma_wait3A_430] : memref<320000x128xf32, #tpu.memory_space<hbm>> -> memref<80x128xf32, #tpu.memory_space<hbm>>
    %dma_wait3A_432 = arith.constant 0 : i32
    %dma_wait3A_433 = arith.constant 0 : i32
    %dma_wait3A_434 = tpu.memref_slice %arg7[%dma_wait3A_432, %dma_wait3A_433] : memref<320000x128xf32, #tpu.memory_space<hbm>> -> memref<80x128xf32, #tpu.memory_space<hbm>>
    %dma_wait3A_435 = arith.constant 0 : i32
    %dma_wait3A_436 = arith.constant 0 : i32
    %dma_wait3A_437 = tpu.memref_slice %arg11[%dma_wait3A_424, %dma_wait3A_435, %dma_wait3A_436] : memref<4x80x128xf32, #tpu.memory_space<vmem>> -> memref<1x80x128xf32, #tpu.memory_space<vmem>>
    %dma_wait3A_438 = tpu.memref_squeeze %dma_wait3A_437 : memref<1x80x128xf32, #tpu.memory_space<vmem>> -> memref<80x128xf32, #tpu.memory_space<vmem>>
    tpu.wait_dma2 semaphore(%arg21 : memref<!tpu.dma_semaphore, #tpu.memory_space<semaphore_mem>>) src(%dma_wait3A_438 : memref<80x128xf32, #tpu.memory_space<vmem>>) dst(%dma_wait3A_434 : memref<80x128xf32, #tpu.memory_space<hbm>>)
    %dma_wait3A_439 = arith.constant 2 : i32
    %dma_wait3A_440 = arith.constant 0 : i32
    %dma_wait3A_441 = arith.constant 0 : i32
    %dma_wait3A_442 = tpu.memref_slice %arg10[%dma_wait3A_439, %dma_wait3A_440, %dma_wait3A_441] : memref<4x80x128xf32, #tpu.memory_space<vmem>> -> memref<1x80x128xf32, #tpu.memory_space<vmem>>
    %dma_wait3A_443 = tpu.memref_squeeze %dma_wait3A_442 : memref<1x80x128xf32, #tpu.memory_space<vmem>> -> memref<80x128xf32, #tpu.memory_space<vmem>>
    %dma_wait3A_444 = arith.constant 0 : i32
    %dma_wait3A_445 = arith.constant 0 : i32
    %dma_wait3A_446 = tpu.memref_slice %arg6[%dma_wait3A_444, %dma_wait3A_445] : memref<320000x128xf32, #tpu.memory_space<hbm>> -> memref<80x128xf32, #tpu.memory_space<hbm>>
    %dma_wait3A_447 = arith.constant 0 : i32
    %dma_wait3A_448 = arith.constant 0 : i32
    %dma_wait3A_449 = tpu.memref_slice %arg6[%dma_wait3A_447, %dma_wait3A_448] : memref<320000x128xf32, #tpu.memory_space<hbm>> -> memref<80x128xf32, #tpu.memory_space<hbm>>
    %dma_wait3A_450 = arith.constant 0 : i32
    %dma_wait3A_451 = arith.constant 0 : i32
    %dma_wait3A_452 = tpu.memref_slice %arg10[%dma_wait3A_439, %dma_wait3A_450, %dma_wait3A_451] : memref<4x80x128xf32, #tpu.memory_space<vmem>> -> memref<1x80x128xf32, #tpu.memory_space<vmem>>
    %dma_wait3A_453 = tpu.memref_squeeze %dma_wait3A_452 : memref<1x80x128xf32, #tpu.memory_space<vmem>> -> memref<80x128xf32, #tpu.memory_space<vmem>>
    tpu.wait_dma2 semaphore(%arg22 : memref<!tpu.dma_semaphore, #tpu.memory_space<semaphore_mem>>) src(%dma_wait3A_453 : memref<80x128xf32, #tpu.memory_space<vmem>>) dst(%dma_wait3A_449 : memref<80x128xf32, #tpu.memory_space<hbm>>)
    %dma_wait3A_454 = arith.constant 2 : i32
    %dma_wait3A_455 = arith.constant 0 : i32
    %dma_wait3A_456 = arith.constant 0 : i32
    %dma_wait3A_457 = tpu.memref_slice %arg11[%dma_wait3A_454, %dma_wait3A_455, %dma_wait3A_456] : memref<4x80x128xf32, #tpu.memory_space<vmem>> -> memref<1x80x128xf32, #tpu.memory_space<vmem>>
    %dma_wait3A_458 = tpu.memref_squeeze %dma_wait3A_457 : memref<1x80x128xf32, #tpu.memory_space<vmem>> -> memref<80x128xf32, #tpu.memory_space<vmem>>
    %dma_wait3A_459 = arith.constant 0 : i32
    %dma_wait3A_460 = arith.constant 0 : i32
    %dma_wait3A_461 = tpu.memref_slice %arg7[%dma_wait3A_459, %dma_wait3A_460] : memref<320000x128xf32, #tpu.memory_space<hbm>> -> memref<80x128xf32, #tpu.memory_space<hbm>>
    %dma_wait3A_462 = arith.constant 0 : i32
    %dma_wait3A_463 = arith.constant 0 : i32
    %dma_wait3A_464 = tpu.memref_slice %arg7[%dma_wait3A_462, %dma_wait3A_463] : memref<320000x128xf32, #tpu.memory_space<hbm>> -> memref<80x128xf32, #tpu.memory_space<hbm>>
    %dma_wait3A_465 = arith.constant 0 : i32
    %dma_wait3A_466 = arith.constant 0 : i32
    %dma_wait3A_467 = tpu.memref_slice %arg11[%dma_wait3A_454, %dma_wait3A_465, %dma_wait3A_466] : memref<4x80x128xf32, #tpu.memory_space<vmem>> -> memref<1x80x128xf32, #tpu.memory_space<vmem>>
    %dma_wait3A_468 = tpu.memref_squeeze %dma_wait3A_467 : memref<1x80x128xf32, #tpu.memory_space<vmem>> -> memref<80x128xf32, #tpu.memory_space<vmem>>
    tpu.wait_dma2 semaphore(%arg22 : memref<!tpu.dma_semaphore, #tpu.memory_space<semaphore_mem>>) src(%dma_wait3A_468 : memref<80x128xf32, #tpu.memory_space<vmem>>) dst(%dma_wait3A_464 : memref<80x128xf32, #tpu.memory_space<hbm>>)
    %dma_wait3A_469 = arith.constant 3 : i32
    %dma_wait3A_470 = arith.constant 0 : i32
    %dma_wait3A_471 = arith.constant 0 : i32
    %dma_wait3A_472 = tpu.memref_slice %arg10[%dma_wait3A_469, %dma_wait3A_470, %dma_wait3A_471] : memref<4x80x128xf32, #tpu.memory_space<vmem>> -> memref<1x80x128xf32, #tpu.memory_space<vmem>>
    %dma_wait3A_473 = tpu.memref_squeeze %dma_wait3A_472 : memref<1x80x128xf32, #tpu.memory_space<vmem>> -> memref<80x128xf32, #tpu.memory_space<vmem>>
    %dma_wait3A_474 = arith.constant 0 : i32
    %dma_wait3A_475 = arith.constant 0 : i32
    %dma_wait3A_476 = tpu.memref_slice %arg6[%dma_wait3A_474, %dma_wait3A_475] : memref<320000x128xf32, #tpu.memory_space<hbm>> -> memref<80x128xf32, #tpu.memory_space<hbm>>
    %dma_wait3A_477 = arith.constant 0 : i32
    %dma_wait3A_478 = arith.constant 0 : i32
    %dma_wait3A_479 = tpu.memref_slice %arg6[%dma_wait3A_477, %dma_wait3A_478] : memref<320000x128xf32, #tpu.memory_space<hbm>> -> memref<80x128xf32, #tpu.memory_space<hbm>>
    %dma_wait3A_480 = arith.constant 0 : i32
    %dma_wait3A_481 = arith.constant 0 : i32
    %dma_wait3A_482 = tpu.memref_slice %arg10[%dma_wait3A_469, %dma_wait3A_480, %dma_wait3A_481] : memref<4x80x128xf32, #tpu.memory_space<vmem>> -> memref<1x80x128xf32, #tpu.memory_space<vmem>>
    %dma_wait3A_483 = tpu.memref_squeeze %dma_wait3A_482 : memref<1x80x128xf32, #tpu.memory_space<vmem>> -> memref<80x128xf32, #tpu.memory_space<vmem>>
    tpu.wait_dma2 semaphore(%arg23 : memref<!tpu.dma_semaphore, #tpu.memory_space<semaphore_mem>>) src(%dma_wait3A_483 : memref<80x128xf32, #tpu.memory_space<vmem>>) dst(%dma_wait3A_479 : memref<80x128xf32, #tpu.memory_space<hbm>>)
    %dma_wait3A_484 = arith.constant 3 : i32
    %dma_wait3A_485 = arith.constant 0 : i32
    %dma_wait3A_486 = arith.constant 0 : i32
    %dma_wait3A_487 = tpu.memref_slice %arg11[%dma_wait3A_484, %dma_wait3A_485, %dma_wait3A_486] : memref<4x80x128xf32, #tpu.memory_space<vmem>> -> memref<1x80x128xf32, #tpu.memory_space<vmem>>
    %dma_wait3A_488 = tpu.memref_squeeze %dma_wait3A_487 : memref<1x80x128xf32, #tpu.memory_space<vmem>> -> memref<80x128xf32, #tpu.memory_space<vmem>>
    %dma_wait3A_489 = arith.constant 0 : i32
    %dma_wait3A_490 = arith.constant 0 : i32
    %dma_wait3A_491 = tpu.memref_slice %arg7[%dma_wait3A_489, %dma_wait3A_490] : memref<320000x128xf32, #tpu.memory_space<hbm>> -> memref<80x128xf32, #tpu.memory_space<hbm>>
    %dma_wait3A_492 = arith.constant 0 : i32
    %dma_wait3A_493 = arith.constant 0 : i32
    %dma_wait3A_494 = tpu.memref_slice %arg7[%dma_wait3A_492, %dma_wait3A_493] : memref<320000x128xf32, #tpu.memory_space<hbm>> -> memref<80x128xf32, #tpu.memory_space<hbm>>
    %dma_wait3A_495 = arith.constant 0 : i32
    %dma_wait3A_496 = arith.constant 0 : i32
    %dma_wait3A_497 = tpu.memref_slice %arg11[%dma_wait3A_484, %dma_wait3A_495, %dma_wait3A_496] : memref<4x80x128xf32, #tpu.memory_space<vmem>> -> memref<1x80x128xf32, #tpu.memory_space<vmem>>
    %dma_wait3A_498 = tpu.memref_squeeze %dma_wait3A_497 : memref<1x80x128xf32, #tpu.memory_space<vmem>> -> memref<80x128xf32, #tpu.memory_space<vmem>>
    tpu.wait_dma2 semaphore(%arg23 : memref<!tpu.dma_semaphore, #tpu.memory_space<semaphore_mem>>) src(%dma_wait3A_498 : memref<80x128xf32, #tpu.memory_space<vmem>>) dst(%dma_wait3A_494 : memref<80x128xf32, #tpu.memory_space<hbm>>)
    return
  }
}

#map = affine_map<(d0, d1) -> (0, 0)>
#map1 = affine_map<(d0, d1) -> (0, 0, 0)>
module attributes {stable_mosaic.version = 14 : i64} {
  func.func @k(%arg0: i32, %arg1: i32, %arg2: memref<320000x128xf32, #tpu.memory_space<hbm>>, %arg3: memref<32x125x80xi32, #tpu.memory_space<hbm>>, %arg4: memref<10240x128xf32, #tpu.memory_space<hbm>>, %arg5: memref<20480x128xf32, #tpu.memory_space<hbm>>, %arg6: memref<125x80xi32, #tpu.memory_space<vmem>>, %arg7: memref<2x80x128xf32, #tpu.memory_space<vmem>>, %arg8: memref<10240x128xf32, #tpu.memory_space<vmem_shared>>, %arg9: memref<!tpu.dma_semaphore, #tpu.memory_space<semaphore_mem>>, %arg10: memref<!tpu.dma_semaphore, #tpu.memory_space<semaphore_mem>>) attributes {dimension_semantics = [#tpu.dimension_semantics<core_parallel>, #tpu.dimension_semantics<subcore_parallel>], iteration_bounds = array<i64: 2, 16>, scalar_prefetch = 0 : i64, scratch_operands = 5 : i64, tpu.core_type = #tpu.core_type<sc_vector_subcore>, window_params = [{transform_indices = #map}, {transform_indices = #map1}, {transform_indices = #map}, {transform_indices = #map}]} {
    %mul3A = arith.constant 16 : i32
    %mul3A_0 = arith.muli %arg0, %mul3A : i32
    %add3A = arith.addi %mul3A_0, %arg1 : i32
    %mul3A_1 = arith.constant 640 : i32
    %mul3A_2 = arith.muli %arg1, %mul3A_1 : i32
    %mul3A_3 = arith.constant 640 : i32
    %mul3A_4 = arith.muli %arg1, %mul3A_3 : i32
    "tpu.region"() ({
      %run_scoped3A_112 = tpu.sem_alloc : memref<!tpu.dma_semaphore, #tpu.memory_space<semaphore_mem>>
      %dma_start3A_113 = arith.constant 0 : i32
      %dma_start3A_114 = tpu.memref_slice %arg8[%mul3A_4, %dma_start3A_113] : memref<10240x128xf32, #tpu.memory_space<vmem_shared>> -> memref<640x128xf32, #tpu.memory_space<vmem_shared>>
      %dma_start3A_115 = arith.constant 0 : i32
      %dma_start3A_116 = tpu.memref_slice %arg4[%mul3A_2, %dma_start3A_115] : memref<10240x128xf32, #tpu.memory_space<hbm>> -> memref<640x128xf32, #tpu.memory_space<hbm>>
      tpu.enqueue_dma source(%dma_start3A_116 : memref<640x128xf32, #tpu.memory_space<hbm>>) target(%dma_start3A_114 : memref<640x128xf32, #tpu.memory_space<vmem_shared>>) target_semaphore(%run_scoped3A_112 : memref<!tpu.dma_semaphore, #tpu.memory_space<semaphore_mem>>)
      %dma_wait3A_117 = arith.constant 0 : i32
      %dma_wait3A_118 = tpu.memref_slice %arg8[%mul3A_4, %dma_wait3A_117] : memref<10240x128xf32, #tpu.memory_space<vmem_shared>> -> memref<640x128xf32, #tpu.memory_space<vmem_shared>>
      %dma_wait3A_119 = arith.constant 0 : i32
      %dma_wait3A_120 = tpu.memref_slice %arg4[%mul3A_2, %dma_wait3A_119] : memref<10240x128xf32, #tpu.memory_space<hbm>> -> memref<640x128xf32, #tpu.memory_space<hbm>>
      tpu.wait_dma2 semaphore(%run_scoped3A_112 : memref<!tpu.dma_semaphore, #tpu.memory_space<semaphore_mem>>) src(%dma_wait3A_120 : memref<640x128xf32, #tpu.memory_space<hbm>>) dst(%dma_wait3A_118 : memref<640x128xf32, #tpu.memory_space<vmem_shared>>)
      tpu.yield
    }) : () -> ()
    %barrier3A = arith.constant 0 : index
    tpu.barrier barrier_id(%barrier3A)
    %mul3A_5 = arith.constant 10000 : i32
    %mul3A_6 = arith.muli %add3A, %mul3A_5 : i32
    "tpu.region"() ({
      %run_scoped3A_112 = tpu.sem_alloc : memref<!tpu.dma_semaphore, #tpu.memory_space<semaphore_mem>>
      %dma_start3A_113 = arith.constant 0 : i32
      %dma_start3A_114 = arith.constant 0 : i32
      %dma_start3A_115 = tpu.memref_slice %arg6[%dma_start3A_113, %dma_start3A_114] : memref<125x80xi32, #tpu.memory_space<vmem>> -> memref<125x80xi32, #tpu.memory_space<vmem>>
      %dma_start3A_116 = arith.constant 0 : i32
      %dma_start3A_117 = arith.constant 0 : i32
      %dma_start3A_118 = tpu.memref_slice %arg3[%add3A, %dma_start3A_116, %dma_start3A_117] : memref<32x125x80xi32, #tpu.memory_space<hbm>> -> memref<1x125x80xi32, #tpu.memory_space<hbm>>
      %dma_start3A_119 = tpu.memref_squeeze %dma_start3A_118 : memref<1x125x80xi32, #tpu.memory_space<hbm>> -> memref<125x80xi32, #tpu.memory_space<hbm>>
      %dma_start3A_120 = arith.constant 0 : i32
      %dma_start3A_121 = arith.constant 0 : i32
      %dma_start3A_122 = tpu.memref_slice %arg6[%dma_start3A_120, %dma_start3A_121] : memref<125x80xi32, #tpu.memory_space<vmem>> -> memref<125x80xi32, #tpu.memory_space<vmem>>
      %dma_start3A_123 = arith.constant 0 : i32
      %dma_start3A_124 = arith.constant 0 : i32
      %dma_start3A_125 = tpu.memref_slice %arg3[%add3A, %dma_start3A_123, %dma_start3A_124] : memref<32x125x80xi32, #tpu.memory_space<hbm>> -> memref<1x125x80xi32, #tpu.memory_space<hbm>>
      %dma_start3A_126 = tpu.memref_squeeze %dma_start3A_125 : memref<1x125x80xi32, #tpu.memory_space<hbm>> -> memref<125x80xi32, #tpu.memory_space<hbm>>
      tpu.enqueue_dma source(%dma_start3A_126 : memref<125x80xi32, #tpu.memory_space<hbm>>) target(%dma_start3A_122 : memref<125x80xi32, #tpu.memory_space<vmem>>) target_semaphore(%run_scoped3A_112 : memref<!tpu.dma_semaphore, #tpu.memory_space<semaphore_mem>>)
      %dma_wait3A_127 = arith.constant 0 : i32
      %dma_wait3A_128 = arith.constant 0 : i32
      %dma_wait3A_129 = tpu.memref_slice %arg6[%dma_wait3A_127, %dma_wait3A_128] : memref<125x80xi32, #tpu.memory_space<vmem>> -> memref<125x80xi32, #tpu.memory_space<vmem>>
      %dma_wait3A_130 = arith.constant 0 : i32
      %dma_wait3A_131 = arith.constant 0 : i32
      %dma_wait3A_132 = tpu.memref_slice %arg3[%add3A, %dma_wait3A_130, %dma_wait3A_131] : memref<32x125x80xi32, #tpu.memory_space<hbm>> -> memref<1x125x80xi32, #tpu.memory_space<hbm>>
      %dma_wait3A_133 = tpu.memref_squeeze %dma_wait3A_132 : memref<1x125x80xi32, #tpu.memory_space<hbm>> -> memref<125x80xi32, #tpu.memory_space<hbm>>
      %dma_wait3A_134 = arith.constant 0 : i32
      %dma_wait3A_135 = arith.constant 0 : i32
      %dma_wait3A_136 = tpu.memref_slice %arg6[%dma_wait3A_134, %dma_wait3A_135] : memref<125x80xi32, #tpu.memory_space<vmem>> -> memref<125x80xi32, #tpu.memory_space<vmem>>
      %dma_wait3A_137 = arith.constant 0 : i32
      %dma_wait3A_138 = arith.constant 0 : i32
      %dma_wait3A_139 = tpu.memref_slice %arg3[%add3A, %dma_wait3A_137, %dma_wait3A_138] : memref<32x125x80xi32, #tpu.memory_space<hbm>> -> memref<1x125x80xi32, #tpu.memory_space<hbm>>
      %dma_wait3A_140 = tpu.memref_squeeze %dma_wait3A_139 : memref<1x125x80xi32, #tpu.memory_space<hbm>> -> memref<125x80xi32, #tpu.memory_space<hbm>>
      tpu.wait_dma2 semaphore(%run_scoped3A_112 : memref<!tpu.dma_semaphore, #tpu.memory_space<semaphore_mem>>) src(%dma_wait3A_140 : memref<125x80xi32, #tpu.memory_space<hbm>>) dst(%dma_wait3A_136 : memref<125x80xi32, #tpu.memory_space<vmem>>)
      tpu.yield
    }) : () -> ()
    %add3A_7 = arith.constant 0 : i32
    %add3A_8 = arith.addi %mul3A_6, %add3A_7 : i32
    %dma_start3A = arith.constant 0 : i32
    %dma_start3A_9 = arith.constant 0 : i32
    %dma_start3A_10 = arith.constant 0 : i32
    %dma_start3A_11 = tpu.memref_slice %arg7[%dma_start3A, %dma_start3A_9, %dma_start3A_10] : memref<2x80x128xf32, #tpu.memory_space<vmem>> -> memref<1x80x128xf32, #tpu.memory_space<vmem>>
    %dma_start3A_12 = tpu.memref_squeeze %dma_start3A_11 : memref<1x80x128xf32, #tpu.memory_space<vmem>> -> memref<80x128xf32, #tpu.memory_space<vmem>>
    %dma_start3A_13 = arith.constant 0 : i32
    %dma_start3A_14 = tpu.memref_slice %arg2[%add3A_8, %dma_start3A_13] : memref<320000x128xf32, #tpu.memory_space<hbm>> -> memref<80x128xf32, #tpu.memory_space<hbm>>
    %dma_start3A_15 = arith.constant 0 : i32
    %dma_start3A_16 = arith.constant 0 : i32
    %dma_start3A_17 = tpu.memref_slice %arg7[%dma_start3A, %dma_start3A_15, %dma_start3A_16] : memref<2x80x128xf32, #tpu.memory_space<vmem>> -> memref<1x80x128xf32, #tpu.memory_space<vmem>>
    %dma_start3A_18 = tpu.memref_squeeze %dma_start3A_17 : memref<1x80x128xf32, #tpu.memory_space<vmem>> -> memref<80x128xf32, #tpu.memory_space<vmem>>
    %dma_start3A_19 = arith.constant 0 : i32
    %dma_start3A_20 = tpu.memref_slice %arg2[%add3A_8, %dma_start3A_19] : memref<320000x128xf32, #tpu.memory_space<hbm>> -> memref<80x128xf32, #tpu.memory_space<hbm>>
    tpu.enqueue_dma source(%dma_start3A_20 : memref<80x128xf32, #tpu.memory_space<hbm>>) target(%dma_start3A_18 : memref<80x128xf32, #tpu.memory_space<vmem>>) target_semaphore(%arg9 : memref<!tpu.dma_semaphore, #tpu.memory_space<semaphore_mem>>)
    %add3A_21 = arith.constant 80 : i32
    %add3A_22 = arith.addi %mul3A_6, %add3A_21 : i32
    %dma_start3A_23 = arith.constant 1 : i32
    %dma_start3A_24 = arith.constant 0 : i32
    %dma_start3A_25 = arith.constant 0 : i32
    %dma_start3A_26 = tpu.memref_slice %arg7[%dma_start3A_23, %dma_start3A_24, %dma_start3A_25] : memref<2x80x128xf32, #tpu.memory_space<vmem>> -> memref<1x80x128xf32, #tpu.memory_space<vmem>>
    %dma_start3A_27 = tpu.memref_squeeze %dma_start3A_26 : memref<1x80x128xf32, #tpu.memory_space<vmem>> -> memref<80x128xf32, #tpu.memory_space<vmem>>
    %dma_start3A_28 = arith.constant 0 : i32
    %dma_start3A_29 = tpu.memref_slice %arg2[%add3A_22, %dma_start3A_28] : memref<320000x128xf32, #tpu.memory_space<hbm>> -> memref<80x128xf32, #tpu.memory_space<hbm>>
    %dma_start3A_30 = arith.constant 0 : i32
    %dma_start3A_31 = arith.constant 0 : i32
    %dma_start3A_32 = tpu.memref_slice %arg7[%dma_start3A_23, %dma_start3A_30, %dma_start3A_31] : memref<2x80x128xf32, #tpu.memory_space<vmem>> -> memref<1x80x128xf32, #tpu.memory_space<vmem>>
    %dma_start3A_33 = tpu.memref_squeeze %dma_start3A_32 : memref<1x80x128xf32, #tpu.memory_space<vmem>> -> memref<80x128xf32, #tpu.memory_space<vmem>>
    %dma_start3A_34 = arith.constant 0 : i32
    %dma_start3A_35 = tpu.memref_slice %arg2[%add3A_22, %dma_start3A_34] : memref<320000x128xf32, #tpu.memory_space<hbm>> -> memref<80x128xf32, #tpu.memory_space<hbm>>
    tpu.enqueue_dma source(%dma_start3A_35 : memref<80x128xf32, #tpu.memory_space<hbm>>) target(%dma_start3A_33 : memref<80x128xf32, #tpu.memory_space<vmem>>) target_semaphore(%arg10 : memref<!tpu.dma_semaphore, #tpu.memory_space<semaphore_mem>>)
    %scan3A = arith.constant 0 : i32
    %scan3A_36 = arith.constant 61 : i32
    %scan3A_37 = arith.addi %scan3A, %scan3A_36 : i32
    %scan3A_38 = arith.constant 1 : i32
    scf.for %scan3A_112 = %scan3A to %scan3A_37 step %scan3A_38  : i32 {
      %mul3A_113 = arith.constant 1 : i32
      %mul3A_114 = arith.muli %scan3A_112, %mul3A_113 : i32
      %add3A_115 = arith.constant 0 : i32
      %add3A_116 = arith.addi %add3A_115, %mul3A_114 : i32
      %mul3A_117 = arith.constant 2 : i32
      %mul3A_118 = arith.muli %mul3A_117, %add3A_116 : i32
      %add3A_119 = arith.constant 0 : i32
      %add3A_120 = arith.addi %mul3A_118, %add3A_119 : i32
      %mul3A_121 = arith.constant 80 : i32
      %mul3A_122 = arith.muli %add3A_120, %mul3A_121 : i32
      %add3A_123 = arith.addi %mul3A_6, %mul3A_122 : i32
      %dma_wait3A_124 = arith.constant 0 : i32
      %dma_wait3A_125 = arith.constant 0 : i32
      %dma_wait3A_126 = arith.constant 0 : i32
      %dma_wait3A_127 = tpu.memref_slice %arg7[%dma_wait3A_124, %dma_wait3A_125, %dma_wait3A_126] : memref<2x80x128xf32, #tpu.memory_space<vmem>> -> memref<1x80x128xf32, #tpu.memory_space<vmem>>
      %dma_wait3A_128 = tpu.memref_squeeze %dma_wait3A_127 : memref<1x80x128xf32, #tpu.memory_space<vmem>> -> memref<80x128xf32, #tpu.memory_space<vmem>>
      %dma_wait3A_129 = arith.constant 0 : i32
      %dma_wait3A_130 = tpu.memref_slice %arg2[%add3A_123, %dma_wait3A_129] : memref<320000x128xf32, #tpu.memory_space<hbm>> -> memref<80x128xf32, #tpu.memory_space<hbm>>
      %dma_wait3A_131 = arith.constant 0 : i32
      %dma_wait3A_132 = arith.constant 0 : i32
      %dma_wait3A_133 = tpu.memref_slice %arg7[%dma_wait3A_124, %dma_wait3A_131, %dma_wait3A_132] : memref<2x80x128xf32, #tpu.memory_space<vmem>> -> memref<1x80x128xf32, #tpu.memory_space<vmem>>
      %dma_wait3A_134 = tpu.memref_squeeze %dma_wait3A_133 : memref<1x80x128xf32, #tpu.memory_space<vmem>> -> memref<80x128xf32, #tpu.memory_space<vmem>>
      %dma_wait3A_135 = arith.constant 0 : i32
      %dma_wait3A_136 = tpu.memref_slice %arg2[%add3A_123, %dma_wait3A_135] : memref<320000x128xf32, #tpu.memory_space<hbm>> -> memref<80x128xf32, #tpu.memory_space<hbm>>
      tpu.wait_dma2 semaphore(%arg9 : memref<!tpu.dma_semaphore, #tpu.memory_space<semaphore_mem>>) src(%dma_wait3A_136 : memref<80x128xf32, #tpu.memory_space<hbm>>) dst(%dma_wait3A_134 : memref<80x128xf32, #tpu.memory_space<vmem>>)
      %run_scoped3A_137 = arith.constant 0 : i32
      "tpu.region"() ({
        %run_scoped3A_195 = tpu.sem_alloc : memref<!tpu.dma_semaphore, #tpu.memory_space<semaphore_mem>>
        %dma_start3A_196 = arith.constant 0 : i32
        %dma_start3A_197 = arith.constant 0 : i32
        %dma_start3A_198 = tpu.memref_slice %arg7[%run_scoped3A_137, %dma_start3A_196, %dma_start3A_197] : memref<2x80x128xf32, #tpu.memory_space<vmem>> -> memref<1x80x128xf32, #tpu.memory_space<vmem>>
        %dma_start3A_199 = tpu.memref_squeeze %dma_start3A_198 : memref<1x80x128xf32, #tpu.memory_space<vmem>> -> memref<80x128xf32, #tpu.memory_space<vmem>>
        %dma_start3A_200 = arith.constant 0 : i32
        %dma_start3A_201 = tpu.memref_slice %arg6[%add3A_120, %dma_start3A_200] : memref<125x80xi32, #tpu.memory_space<vmem>> -> memref<1x80xi32, #tpu.memory_space<vmem>>
        %dma_start3A_202 = tpu.memref_squeeze %dma_start3A_201 : memref<1x80xi32, #tpu.memory_space<vmem>> -> memref<80xi32, #tpu.memory_space<vmem>>
        %dma_start3A_203 = arith.constant 0 : i32
        %dma_start3A_204 = arith.constant 0 : i32
        %dma_start3A_205 = tpu.memref_slice %arg8[%dma_start3A_203, %dma_start3A_204] : memref<10240x128xf32, #tpu.memory_space<vmem_shared>> -> memref<10240x128xf32, #tpu.memory_space<vmem_shared>>
        tpu.enqueue_indirect_dma source(%dma_start3A_199 : memref<80x128xf32, #tpu.memory_space<vmem>>) target(%dma_start3A_205 : memref<10240x128xf32, #tpu.memory_space<vmem_shared>>) offsets(%dma_start3A_202 : memref<80xi32, #tpu.memory_space<vmem>>) semaphore(%run_scoped3A_195 : memref<!tpu.dma_semaphore, #tpu.memory_space<semaphore_mem>>) {add = true}
        %dma_wait3A_206 = arith.constant 0 : i32
        %dma_wait3A_207 = arith.constant 0 : i32
        %dma_wait3A_208 = tpu.memref_slice %arg7[%run_scoped3A_137, %dma_wait3A_206, %dma_wait3A_207] : memref<2x80x128xf32, #tpu.memory_space<vmem>> -> memref<1x80x128xf32, #tpu.memory_space<vmem>>
        %dma_wait3A_209 = tpu.memref_squeeze %dma_wait3A_208 : memref<1x80x128xf32, #tpu.memory_space<vmem>> -> memref<80x128xf32, #tpu.memory_space<vmem>>
        %dma_wait3A_210 = arith.constant 0 : i32
        %dma_wait3A_211 = tpu.memref_slice %arg6[%add3A_120, %dma_wait3A_210] : memref<125x80xi32, #tpu.memory_space<vmem>> -> memref<1x80xi32, #tpu.memory_space<vmem>>
        %dma_wait3A_212 = tpu.memref_squeeze %dma_wait3A_211 : memref<1x80xi32, #tpu.memory_space<vmem>> -> memref<80xi32, #tpu.memory_space<vmem>>
        %dma_wait3A_213 = arith.constant 0 : i32
        %dma_wait3A_214 = arith.constant 0 : i32
        %dma_wait3A_215 = tpu.memref_slice %arg8[%dma_wait3A_213, %dma_wait3A_214] : memref<10240x128xf32, #tpu.memory_space<vmem_shared>> -> memref<10240x128xf32, #tpu.memory_space<vmem_shared>>
        tpu.wait_indirect_dma semaphore(%run_scoped3A_195 : memref<!tpu.dma_semaphore, #tpu.memory_space<semaphore_mem>>) src(%dma_wait3A_209 : memref<80x128xf32, #tpu.memory_space<vmem>>) dst(%dma_wait3A_215 : memref<10240x128xf32, #tpu.memory_space<vmem_shared>>)
        tpu.yield
      }) : () -> ()
      %add3A_138 = arith.constant 2 : i32
      %add3A_139 = arith.addi %add3A_120, %add3A_138 : i32
      %mul3A_140 = arith.constant 80 : i32
      %mul3A_141 = arith.muli %add3A_139, %mul3A_140 : i32
      %add3A_142 = arith.addi %mul3A_6, %mul3A_141 : i32
      %dma_start3A_143 = arith.constant 0 : i32
      %dma_start3A_144 = arith.constant 0 : i32
      %dma_start3A_145 = arith.constant 0 : i32
      %dma_start3A_146 = tpu.memref_slice %arg7[%dma_start3A_143, %dma_start3A_144, %dma_start3A_145] : memref<2x80x128xf32, #tpu.memory_space<vmem>> -> memref<1x80x128xf32, #tpu.memory_space<vmem>>
      %dma_start3A_147 = tpu.memref_squeeze %dma_start3A_146 : memref<1x80x128xf32, #tpu.memory_space<vmem>> -> memref<80x128xf32, #tpu.memory_space<vmem>>
      %dma_start3A_148 = arith.constant 0 : i32
      %dma_start3A_149 = tpu.memref_slice %arg2[%add3A_142, %dma_start3A_148] : memref<320000x128xf32, #tpu.memory_space<hbm>> -> memref<80x128xf32, #tpu.memory_space<hbm>>
      %dma_start3A_150 = arith.constant 0 : i32
      %dma_start3A_151 = arith.constant 0 : i32
      %dma_start3A_152 = tpu.memref_slice %arg7[%dma_start3A_143, %dma_start3A_150, %dma_start3A_151] : memref<2x80x128xf32, #tpu.memory_space<vmem>> -> memref<1x80x128xf32, #tpu.memory_space<vmem>>
      %dma_start3A_153 = tpu.memref_squeeze %dma_start3A_152 : memref<1x80x128xf32, #tpu.memory_space<vmem>> -> memref<80x128xf32, #tpu.memory_space<vmem>>
      %dma_start3A_154 = arith.constant 0 : i32
      %dma_start3A_155 = tpu.memref_slice %arg2[%add3A_142, %dma_start3A_154] : memref<320000x128xf32, #tpu.memory_space<hbm>> -> memref<80x128xf32, #tpu.memory_space<hbm>>
      tpu.enqueue_dma source(%dma_start3A_155 : memref<80x128xf32, #tpu.memory_space<hbm>>) target(%dma_start3A_153 : memref<80x128xf32, #tpu.memory_space<vmem>>) target_semaphore(%arg9 : memref<!tpu.dma_semaphore, #tpu.memory_space<semaphore_mem>>)
      %mul3A_156 = arith.constant 2 : i32
      %mul3A_157 = arith.muli %mul3A_156, %add3A_116 : i32
      %add3A_158 = arith.constant 1 : i32
      %add3A_159 = arith.addi %mul3A_157, %add3A_158 : i32
      %mul3A_160 = arith.constant 80 : i32
      %mul3A_161 = arith.muli %add3A_159, %mul3A_160 : i32
      %add3A_162 = arith.addi %mul3A_6, %mul3A_161 : i32
      %dma_wait3A_163 = arith.constant 1 : i32
      %dma_wait3A_164 = arith.constant 0 : i32
      %dma_wait3A_165 = arith.constant 0 : i32
      %dma_wait3A_166 = tpu.memref_slice %arg7[%dma_wait3A_163, %dma_wait3A_164, %dma_wait3A_165] : memref<2x80x128xf32, #tpu.memory_space<vmem>> -> memref<1x80x128xf32, #tpu.memory_space<vmem>>
      %dma_wait3A_167 = tpu.memref_squeeze %dma_wait3A_166 : memref<1x80x128xf32, #tpu.memory_space<vmem>> -> memref<80x128xf32, #tpu.memory_space<vmem>>
      %dma_wait3A_168 = arith.constant 0 : i32
      %dma_wait3A_169 = tpu.memref_slice %arg2[%add3A_162, %dma_wait3A_168] : memref<320000x128xf32, #tpu.memory_space<hbm>> -> memref<80x128xf32, #tpu.memory_space<hbm>>
      %dma_wait3A_170 = arith.constant 0 : i32
      %dma_wait3A_171 = arith.constant 0 : i32
      %dma_wait3A_172 = tpu.memref_slice %arg7[%dma_wait3A_163, %dma_wait3A_170, %dma_wait3A_171] : memref<2x80x128xf32, #tpu.memory_space<vmem>> -> memref<1x80x128xf32, #tpu.memory_space<vmem>>
      %dma_wait3A_173 = tpu.memref_squeeze %dma_wait3A_172 : memref<1x80x128xf32, #tpu.memory_space<vmem>> -> memref<80x128xf32, #tpu.memory_space<vmem>>
      %dma_wait3A_174 = arith.constant 0 : i32
      %dma_wait3A_175 = tpu.memref_slice %arg2[%add3A_162, %dma_wait3A_174] : memref<320000x128xf32, #tpu.memory_space<hbm>> -> memref<80x128xf32, #tpu.memory_space<hbm>>
      tpu.wait_dma2 semaphore(%arg10 : memref<!tpu.dma_semaphore, #tpu.memory_space<semaphore_mem>>) src(%dma_wait3A_175 : memref<80x128xf32, #tpu.memory_space<hbm>>) dst(%dma_wait3A_173 : memref<80x128xf32, #tpu.memory_space<vmem>>)
      %run_scoped3A_176 = arith.constant 1 : i32
      "tpu.region"() ({
        %run_scoped3A_195 = tpu.sem_alloc : memref<!tpu.dma_semaphore, #tpu.memory_space<semaphore_mem>>
        %dma_start3A_196 = arith.constant 0 : i32
        %dma_start3A_197 = arith.constant 0 : i32
        %dma_start3A_198 = tpu.memref_slice %arg7[%run_scoped3A_176, %dma_start3A_196, %dma_start3A_197] : memref<2x80x128xf32, #tpu.memory_space<vmem>> -> memref<1x80x128xf32, #tpu.memory_space<vmem>>
        %dma_start3A_199 = tpu.memref_squeeze %dma_start3A_198 : memref<1x80x128xf32, #tpu.memory_space<vmem>> -> memref<80x128xf32, #tpu.memory_space<vmem>>
        %dma_start3A_200 = arith.constant 0 : i32
        %dma_start3A_201 = tpu.memref_slice %arg6[%add3A_159, %dma_start3A_200] : memref<125x80xi32, #tpu.memory_space<vmem>> -> memref<1x80xi32, #tpu.memory_space<vmem>>
        %dma_start3A_202 = tpu.memref_squeeze %dma_start3A_201 : memref<1x80xi32, #tpu.memory_space<vmem>> -> memref<80xi32, #tpu.memory_space<vmem>>
        %dma_start3A_203 = arith.constant 0 : i32
        %dma_start3A_204 = arith.constant 0 : i32
        %dma_start3A_205 = tpu.memref_slice %arg8[%dma_start3A_203, %dma_start3A_204] : memref<10240x128xf32, #tpu.memory_space<vmem_shared>> -> memref<10240x128xf32, #tpu.memory_space<vmem_shared>>
        tpu.enqueue_indirect_dma source(%dma_start3A_199 : memref<80x128xf32, #tpu.memory_space<vmem>>) target(%dma_start3A_205 : memref<10240x128xf32, #tpu.memory_space<vmem_shared>>) offsets(%dma_start3A_202 : memref<80xi32, #tpu.memory_space<vmem>>) semaphore(%run_scoped3A_195 : memref<!tpu.dma_semaphore, #tpu.memory_space<semaphore_mem>>) {add = true}
        %dma_wait3A_206 = arith.constant 0 : i32
        %dma_wait3A_207 = arith.constant 0 : i32
        %dma_wait3A_208 = tpu.memref_slice %arg7[%run_scoped3A_176, %dma_wait3A_206, %dma_wait3A_207] : memref<2x80x128xf32, #tpu.memory_space<vmem>> -> memref<1x80x128xf32, #tpu.memory_space<vmem>>
        %dma_wait3A_209 = tpu.memref_squeeze %dma_wait3A_208 : memref<1x80x128xf32, #tpu.memory_space<vmem>> -> memref<80x128xf32, #tpu.memory_space<vmem>>
        %dma_wait3A_210 = arith.constant 0 : i32
        %dma_wait3A_211 = tpu.memref_slice %arg6[%add3A_159, %dma_wait3A_210] : memref<125x80xi32, #tpu.memory_space<vmem>> -> memref<1x80xi32, #tpu.memory_space<vmem>>
        %dma_wait3A_212 = tpu.memref_squeeze %dma_wait3A_211 : memref<1x80xi32, #tpu.memory_space<vmem>> -> memref<80xi32, #tpu.memory_space<vmem>>
        %dma_wait3A_213 = arith.constant 0 : i32
        %dma_wait3A_214 = arith.constant 0 : i32
        %dma_wait3A_215 = tpu.memref_slice %arg8[%dma_wait3A_213, %dma_wait3A_214] : memref<10240x128xf32, #tpu.memory_space<vmem_shared>> -> memref<10240x128xf32, #tpu.memory_space<vmem_shared>>
        tpu.wait_indirect_dma semaphore(%run_scoped3A_195 : memref<!tpu.dma_semaphore, #tpu.memory_space<semaphore_mem>>) src(%dma_wait3A_209 : memref<80x128xf32, #tpu.memory_space<vmem>>) dst(%dma_wait3A_215 : memref<10240x128xf32, #tpu.memory_space<vmem_shared>>)
        tpu.yield
      }) : () -> ()
      %add3A_177 = arith.constant 2 : i32
      %add3A_178 = arith.addi %add3A_159, %add3A_177 : i32
      %mul3A_179 = arith.constant 80 : i32
      %mul3A_180 = arith.muli %add3A_178, %mul3A_179 : i32
      %add3A_181 = arith.addi %mul3A_6, %mul3A_180 : i32
      %dma_start3A_182 = arith.constant 1 : i32
      %dma_start3A_183 = arith.constant 0 : i32
      %dma_start3A_184 = arith.constant 0 : i32
      %dma_start3A_185 = tpu.memref_slice %arg7[%dma_start3A_182, %dma_start3A_183, %dma_start3A_184] : memref<2x80x128xf32, #tpu.memory_space<vmem>> -> memref<1x80x128xf32, #tpu.memory_space<vmem>>
      %dma_start3A_186 = tpu.memref_squeeze %dma_start3A_185 : memref<1x80x128xf32, #tpu.memory_space<vmem>> -> memref<80x128xf32, #tpu.memory_space<vmem>>
      %dma_start3A_187 = arith.constant 0 : i32
      %dma_start3A_188 = tpu.memref_slice %arg2[%add3A_181, %dma_start3A_187] : memref<320000x128xf32, #tpu.memory_space<hbm>> -> memref<80x128xf32, #tpu.memory_space<hbm>>
      %dma_start3A_189 = arith.constant 0 : i32
      %dma_start3A_190 = arith.constant 0 : i32
      %dma_start3A_191 = tpu.memref_slice %arg7[%dma_start3A_182, %dma_start3A_189, %dma_start3A_190] : memref<2x80x128xf32, #tpu.memory_space<vmem>> -> memref<1x80x128xf32, #tpu.memory_space<vmem>>
      %dma_start3A_192 = tpu.memref_squeeze %dma_start3A_191 : memref<1x80x128xf32, #tpu.memory_space<vmem>> -> memref<80x128xf32, #tpu.memory_space<vmem>>
      %dma_start3A_193 = arith.constant 0 : i32
      %dma_start3A_194 = tpu.memref_slice %arg2[%add3A_181, %dma_start3A_193] : memref<320000x128xf32, #tpu.memory_space<hbm>> -> memref<80x128xf32, #tpu.memory_space<hbm>>
      tpu.enqueue_dma source(%dma_start3A_194 : memref<80x128xf32, #tpu.memory_space<hbm>>) target(%dma_start3A_192 : memref<80x128xf32, #tpu.memory_space<vmem>>) target_semaphore(%arg10 : memref<!tpu.dma_semaphore, #tpu.memory_space<semaphore_mem>>)
    }
    %scan3A_39 = arith.constant 61 : i32
    %add3A_40 = arith.constant 9760 : i32
    %add3A_41 = arith.addi %mul3A_6, %add3A_40 : i32
    %dma_wait3A = arith.constant 0 : i32
    %dma_wait3A_42 = arith.constant 0 : i32
    %dma_wait3A_43 = arith.constant 0 : i32
    %dma_wait3A_44 = tpu.memref_slice %arg7[%dma_wait3A, %dma_wait3A_42, %dma_wait3A_43] : memref<2x80x128xf32, #tpu.memory_space<vmem>> -> memref<1x80x128xf32, #tpu.memory_space<vmem>>
    %dma_wait3A_45 = tpu.memref_squeeze %dma_wait3A_44 : memref<1x80x128xf32, #tpu.memory_space<vmem>> -> memref<80x128xf32, #tpu.memory_space<vmem>>
    %dma_wait3A_46 = arith.constant 0 : i32
    %dma_wait3A_47 = tpu.memref_slice %arg2[%add3A_41, %dma_wait3A_46] : memref<320000x128xf32, #tpu.memory_space<hbm>> -> memref<80x128xf32, #tpu.memory_space<hbm>>
    %dma_wait3A_48 = arith.constant 0 : i32
    %dma_wait3A_49 = arith.constant 0 : i32
    %dma_wait3A_50 = tpu.memref_slice %arg7[%dma_wait3A, %dma_wait3A_48, %dma_wait3A_49] : memref<2x80x128xf32, #tpu.memory_space<vmem>> -> memref<1x80x128xf32, #tpu.memory_space<vmem>>
    %dma_wait3A_51 = tpu.memref_squeeze %dma_wait3A_50 : memref<1x80x128xf32, #tpu.memory_space<vmem>> -> memref<80x128xf32, #tpu.memory_space<vmem>>
    %dma_wait3A_52 = arith.constant 0 : i32
    %dma_wait3A_53 = tpu.memref_slice %arg2[%add3A_41, %dma_wait3A_52] : memref<320000x128xf32, #tpu.memory_space<hbm>> -> memref<80x128xf32, #tpu.memory_space<hbm>>
    tpu.wait_dma2 semaphore(%arg9 : memref<!tpu.dma_semaphore, #tpu.memory_space<semaphore_mem>>) src(%dma_wait3A_53 : memref<80x128xf32, #tpu.memory_space<hbm>>) dst(%dma_wait3A_51 : memref<80x128xf32, #tpu.memory_space<vmem>>)
    %run_scoped3A = arith.constant 0 : i32
    %run_scoped3A_54 = arith.constant 122 : i32
    "tpu.region"() ({
      %run_scoped3A_112 = tpu.sem_alloc : memref<!tpu.dma_semaphore, #tpu.memory_space<semaphore_mem>>
      %dma_start3A_113 = arith.constant 0 : i32
      %dma_start3A_114 = arith.constant 0 : i32
      %dma_start3A_115 = tpu.memref_slice %arg7[%run_scoped3A, %dma_start3A_113, %dma_start3A_114] : memref<2x80x128xf32, #tpu.memory_space<vmem>> -> memref<1x80x128xf32, #tpu.memory_space<vmem>>
      %dma_start3A_116 = tpu.memref_squeeze %dma_start3A_115 : memref<1x80x128xf32, #tpu.memory_space<vmem>> -> memref<80x128xf32, #tpu.memory_space<vmem>>
      %dma_start3A_117 = arith.constant 0 : i32
      %dma_start3A_118 = tpu.memref_slice %arg6[%run_scoped3A_54, %dma_start3A_117] : memref<125x80xi32, #tpu.memory_space<vmem>> -> memref<1x80xi32, #tpu.memory_space<vmem>>
      %dma_start3A_119 = tpu.memref_squeeze %dma_start3A_118 : memref<1x80xi32, #tpu.memory_space<vmem>> -> memref<80xi32, #tpu.memory_space<vmem>>
      %dma_start3A_120 = arith.constant 0 : i32
      %dma_start3A_121 = arith.constant 0 : i32
      %dma_start3A_122 = tpu.memref_slice %arg8[%dma_start3A_120, %dma_start3A_121] : memref<10240x128xf32, #tpu.memory_space<vmem_shared>> -> memref<10240x128xf32, #tpu.memory_space<vmem_shared>>
      tpu.enqueue_indirect_dma source(%dma_start3A_116 : memref<80x128xf32, #tpu.memory_space<vmem>>) target(%dma_start3A_122 : memref<10240x128xf32, #tpu.memory_space<vmem_shared>>) offsets(%dma_start3A_119 : memref<80xi32, #tpu.memory_space<vmem>>) semaphore(%run_scoped3A_112 : memref<!tpu.dma_semaphore, #tpu.memory_space<semaphore_mem>>) {add = true}
      %dma_wait3A_123 = arith.constant 0 : i32
      %dma_wait3A_124 = arith.constant 0 : i32
      %dma_wait3A_125 = tpu.memref_slice %arg7[%run_scoped3A, %dma_wait3A_123, %dma_wait3A_124] : memref<2x80x128xf32, #tpu.memory_space<vmem>> -> memref<1x80x128xf32, #tpu.memory_space<vmem>>
      %dma_wait3A_126 = tpu.memref_squeeze %dma_wait3A_125 : memref<1x80x128xf32, #tpu.memory_space<vmem>> -> memref<80x128xf32, #tpu.memory_space<vmem>>
      %dma_wait3A_127 = arith.constant 0 : i32
      %dma_wait3A_128 = tpu.memref_slice %arg6[%run_scoped3A_54, %dma_wait3A_127] : memref<125x80xi32, #tpu.memory_space<vmem>> -> memref<1x80xi32, #tpu.memory_space<vmem>>
      %dma_wait3A_129 = tpu.memref_squeeze %dma_wait3A_128 : memref<1x80xi32, #tpu.memory_space<vmem>> -> memref<80xi32, #tpu.memory_space<vmem>>
      %dma_wait3A_130 = arith.constant 0 : i32
      %dma_wait3A_131 = arith.constant 0 : i32
      %dma_wait3A_132 = tpu.memref_slice %arg8[%dma_wait3A_130, %dma_wait3A_131] : memref<10240x128xf32, #tpu.memory_space<vmem_shared>> -> memref<10240x128xf32, #tpu.memory_space<vmem_shared>>
      tpu.wait_indirect_dma semaphore(%run_scoped3A_112 : memref<!tpu.dma_semaphore, #tpu.memory_space<semaphore_mem>>) src(%dma_wait3A_126 : memref<80x128xf32, #tpu.memory_space<vmem>>) dst(%dma_wait3A_132 : memref<10240x128xf32, #tpu.memory_space<vmem_shared>>)
      tpu.yield
    }) : () -> ()
    %add3A_55 = arith.constant 9920 : i32
    %add3A_56 = arith.addi %mul3A_6, %add3A_55 : i32
    %dma_start3A_57 = arith.constant 0 : i32
    %dma_start3A_58 = arith.constant 0 : i32
    %dma_start3A_59 = arith.constant 0 : i32
    %dma_start3A_60 = tpu.memref_slice %arg7[%dma_start3A_57, %dma_start3A_58, %dma_start3A_59] : memref<2x80x128xf32, #tpu.memory_space<vmem>> -> memref<1x80x128xf32, #tpu.memory_space<vmem>>
    %dma_start3A_61 = tpu.memref_squeeze %dma_start3A_60 : memref<1x80x128xf32, #tpu.memory_space<vmem>> -> memref<80x128xf32, #tpu.memory_space<vmem>>
    %dma_start3A_62 = arith.constant 0 : i32
    %dma_start3A_63 = tpu.memref_slice %arg2[%add3A_56, %dma_start3A_62] : memref<320000x128xf32, #tpu.memory_space<hbm>> -> memref<80x128xf32, #tpu.memory_space<hbm>>
    %dma_start3A_64 = arith.constant 0 : i32
    %dma_start3A_65 = arith.constant 0 : i32
    %dma_start3A_66 = tpu.memref_slice %arg7[%dma_start3A_57, %dma_start3A_64, %dma_start3A_65] : memref<2x80x128xf32, #tpu.memory_space<vmem>> -> memref<1x80x128xf32, #tpu.memory_space<vmem>>
    %dma_start3A_67 = tpu.memref_squeeze %dma_start3A_66 : memref<1x80x128xf32, #tpu.memory_space<vmem>> -> memref<80x128xf32, #tpu.memory_space<vmem>>
    %dma_start3A_68 = arith.constant 0 : i32
    %dma_start3A_69 = tpu.memref_slice %arg2[%add3A_56, %dma_start3A_68] : memref<320000x128xf32, #tpu.memory_space<hbm>> -> memref<80x128xf32, #tpu.memory_space<hbm>>
    tpu.enqueue_dma source(%dma_start3A_69 : memref<80x128xf32, #tpu.memory_space<hbm>>) target(%dma_start3A_67 : memref<80x128xf32, #tpu.memory_space<vmem>>) target_semaphore(%arg9 : memref<!tpu.dma_semaphore, #tpu.memory_space<semaphore_mem>>)
    %add3A_70 = arith.constant 9840 : i32
    %add3A_71 = arith.addi %mul3A_6, %add3A_70 : i32
    %dma_wait3A_72 = arith.constant 1 : i32
    %dma_wait3A_73 = arith.constant 0 : i32
    %dma_wait3A_74 = arith.constant 0 : i32
    %dma_wait3A_75 = tpu.memref_slice %arg7[%dma_wait3A_72, %dma_wait3A_73, %dma_wait3A_74] : memref<2x80x128xf32, #tpu.memory_space<vmem>> -> memref<1x80x128xf32, #tpu.memory_space<vmem>>
    %dma_wait3A_76 = tpu.memref_squeeze %dma_wait3A_75 : memref<1x80x128xf32, #tpu.memory_space<vmem>> -> memref<80x128xf32, #tpu.memory_space<vmem>>
    %dma_wait3A_77 = arith.constant 0 : i32
    %dma_wait3A_78 = tpu.memref_slice %arg2[%add3A_71, %dma_wait3A_77] : memref<320000x128xf32, #tpu.memory_space<hbm>> -> memref<80x128xf32, #tpu.memory_space<hbm>>
    %dma_wait3A_79 = arith.constant 0 : i32
    %dma_wait3A_80 = arith.constant 0 : i32
    %dma_wait3A_81 = tpu.memref_slice %arg7[%dma_wait3A_72, %dma_wait3A_79, %dma_wait3A_80] : memref<2x80x128xf32, #tpu.memory_space<vmem>> -> memref<1x80x128xf32, #tpu.memory_space<vmem>>
    %dma_wait3A_82 = tpu.memref_squeeze %dma_wait3A_81 : memref<1x80x128xf32, #tpu.memory_space<vmem>> -> memref<80x128xf32, #tpu.memory_space<vmem>>
    %dma_wait3A_83 = arith.constant 0 : i32
    %dma_wait3A_84 = tpu.memref_slice %arg2[%add3A_71, %dma_wait3A_83] : memref<320000x128xf32, #tpu.memory_space<hbm>> -> memref<80x128xf32, #tpu.memory_space<hbm>>
    tpu.wait_dma2 semaphore(%arg10 : memref<!tpu.dma_semaphore, #tpu.memory_space<semaphore_mem>>) src(%dma_wait3A_84 : memref<80x128xf32, #tpu.memory_space<hbm>>) dst(%dma_wait3A_82 : memref<80x128xf32, #tpu.memory_space<vmem>>)
    %run_scoped3A_85 = arith.constant 1 : i32
    %run_scoped3A_86 = arith.constant 123 : i32
    "tpu.region"() ({
      %run_scoped3A_112 = tpu.sem_alloc : memref<!tpu.dma_semaphore, #tpu.memory_space<semaphore_mem>>
      %dma_start3A_113 = arith.constant 0 : i32
      %dma_start3A_114 = arith.constant 0 : i32
      %dma_start3A_115 = tpu.memref_slice %arg7[%run_scoped3A_85, %dma_start3A_113, %dma_start3A_114] : memref<2x80x128xf32, #tpu.memory_space<vmem>> -> memref<1x80x128xf32, #tpu.memory_space<vmem>>
      %dma_start3A_116 = tpu.memref_squeeze %dma_start3A_115 : memref<1x80x128xf32, #tpu.memory_space<vmem>> -> memref<80x128xf32, #tpu.memory_space<vmem>>
      %dma_start3A_117 = arith.constant 0 : i32
      %dma_start3A_118 = tpu.memref_slice %arg6[%run_scoped3A_86, %dma_start3A_117] : memref<125x80xi32, #tpu.memory_space<vmem>> -> memref<1x80xi32, #tpu.memory_space<vmem>>
      %dma_start3A_119 = tpu.memref_squeeze %dma_start3A_118 : memref<1x80xi32, #tpu.memory_space<vmem>> -> memref<80xi32, #tpu.memory_space<vmem>>
      %dma_start3A_120 = arith.constant 0 : i32
      %dma_start3A_121 = arith.constant 0 : i32
      %dma_start3A_122 = tpu.memref_slice %arg8[%dma_start3A_120, %dma_start3A_121] : memref<10240x128xf32, #tpu.memory_space<vmem_shared>> -> memref<10240x128xf32, #tpu.memory_space<vmem_shared>>
      tpu.enqueue_indirect_dma source(%dma_start3A_116 : memref<80x128xf32, #tpu.memory_space<vmem>>) target(%dma_start3A_122 : memref<10240x128xf32, #tpu.memory_space<vmem_shared>>) offsets(%dma_start3A_119 : memref<80xi32, #tpu.memory_space<vmem>>) semaphore(%run_scoped3A_112 : memref<!tpu.dma_semaphore, #tpu.memory_space<semaphore_mem>>) {add = true}
      %dma_wait3A_123 = arith.constant 0 : i32
      %dma_wait3A_124 = arith.constant 0 : i32
      %dma_wait3A_125 = tpu.memref_slice %arg7[%run_scoped3A_85, %dma_wait3A_123, %dma_wait3A_124] : memref<2x80x128xf32, #tpu.memory_space<vmem>> -> memref<1x80x128xf32, #tpu.memory_space<vmem>>
      %dma_wait3A_126 = tpu.memref_squeeze %dma_wait3A_125 : memref<1x80x128xf32, #tpu.memory_space<vmem>> -> memref<80x128xf32, #tpu.memory_space<vmem>>
      %dma_wait3A_127 = arith.constant 0 : i32
      %dma_wait3A_128 = tpu.memref_slice %arg6[%run_scoped3A_86, %dma_wait3A_127] : memref<125x80xi32, #tpu.memory_space<vmem>> -> memref<1x80xi32, #tpu.memory_space<vmem>>
      %dma_wait3A_129 = tpu.memref_squeeze %dma_wait3A_128 : memref<1x80xi32, #tpu.memory_space<vmem>> -> memref<80xi32, #tpu.memory_space<vmem>>
      %dma_wait3A_130 = arith.constant 0 : i32
      %dma_wait3A_131 = arith.constant 0 : i32
      %dma_wait3A_132 = tpu.memref_slice %arg8[%dma_wait3A_130, %dma_wait3A_131] : memref<10240x128xf32, #tpu.memory_space<vmem_shared>> -> memref<10240x128xf32, #tpu.memory_space<vmem_shared>>
      tpu.wait_indirect_dma semaphore(%run_scoped3A_112 : memref<!tpu.dma_semaphore, #tpu.memory_space<semaphore_mem>>) src(%dma_wait3A_126 : memref<80x128xf32, #tpu.memory_space<vmem>>) dst(%dma_wait3A_132 : memref<10240x128xf32, #tpu.memory_space<vmem_shared>>)
      tpu.yield
    }) : () -> ()
    %add3A_87 = arith.constant 9920 : i32
    %add3A_88 = arith.addi %mul3A_6, %add3A_87 : i32
    %dma_wait3A_89 = arith.constant 0 : i32
    %dma_wait3A_90 = arith.constant 0 : i32
    %dma_wait3A_91 = arith.constant 0 : i32
    %dma_wait3A_92 = tpu.memref_slice %arg7[%dma_wait3A_89, %dma_wait3A_90, %dma_wait3A_91] : memref<2x80x128xf32, #tpu.memory_space<vmem>> -> memref<1x80x128xf32, #tpu.memory_space<vmem>>
    %dma_wait3A_93 = tpu.memref_squeeze %dma_wait3A_92 : memref<1x80x128xf32, #tpu.memory_space<vmem>> -> memref<80x128xf32, #tpu.memory_space<vmem>>
    %dma_wait3A_94 = arith.constant 0 : i32
    %dma_wait3A_95 = tpu.memref_slice %arg2[%add3A_88, %dma_wait3A_94] : memref<320000x128xf32, #tpu.memory_space<hbm>> -> memref<80x128xf32, #tpu.memory_space<hbm>>
    %dma_wait3A_96 = arith.constant 0 : i32
    %dma_wait3A_97 = arith.constant 0 : i32
    %dma_wait3A_98 = tpu.memref_slice %arg7[%dma_wait3A_89, %dma_wait3A_96, %dma_wait3A_97] : memref<2x80x128xf32, #tpu.memory_space<vmem>> -> memref<1x80x128xf32, #tpu.memory_space<vmem>>
    %dma_wait3A_99 = tpu.memref_squeeze %dma_wait3A_98 : memref<1x80x128xf32, #tpu.memory_space<vmem>> -> memref<80x128xf32, #tpu.memory_space<vmem>>
    %dma_wait3A_100 = arith.constant 0 : i32
    %dma_wait3A_101 = tpu.memref_slice %arg2[%add3A_88, %dma_wait3A_100] : memref<320000x128xf32, #tpu.memory_space<hbm>> -> memref<80x128xf32, #tpu.memory_space<hbm>>
    tpu.wait_dma2 semaphore(%arg9 : memref<!tpu.dma_semaphore, #tpu.memory_space<semaphore_mem>>) src(%dma_wait3A_101 : memref<80x128xf32, #tpu.memory_space<hbm>>) dst(%dma_wait3A_99 : memref<80x128xf32, #tpu.memory_space<vmem>>)
    %run_scoped3A_102 = arith.constant 0 : i32
    %run_scoped3A_103 = arith.constant 124 : i32
    "tpu.region"() ({
      %run_scoped3A_112 = tpu.sem_alloc : memref<!tpu.dma_semaphore, #tpu.memory_space<semaphore_mem>>
      %dma_start3A_113 = arith.constant 0 : i32
      %dma_start3A_114 = arith.constant 0 : i32
      %dma_start3A_115 = tpu.memref_slice %arg7[%run_scoped3A_102, %dma_start3A_113, %dma_start3A_114] : memref<2x80x128xf32, #tpu.memory_space<vmem>> -> memref<1x80x128xf32, #tpu.memory_space<vmem>>
      %dma_start3A_116 = tpu.memref_squeeze %dma_start3A_115 : memref<1x80x128xf32, #tpu.memory_space<vmem>> -> memref<80x128xf32, #tpu.memory_space<vmem>>
      %dma_start3A_117 = arith.constant 0 : i32
      %dma_start3A_118 = tpu.memref_slice %arg6[%run_scoped3A_103, %dma_start3A_117] : memref<125x80xi32, #tpu.memory_space<vmem>> -> memref<1x80xi32, #tpu.memory_space<vmem>>
      %dma_start3A_119 = tpu.memref_squeeze %dma_start3A_118 : memref<1x80xi32, #tpu.memory_space<vmem>> -> memref<80xi32, #tpu.memory_space<vmem>>
      %dma_start3A_120 = arith.constant 0 : i32
      %dma_start3A_121 = arith.constant 0 : i32
      %dma_start3A_122 = tpu.memref_slice %arg8[%dma_start3A_120, %dma_start3A_121] : memref<10240x128xf32, #tpu.memory_space<vmem_shared>> -> memref<10240x128xf32, #tpu.memory_space<vmem_shared>>
      tpu.enqueue_indirect_dma source(%dma_start3A_116 : memref<80x128xf32, #tpu.memory_space<vmem>>) target(%dma_start3A_122 : memref<10240x128xf32, #tpu.memory_space<vmem_shared>>) offsets(%dma_start3A_119 : memref<80xi32, #tpu.memory_space<vmem>>) semaphore(%run_scoped3A_112 : memref<!tpu.dma_semaphore, #tpu.memory_space<semaphore_mem>>) {add = true}
      %dma_wait3A_123 = arith.constant 0 : i32
      %dma_wait3A_124 = arith.constant 0 : i32
      %dma_wait3A_125 = tpu.memref_slice %arg7[%run_scoped3A_102, %dma_wait3A_123, %dma_wait3A_124] : memref<2x80x128xf32, #tpu.memory_space<vmem>> -> memref<1x80x128xf32, #tpu.memory_space<vmem>>
      %dma_wait3A_126 = tpu.memref_squeeze %dma_wait3A_125 : memref<1x80x128xf32, #tpu.memory_space<vmem>> -> memref<80x128xf32, #tpu.memory_space<vmem>>
      %dma_wait3A_127 = arith.constant 0 : i32
      %dma_wait3A_128 = tpu.memref_slice %arg6[%run_scoped3A_103, %dma_wait3A_127] : memref<125x80xi32, #tpu.memory_space<vmem>> -> memref<1x80xi32, #tpu.memory_space<vmem>>
      %dma_wait3A_129 = tpu.memref_squeeze %dma_wait3A_128 : memref<1x80xi32, #tpu.memory_space<vmem>> -> memref<80xi32, #tpu.memory_space<vmem>>
      %dma_wait3A_130 = arith.constant 0 : i32
      %dma_wait3A_131 = arith.constant 0 : i32
      %dma_wait3A_132 = tpu.memref_slice %arg8[%dma_wait3A_130, %dma_wait3A_131] : memref<10240x128xf32, #tpu.memory_space<vmem_shared>> -> memref<10240x128xf32, #tpu.memory_space<vmem_shared>>
      tpu.wait_indirect_dma semaphore(%run_scoped3A_112 : memref<!tpu.dma_semaphore, #tpu.memory_space<semaphore_mem>>) src(%dma_wait3A_126 : memref<80x128xf32, #tpu.memory_space<vmem>>) dst(%dma_wait3A_132 : memref<10240x128xf32, #tpu.memory_space<vmem_shared>>)
      tpu.yield
    }) : () -> ()
    %barrier3A_104 = arith.constant 0 : index
    tpu.barrier barrier_id(%barrier3A_104)
    %mul3A_105 = arith.constant 640 : i32
    %mul3A_106 = arith.muli %arg1, %mul3A_105 : i32
    %mul3A_107 = arith.constant 10240 : i32
    %mul3A_108 = arith.muli %arg0, %mul3A_107 : i32
    %mul3A_109 = arith.constant 640 : i32
    %mul3A_110 = arith.muli %arg1, %mul3A_109 : i32
    %add3A_111 = arith.addi %mul3A_108, %mul3A_110 : i32
    "tpu.region"() ({
      %run_scoped3A_112 = tpu.sem_alloc : memref<!tpu.dma_semaphore, #tpu.memory_space<semaphore_mem>>
      %dma_start3A_113 = arith.constant 0 : i32
      %dma_start3A_114 = tpu.memref_slice %arg5[%add3A_111, %dma_start3A_113] : memref<20480x128xf32, #tpu.memory_space<hbm>> -> memref<640x128xf32, #tpu.memory_space<hbm>>
      %dma_start3A_115 = arith.constant 0 : i32
      %dma_start3A_116 = tpu.memref_slice %arg8[%mul3A_106, %dma_start3A_115] : memref<10240x128xf32, #tpu.memory_space<vmem_shared>> -> memref<640x128xf32, #tpu.memory_space<vmem_shared>>
      tpu.enqueue_dma source(%dma_start3A_116 : memref<640x128xf32, #tpu.memory_space<vmem_shared>>) target(%dma_start3A_114 : memref<640x128xf32, #tpu.memory_space<hbm>>) target_semaphore(%run_scoped3A_112 : memref<!tpu.dma_semaphore, #tpu.memory_space<semaphore_mem>>)
      %dma_wait3A_117 = arith.constant 0 : i32
      %dma_wait3A_118 = tpu.memref_slice %arg5[%add3A_111, %dma_wait3A_117] : memref<20480x128xf32, #tpu.memory_space<hbm>> -> memref<640x128xf32, #tpu.memory_space<hbm>>
      %dma_wait3A_119 = arith.constant 0 : i32
      %dma_wait3A_120 = tpu.memref_slice %arg8[%mul3A_106, %dma_wait3A_119] : memref<10240x128xf32, #tpu.memory_space<vmem_shared>> -> memref<640x128xf32, #tpu.memory_space<vmem_shared>>
      tpu.wait_dma2 semaphore(%run_scoped3A_112 : memref<!tpu.dma_semaphore, #tpu.memory_space<semaphore_mem>>) src(%dma_wait3A_120 : memref<640x128xf32, #tpu.memory_space<vmem_shared>>) dst(%dma_wait3A_118 : memref<640x128xf32, #tpu.memory_space<hbm>>)
      tpu.yield
    }) : () -> ()
    return
  }
}

#map = affine_map<(d0, d1) -> (0, 0)>
#map1 = affine_map<(d0, d1) -> (0, 0, 0)>
module attributes {stable_mosaic.version = 14 : i64} {
  func.func @k(%arg0: i32, %arg1: i32, %arg2: memref<320000x128xf32, #tpu.memory_space<hbm>>, %arg3: memref<32x125x80xi32, #tpu.memory_space<hbm>>, %arg4: memref<10240x128xf32, #tpu.memory_space<hbm>>, %arg5: memref<20480x128xf32, #tpu.memory_space<hbm>>, %arg6: memref<125x80xi32, #tpu.memory_space<vmem>>, %arg7: memref<2x80x128xf32, #tpu.memory_space<vmem>>, %arg8: memref<10240x128xf32, #tpu.memory_space<vmem_shared>>, %arg9: memref<!tpu.dma_semaphore, #tpu.memory_space<semaphore_mem>>, %arg10: memref<!tpu.dma_semaphore, #tpu.memory_space<semaphore_mem>>) attributes {dimension_semantics = [#tpu.dimension_semantics<core_parallel>, #tpu.dimension_semantics<subcore_parallel>], iteration_bounds = array<i64: 2, 16>, scalar_prefetch = 0 : i64, scratch_operands = 5 : i64, tpu.core_type = #tpu.core_type<sc_vector_subcore>, window_params = [{transform_indices = #map}, {transform_indices = #map1}, {transform_indices = #map}, {transform_indices = #map}]} {
    %mul3A = arith.constant 16 : i32
    %mul3A_0 = arith.muli %arg0, %mul3A : i32
    %add3A = arith.addi %mul3A_0, %arg1 : i32
    %mul3A_1 = arith.constant 640 : i32
    %mul3A_2 = arith.muli %arg1, %mul3A_1 : i32
    %mul3A_3 = arith.constant 640 : i32
    %mul3A_4 = arith.muli %arg1, %mul3A_3 : i32
    "tpu.region"() ({
      %run_scoped3A_112 = tpu.sem_alloc : memref<!tpu.dma_semaphore, #tpu.memory_space<semaphore_mem>>
      %dma_start3A_113 = arith.constant 0 : i32
      %dma_start3A_114 = tpu.memref_slice %arg8[%mul3A_4, %dma_start3A_113] : memref<10240x128xf32, #tpu.memory_space<vmem_shared>> -> memref<640x128xf32, #tpu.memory_space<vmem_shared>>
      %dma_start3A_115 = arith.constant 0 : i32
      %dma_start3A_116 = tpu.memref_slice %arg4[%mul3A_2, %dma_start3A_115] : memref<10240x128xf32, #tpu.memory_space<hbm>> -> memref<640x128xf32, #tpu.memory_space<hbm>>
      tpu.enqueue_dma source(%dma_start3A_116 : memref<640x128xf32, #tpu.memory_space<hbm>>) target(%dma_start3A_114 : memref<640x128xf32, #tpu.memory_space<vmem_shared>>) target_semaphore(%run_scoped3A_112 : memref<!tpu.dma_semaphore, #tpu.memory_space<semaphore_mem>>)
      %dma_wait3A_117 = arith.constant 0 : i32
      %dma_wait3A_118 = tpu.memref_slice %arg8[%mul3A_4, %dma_wait3A_117] : memref<10240x128xf32, #tpu.memory_space<vmem_shared>> -> memref<640x128xf32, #tpu.memory_space<vmem_shared>>
      %dma_wait3A_119 = arith.constant 0 : i32
      %dma_wait3A_120 = tpu.memref_slice %arg4[%mul3A_2, %dma_wait3A_119] : memref<10240x128xf32, #tpu.memory_space<hbm>> -> memref<640x128xf32, #tpu.memory_space<hbm>>
      tpu.wait_dma2 semaphore(%run_scoped3A_112 : memref<!tpu.dma_semaphore, #tpu.memory_space<semaphore_mem>>) src(%dma_wait3A_120 : memref<640x128xf32, #tpu.memory_space<hbm>>) dst(%dma_wait3A_118 : memref<640x128xf32, #tpu.memory_space<vmem_shared>>)
      tpu.yield
    }) : () -> ()
    %barrier3A = arith.constant 0 : index
    tpu.barrier barrier_id(%barrier3A)
    %mul3A_5 = arith.constant 10000 : i32
    %mul3A_6 = arith.muli %add3A, %mul3A_5 : i32
    "tpu.region"() ({
      %run_scoped3A_112 = tpu.sem_alloc : memref<!tpu.dma_semaphore, #tpu.memory_space<semaphore_mem>>
      %dma_start3A_113 = arith.constant 0 : i32
      %dma_start3A_114 = arith.constant 0 : i32
      %dma_start3A_115 = tpu.memref_slice %arg6[%dma_start3A_113, %dma_start3A_114] : memref<125x80xi32, #tpu.memory_space<vmem>> -> memref<125x80xi32, #tpu.memory_space<vmem>>
      %dma_start3A_116 = arith.constant 0 : i32
      %dma_start3A_117 = arith.constant 0 : i32
      %dma_start3A_118 = tpu.memref_slice %arg3[%add3A, %dma_start3A_116, %dma_start3A_117] : memref<32x125x80xi32, #tpu.memory_space<hbm>> -> memref<1x125x80xi32, #tpu.memory_space<hbm>>
      %dma_start3A_119 = tpu.memref_squeeze %dma_start3A_118 : memref<1x125x80xi32, #tpu.memory_space<hbm>> -> memref<125x80xi32, #tpu.memory_space<hbm>>
      %dma_start3A_120 = arith.constant 0 : i32
      %dma_start3A_121 = arith.constant 0 : i32
      %dma_start3A_122 = tpu.memref_slice %arg6[%dma_start3A_120, %dma_start3A_121] : memref<125x80xi32, #tpu.memory_space<vmem>> -> memref<125x80xi32, #tpu.memory_space<vmem>>
      %dma_start3A_123 = arith.constant 0 : i32
      %dma_start3A_124 = arith.constant 0 : i32
      %dma_start3A_125 = tpu.memref_slice %arg3[%add3A, %dma_start3A_123, %dma_start3A_124] : memref<32x125x80xi32, #tpu.memory_space<hbm>> -> memref<1x125x80xi32, #tpu.memory_space<hbm>>
      %dma_start3A_126 = tpu.memref_squeeze %dma_start3A_125 : memref<1x125x80xi32, #tpu.memory_space<hbm>> -> memref<125x80xi32, #tpu.memory_space<hbm>>
      tpu.enqueue_dma source(%dma_start3A_126 : memref<125x80xi32, #tpu.memory_space<hbm>>) target(%dma_start3A_122 : memref<125x80xi32, #tpu.memory_space<vmem>>) target_semaphore(%run_scoped3A_112 : memref<!tpu.dma_semaphore, #tpu.memory_space<semaphore_mem>>)
      %dma_wait3A_127 = arith.constant 0 : i32
      %dma_wait3A_128 = arith.constant 0 : i32
      %dma_wait3A_129 = tpu.memref_slice %arg6[%dma_wait3A_127, %dma_wait3A_128] : memref<125x80xi32, #tpu.memory_space<vmem>> -> memref<125x80xi32, #tpu.memory_space<vmem>>
      %dma_wait3A_130 = arith.constant 0 : i32
      %dma_wait3A_131 = arith.constant 0 : i32
      %dma_wait3A_132 = tpu.memref_slice %arg3[%add3A, %dma_wait3A_130, %dma_wait3A_131] : memref<32x125x80xi32, #tpu.memory_space<hbm>> -> memref<1x125x80xi32, #tpu.memory_space<hbm>>
      %dma_wait3A_133 = tpu.memref_squeeze %dma_wait3A_132 : memref<1x125x80xi32, #tpu.memory_space<hbm>> -> memref<125x80xi32, #tpu.memory_space<hbm>>
      %dma_wait3A_134 = arith.constant 0 : i32
      %dma_wait3A_135 = arith.constant 0 : i32
      %dma_wait3A_136 = tpu.memref_slice %arg6[%dma_wait3A_134, %dma_wait3A_135] : memref<125x80xi32, #tpu.memory_space<vmem>> -> memref<125x80xi32, #tpu.memory_space<vmem>>
      %dma_wait3A_137 = arith.constant 0 : i32
      %dma_wait3A_138 = arith.constant 0 : i32
      %dma_wait3A_139 = tpu.memref_slice %arg3[%add3A, %dma_wait3A_137, %dma_wait3A_138] : memref<32x125x80xi32, #tpu.memory_space<hbm>> -> memref<1x125x80xi32, #tpu.memory_space<hbm>>
      %dma_wait3A_140 = tpu.memref_squeeze %dma_wait3A_139 : memref<1x125x80xi32, #tpu.memory_space<hbm>> -> memref<125x80xi32, #tpu.memory_space<hbm>>
      tpu.wait_dma2 semaphore(%run_scoped3A_112 : memref<!tpu.dma_semaphore, #tpu.memory_space<semaphore_mem>>) src(%dma_wait3A_140 : memref<125x80xi32, #tpu.memory_space<hbm>>) dst(%dma_wait3A_136 : memref<125x80xi32, #tpu.memory_space<vmem>>)
      tpu.yield
    }) : () -> ()
    %add3A_7 = arith.constant 0 : i32
    %add3A_8 = arith.addi %mul3A_6, %add3A_7 : i32
    %dma_start3A = arith.constant 0 : i32
    %dma_start3A_9 = arith.constant 0 : i32
    %dma_start3A_10 = arith.constant 0 : i32
    %dma_start3A_11 = tpu.memref_slice %arg7[%dma_start3A, %dma_start3A_9, %dma_start3A_10] : memref<2x80x128xf32, #tpu.memory_space<vmem>> -> memref<1x80x128xf32, #tpu.memory_space<vmem>>
    %dma_start3A_12 = tpu.memref_squeeze %dma_start3A_11 : memref<1x80x128xf32, #tpu.memory_space<vmem>> -> memref<80x128xf32, #tpu.memory_space<vmem>>
    %dma_start3A_13 = arith.constant 0 : i32
    %dma_start3A_14 = tpu.memref_slice %arg2[%add3A_8, %dma_start3A_13] : memref<320000x128xf32, #tpu.memory_space<hbm>> -> memref<80x128xf32, #tpu.memory_space<hbm>>
    %dma_start3A_15 = arith.constant 0 : i32
    %dma_start3A_16 = arith.constant 0 : i32
    %dma_start3A_17 = tpu.memref_slice %arg7[%dma_start3A, %dma_start3A_15, %dma_start3A_16] : memref<2x80x128xf32, #tpu.memory_space<vmem>> -> memref<1x80x128xf32, #tpu.memory_space<vmem>>
    %dma_start3A_18 = tpu.memref_squeeze %dma_start3A_17 : memref<1x80x128xf32, #tpu.memory_space<vmem>> -> memref<80x128xf32, #tpu.memory_space<vmem>>
    %dma_start3A_19 = arith.constant 0 : i32
    %dma_start3A_20 = tpu.memref_slice %arg2[%add3A_8, %dma_start3A_19] : memref<320000x128xf32, #tpu.memory_space<hbm>> -> memref<80x128xf32, #tpu.memory_space<hbm>>
    tpu.enqueue_dma source(%dma_start3A_20 : memref<80x128xf32, #tpu.memory_space<hbm>>) target(%dma_start3A_18 : memref<80x128xf32, #tpu.memory_space<vmem>>) target_semaphore(%arg9 : memref<!tpu.dma_semaphore, #tpu.memory_space<semaphore_mem>>)
    %add3A_21 = arith.constant 80 : i32
    %add3A_22 = arith.addi %mul3A_6, %add3A_21 : i32
    %dma_start3A_23 = arith.constant 1 : i32
    %dma_start3A_24 = arith.constant 0 : i32
    %dma_start3A_25 = arith.constant 0 : i32
    %dma_start3A_26 = tpu.memref_slice %arg7[%dma_start3A_23, %dma_start3A_24, %dma_start3A_25] : memref<2x80x128xf32, #tpu.memory_space<vmem>> -> memref<1x80x128xf32, #tpu.memory_space<vmem>>
    %dma_start3A_27 = tpu.memref_squeeze %dma_start3A_26 : memref<1x80x128xf32, #tpu.memory_space<vmem>> -> memref<80x128xf32, #tpu.memory_space<vmem>>
    %dma_start3A_28 = arith.constant 0 : i32
    %dma_start3A_29 = tpu.memref_slice %arg2[%add3A_22, %dma_start3A_28] : memref<320000x128xf32, #tpu.memory_space<hbm>> -> memref<80x128xf32, #tpu.memory_space<hbm>>
    %dma_start3A_30 = arith.constant 0 : i32
    %dma_start3A_31 = arith.constant 0 : i32
    %dma_start3A_32 = tpu.memref_slice %arg7[%dma_start3A_23, %dma_start3A_30, %dma_start3A_31] : memref<2x80x128xf32, #tpu.memory_space<vmem>> -> memref<1x80x128xf32, #tpu.memory_space<vmem>>
    %dma_start3A_33 = tpu.memref_squeeze %dma_start3A_32 : memref<1x80x128xf32, #tpu.memory_space<vmem>> -> memref<80x128xf32, #tpu.memory_space<vmem>>
    %dma_start3A_34 = arith.constant 0 : i32
    %dma_start3A_35 = tpu.memref_slice %arg2[%add3A_22, %dma_start3A_34] : memref<320000x128xf32, #tpu.memory_space<hbm>> -> memref<80x128xf32, #tpu.memory_space<hbm>>
    tpu.enqueue_dma source(%dma_start3A_35 : memref<80x128xf32, #tpu.memory_space<hbm>>) target(%dma_start3A_33 : memref<80x128xf32, #tpu.memory_space<vmem>>) target_semaphore(%arg10 : memref<!tpu.dma_semaphore, #tpu.memory_space<semaphore_mem>>)
    %scan3A = arith.constant 0 : i32
    %scan3A_36 = arith.constant 61 : i32
    %scan3A_37 = arith.addi %scan3A, %scan3A_36 : i32
    %scan3A_38 = arith.constant 1 : i32
    scf.for %scan3A_112 = %scan3A to %scan3A_37 step %scan3A_38  : i32 {
      %mul3A_113 = arith.constant 1 : i32
      %mul3A_114 = arith.muli %scan3A_112, %mul3A_113 : i32
      %add3A_115 = arith.constant 0 : i32
      %add3A_116 = arith.addi %add3A_115, %mul3A_114 : i32
      %mul3A_117 = arith.constant 2 : i32
      %mul3A_118 = arith.muli %mul3A_117, %add3A_116 : i32
      %add3A_119 = arith.constant 0 : i32
      %add3A_120 = arith.addi %mul3A_118, %add3A_119 : i32
      %mul3A_121 = arith.constant 80 : i32
      %mul3A_122 = arith.muli %add3A_120, %mul3A_121 : i32
      %add3A_123 = arith.addi %mul3A_6, %mul3A_122 : i32
      %dma_wait3A_124 = arith.constant 0 : i32
      %dma_wait3A_125 = arith.constant 0 : i32
      %dma_wait3A_126 = arith.constant 0 : i32
      %dma_wait3A_127 = tpu.memref_slice %arg7[%dma_wait3A_124, %dma_wait3A_125, %dma_wait3A_126] : memref<2x80x128xf32, #tpu.memory_space<vmem>> -> memref<1x80x128xf32, #tpu.memory_space<vmem>>
      %dma_wait3A_128 = tpu.memref_squeeze %dma_wait3A_127 : memref<1x80x128xf32, #tpu.memory_space<vmem>> -> memref<80x128xf32, #tpu.memory_space<vmem>>
      %dma_wait3A_129 = arith.constant 0 : i32
      %dma_wait3A_130 = tpu.memref_slice %arg2[%add3A_123, %dma_wait3A_129] : memref<320000x128xf32, #tpu.memory_space<hbm>> -> memref<80x128xf32, #tpu.memory_space<hbm>>
      %dma_wait3A_131 = arith.constant 0 : i32
      %dma_wait3A_132 = arith.constant 0 : i32
      %dma_wait3A_133 = tpu.memref_slice %arg7[%dma_wait3A_124, %dma_wait3A_131, %dma_wait3A_132] : memref<2x80x128xf32, #tpu.memory_space<vmem>> -> memref<1x80x128xf32, #tpu.memory_space<vmem>>
      %dma_wait3A_134 = tpu.memref_squeeze %dma_wait3A_133 : memref<1x80x128xf32, #tpu.memory_space<vmem>> -> memref<80x128xf32, #tpu.memory_space<vmem>>
      %dma_wait3A_135 = arith.constant 0 : i32
      %dma_wait3A_136 = tpu.memref_slice %arg2[%add3A_123, %dma_wait3A_135] : memref<320000x128xf32, #tpu.memory_space<hbm>> -> memref<80x128xf32, #tpu.memory_space<hbm>>
      tpu.wait_dma2 semaphore(%arg9 : memref<!tpu.dma_semaphore, #tpu.memory_space<semaphore_mem>>) src(%dma_wait3A_136 : memref<80x128xf32, #tpu.memory_space<hbm>>) dst(%dma_wait3A_134 : memref<80x128xf32, #tpu.memory_space<vmem>>)
      %run_scoped3A_137 = arith.constant 0 : i32
      "tpu.region"() ({
        %run_scoped3A_195 = tpu.sem_alloc : memref<!tpu.dma_semaphore, #tpu.memory_space<semaphore_mem>>
        %dma_start3A_196 = arith.constant 0 : i32
        %dma_start3A_197 = arith.constant 0 : i32
        %dma_start3A_198 = tpu.memref_slice %arg7[%run_scoped3A_137, %dma_start3A_196, %dma_start3A_197] : memref<2x80x128xf32, #tpu.memory_space<vmem>> -> memref<1x80x128xf32, #tpu.memory_space<vmem>>
        %dma_start3A_199 = tpu.memref_squeeze %dma_start3A_198 : memref<1x80x128xf32, #tpu.memory_space<vmem>> -> memref<80x128xf32, #tpu.memory_space<vmem>>
        %dma_start3A_200 = arith.constant 0 : i32
        %dma_start3A_201 = tpu.memref_slice %arg6[%add3A_120, %dma_start3A_200] : memref<125x80xi32, #tpu.memory_space<vmem>> -> memref<1x80xi32, #tpu.memory_space<vmem>>
        %dma_start3A_202 = tpu.memref_squeeze %dma_start3A_201 : memref<1x80xi32, #tpu.memory_space<vmem>> -> memref<80xi32, #tpu.memory_space<vmem>>
        %dma_start3A_203 = arith.constant 0 : i32
        %dma_start3A_204 = arith.constant 0 : i32
        %dma_start3A_205 = tpu.memref_slice %arg8[%dma_start3A_203, %dma_start3A_204] : memref<10240x128xf32, #tpu.memory_space<vmem_shared>> -> memref<10240x128xf32, #tpu.memory_space<vmem_shared>>
        tpu.enqueue_indirect_dma source(%dma_start3A_199 : memref<80x128xf32, #tpu.memory_space<vmem>>) target(%dma_start3A_205 : memref<10240x128xf32, #tpu.memory_space<vmem_shared>>) offsets(%dma_start3A_202 : memref<80xi32, #tpu.memory_space<vmem>>) semaphore(%run_scoped3A_195 : memref<!tpu.dma_semaphore, #tpu.memory_space<semaphore_mem>>) {add = true}
        %dma_wait3A_206 = arith.constant 0 : i32
        %dma_wait3A_207 = arith.constant 0 : i32
        %dma_wait3A_208 = tpu.memref_slice %arg7[%run_scoped3A_137, %dma_wait3A_206, %dma_wait3A_207] : memref<2x80x128xf32, #tpu.memory_space<vmem>> -> memref<1x80x128xf32, #tpu.memory_space<vmem>>
        %dma_wait3A_209 = tpu.memref_squeeze %dma_wait3A_208 : memref<1x80x128xf32, #tpu.memory_space<vmem>> -> memref<80x128xf32, #tpu.memory_space<vmem>>
        %dma_wait3A_210 = arith.constant 0 : i32
        %dma_wait3A_211 = tpu.memref_slice %arg6[%add3A_120, %dma_wait3A_210] : memref<125x80xi32, #tpu.memory_space<vmem>> -> memref<1x80xi32, #tpu.memory_space<vmem>>
        %dma_wait3A_212 = tpu.memref_squeeze %dma_wait3A_211 : memref<1x80xi32, #tpu.memory_space<vmem>> -> memref<80xi32, #tpu.memory_space<vmem>>
        %dma_wait3A_213 = arith.constant 0 : i32
        %dma_wait3A_214 = arith.constant 0 : i32
        %dma_wait3A_215 = tpu.memref_slice %arg8[%dma_wait3A_213, %dma_wait3A_214] : memref<10240x128xf32, #tpu.memory_space<vmem_shared>> -> memref<10240x128xf32, #tpu.memory_space<vmem_shared>>
        tpu.wait_indirect_dma semaphore(%run_scoped3A_195 : memref<!tpu.dma_semaphore, #tpu.memory_space<semaphore_mem>>) src(%dma_wait3A_209 : memref<80x128xf32, #tpu.memory_space<vmem>>) dst(%dma_wait3A_215 : memref<10240x128xf32, #tpu.memory_space<vmem_shared>>)
        tpu.yield
      }) : () -> ()
      %add3A_138 = arith.constant 2 : i32
      %add3A_139 = arith.addi %add3A_120, %add3A_138 : i32
      %mul3A_140 = arith.constant 80 : i32
      %mul3A_141 = arith.muli %add3A_139, %mul3A_140 : i32
      %add3A_142 = arith.addi %mul3A_6, %mul3A_141 : i32
      %dma_start3A_143 = arith.constant 0 : i32
      %dma_start3A_144 = arith.constant 0 : i32
      %dma_start3A_145 = arith.constant 0 : i32
      %dma_start3A_146 = tpu.memref_slice %arg7[%dma_start3A_143, %dma_start3A_144, %dma_start3A_145] : memref<2x80x128xf32, #tpu.memory_space<vmem>> -> memref<1x80x128xf32, #tpu.memory_space<vmem>>
      %dma_start3A_147 = tpu.memref_squeeze %dma_start3A_146 : memref<1x80x128xf32, #tpu.memory_space<vmem>> -> memref<80x128xf32, #tpu.memory_space<vmem>>
      %dma_start3A_148 = arith.constant 0 : i32
      %dma_start3A_149 = tpu.memref_slice %arg2[%add3A_142, %dma_start3A_148] : memref<320000x128xf32, #tpu.memory_space<hbm>> -> memref<80x128xf32, #tpu.memory_space<hbm>>
      %dma_start3A_150 = arith.constant 0 : i32
      %dma_start3A_151 = arith.constant 0 : i32
      %dma_start3A_152 = tpu.memref_slice %arg7[%dma_start3A_143, %dma_start3A_150, %dma_start3A_151] : memref<2x80x128xf32, #tpu.memory_space<vmem>> -> memref<1x80x128xf32, #tpu.memory_space<vmem>>
      %dma_start3A_153 = tpu.memref_squeeze %dma_start3A_152 : memref<1x80x128xf32, #tpu.memory_space<vmem>> -> memref<80x128xf32, #tpu.memory_space<vmem>>
      %dma_start3A_154 = arith.constant 0 : i32
      %dma_start3A_155 = tpu.memref_slice %arg2[%add3A_142, %dma_start3A_154] : memref<320000x128xf32, #tpu.memory_space<hbm>> -> memref<80x128xf32, #tpu.memory_space<hbm>>
      tpu.enqueue_dma source(%dma_start3A_155 : memref<80x128xf32, #tpu.memory_space<hbm>>) target(%dma_start3A_153 : memref<80x128xf32, #tpu.memory_space<vmem>>) target_semaphore(%arg9 : memref<!tpu.dma_semaphore, #tpu.memory_space<semaphore_mem>>)
      %mul3A_156 = arith.constant 2 : i32
      %mul3A_157 = arith.muli %mul3A_156, %add3A_116 : i32
      %add3A_158 = arith.constant 1 : i32
      %add3A_159 = arith.addi %mul3A_157, %add3A_158 : i32
      %mul3A_160 = arith.constant 80 : i32
      %mul3A_161 = arith.muli %add3A_159, %mul3A_160 : i32
      %add3A_162 = arith.addi %mul3A_6, %mul3A_161 : i32
      %dma_wait3A_163 = arith.constant 1 : i32
      %dma_wait3A_164 = arith.constant 0 : i32
      %dma_wait3A_165 = arith.constant 0 : i32
      %dma_wait3A_166 = tpu.memref_slice %arg7[%dma_wait3A_163, %dma_wait3A_164, %dma_wait3A_165] : memref<2x80x128xf32, #tpu.memory_space<vmem>> -> memref<1x80x128xf32, #tpu.memory_space<vmem>>
      %dma_wait3A_167 = tpu.memref_squeeze %dma_wait3A_166 : memref<1x80x128xf32, #tpu.memory_space<vmem>> -> memref<80x128xf32, #tpu.memory_space<vmem>>
      %dma_wait3A_168 = arith.constant 0 : i32
      %dma_wait3A_169 = tpu.memref_slice %arg2[%add3A_162, %dma_wait3A_168] : memref<320000x128xf32, #tpu.memory_space<hbm>> -> memref<80x128xf32, #tpu.memory_space<hbm>>
      %dma_wait3A_170 = arith.constant 0 : i32
      %dma_wait3A_171 = arith.constant 0 : i32
      %dma_wait3A_172 = tpu.memref_slice %arg7[%dma_wait3A_163, %dma_wait3A_170, %dma_wait3A_171] : memref<2x80x128xf32, #tpu.memory_space<vmem>> -> memref<1x80x128xf32, #tpu.memory_space<vmem>>
      %dma_wait3A_173 = tpu.memref_squeeze %dma_wait3A_172 : memref<1x80x128xf32, #tpu.memory_space<vmem>> -> memref<80x128xf32, #tpu.memory_space<vmem>>
      %dma_wait3A_174 = arith.constant 0 : i32
      %dma_wait3A_175 = tpu.memref_slice %arg2[%add3A_162, %dma_wait3A_174] : memref<320000x128xf32, #tpu.memory_space<hbm>> -> memref<80x128xf32, #tpu.memory_space<hbm>>
      tpu.wait_dma2 semaphore(%arg10 : memref<!tpu.dma_semaphore, #tpu.memory_space<semaphore_mem>>) src(%dma_wait3A_175 : memref<80x128xf32, #tpu.memory_space<hbm>>) dst(%dma_wait3A_173 : memref<80x128xf32, #tpu.memory_space<vmem>>)
      %run_scoped3A_176 = arith.constant 1 : i32
      "tpu.region"() ({
        %run_scoped3A_195 = tpu.sem_alloc : memref<!tpu.dma_semaphore, #tpu.memory_space<semaphore_mem>>
        %dma_start3A_196 = arith.constant 0 : i32
        %dma_start3A_197 = arith.constant 0 : i32
        %dma_start3A_198 = tpu.memref_slice %arg7[%run_scoped3A_176, %dma_start3A_196, %dma_start3A_197] : memref<2x80x128xf32, #tpu.memory_space<vmem>> -> memref<1x80x128xf32, #tpu.memory_space<vmem>>
        %dma_start3A_199 = tpu.memref_squeeze %dma_start3A_198 : memref<1x80x128xf32, #tpu.memory_space<vmem>> -> memref<80x128xf32, #tpu.memory_space<vmem>>
        %dma_start3A_200 = arith.constant 0 : i32
        %dma_start3A_201 = tpu.memref_slice %arg6[%add3A_159, %dma_start3A_200] : memref<125x80xi32, #tpu.memory_space<vmem>> -> memref<1x80xi32, #tpu.memory_space<vmem>>
        %dma_start3A_202 = tpu.memref_squeeze %dma_start3A_201 : memref<1x80xi32, #tpu.memory_space<vmem>> -> memref<80xi32, #tpu.memory_space<vmem>>
        %dma_start3A_203 = arith.constant 0 : i32
        %dma_start3A_204 = arith.constant 0 : i32
        %dma_start3A_205 = tpu.memref_slice %arg8[%dma_start3A_203, %dma_start3A_204] : memref<10240x128xf32, #tpu.memory_space<vmem_shared>> -> memref<10240x128xf32, #tpu.memory_space<vmem_shared>>
        tpu.enqueue_indirect_dma source(%dma_start3A_199 : memref<80x128xf32, #tpu.memory_space<vmem>>) target(%dma_start3A_205 : memref<10240x128xf32, #tpu.memory_space<vmem_shared>>) offsets(%dma_start3A_202 : memref<80xi32, #tpu.memory_space<vmem>>) semaphore(%run_scoped3A_195 : memref<!tpu.dma_semaphore, #tpu.memory_space<semaphore_mem>>) {add = true}
        %dma_wait3A_206 = arith.constant 0 : i32
        %dma_wait3A_207 = arith.constant 0 : i32
        %dma_wait3A_208 = tpu.memref_slice %arg7[%run_scoped3A_176, %dma_wait3A_206, %dma_wait3A_207] : memref<2x80x128xf32, #tpu.memory_space<vmem>> -> memref<1x80x128xf32, #tpu.memory_space<vmem>>
        %dma_wait3A_209 = tpu.memref_squeeze %dma_wait3A_208 : memref<1x80x128xf32, #tpu.memory_space<vmem>> -> memref<80x128xf32, #tpu.memory_space<vmem>>
        %dma_wait3A_210 = arith.constant 0 : i32
        %dma_wait3A_211 = tpu.memref_slice %arg6[%add3A_159, %dma_wait3A_210] : memref<125x80xi32, #tpu.memory_space<vmem>> -> memref<1x80xi32, #tpu.memory_space<vmem>>
        %dma_wait3A_212 = tpu.memref_squeeze %dma_wait3A_211 : memref<1x80xi32, #tpu.memory_space<vmem>> -> memref<80xi32, #tpu.memory_space<vmem>>
        %dma_wait3A_213 = arith.constant 0 : i32
        %dma_wait3A_214 = arith.constant 0 : i32
        %dma_wait3A_215 = tpu.memref_slice %arg8[%dma_wait3A_213, %dma_wait3A_214] : memref<10240x128xf32, #tpu.memory_space<vmem_shared>> -> memref<10240x128xf32, #tpu.memory_space<vmem_shared>>
        tpu.wait_indirect_dma semaphore(%run_scoped3A_195 : memref<!tpu.dma_semaphore, #tpu.memory_space<semaphore_mem>>) src(%dma_wait3A_209 : memref<80x128xf32, #tpu.memory_space<vmem>>) dst(%dma_wait3A_215 : memref<10240x128xf32, #tpu.memory_space<vmem_shared>>)
        tpu.yield
      }) : () -> ()
      %add3A_177 = arith.constant 2 : i32
      %add3A_178 = arith.addi %add3A_159, %add3A_177 : i32
      %mul3A_179 = arith.constant 80 : i32
      %mul3A_180 = arith.muli %add3A_178, %mul3A_179 : i32
      %add3A_181 = arith.addi %mul3A_6, %mul3A_180 : i32
      %dma_start3A_182 = arith.constant 1 : i32
      %dma_start3A_183 = arith.constant 0 : i32
      %dma_start3A_184 = arith.constant 0 : i32
      %dma_start3A_185 = tpu.memref_slice %arg7[%dma_start3A_182, %dma_start3A_183, %dma_start3A_184] : memref<2x80x128xf32, #tpu.memory_space<vmem>> -> memref<1x80x128xf32, #tpu.memory_space<vmem>>
      %dma_start3A_186 = tpu.memref_squeeze %dma_start3A_185 : memref<1x80x128xf32, #tpu.memory_space<vmem>> -> memref<80x128xf32, #tpu.memory_space<vmem>>
      %dma_start3A_187 = arith.constant 0 : i32
      %dma_start3A_188 = tpu.memref_slice %arg2[%add3A_181, %dma_start3A_187] : memref<320000x128xf32, #tpu.memory_space<hbm>> -> memref<80x128xf32, #tpu.memory_space<hbm>>
      %dma_start3A_189 = arith.constant 0 : i32
      %dma_start3A_190 = arith.constant 0 : i32
      %dma_start3A_191 = tpu.memref_slice %arg7[%dma_start3A_182, %dma_start3A_189, %dma_start3A_190] : memref<2x80x128xf32, #tpu.memory_space<vmem>> -> memref<1x80x128xf32, #tpu.memory_space<vmem>>
      %dma_start3A_192 = tpu.memref_squeeze %dma_start3A_191 : memref<1x80x128xf32, #tpu.memory_space<vmem>> -> memref<80x128xf32, #tpu.memory_space<vmem>>
      %dma_start3A_193 = arith.constant 0 : i32
      %dma_start3A_194 = tpu.memref_slice %arg2[%add3A_181, %dma_start3A_193] : memref<320000x128xf32, #tpu.memory_space<hbm>> -> memref<80x128xf32, #tpu.memory_space<hbm>>
      tpu.enqueue_dma source(%dma_start3A_194 : memref<80x128xf32, #tpu.memory_space<hbm>>) target(%dma_start3A_192 : memref<80x128xf32, #tpu.memory_space<vmem>>) target_semaphore(%arg10 : memref<!tpu.dma_semaphore, #tpu.memory_space<semaphore_mem>>)
    }
    %scan3A_39 = arith.constant 61 : i32
    %add3A_40 = arith.constant 9760 : i32
    %add3A_41 = arith.addi %mul3A_6, %add3A_40 : i32
    %dma_wait3A = arith.constant 0 : i32
    %dma_wait3A_42 = arith.constant 0 : i32
    %dma_wait3A_43 = arith.constant 0 : i32
    %dma_wait3A_44 = tpu.memref_slice %arg7[%dma_wait3A, %dma_wait3A_42, %dma_wait3A_43] : memref<2x80x128xf32, #tpu.memory_space<vmem>> -> memref<1x80x128xf32, #tpu.memory_space<vmem>>
    %dma_wait3A_45 = tpu.memref_squeeze %dma_wait3A_44 : memref<1x80x128xf32, #tpu.memory_space<vmem>> -> memref<80x128xf32, #tpu.memory_space<vmem>>
    %dma_wait3A_46 = arith.constant 0 : i32
    %dma_wait3A_47 = tpu.memref_slice %arg2[%add3A_41, %dma_wait3A_46] : memref<320000x128xf32, #tpu.memory_space<hbm>> -> memref<80x128xf32, #tpu.memory_space<hbm>>
    %dma_wait3A_48 = arith.constant 0 : i32
    %dma_wait3A_49 = arith.constant 0 : i32
    %dma_wait3A_50 = tpu.memref_slice %arg7[%dma_wait3A, %dma_wait3A_48, %dma_wait3A_49] : memref<2x80x128xf32, #tpu.memory_space<vmem>> -> memref<1x80x128xf32, #tpu.memory_space<vmem>>
    %dma_wait3A_51 = tpu.memref_squeeze %dma_wait3A_50 : memref<1x80x128xf32, #tpu.memory_space<vmem>> -> memref<80x128xf32, #tpu.memory_space<vmem>>
    %dma_wait3A_52 = arith.constant 0 : i32
    %dma_wait3A_53 = tpu.memref_slice %arg2[%add3A_41, %dma_wait3A_52] : memref<320000x128xf32, #tpu.memory_space<hbm>> -> memref<80x128xf32, #tpu.memory_space<hbm>>
    tpu.wait_dma2 semaphore(%arg9 : memref<!tpu.dma_semaphore, #tpu.memory_space<semaphore_mem>>) src(%dma_wait3A_53 : memref<80x128xf32, #tpu.memory_space<hbm>>) dst(%dma_wait3A_51 : memref<80x128xf32, #tpu.memory_space<vmem>>)
    %run_scoped3A = arith.constant 0 : i32
    %run_scoped3A_54 = arith.constant 122 : i32
    "tpu.region"() ({
      %run_scoped3A_112 = tpu.sem_alloc : memref<!tpu.dma_semaphore, #tpu.memory_space<semaphore_mem>>
      %dma_start3A_113 = arith.constant 0 : i32
      %dma_start3A_114 = arith.constant 0 : i32
      %dma_start3A_115 = tpu.memref_slice %arg7[%run_scoped3A, %dma_start3A_113, %dma_start3A_114] : memref<2x80x128xf32, #tpu.memory_space<vmem>> -> memref<1x80x128xf32, #tpu.memory_space<vmem>>
      %dma_start3A_116 = tpu.memref_squeeze %dma_start3A_115 : memref<1x80x128xf32, #tpu.memory_space<vmem>> -> memref<80x128xf32, #tpu.memory_space<vmem>>
      %dma_start3A_117 = arith.constant 0 : i32
      %dma_start3A_118 = tpu.memref_slice %arg6[%run_scoped3A_54, %dma_start3A_117] : memref<125x80xi32, #tpu.memory_space<vmem>> -> memref<1x80xi32, #tpu.memory_space<vmem>>
      %dma_start3A_119 = tpu.memref_squeeze %dma_start3A_118 : memref<1x80xi32, #tpu.memory_space<vmem>> -> memref<80xi32, #tpu.memory_space<vmem>>
      %dma_start3A_120 = arith.constant 0 : i32
      %dma_start3A_121 = arith.constant 0 : i32
      %dma_start3A_122 = tpu.memref_slice %arg8[%dma_start3A_120, %dma_start3A_121] : memref<10240x128xf32, #tpu.memory_space<vmem_shared>> -> memref<10240x128xf32, #tpu.memory_space<vmem_shared>>
      tpu.enqueue_indirect_dma source(%dma_start3A_116 : memref<80x128xf32, #tpu.memory_space<vmem>>) target(%dma_start3A_122 : memref<10240x128xf32, #tpu.memory_space<vmem_shared>>) offsets(%dma_start3A_119 : memref<80xi32, #tpu.memory_space<vmem>>) semaphore(%run_scoped3A_112 : memref<!tpu.dma_semaphore, #tpu.memory_space<semaphore_mem>>) {add = true}
      %dma_wait3A_123 = arith.constant 0 : i32
      %dma_wait3A_124 = arith.constant 0 : i32
      %dma_wait3A_125 = tpu.memref_slice %arg7[%run_scoped3A, %dma_wait3A_123, %dma_wait3A_124] : memref<2x80x128xf32, #tpu.memory_space<vmem>> -> memref<1x80x128xf32, #tpu.memory_space<vmem>>
      %dma_wait3A_126 = tpu.memref_squeeze %dma_wait3A_125 : memref<1x80x128xf32, #tpu.memory_space<vmem>> -> memref<80x128xf32, #tpu.memory_space<vmem>>
      %dma_wait3A_127 = arith.constant 0 : i32
      %dma_wait3A_128 = tpu.memref_slice %arg6[%run_scoped3A_54, %dma_wait3A_127] : memref<125x80xi32, #tpu.memory_space<vmem>> -> memref<1x80xi32, #tpu.memory_space<vmem>>
      %dma_wait3A_129 = tpu.memref_squeeze %dma_wait3A_128 : memref<1x80xi32, #tpu.memory_space<vmem>> -> memref<80xi32, #tpu.memory_space<vmem>>
      %dma_wait3A_130 = arith.constant 0 : i32
      %dma_wait3A_131 = arith.constant 0 : i32
      %dma_wait3A_132 = tpu.memref_slice %arg8[%dma_wait3A_130, %dma_wait3A_131] : memref<10240x128xf32, #tpu.memory_space<vmem_shared>> -> memref<10240x128xf32, #tpu.memory_space<vmem_shared>>
      tpu.wait_indirect_dma semaphore(%run_scoped3A_112 : memref<!tpu.dma_semaphore, #tpu.memory_space<semaphore_mem>>) src(%dma_wait3A_126 : memref<80x128xf32, #tpu.memory_space<vmem>>) dst(%dma_wait3A_132 : memref<10240x128xf32, #tpu.memory_space<vmem_shared>>)
      tpu.yield
    }) : () -> ()
    %add3A_55 = arith.constant 9920 : i32
    %add3A_56 = arith.addi %mul3A_6, %add3A_55 : i32
    %dma_start3A_57 = arith.constant 0 : i32
    %dma_start3A_58 = arith.constant 0 : i32
    %dma_start3A_59 = arith.constant 0 : i32
    %dma_start3A_60 = tpu.memref_slice %arg7[%dma_start3A_57, %dma_start3A_58, %dma_start3A_59] : memref<2x80x128xf32, #tpu.memory_space<vmem>> -> memref<1x80x128xf32, #tpu.memory_space<vmem>>
    %dma_start3A_61 = tpu.memref_squeeze %dma_start3A_60 : memref<1x80x128xf32, #tpu.memory_space<vmem>> -> memref<80x128xf32, #tpu.memory_space<vmem>>
    %dma_start3A_62 = arith.constant 0 : i32
    %dma_start3A_63 = tpu.memref_slice %arg2[%add3A_56, %dma_start3A_62] : memref<320000x128xf32, #tpu.memory_space<hbm>> -> memref<80x128xf32, #tpu.memory_space<hbm>>
    %dma_start3A_64 = arith.constant 0 : i32
    %dma_start3A_65 = arith.constant 0 : i32
    %dma_start3A_66 = tpu.memref_slice %arg7[%dma_start3A_57, %dma_start3A_64, %dma_start3A_65] : memref<2x80x128xf32, #tpu.memory_space<vmem>> -> memref<1x80x128xf32, #tpu.memory_space<vmem>>
    %dma_start3A_67 = tpu.memref_squeeze %dma_start3A_66 : memref<1x80x128xf32, #tpu.memory_space<vmem>> -> memref<80x128xf32, #tpu.memory_space<vmem>>
    %dma_start3A_68 = arith.constant 0 : i32
    %dma_start3A_69 = tpu.memref_slice %arg2[%add3A_56, %dma_start3A_68] : memref<320000x128xf32, #tpu.memory_space<hbm>> -> memref<80x128xf32, #tpu.memory_space<hbm>>
    tpu.enqueue_dma source(%dma_start3A_69 : memref<80x128xf32, #tpu.memory_space<hbm>>) target(%dma_start3A_67 : memref<80x128xf32, #tpu.memory_space<vmem>>) target_semaphore(%arg9 : memref<!tpu.dma_semaphore, #tpu.memory_space<semaphore_mem>>)
    %add3A_70 = arith.constant 9840 : i32
    %add3A_71 = arith.addi %mul3A_6, %add3A_70 : i32
    %dma_wait3A_72 = arith.constant 1 : i32
    %dma_wait3A_73 = arith.constant 0 : i32
    %dma_wait3A_74 = arith.constant 0 : i32
    %dma_wait3A_75 = tpu.memref_slice %arg7[%dma_wait3A_72, %dma_wait3A_73, %dma_wait3A_74] : memref<2x80x128xf32, #tpu.memory_space<vmem>> -> memref<1x80x128xf32, #tpu.memory_space<vmem>>
    %dma_wait3A_76 = tpu.memref_squeeze %dma_wait3A_75 : memref<1x80x128xf32, #tpu.memory_space<vmem>> -> memref<80x128xf32, #tpu.memory_space<vmem>>
    %dma_wait3A_77 = arith.constant 0 : i32
    %dma_wait3A_78 = tpu.memref_slice %arg2[%add3A_71, %dma_wait3A_77] : memref<320000x128xf32, #tpu.memory_space<hbm>> -> memref<80x128xf32, #tpu.memory_space<hbm>>
    %dma_wait3A_79 = arith.constant 0 : i32
    %dma_wait3A_80 = arith.constant 0 : i32
    %dma_wait3A_81 = tpu.memref_slice %arg7[%dma_wait3A_72, %dma_wait3A_79, %dma_wait3A_80] : memref<2x80x128xf32, #tpu.memory_space<vmem>> -> memref<1x80x128xf32, #tpu.memory_space<vmem>>
    %dma_wait3A_82 = tpu.memref_squeeze %dma_wait3A_81 : memref<1x80x128xf32, #tpu.memory_space<vmem>> -> memref<80x128xf32, #tpu.memory_space<vmem>>
    %dma_wait3A_83 = arith.constant 0 : i32
    %dma_wait3A_84 = tpu.memref_slice %arg2[%add3A_71, %dma_wait3A_83] : memref<320000x128xf32, #tpu.memory_space<hbm>> -> memref<80x128xf32, #tpu.memory_space<hbm>>
    tpu.wait_dma2 semaphore(%arg10 : memref<!tpu.dma_semaphore, #tpu.memory_space<semaphore_mem>>) src(%dma_wait3A_84 : memref<80x128xf32, #tpu.memory_space<hbm>>) dst(%dma_wait3A_82 : memref<80x128xf32, #tpu.memory_space<vmem>>)
    %run_scoped3A_85 = arith.constant 1 : i32
    %run_scoped3A_86 = arith.constant 123 : i32
    "tpu.region"() ({
      %run_scoped3A_112 = tpu.sem_alloc : memref<!tpu.dma_semaphore, #tpu.memory_space<semaphore_mem>>
      %dma_start3A_113 = arith.constant 0 : i32
      %dma_start3A_114 = arith.constant 0 : i32
      %dma_start3A_115 = tpu.memref_slice %arg7[%run_scoped3A_85, %dma_start3A_113, %dma_start3A_114] : memref<2x80x128xf32, #tpu.memory_space<vmem>> -> memref<1x80x128xf32, #tpu.memory_space<vmem>>
      %dma_start3A_116 = tpu.memref_squeeze %dma_start3A_115 : memref<1x80x128xf32, #tpu.memory_space<vmem>> -> memref<80x128xf32, #tpu.memory_space<vmem>>
      %dma_start3A_117 = arith.constant 0 : i32
      %dma_start3A_118 = tpu.memref_slice %arg6[%run_scoped3A_86, %dma_start3A_117] : memref<125x80xi32, #tpu.memory_space<vmem>> -> memref<1x80xi32, #tpu.memory_space<vmem>>
      %dma_start3A_119 = tpu.memref_squeeze %dma_start3A_118 : memref<1x80xi32, #tpu.memory_space<vmem>> -> memref<80xi32, #tpu.memory_space<vmem>>
      %dma_start3A_120 = arith.constant 0 : i32
      %dma_start3A_121 = arith.constant 0 : i32
      %dma_start3A_122 = tpu.memref_slice %arg8[%dma_start3A_120, %dma_start3A_121] : memref<10240x128xf32, #tpu.memory_space<vmem_shared>> -> memref<10240x128xf32, #tpu.memory_space<vmem_shared>>
      tpu.enqueue_indirect_dma source(%dma_start3A_116 : memref<80x128xf32, #tpu.memory_space<vmem>>) target(%dma_start3A_122 : memref<10240x128xf32, #tpu.memory_space<vmem_shared>>) offsets(%dma_start3A_119 : memref<80xi32, #tpu.memory_space<vmem>>) semaphore(%run_scoped3A_112 : memref<!tpu.dma_semaphore, #tpu.memory_space<semaphore_mem>>) {add = true}
      %dma_wait3A_123 = arith.constant 0 : i32
      %dma_wait3A_124 = arith.constant 0 : i32
      %dma_wait3A_125 = tpu.memref_slice %arg7[%run_scoped3A_85, %dma_wait3A_123, %dma_wait3A_124] : memref<2x80x128xf32, #tpu.memory_space<vmem>> -> memref<1x80x128xf32, #tpu.memory_space<vmem>>
      %dma_wait3A_126 = tpu.memref_squeeze %dma_wait3A_125 : memref<1x80x128xf32, #tpu.memory_space<vmem>> -> memref<80x128xf32, #tpu.memory_space<vmem>>
      %dma_wait3A_127 = arith.constant 0 : i32
      %dma_wait3A_128 = tpu.memref_slice %arg6[%run_scoped3A_86, %dma_wait3A_127] : memref<125x80xi32, #tpu.memory_space<vmem>> -> memref<1x80xi32, #tpu.memory_space<vmem>>
      %dma_wait3A_129 = tpu.memref_squeeze %dma_wait3A_128 : memref<1x80xi32, #tpu.memory_space<vmem>> -> memref<80xi32, #tpu.memory_space<vmem>>
      %dma_wait3A_130 = arith.constant 0 : i32
      %dma_wait3A_131 = arith.constant 0 : i32
      %dma_wait3A_132 = tpu.memref_slice %arg8[%dma_wait3A_130, %dma_wait3A_131] : memref<10240x128xf32, #tpu.memory_space<vmem_shared>> -> memref<10240x128xf32, #tpu.memory_space<vmem_shared>>
      tpu.wait_indirect_dma semaphore(%run_scoped3A_112 : memref<!tpu.dma_semaphore, #tpu.memory_space<semaphore_mem>>) src(%dma_wait3A_126 : memref<80x128xf32, #tpu.memory_space<vmem>>) dst(%dma_wait3A_132 : memref<10240x128xf32, #tpu.memory_space<vmem_shared>>)
      tpu.yield
    }) : () -> ()
    %add3A_87 = arith.constant 9920 : i32
    %add3A_88 = arith.addi %mul3A_6, %add3A_87 : i32
    %dma_wait3A_89 = arith.constant 0 : i32
    %dma_wait3A_90 = arith.constant 0 : i32
    %dma_wait3A_91 = arith.constant 0 : i32
    %dma_wait3A_92 = tpu.memref_slice %arg7[%dma_wait3A_89, %dma_wait3A_90, %dma_wait3A_91] : memref<2x80x128xf32, #tpu.memory_space<vmem>> -> memref<1x80x128xf32, #tpu.memory_space<vmem>>
    %dma_wait3A_93 = tpu.memref_squeeze %dma_wait3A_92 : memref<1x80x128xf32, #tpu.memory_space<vmem>> -> memref<80x128xf32, #tpu.memory_space<vmem>>
    %dma_wait3A_94 = arith.constant 0 : i32
    %dma_wait3A_95 = tpu.memref_slice %arg2[%add3A_88, %dma_wait3A_94] : memref<320000x128xf32, #tpu.memory_space<hbm>> -> memref<80x128xf32, #tpu.memory_space<hbm>>
    %dma_wait3A_96 = arith.constant 0 : i32
    %dma_wait3A_97 = arith.constant 0 : i32
    %dma_wait3A_98 = tpu.memref_slice %arg7[%dma_wait3A_89, %dma_wait3A_96, %dma_wait3A_97] : memref<2x80x128xf32, #tpu.memory_space<vmem>> -> memref<1x80x128xf32, #tpu.memory_space<vmem>>
    %dma_wait3A_99 = tpu.memref_squeeze %dma_wait3A_98 : memref<1x80x128xf32, #tpu.memory_space<vmem>> -> memref<80x128xf32, #tpu.memory_space<vmem>>
    %dma_wait3A_100 = arith.constant 0 : i32
    %dma_wait3A_101 = tpu.memref_slice %arg2[%add3A_88, %dma_wait3A_100] : memref<320000x128xf32, #tpu.memory_space<hbm>> -> memref<80x128xf32, #tpu.memory_space<hbm>>
    tpu.wait_dma2 semaphore(%arg9 : memref<!tpu.dma_semaphore, #tpu.memory_space<semaphore_mem>>) src(%dma_wait3A_101 : memref<80x128xf32, #tpu.memory_space<hbm>>) dst(%dma_wait3A_99 : memref<80x128xf32, #tpu.memory_space<vmem>>)
    %run_scoped3A_102 = arith.constant 0 : i32
    %run_scoped3A_103 = arith.constant 124 : i32
    "tpu.region"() ({
      %run_scoped3A_112 = tpu.sem_alloc : memref<!tpu.dma_semaphore, #tpu.memory_space<semaphore_mem>>
      %dma_start3A_113 = arith.constant 0 : i32
      %dma_start3A_114 = arith.constant 0 : i32
      %dma_start3A_115 = tpu.memref_slice %arg7[%run_scoped3A_102, %dma_start3A_113, %dma_start3A_114] : memref<2x80x128xf32, #tpu.memory_space<vmem>> -> memref<1x80x128xf32, #tpu.memory_space<vmem>>
      %dma_start3A_116 = tpu.memref_squeeze %dma_start3A_115 : memref<1x80x128xf32, #tpu.memory_space<vmem>> -> memref<80x128xf32, #tpu.memory_space<vmem>>
      %dma_start3A_117 = arith.constant 0 : i32
      %dma_start3A_118 = tpu.memref_slice %arg6[%run_scoped3A_103, %dma_start3A_117] : memref<125x80xi32, #tpu.memory_space<vmem>> -> memref<1x80xi32, #tpu.memory_space<vmem>>
      %dma_start3A_119 = tpu.memref_squeeze %dma_start3A_118 : memref<1x80xi32, #tpu.memory_space<vmem>> -> memref<80xi32, #tpu.memory_space<vmem>>
      %dma_start3A_120 = arith.constant 0 : i32
      %dma_start3A_121 = arith.constant 0 : i32
      %dma_start3A_122 = tpu.memref_slice %arg8[%dma_start3A_120, %dma_start3A_121] : memref<10240x128xf32, #tpu.memory_space<vmem_shared>> -> memref<10240x128xf32, #tpu.memory_space<vmem_shared>>
      tpu.enqueue_indirect_dma source(%dma_start3A_116 : memref<80x128xf32, #tpu.memory_space<vmem>>) target(%dma_start3A_122 : memref<10240x128xf32, #tpu.memory_space<vmem_shared>>) offsets(%dma_start3A_119 : memref<80xi32, #tpu.memory_space<vmem>>) semaphore(%run_scoped3A_112 : memref<!tpu.dma_semaphore, #tpu.memory_space<semaphore_mem>>) {add = true}
      %dma_wait3A_123 = arith.constant 0 : i32
      %dma_wait3A_124 = arith.constant 0 : i32
      %dma_wait3A_125 = tpu.memref_slice %arg7[%run_scoped3A_102, %dma_wait3A_123, %dma_wait3A_124] : memref<2x80x128xf32, #tpu.memory_space<vmem>> -> memref<1x80x128xf32, #tpu.memory_space<vmem>>
      %dma_wait3A_126 = tpu.memref_squeeze %dma_wait3A_125 : memref<1x80x128xf32, #tpu.memory_space<vmem>> -> memref<80x128xf32, #tpu.memory_space<vmem>>
      %dma_wait3A_127 = arith.constant 0 : i32
      %dma_wait3A_128 = tpu.memref_slice %arg6[%run_scoped3A_103, %dma_wait3A_127] : memref<125x80xi32, #tpu.memory_space<vmem>> -> memref<1x80xi32, #tpu.memory_space<vmem>>
      %dma_wait3A_129 = tpu.memref_squeeze %dma_wait3A_128 : memref<1x80xi32, #tpu.memory_space<vmem>> -> memref<80xi32, #tpu.memory_space<vmem>>
      %dma_wait3A_130 = arith.constant 0 : i32
      %dma_wait3A_131 = arith.constant 0 : i32
      %dma_wait3A_132 = tpu.memref_slice %arg8[%dma_wait3A_130, %dma_wait3A_131] : memref<10240x128xf32, #tpu.memory_space<vmem_shared>> -> memref<10240x128xf32, #tpu.memory_space<vmem_shared>>
      tpu.wait_indirect_dma semaphore(%run_scoped3A_112 : memref<!tpu.dma_semaphore, #tpu.memory_space<semaphore_mem>>) src(%dma_wait3A_126 : memref<80x128xf32, #tpu.memory_space<vmem>>) dst(%dma_wait3A_132 : memref<10240x128xf32, #tpu.memory_space<vmem_shared>>)
      tpu.yield
    }) : () -> ()
    %barrier3A_104 = arith.constant 0 : index
    tpu.barrier barrier_id(%barrier3A_104)
    %mul3A_105 = arith.constant 640 : i32
    %mul3A_106 = arith.muli %arg1, %mul3A_105 : i32
    %mul3A_107 = arith.constant 10240 : i32
    %mul3A_108 = arith.muli %arg0, %mul3A_107 : i32
    %mul3A_109 = arith.constant 640 : i32
    %mul3A_110 = arith.muli %arg1, %mul3A_109 : i32
    %add3A_111 = arith.addi %mul3A_108, %mul3A_110 : i32
    "tpu.region"() ({
      %run_scoped3A_112 = tpu.sem_alloc : memref<!tpu.dma_semaphore, #tpu.memory_space<semaphore_mem>>
      %dma_start3A_113 = arith.constant 0 : i32
      %dma_start3A_114 = tpu.memref_slice %arg5[%add3A_111, %dma_start3A_113] : memref<20480x128xf32, #tpu.memory_space<hbm>> -> memref<640x128xf32, #tpu.memory_space<hbm>>
      %dma_start3A_115 = arith.constant 0 : i32
      %dma_start3A_116 = tpu.memref_slice %arg8[%mul3A_106, %dma_start3A_115] : memref<10240x128xf32, #tpu.memory_space<vmem_shared>> -> memref<640x128xf32, #tpu.memory_space<vmem_shared>>
      tpu.enqueue_dma source(%dma_start3A_116 : memref<640x128xf32, #tpu.memory_space<vmem_shared>>) target(%dma_start3A_114 : memref<640x128xf32, #tpu.memory_space<hbm>>) target_semaphore(%run_scoped3A_112 : memref<!tpu.dma_semaphore, #tpu.memory_space<semaphore_mem>>)
      %dma_wait3A_117 = arith.constant 0 : i32
      %dma_wait3A_118 = tpu.memref_slice %arg5[%add3A_111, %dma_wait3A_117] : memref<20480x128xf32, #tpu.memory_space<hbm>> -> memref<640x128xf32, #tpu.memory_space<hbm>>
      %dma_wait3A_119 = arith.constant 0 : i32
      %dma_wait3A_120 = tpu.memref_slice %arg8[%mul3A_106, %dma_wait3A_119] : memref<10240x128xf32, #tpu.memory_space<vmem_shared>> -> memref<640x128xf32, #tpu.memory_space<vmem_shared>>
      tpu.wait_dma2 semaphore(%run_scoped3A_112 : memref<!tpu.dma_semaphore, #tpu.memory_space<semaphore_mem>>) src(%dma_wait3A_120 : memref<640x128xf32, #tpu.memory_space<vmem_shared>>) dst(%dma_wait3A_118 : memref<640x128xf32, #tpu.memory_space<hbm>>)
      tpu.yield
    }) : () -> ()
    return
  }
}

module attributes {stable_mosaic.version = 14 : i64} {
  func.func @_unpool_body(%arg0: memref<2500x128xf32, #tpu.memory_space<vmem>>, %arg1: memref<128x128xf32, #tpu.memory_space<vmem>>, %arg2: memref<1x128xf32, #tpu.memory_space<vmem>>, %arg3: memref<128x128xf32, #tpu.memory_space<vmem>>, %arg4: memref<1x128xf32, #tpu.memory_space<vmem>>, %arg5: memref<2500x128xf32, #tpu.memory_space<vmem>>) attributes {dimension_semantics = [], scalar_prefetch = 0 : i64, scratch_operands = 0 : i64, tpu.core_type = #tpu.core_type<tc>} {
    %get3A = arith.constant 0 : index
    %get3A_0 = arith.constant 0 : index
    %get3A_1 = vector.load %arg0[%get3A, %get3A_0] : memref<2500x128xf32, #tpu.memory_space<vmem>>, vector<2500x128xf32>
    %get3A_2 = arith.constant 0 : index
    %get3A_3 = arith.constant 0 : index
    %get3A_4 = vector.load %arg1[%get3A_2, %get3A_3] : memref<128x128xf32, #tpu.memory_space<vmem>>, vector<128x128xf32>
    %dot_general3A = arith.constant dense<0.000000e+00> : vector<2500x128xf32>
    %dot_general3A_5 = tpu.matmul %get3A_1, %get3A_4, %dot_general3A {dimension_numbers = #tpu.dot_dimension_numbers<[1], [0], [0], [1], [0, 0, 1, 1], [], []>, transpose_lhs_hint = false} : vector<2500x128xf32>, vector<128x128xf32>, vector<2500x128xf32> -> vector<2500x128xf32>
    %get3A_6 = arith.constant 0 : index
    %get3A_7 = arith.constant 0 : index
    %get3A_8 = vector.load %arg2[%get3A_6, %get3A_7] : memref<1x128xf32, #tpu.memory_space<vmem>>, vector<1x128xf32>
    %add3A = vector.broadcast %get3A_8 : vector<1x128xf32> to vector<2500x128xf32>
    %add3A_9 = arith.addf %dot_general3A_5, %add3A : vector<2500x128xf32>
    %max3A = arith.constant 0.000000e+00 : f32
    %max3A_10 = vector.broadcast %max3A : f32 to vector<2500x128xf32>
    %max3A_11 = arith.maximumf %add3A_9, %max3A_10 : vector<2500x128xf32>
    %get3A_12 = arith.constant 0 : index
    %get3A_13 = arith.constant 0 : index
    %get3A_14 = vector.load %arg3[%get3A_12, %get3A_13] : memref<128x128xf32, #tpu.memory_space<vmem>>, vector<128x128xf32>
    %dot_general3A_15 = arith.constant dense<0.000000e+00> : vector<2500x128xf32>
    %dot_general3A_16 = tpu.matmul %max3A_11, %get3A_14, %dot_general3A_15 {dimension_numbers = #tpu.dot_dimension_numbers<[1], [0], [0], [1], [0, 0, 1, 1], [], []>, transpose_lhs_hint = false} : vector<2500x128xf32>, vector<128x128xf32>, vector<2500x128xf32> -> vector<2500x128xf32>
    %get3A_17 = arith.constant 0 : index
    %get3A_18 = arith.constant 0 : index
    %get3A_19 = vector.load %arg4[%get3A_17, %get3A_18] : memref<1x128xf32, #tpu.memory_space<vmem>>, vector<1x128xf32>
    %add3A_20 = vector.broadcast %get3A_19 : vector<1x128xf32> to vector<2500x128xf32>
    %add3A_21 = arith.addf %dot_general3A_16, %add3A_20 : vector<2500x128xf32>
    %swap3A = arith.constant 0 : index
    %swap3A_22 = arith.constant 0 : index
    %swap3A_23 = vector.load %arg5[%swap3A, %swap3A_22] : memref<2500x128xf32, #tpu.memory_space<vmem>>, vector<2500x128xf32>
    tpu.vector_store %arg5[%swap3A, %swap3A_22], %add3A_21 {strides = array<i32>} : memref<2500x128xf32, #tpu.memory_space<vmem>>, vector<2500x128xf32>,
    return
  }
}

module attributes {stable_mosaic.version = 14 : i64} {
  func.func @_nodeprep_body(%arg0: i32, %arg1: memref<2000x128xf32, #tpu.memory_space<vmem>>, %arg2: memref<2000x128xf32, #tpu.memory_space<vmem>>, %arg3: memref<128x128xf32, #tpu.memory_space<vmem>>, %arg4: memref<128x128xf32, #tpu.memory_space<vmem>>, %arg5: memref<1x128xf32, #tpu.memory_space<vmem>>, %arg6: memref<2000x128xf32, #tpu.memory_space<vmem>>, %arg7: memref<2000x128xf32, #tpu.memory_space<vmem>>, %arg8: memref<2000x128xf32, #tpu.memory_space<vmem>>) attributes {dimension_semantics = [#tpu.dimension_semantics<arbitrary>], iteration_bounds = array<i64: 5>, scalar_prefetch = 0 : i64, scratch_operands = 0 : i64, tpu.core_type = #tpu.core_type<tc>, window_params = [{transform_indices = @transform_0, window_bounds = array<i64: 2000, 128>}, {transform_indices = @transform_1, window_bounds = array<i64: 2000, 128>}, {pipeline_mode = #tpu.pipeline_mode<synchronous>, transform_indices = @transform_2, window_bounds = array<i64: 128, 128>}, {pipeline_mode = #tpu.pipeline_mode<synchronous>, transform_indices = @transform_3, window_bounds = array<i64: 128, 128>}, {pipeline_mode = #tpu.pipeline_mode<synchronous>, transform_indices = @transform_4, window_bounds = array<i64: 1, 128>}, {transform_indices = @transform_5, window_bounds = array<i64: 2000, 128>}, {transform_indices = @transform_6, window_bounds = array<i64: 2000, 128>}, {transform_indices = @transform_7, window_bounds = array<i64: 2000, 128>}]} {
    %get3A = arith.constant 0 : index
    %get3A_0 = arith.constant 0 : index
    %get3A_1 = vector.load %arg1[%get3A, %get3A_0] : memref<2000x128xf32, #tpu.memory_space<vmem>>, vector<2000x128xf32>
    %get3A_2 = arith.constant 0 : index
    %get3A_3 = arith.constant 0 : index
    %get3A_4 = vector.load %arg2[%get3A_2, %get3A_3] : memref<2000x128xf32, #tpu.memory_space<vmem>>, vector<2000x128xf32>
    %add3A = arith.addf %get3A_1, %get3A_4 : vector<2000x128xf32>
    %swap3A = arith.constant 0 : index
    %swap3A_5 = arith.constant 0 : index
    %swap3A_6 = vector.load %arg6[%swap3A, %swap3A_5] : memref<2000x128xf32, #tpu.memory_space<vmem>>, vector<2000x128xf32>
    tpu.vector_store %arg6[%swap3A, %swap3A_5], %add3A {strides = array<i32>} : memref<2000x128xf32, #tpu.memory_space<vmem>>, vector<2000x128xf32>,
    %get3A_7 = arith.constant 0 : index
    %get3A_8 = arith.constant 0 : index
    %get3A_9 = vector.load %arg3[%get3A_7, %get3A_8] : memref<128x128xf32, #tpu.memory_space<vmem>>, vector<128x128xf32>
    %dot_general3A = arith.constant dense<0.000000e+00> : vector<2000x128xf32>
    %dot_general3A_10 = tpu.matmul %add3A, %get3A_9, %dot_general3A {dimension_numbers = #tpu.dot_dimension_numbers<[1], [0], [0], [1], [0, 0, 1, 1], [], []>, transpose_lhs_hint = false} : vector<2000x128xf32>, vector<128x128xf32>, vector<2000x128xf32> -> vector<2000x128xf32>
    %get3A_11 = arith.constant 0 : index
    %get3A_12 = arith.constant 0 : index
    %get3A_13 = vector.load %arg5[%get3A_11, %get3A_12] : memref<1x128xf32, #tpu.memory_space<vmem>>, vector<1x128xf32>
    %add3A_14 = vector.broadcast %get3A_13 : vector<1x128xf32> to vector<2000x128xf32>
    %add3A_15 = arith.addf %dot_general3A_10, %add3A_14 : vector<2000x128xf32>
    %swap3A_16 = arith.constant 0 : index
    %swap3A_17 = arith.constant 0 : index
    %swap3A_18 = vector.load %arg7[%swap3A_16, %swap3A_17] : memref<2000x128xf32, #tpu.memory_space<vmem>>, vector<2000x128xf32>
    tpu.vector_store %arg7[%swap3A_16, %swap3A_17], %add3A_15 {strides = array<i32>} : memref<2000x128xf32, #tpu.memory_space<vmem>>, vector<2000x128xf32>,
    %get3A_19 = arith.constant 0 : index
    %get3A_20 = arith.constant 0 : index
    %get3A_21 = vector.load %arg4[%get3A_19, %get3A_20] : memref<128x128xf32, #tpu.memory_space<vmem>>, vector<128x128xf32>
    %dot_general3A_22 = arith.constant dense<0.000000e+00> : vector<2000x128xf32>
    %dot_general3A_23 = tpu.matmul %add3A, %get3A_21, %dot_general3A_22 {dimension_numbers = #tpu.dot_dimension_numbers<[1], [0], [0], [1], [0, 0, 1, 1], [], []>, transpose_lhs_hint = false} : vector<2000x128xf32>, vector<128x128xf32>, vector<2000x128xf32> -> vector<2000x128xf32>
    %swap3A_24 = arith.constant 0 : index
    %swap3A_25 = arith.constant 0 : index
    %swap3A_26 = vector.load %arg8[%swap3A_24, %swap3A_25] : memref<2000x128xf32, #tpu.memory_space<vmem>>, vector<2000x128xf32>
    tpu.vector_store %arg8[%swap3A_24, %swap3A_25], %dot_general3A_23 {strides = array<i32>} : memref<2000x128xf32, #tpu.memory_space<vmem>>, vector<2000x128xf32>,
    return
  }
  func.func @transform_0(%arg0: i32) -> (i32, i32) {
    %c0_i32 = arith.constant 0 : i32
    %c0_i32_0 = arith.constant 0 : i32
    return %arg0, %c0_i32 : i32, i32
  }
  func.func @transform_1(%arg0: i32) -> (i32, i32) {
    %c0_i32 = arith.constant 0 : i32
    %c0_i32_0 = arith.constant 0 : i32
    return %arg0, %c0_i32 : i32, i32
  }
  func.func @transform_2(%arg0: i32) -> (i32, i32) {
    %c0_i32 = arith.constant 0 : i32
    %c0_i32_0 = arith.constant 0 : i32
    %c0_i32_1 = arith.constant 0 : i32
    return %c0_i32, %c0_i32_0 : i32, i32
  }
  func.func @transform_3(%arg0: i32) -> (i32, i32) {
    %c0_i32 = arith.constant 0 : i32
    %c0_i32_0 = arith.constant 0 : i32
    %c0_i32_1 = arith.constant 0 : i32
    return %c0_i32, %c0_i32_0 : i32, i32
  }
  func.func @transform_4(%arg0: i32) -> (i32, i32) {
    %c0_i32 = arith.constant 0 : i32
    %c0_i32_0 = arith.constant 0 : i32
    %c0_i32_1 = arith.constant 0 : i32
    return %c0_i32, %c0_i32_0 : i32, i32
  }
  func.func @transform_5(%arg0: i32) -> (i32, i32) {
    %c0_i32 = arith.constant 0 : i32
    %c0_i32_0 = arith.constant 0 : i32
    return %arg0, %c0_i32 : i32, i32
  }
  func.func @transform_6(%arg0: i32) -> (i32, i32) {
    %c0_i32 = arith.constant 0 : i32
    %c0_i32_0 = arith.constant 0 : i32
    return %arg0, %c0_i32 : i32, i32
  }
  func.func @transform_7(%arg0: i32) -> (i32, i32) {
    %c0_i32 = arith.constant 0 : i32
    %c0_i32_0 = arith.constant 0 : i32
    return %arg0, %c0_i32 : i32, i32
  }
}

module attributes {stable_mosaic.version = 14 : i64} {
  func.func @_edge_body(%arg0: i32, %arg1: memref<4000x128xf32, #tpu.memory_space<vmem>>, %arg2: memref<4000x128xf32, #tpu.memory_space<vmem>>, %arg3: memref<4000x128xf32, #tpu.memory_space<vmem>>, %arg4: memref<128x128xf32, #tpu.memory_space<vmem>>, %arg5: memref<128x128xf32, #tpu.memory_space<vmem>>, %arg6: memref<1x128xf32, #tpu.memory_space<vmem>>, %arg7: memref<4000x128xf32, #tpu.memory_space<vmem>>) attributes {dimension_semantics = [#tpu.dimension_semantics<arbitrary>], iteration_bounds = array<i64: 80>, scalar_prefetch = 0 : i64, scratch_operands = 0 : i64, tpu.core_type = #tpu.core_type<tc>, window_params = [{transform_indices = @transform_0, window_bounds = array<i64: 4000, 128>}, {transform_indices = @transform_1, window_bounds = array<i64: 4000, 128>}, {transform_indices = @transform_2, window_bounds = array<i64: 4000, 128>}, {pipeline_mode = #tpu.pipeline_mode<synchronous>, transform_indices = @transform_3, window_bounds = array<i64: 128, 128>}, {pipeline_mode = #tpu.pipeline_mode<synchronous>, transform_indices = @transform_4, window_bounds = array<i64: 128, 128>}, {pipeline_mode = #tpu.pipeline_mode<synchronous>, transform_indices = @transform_5, window_bounds = array<i64: 1, 128>}, {transform_indices = @transform_6, window_bounds = array<i64: 4000, 128>}]} {
    %get3A = arith.constant 0 : index
    %get3A_0 = arith.constant 0 : index
    %get3A_1 = vector.load %arg1[%get3A, %get3A_0] : memref<4000x128xf32, #tpu.memory_space<vmem>>, vector<4000x128xf32>
    %get3A_2 = arith.constant 0 : index
    %get3A_3 = arith.constant 0 : index
    %get3A_4 = vector.load %arg4[%get3A_2, %get3A_3] : memref<128x128xf32, #tpu.memory_space<vmem>>, vector<128x128xf32>
    %dot_general3A = arith.constant dense<0.000000e+00> : vector<4000x128xf32>
    %dot_general3A_5 = tpu.matmul %get3A_1, %get3A_4, %dot_general3A {dimension_numbers = #tpu.dot_dimension_numbers<[1], [0], [0], [1], [0, 0, 1, 1], [], []>, transpose_lhs_hint = false} : vector<4000x128xf32>, vector<128x128xf32>, vector<4000x128xf32> -> vector<4000x128xf32>
    %get3A_6 = arith.constant 0 : index
    %get3A_7 = arith.constant 0 : index
    %get3A_8 = vector.load %arg2[%get3A_6, %get3A_7] : memref<4000x128xf32, #tpu.memory_space<vmem>>, vector<4000x128xf32>
    %add3A = arith.addf %dot_general3A_5, %get3A_8 : vector<4000x128xf32>
    %get3A_9 = arith.constant 0 : index
    %get3A_10 = arith.constant 0 : index
    %get3A_11 = vector.load %arg3[%get3A_9, %get3A_10] : memref<4000x128xf32, #tpu.memory_space<vmem>>, vector<4000x128xf32>
    %add3A_12 = arith.addf %add3A, %get3A_11 : vector<4000x128xf32>
    %max3A = arith.constant 0.000000e+00 : f32
    %max3A_13 = vector.broadcast %max3A : f32 to vector<4000x128xf32>
    %max3A_14 = arith.maximumf %add3A_12, %max3A_13 : vector<4000x128xf32>
    %get3A_15 = arith.constant 0 : index
    %get3A_16 = arith.constant 0 : index
    %get3A_17 = vector.load %arg1[%get3A_15, %get3A_16] : memref<4000x128xf32, #tpu.memory_space<vmem>>, vector<4000x128xf32>
    %get3A_18 = arith.constant 0 : index
    %get3A_19 = arith.constant 0 : index
    %get3A_20 = vector.load %arg5[%get3A_18, %get3A_19] : memref<128x128xf32, #tpu.memory_space<vmem>>, vector<128x128xf32>
    %dot_general3A_21 = arith.constant dense<0.000000e+00> : vector<4000x128xf32>
    %dot_general3A_22 = tpu.matmul %max3A_14, %get3A_20, %dot_general3A_21 {dimension_numbers = #tpu.dot_dimension_numbers<[1], [0], [0], [1], [0, 0, 1, 1], [], []>, transpose_lhs_hint = false} : vector<4000x128xf32>, vector<128x128xf32>, vector<4000x128xf32> -> vector<4000x128xf32>
    %add3A_23 = arith.addf %get3A_17, %dot_general3A_22 : vector<4000x128xf32>
    %get3A_24 = arith.constant 0 : index
    %get3A_25 = arith.constant 0 : index
    %get3A_26 = vector.load %arg6[%get3A_24, %get3A_25] : memref<1x128xf32, #tpu.memory_space<vmem>>, vector<1x128xf32>
    %add3A_27 = vector.broadcast %get3A_26 : vector<1x128xf32> to vector<4000x128xf32>
    %add3A_28 = arith.addf %add3A_23, %add3A_27 : vector<4000x128xf32>
    %swap3A = arith.constant 0 : index
    %swap3A_29 = arith.constant 0 : index
    %swap3A_30 = vector.load %arg7[%swap3A, %swap3A_29] : memref<4000x128xf32, #tpu.memory_space<vmem>>, vector<4000x128xf32>
    tpu.vector_store %arg7[%swap3A, %swap3A_29], %add3A_28 {strides = array<i32>} : memref<4000x128xf32, #tpu.memory_space<vmem>>, vector<4000x128xf32>,
    return
  }
  func.func @transform_0(%arg0: i32) -> (i32, i32) {
    %add3A = arith.constant 0 : i32
    %add3A_0 = arith.addi %arg0, %add3A : i32
    %c0_i32 = arith.constant 0 : i32
    %c0_i32_1 = arith.constant 0 : i32
    return %add3A_0, %c0_i32 : i32, i32
  }
  func.func @transform_1(%arg0: i32) -> (i32, i32) {
    %c0_i32 = arith.constant 0 : i32
    %c0_i32_0 = arith.constant 0 : i32
    return %arg0, %c0_i32 : i32, i32
  }
  func.func @transform_2(%arg0: i32) -> (i32, i32) {
    %c0_i32 = arith.constant 0 : i32
    %c0_i32_0 = arith.constant 0 : i32
    return %arg0, %c0_i32 : i32, i32
  }
  func.func @transform_3(%arg0: i32) -> (i32, i32) {
    %c0_i32 = arith.constant 0 : i32
    %c0_i32_0 = arith.constant 0 : i32
    %c0_i32_1 = arith.constant 0 : i32
    return %c0_i32, %c0_i32_0 : i32, i32
  }
  func.func @transform_4(%arg0: i32) -> (i32, i32) {
    %c0_i32 = arith.constant 0 : i32
    %c0_i32_0 = arith.constant 0 : i32
    %c0_i32_1 = arith.constant 0 : i32
    return %c0_i32, %c0_i32_0 : i32, i32
  }
  func.func @transform_5(%arg0: i32) -> (i32, i32) {
    %c0_i32 = arith.constant 0 : i32
    %c0_i32_0 = arith.constant 0 : i32
    %c0_i32_1 = arith.constant 0 : i32
    return %c0_i32, %c0_i32_0 : i32, i32
  }
  func.func @transform_6(%arg0: i32) -> (i32, i32) {
    %c0_i32 = arith.constant 0 : i32
    %c0_i32_0 = arith.constant 0 : i32
    return %arg0, %c0_i32 : i32, i32
  }
}

module attributes {stable_mosaic.version = 14 : i64} {
  func.func @_node_mid_body(%arg0: i32, %arg1: memref<2000x128xf32, #tpu.memory_space<vmem>>, %arg2: memref<2000x128xf32, #tpu.memory_space<vmem>>, %arg3: memref<2000x128xf32, #tpu.memory_space<vmem>>, %arg4: memref<128x128xf32, #tpu.memory_space<vmem>>, %arg5: memref<128x128xf32, #tpu.memory_space<vmem>>, %arg6: memref<1x128xf32, #tpu.memory_space<vmem>>, %arg7: memref<128x128xf32, #tpu.memory_space<vmem>>, %arg8: memref<1x128xf32, #tpu.memory_space<vmem>>, %arg9: memref<128x128xf32, #tpu.memory_space<vmem>>, %arg10: memref<128x128xf32, #tpu.memory_space<vmem>>, %arg11: memref<1x128xf32, #tpu.memory_space<vmem>>, %arg12: memref<2000x128xf32, #tpu.memory_space<vmem>>, %arg13: memref<2000x128xf32, #tpu.memory_space<vmem>>, %arg14: memref<2000x128xf32, #tpu.memory_space<vmem>>) attributes {dimension_semantics = [#tpu.dimension_semantics<arbitrary>], iteration_bounds = array<i64: 5>, scalar_prefetch = 0 : i64, scratch_operands = 0 : i64, tpu.core_type = #tpu.core_type<tc>, window_params = [{transform_indices = @transform_0, window_bounds = array<i64: 2000, 128>}, {transform_indices = @transform_1, window_bounds = array<i64: 2000, 128>}, {transform_indices = @transform_2, window_bounds = array<i64: 2000, 128>}, {pipeline_mode = #tpu.pipeline_mode<synchronous>, transform_indices = @transform_3, window_bounds = array<i64: 128, 128>}, {pipeline_mode = #tpu.pipeline_mode<synchronous>, transform_indices = @transform_4, window_bounds = array<i64: 128, 128>}, {pipeline_mode = #tpu.pipeline_mode<synchronous>, transform_indices = @transform_5, window_bounds = array<i64: 1, 128>}, {pipeline_mode = #tpu.pipeline_mode<synchronous>, transform_indices = @transform_6, window_bounds = array<i64: 128, 128>}, {pipeline_mode = #tpu.pipeline_mode<synchronous>, transform_indices = @transform_7, window_bounds = array<i64: 1, 128>}, {pipeline_mode = #tpu.pipeline_mode<synchronous>, transform_indices = @transform_8, window_bounds = array<i64: 128, 128>}, {pipeline_mode = #tpu.pipeline_mode<synchronous>, transform_indices = @transform_9, window_bounds = array<i64: 128, 128>}, {pipeline_mode = #tpu.pipeline_mode<synchronous>, transform_indices = @transform_10, window_bounds = array<i64: 1, 128>}, {transform_indices = @transform_11, window_bounds = array<i64: 2000, 128>}, {transform_indices = @transform_12, window_bounds = array<i64: 2000, 128>}, {transform_indices = @transform_13, window_bounds = array<i64: 2000, 128>}]} {
    %get3A = arith.constant 0 : index
    %get3A_0 = arith.constant 0 : index
    %get3A_1 = vector.load %arg2[%get3A, %get3A_0] : memref<2000x128xf32, #tpu.memory_space<vmem>>, vector<2000x128xf32>
    %get3A_2 = arith.constant 0 : index
    %get3A_3 = arith.constant 0 : index
    %get3A_4 = vector.load %arg3[%get3A_2, %get3A_3] : memref<2000x128xf32, #tpu.memory_space<vmem>>, vector<2000x128xf32>
    %add3A = arith.addf %get3A_1, %get3A_4 : vector<2000x128xf32>
    %get3A_5 = arith.constant 0 : index
    %get3A_6 = arith.constant 0 : index
    %get3A_7 = vector.load %arg1[%get3A_5, %get3A_6] : memref<2000x128xf32, #tpu.memory_space<vmem>>, vector<2000x128xf32>
    %get3A_8 = arith.constant 0 : index
    %get3A_9 = arith.constant 0 : index
    %get3A_10 = vector.load %arg4[%get3A_8, %get3A_9] : memref<128x128xf32, #tpu.memory_space<vmem>>, vector<128x128xf32>
    %dot_general3A = arith.constant dense<0.000000e+00> : vector<2000x128xf32>
    %dot_general3A_11 = tpu.matmul %get3A_7, %get3A_10, %dot_general3A {dimension_numbers = #tpu.dot_dimension_numbers<[1], [0], [0], [1], [0, 0, 1, 1], [], []>, transpose_lhs_hint = false} : vector<2000x128xf32>, vector<128x128xf32>, vector<2000x128xf32> -> vector<2000x128xf32>
    %get3A_12 = arith.constant 0 : index
    %get3A_13 = arith.constant 0 : index
    %get3A_14 = vector.load %arg5[%get3A_12, %get3A_13] : memref<128x128xf32, #tpu.memory_space<vmem>>, vector<128x128xf32>
    %dot_general3A_15 = arith.constant dense<0.000000e+00> : vector<2000x128xf32>
    %dot_general3A_16 = tpu.matmul %add3A, %get3A_14, %dot_general3A_15 {dimension_numbers = #tpu.dot_dimension_numbers<[1], [0], [0], [1], [0, 0, 1, 1], [], []>, transpose_lhs_hint = false} : vector<2000x128xf32>, vector<128x128xf32>, vector<2000x128xf32> -> vector<2000x128xf32>
    %add3A_17 = arith.addf %dot_general3A_11, %dot_general3A_16 : vector<2000x128xf32>
    %get3A_18 = arith.constant 0 : index
    %get3A_19 = arith.constant 0 : index
    %get3A_20 = vector.load %arg6[%get3A_18, %get3A_19] : memref<1x128xf32, #tpu.memory_space<vmem>>, vector<1x128xf32>
    %add3A_21 = vector.broadcast %get3A_20 : vector<1x128xf32> to vector<2000x128xf32>
    %add3A_22 = arith.addf %add3A_17, %add3A_21 : vector<2000x128xf32>
    %max3A = arith.constant 0.000000e+00 : f32
    %max3A_23 = vector.broadcast %max3A : f32 to vector<2000x128xf32>
    %max3A_24 = arith.maximumf %add3A_22, %max3A_23 : vector<2000x128xf32>
    %get3A_25 = arith.constant 0 : index
    %get3A_26 = arith.constant 0 : index
    %get3A_27 = vector.load %arg1[%get3A_25, %get3A_26] : memref<2000x128xf32, #tpu.memory_space<vmem>>, vector<2000x128xf32>
    %get3A_28 = arith.constant 0 : index
    %get3A_29 = arith.constant 0 : index
    %get3A_30 = vector.load %arg7[%get3A_28, %get3A_29] : memref<128x128xf32, #tpu.memory_space<vmem>>, vector<128x128xf32>
    %dot_general3A_31 = arith.constant dense<0.000000e+00> : vector<2000x128xf32>
    %dot_general3A_32 = tpu.matmul %max3A_24, %get3A_30, %dot_general3A_31 {dimension_numbers = #tpu.dot_dimension_numbers<[1], [0], [0], [1], [0, 0, 1, 1], [], []>, transpose_lhs_hint = false} : vector<2000x128xf32>, vector<128x128xf32>, vector<2000x128xf32> -> vector<2000x128xf32>
    %add3A_33 = arith.addf %get3A_27, %dot_general3A_32 : vector<2000x128xf32>
    %get3A_34 = arith.constant 0 : index
    %get3A_35 = arith.constant 0 : index
    %get3A_36 = vector.load %arg8[%get3A_34, %get3A_35] : memref<1x128xf32, #tpu.memory_space<vmem>>, vector<1x128xf32>
    %add3A_37 = vector.broadcast %get3A_36 : vector<1x128xf32> to vector<2000x128xf32>
    %add3A_38 = arith.addf %add3A_33, %add3A_37 : vector<2000x128xf32>
    %swap3A = arith.constant 0 : index
    %swap3A_39 = arith.constant 0 : index
    %swap3A_40 = vector.load %arg12[%swap3A, %swap3A_39] : memref<2000x128xf32, #tpu.memory_space<vmem>>, vector<2000x128xf32>
    tpu.vector_store %arg12[%swap3A, %swap3A_39], %add3A_38 {strides = array<i32>} : memref<2000x128xf32, #tpu.memory_space<vmem>>, vector<2000x128xf32>,
    %get3A_41 = arith.constant 0 : index
    %get3A_42 = arith.constant 0 : index
    %get3A_43 = vector.load %arg9[%get3A_41, %get3A_42] : memref<128x128xf32, #tpu.memory_space<vmem>>, vector<128x128xf32>
    %dot_general3A_44 = arith.constant dense<0.000000e+00> : vector<2000x128xf32>
    %dot_general3A_45 = tpu.matmul %add3A_38, %get3A_43, %dot_general3A_44 {dimension_numbers = #tpu.dot_dimension_numbers<[1], [0], [0], [1], [0, 0, 1, 1], [], []>, transpose_lhs_hint = false} : vector<2000x128xf32>, vector<128x128xf32>, vector<2000x128xf32> -> vector<2000x128xf32>
    %get3A_46 = arith.constant 0 : index
    %get3A_47 = arith.constant 0 : index
    %get3A_48 = vector.load %arg11[%get3A_46, %get3A_47] : memref<1x128xf32, #tpu.memory_space<vmem>>, vector<1x128xf32>
    %add3A_49 = vector.broadcast %get3A_48 : vector<1x128xf32> to vector<2000x128xf32>
    %add3A_50 = arith.addf %dot_general3A_45, %add3A_49 : vector<2000x128xf32>
    %swap3A_51 = arith.constant 0 : index
    %swap3A_52 = arith.constant 0 : index
    %swap3A_53 = vector.load %arg13[%swap3A_51, %swap3A_52] : memref<2000x128xf32, #tpu.memory_space<vmem>>, vector<2000x128xf32>
    tpu.vector_store %arg13[%swap3A_51, %swap3A_52], %add3A_50 {strides = array<i32>} : memref<2000x128xf32, #tpu.memory_space<vmem>>, vector<2000x128xf32>,
    %get3A_54 = arith.constant 0 : index
    %get3A_55 = arith.constant 0 : index
    %get3A_56 = vector.load %arg10[%get3A_54, %get3A_55] : memref<128x128xf32, #tpu.memory_space<vmem>>, vector<128x128xf32>
    %dot_general3A_57 = arith.constant dense<0.000000e+00> : vector<2000x128xf32>
    %dot_general3A_58 = tpu.matmul %add3A_38, %get3A_56, %dot_general3A_57 {dimension_numbers = #tpu.dot_dimension_numbers<[1], [0], [0], [1], [0, 0, 1, 1], [], []>, transpose_lhs_hint = false} : vector<2000x128xf32>, vector<128x128xf32>, vector<2000x128xf32> -> vector<2000x128xf32>
    %swap3A_59 = arith.constant 0 : index
    %swap3A_60 = arith.constant 0 : index
    %swap3A_61 = vector.load %arg14[%swap3A_59, %swap3A_60] : memref<2000x128xf32, #tpu.memory_space<vmem>>, vector<2000x128xf32>
    tpu.vector_store %arg14[%swap3A_59, %swap3A_60], %dot_general3A_58 {strides = array<i32>} : memref<2000x128xf32, #tpu.memory_space<vmem>>, vector<2000x128xf32>,
    return
  }
  func.func @transform_0(%arg0: i32) -> (i32, i32) {
    %c0_i32 = arith.constant 0 : i32
    %c0_i32_0 = arith.constant 0 : i32
    return %arg0, %c0_i32 : i32, i32
  }
  func.func @transform_1(%arg0: i32) -> (i32, i32) {
    %c0_i32 = arith.constant 0 : i32
    %c0_i32_0 = arith.constant 0 : i32
    return %arg0, %c0_i32 : i32, i32
  }
  func.func @transform_2(%arg0: i32) -> (i32, i32) {
    %c0_i32 = arith.constant 0 : i32
    %c0_i32_0 = arith.constant 0 : i32
    return %arg0, %c0_i32 : i32, i32
  }
  func.func @transform_3(%arg0: i32) -> (i32, i32) {
    %c0_i32 = arith.constant 0 : i32
    %c0_i32_0 = arith.constant 0 : i32
    %c0_i32_1 = arith.constant 0 : i32
    return %c0_i32, %c0_i32_0 : i32, i32
  }
  func.func @transform_4(%arg0: i32) -> (i32, i32) {
    %c0_i32 = arith.constant 0 : i32
    %c0_i32_0 = arith.constant 0 : i32
    %c0_i32_1 = arith.constant 0 : i32
    return %c0_i32, %c0_i32_0 : i32, i32
  }
  func.func @transform_5(%arg0: i32) -> (i32, i32) {
    %c0_i32 = arith.constant 0 : i32
    %c0_i32_0 = arith.constant 0 : i32
    %c0_i32_1 = arith.constant 0 : i32
    return %c0_i32, %c0_i32_0 : i32, i32
  }
  func.func @transform_6(%arg0: i32) -> (i32, i32) {
    %c0_i32 = arith.constant 0 : i32
    %c0_i32_0 = arith.constant 0 : i32
    %c0_i32_1 = arith.constant 0 : i32
    return %c0_i32, %c0_i32_0 : i32, i32
  }
  func.func @transform_7(%arg0: i32) -> (i32, i32) {
    %c0_i32 = arith.constant 0 : i32
    %c0_i32_0 = arith.constant 0 : i32
    %c0_i32_1 = arith.constant 0 : i32
    return %c0_i32, %c0_i32_0 : i32, i32
  }
  func.func @transform_8(%arg0: i32) -> (i32, i32) {
    %c0_i32 = arith.constant 0 : i32
    %c0_i32_0 = arith.constant 0 : i32
    %c0_i32_1 = arith.constant 0 : i32
    return %c0_i32, %c0_i32_0 : i32, i32
  }
  func.func @transform_9(%arg0: i32) -> (i32, i32) {
    %c0_i32 = arith.constant 0 : i32
    %c0_i32_0 = arith.constant 0 : i32
    %c0_i32_1 = arith.constant 0 : i32
    return %c0_i32, %c0_i32_0 : i32, i32
  }
  func.func @transform_10(%arg0: i32) -> (i32, i32) {
    %c0_i32 = arith.constant 0 : i32
    %c0_i32_0 = arith.constant 0 : i32
    %c0_i32_1 = arith.constant 0 : i32
    return %c0_i32, %c0_i32_0 : i32, i32
  }
  func.func @transform_11(%arg0: i32) -> (i32, i32) {
    %c0_i32 = arith.constant 0 : i32
    %c0_i32_0 = arith.constant 0 : i32
    return %arg0, %c0_i32 : i32, i32
  }
  func.func @transform_12(%arg0: i32) -> (i32, i32) {
    %c0_i32 = arith.constant 0 : i32
    %c0_i32_0 = arith.constant 0 : i32
    return %arg0, %c0_i32 : i32, i32
  }
  func.func @transform_13(%arg0: i32) -> (i32, i32) {
    %c0_i32 = arith.constant 0 : i32
    %c0_i32_0 = arith.constant 0 : i32
    return %arg0, %c0_i32 : i32, i32
  }
}

module attributes {stable_mosaic.version = 14 : i64} {
  func.func @_node_fin_body(%arg0: i32, %arg1: memref<2000x128xf32, #tpu.memory_space<vmem>>, %arg2: memref<2000x128xf32, #tpu.memory_space<vmem>>, %arg3: memref<2000x128xf32, #tpu.memory_space<vmem>>, %arg4: memref<128x128xf32, #tpu.memory_space<vmem>>, %arg5: memref<128x128xf32, #tpu.memory_space<vmem>>, %arg6: memref<1x128xf32, #tpu.memory_space<vmem>>, %arg7: memref<128x128xf32, #tpu.memory_space<vmem>>, %arg8: memref<1x128xf32, #tpu.memory_space<vmem>>, %arg9: memref<2000x128xf32, #tpu.memory_space<vmem>>) attributes {dimension_semantics = [#tpu.dimension_semantics<arbitrary>], iteration_bounds = array<i64: 5>, scalar_prefetch = 0 : i64, scratch_operands = 0 : i64, tpu.core_type = #tpu.core_type<tc>, window_params = [{transform_indices = @transform_0, window_bounds = array<i64: 2000, 128>}, {transform_indices = @transform_1, window_bounds = array<i64: 2000, 128>}, {transform_indices = @transform_2, window_bounds = array<i64: 2000, 128>}, {pipeline_mode = #tpu.pipeline_mode<synchronous>, transform_indices = @transform_3, window_bounds = array<i64: 128, 128>}, {pipeline_mode = #tpu.pipeline_mode<synchronous>, transform_indices = @transform_4, window_bounds = array<i64: 128, 128>}, {pipeline_mode = #tpu.pipeline_mode<synchronous>, transform_indices = @transform_5, window_bounds = array<i64: 1, 128>}, {pipeline_mode = #tpu.pipeline_mode<synchronous>, transform_indices = @transform_6, window_bounds = array<i64: 128, 128>}, {pipeline_mode = #tpu.pipeline_mode<synchronous>, transform_indices = @transform_7, window_bounds = array<i64: 1, 128>}, {transform_indices = @transform_8, window_bounds = array<i64: 2000, 128>}]} {
    %get3A = arith.constant 0 : index
    %get3A_0 = arith.constant 0 : index
    %get3A_1 = vector.load %arg2[%get3A, %get3A_0] : memref<2000x128xf32, #tpu.memory_space<vmem>>, vector<2000x128xf32>
    %get3A_2 = arith.constant 0 : index
    %get3A_3 = arith.constant 0 : index
    %get3A_4 = vector.load %arg3[%get3A_2, %get3A_3] : memref<2000x128xf32, #tpu.memory_space<vmem>>, vector<2000x128xf32>
    %add3A = arith.addf %get3A_1, %get3A_4 : vector<2000x128xf32>
    %get3A_5 = arith.constant 0 : index
    %get3A_6 = arith.constant 0 : index
    %get3A_7 = vector.load %arg1[%get3A_5, %get3A_6] : memref<2000x128xf32, #tpu.memory_space<vmem>>, vector<2000x128xf32>
    %get3A_8 = arith.constant 0 : index
    %get3A_9 = arith.constant 0 : index
    %get3A_10 = vector.load %arg4[%get3A_8, %get3A_9] : memref<128x128xf32, #tpu.memory_space<vmem>>, vector<128x128xf32>
    %dot_general3A = arith.constant dense<0.000000e+00> : vector<2000x128xf32>
    %dot_general3A_11 = tpu.matmul %get3A_7, %get3A_10, %dot_general3A {dimension_numbers = #tpu.dot_dimension_numbers<[1], [0], [0], [1], [0, 0, 1, 1], [], []>, transpose_lhs_hint = false} : vector<2000x128xf32>, vector<128x128xf32>, vector<2000x128xf32> -> vector<2000x128xf32>
    %get3A_12 = arith.constant 0 : index
    %get3A_13 = arith.constant 0 : index
    %get3A_14 = vector.load %arg5[%get3A_12, %get3A_13] : memref<128x128xf32, #tpu.memory_space<vmem>>, vector<128x128xf32>
    %dot_general3A_15 = arith.constant dense<0.000000e+00> : vector<2000x128xf32>
    %dot_general3A_16 = tpu.matmul %add3A, %get3A_14, %dot_general3A_15 {dimension_numbers = #tpu.dot_dimension_numbers<[1], [0], [0], [1], [0, 0, 1, 1], [], []>, transpose_lhs_hint = false} : vector<2000x128xf32>, vector<128x128xf32>, vector<2000x128xf32> -> vector<2000x128xf32>
    %add3A_17 = arith.addf %dot_general3A_11, %dot_general3A_16 : vector<2000x128xf32>
    %get3A_18 = arith.constant 0 : index
    %get3A_19 = arith.constant 0 : index
    %get3A_20 = vector.load %arg6[%get3A_18, %get3A_19] : memref<1x128xf32, #tpu.memory_space<vmem>>, vector<1x128xf32>
    %add3A_21 = vector.broadcast %get3A_20 : vector<1x128xf32> to vector<2000x128xf32>
    %add3A_22 = arith.addf %add3A_17, %add3A_21 : vector<2000x128xf32>
    %max3A = arith.constant 0.000000e+00 : f32
    %max3A_23 = vector.broadcast %max3A : f32 to vector<2000x128xf32>
    %max3A_24 = arith.maximumf %add3A_22, %max3A_23 : vector<2000x128xf32>
    %get3A_25 = arith.constant 0 : index
    %get3A_26 = arith.constant 0 : index
    %get3A_27 = vector.load %arg1[%get3A_25, %get3A_26] : memref<2000x128xf32, #tpu.memory_space<vmem>>, vector<2000x128xf32>
    %get3A_28 = arith.constant 0 : index
    %get3A_29 = arith.constant 0 : index
    %get3A_30 = vector.load %arg7[%get3A_28, %get3A_29] : memref<128x128xf32, #tpu.memory_space<vmem>>, vector<128x128xf32>
    %dot_general3A_31 = arith.constant dense<0.000000e+00> : vector<2000x128xf32>
    %dot_general3A_32 = tpu.matmul %max3A_24, %get3A_30, %dot_general3A_31 {dimension_numbers = #tpu.dot_dimension_numbers<[1], [0], [0], [1], [0, 0, 1, 1], [], []>, transpose_lhs_hint = false} : vector<2000x128xf32>, vector<128x128xf32>, vector<2000x128xf32> -> vector<2000x128xf32>
    %add3A_33 = arith.addf %get3A_27, %dot_general3A_32 : vector<2000x128xf32>
    %get3A_34 = arith.constant 0 : index
    %get3A_35 = arith.constant 0 : index
    %get3A_36 = vector.load %arg8[%get3A_34, %get3A_35] : memref<1x128xf32, #tpu.memory_space<vmem>>, vector<1x128xf32>
    %add3A_37 = vector.broadcast %get3A_36 : vector<1x128xf32> to vector<2000x128xf32>
    %add3A_38 = arith.addf %add3A_33, %add3A_37 : vector<2000x128xf32>
    %swap3A = arith.constant 0 : index
    %swap3A_39 = arith.constant 0 : index
    %swap3A_40 = vector.load %arg9[%swap3A, %swap3A_39] : memref<2000x128xf32, #tpu.memory_space<vmem>>, vector<2000x128xf32>
    tpu.vector_store %arg9[%swap3A, %swap3A_39], %add3A_38 {strides = array<i32>} : memref<2000x128xf32, #tpu.memory_space<vmem>>, vector<2000x128xf32>,
    return
  }
  func.func @transform_0(%arg0: i32) -> (i32, i32) {
    %c0_i32 = arith.constant 0 : i32
    %c0_i32_0 = arith.constant 0 : i32
    return %arg0, %c0_i32 : i32, i32
  }
  func.func @transform_1(%arg0: i32) -> (i32, i32) {
    %c0_i32 = arith.constant 0 : i32
    %c0_i32_0 = arith.constant 0 : i32
    return %arg0, %c0_i32 : i32, i32
  }
  func.func @transform_2(%arg0: i32) -> (i32, i32) {
    %c0_i32 = arith.constant 0 : i32
    %c0_i32_0 = arith.constant 0 : i32
    return %arg0, %c0_i32 : i32, i32
  }
  func.func @transform_3(%arg0: i32) -> (i32, i32) {
    %c0_i32 = arith.constant 0 : i32
    %c0_i32_0 = arith.constant 0 : i32
    %c0_i32_1 = arith.constant 0 : i32
    return %c0_i32, %c0_i32_0 : i32, i32
  }
  func.func @transform_4(%arg0: i32) -> (i32, i32) {
    %c0_i32 = arith.constant 0 : i32
    %c0_i32_0 = arith.constant 0 : i32
    %c0_i32_1 = arith.constant 0 : i32
    return %c0_i32, %c0_i32_0 : i32, i32
  }
  func.func @transform_5(%arg0: i32) -> (i32, i32) {
    %c0_i32 = arith.constant 0 : i32
    %c0_i32_0 = arith.constant 0 : i32
    %c0_i32_1 = arith.constant 0 : i32
    return %c0_i32, %c0_i32_0 : i32, i32
  }
  func.func @transform_6(%arg0: i32) -> (i32, i32) {
    %c0_i32 = arith.constant 0 : i32
    %c0_i32_0 = arith.constant 0 : i32
    %c0_i32_1 = arith.constant 0 : i32
    return %c0_i32, %c0_i32_0 : i32, i32
  }
  func.func @transform_7(%arg0: i32) -> (i32, i32) {
    %c0_i32 = arith.constant 0 : i32
    %c0_i32_0 = arith.constant 0 : i32
    %c0_i32_1 = arith.constant 0 : i32
    return %c0_i32, %c0_i32_0 : i32, i32
  }
  func.func @transform_8(%arg0: i32) -> (i32, i32) {
    %c0_i32 = arith.constant 0 : i32
    %c0_i32_0 = arith.constant 0 : i32
    return %arg0, %c0_i32 : i32, i32
  }
}

</mosaic_0001>

<sc_bundles>
// kernel: kernel.13.cloned.1.call-start
scs
__scs_entry_jumppad:
0x0: {  	(pc) =	sbr.rel $0x88, $3  }
0x1: {  	(tag) =	ssettag $0x0;
	lr =	simm.s32 $0x1  }
0x2: {  	[smem:$0x3F90] =	sst lr;
	_ =	strace $0xD0000000  }
0x3: {  	_ = 	snop  }
0x4: {  	_ = 	snop  }
0x5: {  	_ = 	snop  }
0x6: {  	_ = 	snop  }
0x7: {  	_ = 	snop  }
__scs_overlays_trampoline_lowered:
0x8: {  	[smem:$0x3F9F] =	sst s0  }
0x9: {  	[smem:$0x3FA0] =	sst s1  }
0xa: {  	[smem:$0x3FA1] =	sst s2  }
0xb: {  	[smem:$0x3FA2] =	sst s3  }
0xc: {  	[smem:$0x3FA3] =	sst s4  }
0xd: {  	[smem:$0x3FA4] =	sst s5  }
0xe: {  	[smem:$0x3FA5] =	sst s6  }
0xf: {  	[smem:$0x3FA6] =	sst s7  }
0x10: {  	[smem:$0x3FA7] =	sst s8  }
0x11: {  	[smem:$0x3FA8] =	sst s9;
	s0 =	simm.s32 @!p0 $0x0  }
0x12: {  	s1 =	sld [smem:$0x3F8E];
	s0 =	simm.s32 @p0 $0x1  }
0x13: {  	[smem:$0x3FA9] =	sst s0;
	s0 =	simm.s32 @!p1 $0x0  }
0x14: {  	s2 =	sld [smem:$0x3F8D];
	s0 =	simm.s32 @p1 $0x1  }
0x15: {  	[smem:$0x3FAA] =	sst s0;
	s0 =	simm.s32 @!p2 $0x0  }
0x16: {  	s3 =	sld [smem:$0x3FDB];
	s0 =	simm.s32 @p2 $0x1  }
0x17: {  	s4 =	simm.s32 $0x1BF5;
	[smem:$0x3FAC] =	sst s0  }
0x18: {  	s0 =	sld [smem:$0x3F8F];
	_ =	swait.ge [sflag:s4], $0x0  }
0x19: {  	s7 =	sld [smem:$0x3F90]  }
0x1a: {  	s8 =	sadd.s32 $0xFFFFE003, lr  }
0x1b: {  	s9 =	sadd.s32 $0xFFFFFEF7, lr;
	s5 =	simm.s32 $0xFFFFFFFF;
	p2 =	slt.u32 s8, $0xFFFFF086  }
0x1c: {  	p1 =	slt.u32 s9, $0xF7A;
	s5 =	simm.s32 @!p2 $0x0  }
0x1d: {  	s5 =	simm.s32 @p1 $0x1;
	p0 =	seq.s32 s7, s2  }
0x1e: {  	s7 =	smul.u32 @!p0 $0xF7A, s2;
	p2 =	seq.s32 @!p0 s5, $0x0  }
0x1f: {  	s9 =	smul.u32 $0xF7A, s1;
	s8 =	simm.s32 @!p0 $0x1BF5;
	p2 =	por !p2, p0  }
0x20: {  	[sflag:s8] =	ssyncset.s32 @!p0 $0xFFFFF086;
	s6 =	sadd.s32 @!p0 s3, s7;
	s7 =	simm.s32 @!p0 $0x108  }
0x21: {  	s3 =	sadd.s32 s3, s9;
	s6 =	sadd.s32 @!p0 $0x88, s6;
	s7 =	simm.s32 @p2 $0x1082  }
0x22: {  	[simem:s7], [sflag:s8] =	dma.local @!p0 [hbm:s6], $0xF7A  }
0x23: {  	s9 =	sor.u32 $0xD0000000, s2;
	s6 =	simm.s32 $0x108;
	_ =	swait.ge @!p0 [sflag:s8], $0x0  }
0x24: {  	s3 =	sadd.s32 $0x88, s3;
	s6 =	simm.s32 @!p1 $0x1082;
	[sflag:s4] =	ssyncset.s32 $0xFFFFF086  }
0x25: {  	[simem:s6], [sflag:s4] =	dma.local [hbm:s3], $0xF7A  }
0x26: {  	[smem:$0x3F90] =	sst s1;
	(tag) =	ssettag s2;
	_ =	strace s9  }
0x27: {  	s1 =	sld [smem:$0x3FA0]  }
0x28: {  	s2 =	sld [smem:$0x3FA1]  }
0x29: {  	s4 =	sld [smem:$0x3FA3]  }
0x2a: {  	p0 =	seq.s32 s5, $0x0;
	s5 =	sld [smem:$0x3FA4]  }
0x2b: {  	s6 =	sld [smem:$0x3FA5]  }
0x2c: {  	s7 =	sld [smem:$0x3FA6]  }
0x2d: {  	s3 =	simm.s32 $0x108;
	s8 =	sld [smem:$0x3FA7]  }
0x2e: {  	s3 =	simm.s32 @!p0 $0x1082;
	s9 =	sld [smem:$0x3FA8]  }
0x2f: {  	lr =	sadd.s32 s0, s3;
	s0 =	sld [smem:$0x3F9F]  }
0x30: {  	s3 =	sld [smem:$0x3FA2]  }
0x31: {  	[smem:$0x3FAB] =	sst s10  }
0x32: {  	s10 =	sld [smem:$0x3FA9];
	_ =	sdelay $0x3  }
0x33: {  	p0 =	seq.s32 s10, $0x1;
	s10 =	sld [smem:$0x3FAB];
	_ =	sdelay $0x3  }
0x34: {  	[smem:$0x3FAB] =	sst s10  }
0x35: {  	s10 =	sld [smem:$0x3FAA];
	_ =	sdelay $0x3  }
0x36: {  	p1 =	seq.s32 s10, $0x1;
	s10 =	sld [smem:$0x3FAB];
	_ =	sdelay $0x3  }
0x37: {  	[smem:$0x3FAB] =	sst s10  }
0x38: {  	s10 =	sld [smem:$0x3FAC]  }
0x39: {  	_ = 	snop;
	(pc) =	sbr.ind lr, $3  }
0x3a: {  	_ = 	snop  }
0x3b: {  	_ = 	snop  }
0x3c: {  	p2 =	seq.s32 s10, $0x1;
	s10 =	sld [smem:$0x3FAB]  }
0x3d: {  	_ =	shalt  }
0x3e: {  	_ =	shalt  }
0x3f: {  	_ =	shalt  }
0x40: {  	_ =	shalt  }
0x41: {  	_ =	shalt  }
0x42: {  	_ =	shalt  }
0x43: {  	_ =	shalt  }
0x44: {  	_ =	shalt  }
0x45: {  	_ =	shalt  }
0x46: {  	_ =	shalt  }
0x47: {  	_ =	shalt  }
0x48: {  	_ =	shalt  }
0x49: {  	_ =	shalt  }
0x4a: {  	_ =	shalt  }
0x4b: {  	_ =	shalt  }
0x4c: {  	_ =	shalt  }
0x4d: {  	_ =	shalt  }
0x4e: {  	_ =	shalt  }
0x4f: {  	_ =	shalt  }
0x50: {  	_ =	shalt  }
0x51: {  	_ =	shalt  }
0x52: {  	_ =	shalt  }
0x53: {  	_ =	shalt  }
0x54: {  	_ =	shalt  }
0x55: {  	_ =	shalt  }
0x56: {  	_ =	shalt  }
0x57: {  	_ =	shalt  }
0x58: {  	_ =	shalt  }
0x59: {  	_ =	shalt  }
0x5a: {  	_ =	shalt  }
0x5b: {  	_ =	shalt  }
0x5c: {  	_ =	shalt  }
0x5d: {  	_ =	shalt  }
0x5e: {  	_ =	shalt  }
0x5f: {  	_ =	shalt  }
0x60: {  	_ =	shalt  }
0x61: {  	_ =	shalt  }
0x62: {  	_ =	shalt  }
0x63: {  	_ =	shalt  }
0x64: {  	_ =	shalt  }
0x65: {  	_ =	shalt  }
0x66: {  	_ =	shalt  }
0x67: {  	_ =	shalt  }
0x68: {  	_ =	shalt  }
0x69: {  	_ =	shalt  }
0x6a: {  	_ =	shalt  }
0x6b: {  	_ =	shalt  }
0x6c: {  	_ =	shalt  }
0x6d: {  	_ =	shalt  }
0x6e: {  	_ =	shalt  }
0x6f: {  	_ =	shalt  }
0x70: {  	_ =	shalt  }
0x71: {  	_ =	shalt  }
0x72: {  	_ =	shalt  }
0x73: {  	_ =	shalt  }
0x74: {  	_ =	shalt  }
0x75: {  	_ =	shalt  }
0x76: {  	_ =	shalt  }
0x77: {  	_ =	shalt  }
0x78: {  	_ =	shalt  }
0x79: {  	_ =	shalt  }
0x7a: {  	_ =	shalt  }
0x7b: {  	_ =	shalt  }
0x7c: {  	_ =	shalt  }
0x7d: {  	_ =	shalt  }
0x7e: {  	_ =	shalt  }
0x7f: {  	_ =	shalt  }
0x80: {  	_ =	shalt  }
0x81: {  	_ =	shalt  }
0x82: {  	_ =	shalt  }
0x83: {  	_ =	shalt  }
0x84: {  	_ =	shalt  }
0x85: {  	_ =	shalt  }
0x86: {  	_ =	shalt  }
0x87: {  	_ =	shalt  }
.Lfunc_end0:
.L_simem_size_0:
called_computation_lowered:
.L_overlay_start_0:
0x88: {  	s2 =	sld [smem:$0x3FD9]  }
0x89: {  	s3 =	sld [smem:$0x3FFE];
	_ =	sdelay $0x1  }
0x8a: {  	s1 =	srdreg.scid  }
0x8b: {  	s0 =	sand.u32 $0x1, s1  }
0x8c: {  	s17 =	sshll.u32 s0, $0xA;
	s2 =	sadd.s32 s3, s2  }
0x8d: {  	s2 =	sadd.s32 s2, s17  }
0x8e: {  	[smem:$0x3FB7] =	sst s2  }
0x8f: {  	_ = 	snop  }
0x90: {  	s2 =	sld [smem:$0x3FD0];
	(tm) =	ssettm $0x1  }
0x91: {  	s18 =	sld [smem:$0x3FFB];
	_ =	sdelay $0x3  }
0x92: {  	_ =	strace s18  }
0x93: {  	s3 =	sld [smem:$0x3FFC];
	_ =	sdelay $0x3  }
0x94: {  	_ =	strace s3  }
0x95: {  	s3 =	sld [smem:$0x3FFD];
	_ =	sdelay $0x3  }
0x96: {  	_ =	strace s3  }
0x97: {  	_ =	strace $0x8FFFFFFF  }
0x98: {  	s19 =	sld [smem:$0x3FDB];
	_ =	sdelay $0x1  }
0x99: {  	s4 =	simm.s32 $_scs_section_size  }
0x9a: {  	s5 =	simm.s32 $_size__tile_overlayer_lowered;
	s6 =	simm.s32 $_tile_overlayer_lowered  }
0x9b: {  	s22 =	simm.s32 $0x1BFF;
	s21 =	sshll.u32 s6, $0x1;
	s3 =	sadd.s32 s4, s19  }
0x9c: {  	s7 =	simm.s32 $0x0;
	s20 =	sshll.u32 s5, $0x1;
	s5 =	sadd.s32 s21, s3  }
0x9d: {  	[timem:s7], [sflag:s22] =	dma.local [hbm:s5], s20  }
0x9e: {  	_ =	swait.ge [sflag:s22], s20  }
0x9f: {  	s4 =	ssub.s32 $0x0, s20;
	[sflag:s22] =	ssyncset.done $0x0  }
0xa0: {  	[sflag:s22] =	ssyncadd.s32 s4;
	_ =	sdelay $0x1  }
0xa1: {  	s23 =	simm.s32 $0x1B8B  }
0xa2: {  	_ =	swait.ge [sflag:s23], $0x1  }
0xa3: {  	[sflag:s23] =	ssyncset.done $0x0  }
0xa4: {  	s25 =	simm.s32 $0x1B8E;
	s24 =	sld [smem:$0x3FFE];
	[sflag:s23] =	ssyncadd.s32 $0xFFFFFFFF  }
0xa5: {  	s26 =	simm.s32 $execute0_lowered;
	[smem:$0x3FD2] =	sst s25  }
0xa6: {  	s5 =	sshll.u32 s26, $0x1;
	_ =	strace $0x80000046;
	[dreg:$0x1] =	wrdreg $0xFFFFFFFF  }
0xa7: {  	s28 =	simm.s32 $_size_execute0_lowered;
	s3 =	sadd.s32 s3, s5;
	[dreg:$0x0] =	wrdreg $0x0  }
0xa8: {  	s5 =	sshll.u32 s28, $0x1;
	[dreg:$0x2] =	wrdreg s3  }
0xa9: {  	[dreg:$0x3] =	wrdreg s5  }
0xaa: {  	[dreg:$0x4] =	wrdreg $0xC0  }
0xab: {  	_ =	task [dreg:s7], $0x5FFFF  }
0xac: {  	[dreg:$0x1] =	wrdreg $0xFFFFFFFF  }
0xad: {  	[dreg:$0x0] =	wrdreg $0x60  }
0xae: {  	[dreg:$0x2] =	wrdreg s2  }
0xaf: {  	[dreg:$0x3] =	wrdreg s24  }
0xb0: {  	[dreg:$0x4] =	wrdreg $0x9  }
0xb1: {  	_ =	task.clear_ibuf [dreg:s7], $0x5FFFF;
	_ =	strace $0x90000046  }
0xb2: {  	s29 =	simm.s32 $0x9;
	_ =	strace $0x80000048  }
0xb3: {  	_ =	swait.ge [sflag:s29], $0x1  }
0xb4: {  	[sflag:s29] =	ssyncadd.s32 $0xFFFFFFFF  }
0xb5: {  	_ =	strace $0x90000048  }
0xb6: {  	_ =	sfence  }
0xb7: {  	s30 =	sld [smem:$0x0];
	_ =	sdelay $0x2  }
0xb8: {  	s31 =	sshll.u32 s1, $0xD;
	s1 =	sshrl.u32 s1, $0x2  }
0xb9: {  	s3 =	sand.u32 $0x4000, s31;
	s1 =	sadd.s32 s1, s30  }
0xba: {  	s0 =	sor.u32 s3, s0;
	s1 =	sshll.u32 s1, $0x11  }
0xbb: {  	s0 =	sor.u32 s1, s0  }
0xbc: {  	s0 =	sadd.s32 $0x8F2B, s0  }
0xbd: {  	[sflag:s0] =	ssyncadd.remote.s32 $0x1  }
0xbe: {  	_ =	sfence.sel $0xFFFF  }
0xbf: {  	[dreg:$0x0] =	wrdreg $0xFFFFFFFF;
	(pc) =	sbr.abs _section_cstart, $3  }
0xc0: {  	[dreg:$0x1] =	wrdreg $0xFFFFFFFF  }
0xc1: {  	_ =	task.clear_ibuf [dreg:s7], $0x2FFFF;
	_ =	strace $0x9FFFFFFF  }
0xc2: {  	(tm) =	ssettm $0x7FFFFFFF  }
0xc3: {  	_ =	shalt  }
tec
execute0_lowered:
.L_overlay_start_1:
0x0: {  	(tag) =	ssettag $0x1  }
0x1: {  	s0 =	srdreg.scid  }
0x2: {  	s18 =	sand.u32 $0x1, s0  }
0x3: {  	s0 =	stileid.u32;
	s1 =	sshll.u32 s18, $0x4  }
0x4: {  	s2 =	rddreg [dreg:$0x0];
	s12 =	sor.u32 s0, s1  }
0x5: {  	s13 =	rddreg [dreg:$0x1];
	s3 =	simm.s32 $0x0;
	s16 =	smul.u32 $0x140, s12  }
0x6: {  	[smem:$0x7FF] =	sst s3  }
0x7: {  	s17 =	sadd.s32 $0x7A00, s13;
	s1 =	rddreg [dreg:$0x2];
	s4 =	sshrl.u32 s16, $0x3  }
0x8: {  	_ =	strace $0x80000047;
	s5 =	sadd.s32 s17, s4;
	s4 =	simm.s32 $0x3  }
0x9: {  	[tilespmem:s3], [sflag:$0x3] =	stream.linear.gather [hbm4b:s5+s3], $0x50, $0x38;
	[tilespmem:$0x5100] =	vst v63  }
0xa: {  	_ =	swait.ge [sflag:s4], $0x50  }
0xb: {  	s6 =	simm.s32 $0x50;
	s15 =	sadd.s32 $0x50, s16;
	[sflag:s4] =	ssyncset.done $0x0  }
0xc: {  	s7 =	simm.s32 $0x100;
	s8 =	sshrl.u32 s15, $0x3;
	[sflag:s4] =	ssyncadd.s32 $0xFFFFFFB0  }
0xd: {  	[tilespmem:s7], [sflag:$0x1] =	stream.indirect.gather [hbm4b:s2+s6], $0x80, s3, s6, $0xb8;
	[tilespmem:$0x5100] =	vst v63  }
0xe: {  	s9 =	simm.s32 $0x80;
	s8 =	sadd.s32 s17, s8  }
0xf: {  	[tilespmem:s9], [sflag:$0x3] =	stream.linear.gather [hbm4b:s8+s3], $0x50, $0x38;
	[tilespmem:$0x5100] =	vst v63  }
0x10: {  	_ =	swait.ge [sflag:s4], $0x50  }
0x11: {  	[sflag:s4] =	ssyncset.done $0x0  }
0x12: {  	s10 =	simm.s32 $0x2900;
	s11 =	simm.s32 $0x1;
	[sflag:s4] =	ssyncadd.s32 $0xFFFFFFB0  }
0x13: {  	[tilespmem:s10], [sflag:$0x2] =	stream.indirect.gather [hbm4b:s2+s6], $0x80, s9, s6, $0xb8;
	[tilespmem:$0x5100] =	vst v63  }
0x14: {  	s12 =	smul.u32 $0x1400, s12;
	_ =	swait.ge [sflag:s11], $0x2800  }
0x15: {  	s19 =	sadd.s32 $0x8000, s13;
	[sflag:s11] =	ssyncset.done $0x0  }
0x16: {  	s12 =	sadd.s32 s19, s12;
	[sflag:s11] =	ssyncadd.s32 $0xFFFFD800  }
0x17: {  	[hbm4b:s12+s3] =	stream.linear.scatter [tilespmem:s7], [sflag:$0x3], $0x2800, $0x38;
	[tilespmem:$0x5100] =	vst v63  }
0x18: {  	s20 =	sadd.s32 $0xA0, s16;
	_ =	swait.ge [sflag:s4], $0x2800  }
0x19: {  	s26 =	sshrl.u32 s20, $0x3;
	[sflag:s4] =	ssyncset.done $0x0  }
0x1a: {  	s13 =	sadd.s32 s17, s26;
	[sflag:s4] =	ssyncadd.s32 $0xFFFFD800  }
0x1b: {  	[tilespmem:s3], [sflag:$0x3] =	stream.linear.gather [hbm4b:s13+s3], $0x50, $0x38;
	[tilespmem:$0x5100] =	vst v63  }
0x1c: {  	_ =	swait.ge [sflag:s4], $0x50  }
0x1d: {  	[sflag:s4] =	ssyncset.done $0x0  }
0x1e: {  	s14 =	simm.s32 $0x2;
	[sflag:s4] =	ssyncadd.s32 $0xFFFFFFB0  }
0x1f: {  	[tilespmem:s7], [sflag:$0x1] =	stream.indirect.gather [hbm4b:s2+s6], $0x80, s3, s6, $0xb8;
	[tilespmem:$0x5100] =	vst v63  }
0x20: {  	_ =	swait.ge [sflag:s14], $0x2800  }
0x21: {  	s15 =	sshll.u32 s15, $0x4;
	[sflag:s14] =	ssyncset.done $0x0  }
0x22: {  	s15 =	sadd.s32 s19, s15;
	[sflag:s14] =	ssyncadd.s32 $0xFFFFD800  }
0x23: {  	[hbm4b:s15+s3] =	stream.linear.scatter [tilespmem:s10], [sflag:$0x3], $0x2800, $0x38;
	[tilespmem:$0x5100] =	vst v63  }
0x24: {  	s21 =	sadd.s32 $0xF0, s16;
	_ =	swait.ge [sflag:s4], $0x2800  }
0x25: {  	s16 =	sshrl.u32 s21, $0x3;
	[sflag:s4] =	ssyncset.done $0x0  }
0x26: {  	s16 =	sadd.s32 s17, s16;
	[sflag:s4] =	ssyncadd.s32 $0xFFFFD800  }
0x27: {  	[tilespmem:s9], [sflag:$0x3] =	stream.linear.gather [hbm4b:s16+s3], $0x50, $0x38;
	[tilespmem:$0x5100] =	vst v63  }
0x28: {  	_ =	swait.ge [sflag:s4], $0x50  }
0x29: {  	[sflag:s4] =	ssyncset.done $0x0  }
0x2a: {  	[sflag:s4] =	ssyncadd.s32 $0xFFFFFFB0  }
0x2b: {  	[tilespmem:s10], [sflag:$0x2] =	stream.indirect.gather [hbm4b:s2+s6], $0x80, s9, s6, $0xb8;
	[tilespmem:$0x5100] =	vst v63  }
0x2c: {  	_ =	swait.ge [sflag:s11], $0x2800  }
0x2d: {  	s28 =	sshll.u32 s20, $0x4;
	[sflag:s11] =	ssyncset.done $0x0  }
0x2e: {  	s18 =	ssub.s32 $0x2, s18;
	s17 =	sadd.s32 s19, s28;
	[sflag:s11] =	ssyncadd.s32 $0xFFFFD800  }
0x2f: {  	[hbm4b:s17+s3] =	stream.linear.scatter [tilespmem:s7], [sflag:$0x3], $0x2800, $0x38;
	[tilespmem:$0x5100] =	vst v63  }
0x30: {  	s29 =	sshrl.u32 s18, $0x1;
	_ =	swait.ge [sflag:s4], $0x2800  }
0x31: {  	s20 =	ssub.s32 s18, s29;
	[sflag:s4] =	ssyncset.done $0x0  }
0x32: {  	s31 =	smax.u32 s20, $0x1;
	[sflag:s4] =	ssyncadd.s32 $0xFFFFD800  }
0x33: {  	p0 =	sne.s32 s31, $0x1;
	_ =	swait.ge [sflag:s14], $0x2800  }
.Ltmp0:
0x34: {  	s30 =	sshll.u32 s21, $0x4;
	[sflag:s14] =	ssyncset.done $0x0;
	(pc) =	sbr.rel @!p0 .LBB2_2-.Ltmp0, $4  }
0x35: {  	s18 =	sadd.s32 s19, s30;
	[sflag:s14] =	ssyncadd.s32 $0xFFFFD800  }
0x36: {  	[hbm4b:s18+s3] =	stream.linear.scatter [tilespmem:s10], [sflag:$0x3], $0x2800, $0x38;
	[tilespmem:$0x5100] =	vst v63  }
0x37: {  	_ =	swait.ge [sflag:s4], $0x2800  }
0x38: {  	s19 =	sadd.s32 $0xFFFFFFFF, s31;
	[sflag:s4] =	ssyncset.done $0x0  }
.LBB2_1:
0x39: {  	p0 =	sne.s32 s19, $0x1;
	s19 =	sadd.s32 $0xFFFFFFFF, s19;
	[sflag:s4] =	ssyncadd.s32 $0xFFFFD800  }
0x3a: {  	[tilespmem:s3], [sflag:$0x3] =	stream.linear.gather [hbm4b:s5+s3], $0x50, $0x38;
	[tilespmem:$0x5100] =	vst v63  }
0x3b: {  	_ =	swait.ge [sflag:s4], $0x50  }
0x3c: {  	[sflag:s4] =	ssyncset.done $0x0  }
0x3d: {  	[sflag:s4] =	ssyncadd.s32 $0xFFFFFFB0  }
0x3e: {  	[tilespmem:s7], [sflag:$0x1] =	stream.indirect.gather [hbm4b:s2+s6], $0x80, s3, s6, $0xb8;
	[tilespmem:$0x5100] =	vst v63  }
0x3f: {  	_ = 	snop  }
0x40: {  	[tilespmem:s9], [sflag:$0x3] =	stream.linear.gather [hbm4b:s8+s3], $0x50, $0x38;
	[tilespmem:$0x5100] =	vst v63  }
0x41: {  	_ =	swait.ge [sflag:s4], $0x50  }
0x42: {  	[sflag:s4] =	ssyncset.done $0x0  }
0x43: {  	[sflag:s4] =	ssyncadd.s32 $0xFFFFFFB0  }
0x44: {  	[tilespmem:s10], [sflag:$0x2] =	stream.indirect.gather [hbm4b:s2+s6], $0x80, s9, s6, $0xb8;
	[tilespmem:$0x5100] =	vst v63  }
0x45: {  	_ =	swait.ge [sflag:s11], $0x2800  }
0x46: {  	[sflag:s11] =	ssyncset.done $0x0  }
0x47: {  	[sflag:s11] =	ssyncadd.s32 $0xFFFFD800  }
0x48: {  	[hbm4b:s12+s3] =	stream.linear.scatter [tilespmem:s7], [sflag:$0x3], $0x2800, $0x38;
	[tilespmem:$0x5100] =	vst v63  }
0x49: {  	_ =	swait.ge [sflag:s4], $0x2800  }
0x4a: {  	[sflag:s4] =	ssyncset.done $0x0  }
0x4b: {  	[sflag:s4] =	ssyncadd.s32 $0xFFFFD800  }
0x4c: {  	[tilespmem:s3], [sflag:$0x3] =	stream.linear.gather [hbm4b:s13+s3], $0x50, $0x38;
	[tilespmem:$0x5100] =	vst v63  }
0x4d: {  	_ =	swait.ge [sflag:s4], $0x50  }
0x4e: {  	[sflag:s4] =	ssyncset.done $0x0  }
0x4f: {  	[sflag:s4] =	ssyncadd.s32 $0xFFFFFFB0  }
0x50: {  	[tilespmem:s7], [sflag:$0x1] =	stream.indirect.gather [hbm4b:s2+s6], $0x80, s3, s6, $0xb8;
	[tilespmem:$0x5100] =	vst v63  }
0x51: {  	_ =	swait.ge [sflag:s14], $0x2800  }
0x52: {  	[sflag:s14] =	ssyncset.done $0x0  }
0x53: {  	[sflag:s14] =	ssyncadd.s32 $0xFFFFD800  }
0x54: {  	[hbm4b:s15+s3] =	stream.linear.scatter [tilespmem:s10], [sflag:$0x3], $0x2800, $0x38;
	[tilespmem:$0x5100] =	vst v63  }
0x55: {  	_ =	swait.ge [sflag:s4], $0x2800  }
0x56: {  	[sflag:s4] =	ssyncset.done $0x0  }
0x57: {  	[sflag:s4] =	ssyncadd.s32 $0xFFFFD800  }
0x58: {  	[tilespmem:s9], [sflag:$0x3] =	stream.linear.gather [hbm4b:s16+s3], $0x50, $0x38;
	[tilespmem:$0x5100] =	vst v63  }
0x59: {  	_ =	swait.ge [sflag:s4], $0x50  }
0x5a: {  	[sflag:s4] =	ssyncset.done $0x0  }
0x5b: {  	[sflag:s4] =	ssyncadd.s32 $0xFFFFFFB0  }
0x5c: {  	[tilespmem:s10], [sflag:$0x2] =	stream.indirect.gather [hbm4b:s2+s6], $0x80, s9, s6, $0xb8;
	[tilespmem:$0x5100] =	vst v63  }
0x5d: {  	_ =	swait.ge [sflag:s11], $0x2800  }
0x5e: {  	[sflag:s11] =	ssyncset.done $0x0  }
0x5f: {  	[sflag:s11] =	ssyncadd.s32 $0xFFFFD800  }
0x60: {  	[hbm4b:s17+s3] =	stream.linear.scatter [tilespmem:s7], [sflag:$0x3], $0x2800, $0x38;
	[tilespmem:$0x5100] =	vst v63  }
0x61: {  	_ =	swait.ge [sflag:s4], $0x2800  }
0x62: {  	[sflag:s4] =	ssyncset.done $0x0  }
0x63: {  	[sflag:s4] =	ssyncadd.s32 $0xFFFFD800  }
0x64: {  	_ =	swait.ge [sflag:s14], $0x2800  }
.Ltmp1:
0x65: {  	[sflag:s14] =	ssyncset.done $0x0;
	(pc) =	sbr.rel @p0 .LBB2_1-.Ltmp1, $4  }
0x66: {  	[sflag:s14] =	ssyncadd.s32 $0xFFFFD800  }
0x67: {  	[hbm4b:s18+s3] =	stream.linear.scatter [tilespmem:s10], [sflag:$0x3], $0x2800, $0x38;
	[tilespmem:$0x5100] =	vst v63  }
0x68: {  	_ =	swait.ge [sflag:s4], $0x2800  }
0x69: {  	[sflag:s4] =	ssyncset.done $0x0  }
.LBB2_2:
0x6a: {  	[sflag:s4] =	ssyncadd.s32 $0xFFFFD800  }
0x6b: {  	_ =	sfence.sel $0x180000  }
0x6c: {  	[bflag:$0x0] =	sbarrier.arrive $0xFFFF  }
0x6d: {  	p0 =	sne.s32 s0, $0x0;
	_ =	strace $0x90000047  }
0x6e: {  	s0 =	sadd.s32 @!p0 $0x100000, s1;
	[bflag:$0x2] =	sbarrier.arrive $0xFFFF  }
0x6f: {  	[sflag:s0] =	ssyncadd.tile.s32 @!p0 $0x1;
	_ =	shalt  }
.Lfunc_end2:
_tile_overlayer_lowered:
.L_overlay_start_2:
0x70: {  	(tag) =	ssettag $0x2  }
0x71: {  	s0 =	rddreg [dreg:$0x0];
	s2 =	stileid.u32  }
0x72: {  	s1 =	rddreg [dreg:$0x1];
	p0 =	sne.s32 s2, $0x0  }
0x73: {  	s3 =	rddreg [dreg:$0x2];
	[bflag:$0x3] =	sbarrier.arrive $0xFFFF;
	s2 =	simm.s32 @!p0 $0x1C03  }
0x74: {  	[timem:s3], [sflag:s2] =	dma.local @!p0 [hbm:s0], s1  }
0x75: {  	s0 =	simm.s32 @!p0 $0x3  }
0x76: {  	_ =	swait.ge @!p0 [sflag:s0], s1  }
0x77: {  	s1 =	ssub.s32 @!p0 $0x0, s1;
	[sflag:s0] =	ssyncset.done @!p0 $0x0  }
0x78: {  	[sflag:s0] =	ssyncadd.s32 @!p0 s1  }
0x79: {  	[bflag:$0x3] =	sbarrier.arrive $0xFFFF  }
0x7a: {  	_ =	shalt  }

// kernel: kernel.16.cloned.1.call-start
scs
__scs_entry_jumppad:
0x0: {  	(pc) =	sbr.rel $0x88, $3  }
0x1: {  	(tag) =	ssettag $0x0;
	lr =	simm.s32 $0x1  }
0x2: {  	[smem:$0x3F90] =	sst lr;
	_ =	strace $0xD0000000  }
0x3: {  	_ = 	snop  }
0x4: {  	_ = 	snop  }
0x5: {  	_ = 	snop  }
0x6: {  	_ = 	snop  }
0x7: {  	_ = 	snop  }
__scs_overlays_trampoline_lowered:
0x8: {  	[smem:$0x3F9F] =	sst s0  }
0x9: {  	[smem:$0x3FA0] =	sst s1  }
0xa: {  	[smem:$0x3FA1] =	sst s2  }
0xb: {  	[smem:$0x3FA2] =	sst s3  }
0xc: {  	[smem:$0x3FA3] =	sst s4  }
0xd: {  	[smem:$0x3FA4] =	sst s5  }
0xe: {  	[smem:$0x3FA5] =	sst s6  }
0xf: {  	[smem:$0x3FA6] =	sst s7  }
0x10: {  	[smem:$0x3FA7] =	sst s8  }
0x11: {  	[smem:$0x3FA8] =	sst s9;
	s0 =	simm.s32 @!p0 $0x0  }
0x12: {  	s1 =	sld [smem:$0x3F8E];
	s0 =	simm.s32 @p0 $0x1  }
0x13: {  	[smem:$0x3FA9] =	sst s0;
	s0 =	simm.s32 @!p1 $0x0  }
0x14: {  	s2 =	sld [smem:$0x3F8D];
	s0 =	simm.s32 @p1 $0x1  }
0x15: {  	[smem:$0x3FAA] =	sst s0;
	s0 =	simm.s32 @!p2 $0x0  }
0x16: {  	s3 =	sld [smem:$0x3FDB];
	s0 =	simm.s32 @p2 $0x1  }
0x17: {  	s4 =	simm.s32 $0x1BF5;
	[smem:$0x3FAC] =	sst s0  }
0x18: {  	s0 =	sld [smem:$0x3F8F];
	_ =	swait.ge [sflag:s4], $0x0  }
0x19: {  	s7 =	sld [smem:$0x3F90]  }
0x1a: {  	s8 =	sadd.s32 $0xFFFFE003, lr  }
0x1b: {  	s9 =	sadd.s32 $0xFFFFFEF7, lr;
	s5 =	simm.s32 $0xFFFFFFFF;
	p2 =	slt.u32 s8, $0xFFFFF086  }
0x1c: {  	p1 =	slt.u32 s9, $0xF7A;
	s5 =	simm.s32 @!p2 $0x0  }
0x1d: {  	s5 =	simm.s32 @p1 $0x1;
	p0 =	seq.s32 s7, s2  }
0x1e: {  	s7 =	smul.u32 @!p0 $0xF7A, s2;
	p2 =	seq.s32 @!p0 s5, $0x0  }
0x1f: {  	s9 =	smul.u32 $0xF7A, s1;
	s8 =	simm.s32 @!p0 $0x1BF5;
	p2 =	por !p2, p0  }
0x20: {  	[sflag:s8] =	ssyncset.s32 @!p0 $0xFFFFF086;
	s6 =	sadd.s32 @!p0 s3, s7;
	s7 =	simm.s32 @!p0 $0x108  }
0x21: {  	s3 =	sadd.s32 s3, s9;
	s6 =	sadd.s32 @!p0 $0x88, s6;
	s7 =	simm.s32 @p2 $0x1082  }
0x22: {  	[simem:s7], [sflag:s8] =	dma.local @!p0 [hbm:s6], $0xF7A  }
0x23: {  	s9 =	sor.u32 $0xD0000000, s2;
	s6 =	simm.s32 $0x108;
	_ =	swait.ge @!p0 [sflag:s8], $0x0  }
0x24: {  	s3 =	sadd.s32 $0x88, s3;
	s6 =	simm.s32 @!p1 $0x1082;
	[sflag:s4] =	ssyncset.s32 $0xFFFFF086  }
0x25: {  	[simem:s6], [sflag:s4] =	dma.local [hbm:s3], $0xF7A  }
0x26: {  	[smem:$0x3F90] =	sst s1;
	(tag) =	ssettag s2;
	_ =	strace s9  }
0x27: {  	s1 =	sld [smem:$0x3FA0]  }
0x28: {  	s2 =	sld [smem:$0x3FA1]  }
0x29: {  	s4 =	sld [smem:$0x3FA3]  }
0x2a: {  	p0 =	seq.s32 s5, $0x0;
	s5 =	sld [smem:$0x3FA4]  }
0x2b: {  	s6 =	sld [smem:$0x3FA5]  }
0x2c: {  	s7 =	sld [smem:$0x3FA6]  }
0x2d: {  	s3 =	simm.s32 $0x108;
	s8 =	sld [smem:$0x3FA7]  }
0x2e: {  	s3 =	simm.s32 @!p0 $0x1082;
	s9 =	sld [smem:$0x3FA8]  }
0x2f: {  	lr =	sadd.s32 s0, s3;
	s0 =	sld [smem:$0x3F9F]  }
0x30: {  	s3 =	sld [smem:$0x3FA2]  }
0x31: {  	[smem:$0x3FAB] =	sst s10  }
0x32: {  	s10 =	sld [smem:$0x3FA9];
	_ =	sdelay $0x3  }
0x33: {  	p0 =	seq.s32 s10, $0x1;
	s10 =	sld [smem:$0x3FAB];
	_ =	sdelay $0x3  }
0x34: {  	[smem:$0x3FAB] =	sst s10  }
0x35: {  	s10 =	sld [smem:$0x3FAA];
	_ =	sdelay $0x3  }
0x36: {  	p1 =	seq.s32 s10, $0x1;
	s10 =	sld [smem:$0x3FAB];
	_ =	sdelay $0x3  }
0x37: {  	[smem:$0x3FAB] =	sst s10  }
0x38: {  	s10 =	sld [smem:$0x3FAC]  }
0x39: {  	_ = 	snop;
	(pc) =	sbr.ind lr, $3  }
0x3a: {  	_ = 	snop  }
0x3b: {  	_ = 	snop  }
0x3c: {  	p2 =	seq.s32 s10, $0x1;
	s10 =	sld [smem:$0x3FAB]  }
0x3d: {  	_ =	shalt  }
0x3e: {  	_ =	shalt  }
0x3f: {  	_ =	shalt  }
0x40: {  	_ =	shalt  }
0x41: {  	_ =	shalt  }
0x42: {  	_ =	shalt  }
0x43: {  	_ =	shalt  }
0x44: {  	_ =	shalt  }
0x45: {  	_ =	shalt  }
0x46: {  	_ =	shalt  }
0x47: {  	_ =	shalt  }
0x48: {  	_ =	shalt  }
0x49: {  	_ =	shalt  }
0x4a: {  	_ =	shalt  }
0x4b: {  	_ =	shalt  }
0x4c: {  	_ =	shalt  }
0x4d: {  	_ =	shalt  }
0x4e: {  	_ =	shalt  }
0x4f: {  	_ =	shalt  }
0x50: {  	_ =	shalt  }
0x51: {  	_ =	shalt  }
0x52: {  	_ =	shalt  }
0x53: {  	_ =	shalt  }
0x54: {  	_ =	shalt  }
0x55: {  	_ =	shalt  }
0x56: {  	_ =	shalt  }
0x57: {  	_ =	shalt  }
0x58: {  	_ =	shalt  }
0x59: {  	_ =	shalt  }
0x5a: {  	_ =	shalt  }
0x5b: {  	_ =	shalt  }
0x5c: {  	_ =	shalt  }
0x5d: {  	_ =	shalt  }
0x5e: {  	_ =	shalt  }
0x5f: {  	_ =	shalt  }
0x60: {  	_ =	shalt  }
0x61: {  	_ =	shalt  }
0x62: {  	_ =	shalt  }
0x63: {  	_ =	shalt  }
0x64: {  	_ =	shalt  }
0x65: {  	_ =	shalt  }
0x66: {  	_ =	shalt  }
0x67: {  	_ =	shalt  }
0x68: {  	_ =	shalt  }
0x69: {  	_ =	shalt  }
0x6a: {  	_ =	shalt  }
0x6b: {  	_ =	shalt  }
0x6c: {  	_ =	shalt  }
0x6d: {  	_ =	shalt  }
0x6e: {  	_ =	shalt  }
0x6f: {  	_ =	shalt  }
0x70: {  	_ =	shalt  }
0x71: {  	_ =	shalt  }
0x72: {  	_ =	shalt  }
0x73: {  	_ =	shalt  }
0x74: {  	_ =	shalt  }
0x75: {  	_ =	shalt  }
0x76: {  	_ =	shalt  }
0x77: {  	_ =	shalt  }
0x78: {  	_ =	shalt  }
0x79: {  	_ =	shalt  }
0x7a: {  	_ =	shalt  }
0x7b: {  	_ =	shalt  }
0x7c: {  	_ =	shalt  }
0x7d: {  	_ =	shalt  }
0x7e: {  	_ =	shalt  }
0x7f: {  	_ =	shalt  }
0x80: {  	_ =	shalt  }
0x81: {  	_ =	shalt  }
0x82: {  	_ =	shalt  }
0x83: {  	_ =	shalt  }
0x84: {  	_ =	shalt  }
0x85: {  	_ =	shalt  }
0x86: {  	_ =	shalt  }
0x87: {  	_ =	shalt  }
.Lfunc_end0:
.L_simem_size_0:
called_computation.1_lowered:
.L_overlay_start_0:
0x88: {  	s2 =	sld [smem:$0x3FD9]  }
0x89: {  	s3 =	sld [smem:$0x3FFE];
	_ =	sdelay $0x1  }
0x8a: {  	s1 =	srdreg.scid  }
0x8b: {  	s0 =	sand.u32 $0x1, s1  }
0x8c: {  	s16 =	sshll.u32 s0, $0xA;
	s2 =	sadd.s32 s3, s2  }
0x8d: {  	s2 =	sadd.s32 s2, s16  }
0x8e: {  	[smem:$0x3FB7] =	sst s2  }
0x8f: {  	_ = 	snop  }
0x90: {  	(tm) =	ssettm $0x1  }
0x91: {  	s17 =	sld [smem:$0x3FFB];
	_ =	sdelay $0x3  }
0x92: {  	_ =	strace s17  }
0x93: {  	s2 =	sld [smem:$0x3FFC];
	_ =	sdelay $0x3  }
0x94: {  	_ =	strace s2  }
0x95: {  	s2 =	sld [smem:$0x3FFD];
	_ =	sdelay $0x3  }
0x96: {  	_ =	strace s2  }
0x97: {  	_ =	strace $0x8FFFFFFF  }
0x98: {  	s18 =	sld [smem:$0x3FDB];
	_ =	sdelay $0x1  }
0x99: {  	s19 =	simm.s32 $_scs_section_size  }
0x9a: {  	s4 =	simm.s32 $_size__tile_overlayer_lowered;
	s5 =	simm.s32 $_tile_overlayer_lowered  }
0x9b: {  	s22 =	simm.s32 $0x1BFF;
	s21 =	sshll.u32 s5, $0x1;
	s2 =	sadd.s32 s19, s18  }
0x9c: {  	s6 =	simm.s32 $0x0;
	s20 =	sshll.u32 s4, $0x1;
	s4 =	sadd.s32 s21, s2  }
0x9d: {  	[timem:s6], [sflag:s22] =	dma.local [hbm:s4], s20  }
0x9e: {  	_ =	swait.ge [sflag:s22], s20  }
0x9f: {  	s3 =	ssub.s32 $0x0, s20;
	[sflag:s22] =	ssyncset.done $0x0  }
0xa0: {  	[sflag:s22] =	ssyncadd.s32 s3;
	_ =	sdelay $0x1  }
0xa1: {  	s23 =	simm.s32 $0x1B8B  }
0xa2: {  	_ =	swait.ge [sflag:s23], $0x1  }
0xa3: {  	[sflag:s23] =	ssyncset.done $0x0  }
0xa4: {  	s25 =	simm.s32 $0x1B8E;
	s24 =	sld [smem:$0x3FFE];
	[sflag:s23] =	ssyncadd.s32 $0xFFFFFFFF  }
0xa5: {  	s26 =	simm.s32 $execute0_lowered;
	[smem:$0x3FD2] =	sst s25  }
0xa6: {  	s4 =	sshll.u32 s26, $0x1;
	_ =	strace $0x80000049;
	[dreg:$0x1] =	wrdreg $0xFFFFFFFF  }
0xa7: {  	s28 =	simm.s32 $_size_execute0_lowered;
	s2 =	sadd.s32 s2, s4;
	[dreg:$0x0] =	wrdreg $0x0  }
0xa8: {  	s4 =	sshll.u32 s28, $0x1;
	[dreg:$0x2] =	wrdreg s2  }
0xa9: {  	[dreg:$0x3] =	wrdreg s4  }
0xaa: {  	[dreg:$0x4] =	wrdreg $0xC0  }
0xab: {  	_ =	task [dreg:s6], $0x5FFFF  }
0xac: {  	[dreg:$0x1] =	wrdreg $0xFFFFFFFF  }
0xad: {  	[dreg:$0x0] =	wrdreg $0x60  }
0xae: {  	[dreg:$0x2] =	wrdreg s24  }
0xaf: {  	[dreg:$0x3] =	wrdreg $0x9  }
0xb0: {  	_ =	task.clear_ibuf [dreg:s6], $0x4FFFF;
	_ =	strace $0x90000049  }
0xb1: {  	s29 =	simm.s32 $0x9;
	_ =	strace $0x8000004B  }
0xb2: {  	_ =	swait.ge [sflag:s29], $0x1  }
0xb3: {  	[sflag:s29] =	ssyncadd.s32 $0xFFFFFFFF  }
0xb4: {  	_ =	strace $0x9000004B  }
0xb5: {  	_ =	sfence  }
0xb6: {  	s30 =	sld [smem:$0x0];
	_ =	sdelay $0x2  }
0xb7: {  	s31 =	sshll.u32 s1, $0xD;
	s1 =	sshrl.u32 s1, $0x2  }
0xb8: {  	s3 =	sand.u32 $0x4000, s31;
	s1 =	sadd.s32 s1, s30  }
0xb9: {  	s0 =	sor.u32 s3, s0;
	s1 =	sshll.u32 s1, $0x11  }
0xba: {  	s0 =	sor.u32 s1, s0  }
0xbb: {  	s0 =	sadd.s32 $0x8F2B, s0  }
0xbc: {  	[sflag:s0] =	ssyncadd.remote.s32 $0x1  }
0xbd: {  	_ =	sfence.sel $0xFFFF  }
0xbe: {  	[dreg:$0x0] =	wrdreg $0xFFFFFFFF;
	(pc) =	sbr.abs _section_cstart, $3  }
0xbf: {  	[dreg:$0x1] =	wrdreg $0xFFFFFFFF  }
0xc0: {  	_ =	task.clear_ibuf [dreg:s6], $0x2FFFF;
	_ =	strace $0x9FFFFFFF  }
0xc1: {  	(tm) =	ssettm $0x7FFFFFFF  }
tec
execute0_lowered:
.L_overlay_start_1:
0x0: {  	(tag) =	ssettag $0x1  }
0x1: {  	s0 =	srdreg.scid  }
0x2: {  	s1 =	rddreg [dreg:$0x0];
	s10 =	stileid.u32;
	s2 =	simm.s32 $0x0  }
0x3: {  	s28 =	simm.s32 $0x9F00;
	s30 =	simm.s32 $0x13F00;
	s29 =	simm.s32 $0x5  }
0x4: {  	s31 =	simm.s32 $0x9;
	s11 =	simm.s32 $0x8;
	s12 =	simm.s32 $0xC  }
0x5: {  	s13 =	simm.s32 $0x0;
	s0 =	sand.u32 $0x1, s0;
	[smem:$0x7FF] =	sst s2  }
0x6: {  	s4 =	sadd.s32 $0x45E00, s1;
	s8 =	sadd.s32 $0x6D000, s1;
	s23 =	smul.u32 $0x27100, s10  }
0x7: {  	s3 =	sshll.u32 s0, $0x4;
	_ =	strace $0x8000004A;
	s7 =	ssub.s32 $0x2, s0  }
0x8: {  	s0 =	smul.u32 $0x271000, s0;
	s5 =	sor.u32 s10, s3;
	s3 =	sadd.s32 $0x7A00, s1  }
0x9: {  	s9 =	sshrl.u32 s7, $0x1;
	s10 =	simm.s32 $0x4;
	s6 =	smul.u32 $0x2710, s5  }
0xa: {  	s5 =	smul.u32 $0x138800, s5;
	s7 =	ssub.s32 s7, s9;
	s24 =	sadd.s32 s0, s8  }
0xb: {  	s25 =	sadd.s32 s23, s24;
	s26 =	smax.u32 s7, $0x1;
	s24 =	simm.s32 $0x16700  }
0xc: {  	s7 =	simm.s32 $0x3;
	s6 =	sshrl.u32 s6, $0x3;
	[dreg:$0x2] =	wrdreg s25  }
0xd: {  	s5 =	sshrl.u32 s5, $0x3;
	[dreg:$0x10] =	wrdreg s26;
	s6 =	sadd.s32 s6, s1  }
0xe: {  	s25 =	simm.s32 $0x11700;
	s26 =	simm.s32 $0x1;
	s14 =	sadd.s32 $0x3C000, s6  }
0xf: {  	s15 =	sadd.s32 $0x25800, s5;
	s6 =	sadd.s32 $0x32200, s6;
	[dreg:$0x4] =	wrdreg s14  }
0x10: {  	s17 =	sadd.s32 $0x25D00, s5;
	s16 =	sadd.s32 s8, s15;
	[dreg:$0x5] =	wrdreg s6  }
0x11: {  	s19 =	sadd.s32 $0x26200, s5;
	s18 =	sadd.s32 s8, s17;
	[dreg:$0x6] =	wrdreg s16  }
0x12: {  	s21 =	sadd.s32 $0x26700, s5;
	s20 =	sadd.s32 s8, s19;
	[dreg:$0x8] =	wrdreg s18  }
0x13: {  	s1 =	sadd.s32 $0x54F000, s1;
	s22 =	sadd.s32 s8, s21;
	[dreg:$0xa] =	wrdreg s20  }
0x14: {  	s5 =	sadd.s32 $0x26C00, s5;
	s9 =	sadd.s32 s1, s21;
	[dreg:$0xc] =	wrdreg s22  }
0x15: {  	s8 =	sadd.s32 s8, s5;
	s0 =	sadd.s32 s0, s1;
	[dreg:$0xd] =	wrdreg s9  }
0x16: {  	s21 =	simm.s32 $0x4F00;
	s6 =	sadd.s32 s1, s15;
	[dreg:$0xe] =	wrdreg s8  }
0x17: {  	s0 =	sadd.s32 s23, s0;
	s20 =	simm.s32 $0x50;
	s22 =	simm.s32 $0xEF00  }
0x18: {  	s23 =	simm.s32 $0x7700;
	s8 =	simm.s32 $0x7;
	[dreg:$0x7] =	wrdreg s6  }
0x19: {  	s9 =	simm.s32 $0xB;
	s6 =	sadd.s32 s1, s17;
	[dreg:$0x3] =	wrdreg s0  }
0x1a: {  	s0 =	simm.s32 $0xC700;
	[dreg:$0x9] =	wrdreg s6;
	s6 =	sadd.s32 s1, s19  }
0x1b: {  	s1 =	sadd.s32 s1, s5;
	s5 =	simm.s32 $0x6;
	[dreg:$0xb] =	wrdreg s6  }
0x1c: {  	[dreg:$0xf] =	wrdreg s1;
	s1 =	simm.s32 $0x2;
	s6 =	simm.s32 $0xA  }
.LBB2_1:
0x1d: {  	s14 =	rddreg [dreg:$0x4];
	s15 =	simm.s32 $0xD  }
0x1e: {  	[tilespmem:s2], [sflag:$0xD] =	stream.linear.gather [hbm4b:s14+s2], $0x2710, $0x38;
	[tilespmem:$0x18F00] =	vst v63  }
0x1f: {  	_ =	swait.ge [sflag:s15], $0x2710  }
0x20: {  	[sflag:s15] =	ssyncset.done $0x0  }
0x21: {  	s16 =	simm.s32 $0x2780;
	s19 =	rddreg [dreg:$0x5];
	[sflag:s15] =	ssyncadd.s32 $0xFFFFD8F0  }
0x22: {  	[tilespmem:s16], [sflag:$0xD] =	stream.linear.gather [hbm4b:s19+s2], $0x2710, $0x38;
	[tilespmem:$0x18F00] =	vst v63  }
0x23: {  	_ =	swait.ge [sflag:s15], $0x2710  }
0x24: {  	[sflag:s15] =	ssyncset.done $0x0  }
0x25: {  	[sflag:s15] =	ssyncadd.s32 $0xFFFFD8F0  }
0x26: {  	[tilespmem:s21], [sflag:$0x1] =	stream.indirect.gather [hbm4b:s3+s20], $0x80, s2, s20, $0xb8;
	[tilespmem:$0x18F00] =	vst v63  }
0x27: {  	_ = 	snop  }
0x28: {  	[tilespmem:s22], [sflag:$0x5] =	stream.indirect.gather [hbm4b:s4+s20], $0x80, s16, s20, $0xb8;
	[tilespmem:$0x18F00] =	vst v63  }
0x29: {  	_ = 	snop  }
0x2a: {  	[tilespmem:s23], [sflag:$0x2] =	stream.indirect.gather [hbm4b:s3+s20], $0x80, s20, s20, $0xb8;
	[tilespmem:$0x18F00] =	vst v63  }
0x2b: {  	s15 =	simm.s32 $0x27D0  }
0x2c: {  	[tilespmem:s25], [sflag:$0x6] =	stream.indirect.gather [hbm4b:s4+s20], $0x80, s15, s20, $0xb8;
	[tilespmem:$0x18F00] =	vst v63  }
0x2d: {  	s16 =	simm.s32 $0xA0  }
0x2e: {  	[tilespmem:s28], [sflag:$0x3] =	stream.indirect.gather [hbm4b:s3+s20], $0x80, s16, s20, $0xb8;
	[tilespmem:$0x18F00] =	vst v63  }
0x2f: {  	s17 =	simm.s32 $0x2820  }
0x30: {  	[tilespmem:s30], [sflag:$0x7] =	stream.indirect.gather [hbm4b:s4+s20], $0x80, s17, s20, $0xb8;
	[tilespmem:$0x18F00] =	vst v63  }
0x31: {  	s18 =	simm.s32 $0xF0  }
0x32: {  	[tilespmem:s0], [sflag:$0x4] =	stream.indirect.gather [hbm4b:s3+s20], $0x80, s18, s20, $0xb8;
	[tilespmem:$0x18F00] =	vst v63  }
0x33: {  	s19 =	simm.s32 $0x2870  }
0x34: {  	[tilespmem:s24], [sflag:$0x8] =	stream.indirect.gather [hbm4b:s4+s20], $0x80, s19, s20, $0xb8;
	[tilespmem:$0x18F00] =	vst v63  }
0x35: {  	_ =	swait.ge [sflag:s26], $0x2800  }
0x36: {  	[sflag:s26] =	ssyncset.done $0x0  }
0x37: {  	[sflag:s26] =	ssyncadd.s32 $0xFFFFD800  }
0x38: {  	_ =	swait.ge [sflag:s29], $0x2800  }
0x39: {  	s15 =	rddreg [dreg:$0x2];
	[sflag:s29] =	ssyncset.done $0x0  }
0x3a: {  	s16 =	rddreg [dreg:$0x3];
	[sflag:s29] =	ssyncadd.s32 $0xFFFFD800;
	s14 =	sadd.s32 $0x0, s15  }
0x3b: {  	[hbm4b:s14+s2] =	stream.linear.scatter [tilespmem:s21], [sflag:$0x9], $0x2800, $0x38;
	[tilespmem:$0x18F00] =	vst v63  }
0x3c: {  	s15 =	sadd.s32 $0x0, s16  }
0x3d: {  	[hbm4b:s15+s2] =	stream.linear.scatter [tilespmem:s22], [sflag:$0x9], $0x2800, $0x38;
	[tilespmem:$0x18F00] =	vst v63  }
0x3e: {  	_ =	swait.ge [sflag:s31], $0x2800  }
0x3f: {  	[sflag:s31] =	ssyncset.done $0x0  }
0x40: {  	[sflag:s31] =	ssyncadd.s32 $0xFFFFD800  }
0x41: {  	_ =	swait.ge [sflag:s31], $0x2800  }
0x42: {  	[sflag:s31] =	ssyncset.done $0x0  }
0x43: {  	s17 =	simm.s32 $0x140;
	[sflag:s31] =	ssyncadd.s32 $0xFFFFD800  }
0x44: {  	[tilespmem:s21], [sflag:$0x1] =	stream.indirect.gather [hbm4b:s3+s20], $0x80, s17, s20, $0xb8;
	[tilespmem:$0x18F00] =	vst v63  }
0x45: {  	s18 =	simm.s32 $0x28C0  }
0x46: {  	[tilespmem:s22], [sflag:$0x5] =	stream.indirect.gather [hbm4b:s4+s20], $0x80, s18, s20, $0xb8;
	[tilespmem:$0x18F00] =	vst v63  }
0x47: {  	_ =	swait.ge [sflag:s1], $0x2800  }
0x48: {  	[sflag:s1] =	ssyncset.done $0x0  }
0x49: {  	[sflag:s1] =	ssyncadd.s32 $0xFFFFD800  }
0x4a: {  	_ =	swait.ge [sflag:s5], $0x2800  }
0x4b: {  	[sflag:s5] =	ssyncset.done $0x0  }
0x4c: {  	s19 =	sadd.s32 $0x500, s14;
	[sflag:s5] =	ssyncadd.s32 $0xFFFFD800  }
0x4d: {  	[hbm4b:s19+s2] =	stream.linear.scatter [tilespmem:s23], [sflag:$0xA], $0x2800, $0x38;
	[tilespmem:$0x18F00] =	vst v63  }
0x4e: {  	s17 =	sadd.s32 $0x500, s15  }
0x4f: {  	[hbm4b:s17+s2] =	stream.linear.scatter [tilespmem:s25], [sflag:$0xA], $0x2800, $0x38;
	[tilespmem:$0x18F00] =	vst v63  }
0x50: {  	_ =	swait.ge [sflag:s6], $0x2800  }
0x51: {  	[sflag:s6] =	ssyncset.done $0x0  }
0x52: {  	[sflag:s6] =	ssyncadd.s32 $0xFFFFD800  }
0x53: {  	_ =	swait.ge [sflag:s6], $0x2800  }
0x54: {  	[sflag:s6] =	ssyncset.done $0x0  }
0x55: {  	s18 =	simm.s32 $0x190;
	[sflag:s6] =	ssyncadd.s32 $0xFFFFD800  }
0x56: {  	[tilespmem:s23], [sflag:$0x2] =	stream.indirect.gather [hbm4b:s3+s20], $0x80, s18, s20, $0xb8;
	[tilespmem:$0x18F00] =	vst v63  }
0x57: {  	s19 =	simm.s32 $0x2910  }
0x58: {  	[tilespmem:s25], [sflag:$0x6] =	stream.indirect.gather [hbm4b:s4+s20], $0x80, s19, s20, $0xb8;
	[tilespmem:$0x18F00] =	vst v63  }
0x59: {  	_ =	swait.ge [sflag:s7], $0x2800  }
0x5a: {  	[sflag:s7] =	ssyncset.done $0x0  }
0x5b: {  	[sflag:s7] =	ssyncadd.s32 $0xFFFFD800  }
0x5c: {  	_ =	swait.ge [sflag:s8], $0x2800  }
0x5d: {  	[sflag:s8] =	ssyncset.done $0x0  }
0x5e: {  	s17 =	sadd.s32 $0xA00, s14;
	[sflag:s8] =	ssyncadd.s32 $0xFFFFD800  }
0x5f: {  	[hbm4b:s17+s2] =	stream.linear.scatter [tilespmem:s28], [sflag:$0xB], $0x2800, $0x38;
	[tilespmem:$0x18F00] =	vst v63  }
0x60: {  	s18 =	sadd.s32 $0xA00, s15  }
0x61: {  	[hbm4b:s18+s2] =	stream.linear.scatter [tilespmem:s30], [sflag:$0xB], $0x2800, $0x38;
	[tilespmem:$0x18F00] =	vst v63  }
0x62: {  	_ =	swait.ge [sflag:s9], $0x2800  }
0x63: {  	[sflag:s9] =	ssyncset.done $0x0  }
0x64: {  	[sflag:s9] =	ssyncadd.s32 $0xFFFFD800  }
0x65: {  	_ =	swait.ge [sflag:s9], $0x2800  }
0x66: {  	[sflag:s9] =	ssyncset.done $0x0  }
0x67: {  	s19 =	simm.s32 $0x1E0;
	[sflag:s9] =	ssyncadd.s32 $0xFFFFD800  }
0x68: {  	[tilespmem:s28], [sflag:$0x3] =	stream.indirect.gather [hbm4b:s3+s20], $0x80, s19, s20, $0xb8;
	[tilespmem:$0x18F00] =	vst v63  }
0x69: {  	s17 =	simm.s32 $0x2960  }
0x6a: {  	[tilespmem:s30], [sflag:$0x7] =	stream.indirect.gather [hbm4b:s4+s20], $0x80, s17, s20, $0xb8;
	[tilespmem:$0x18F00] =	vst v63  }
0x6b: {  	_ =	swait.ge [sflag:s10], $0x2800  }
0x6c: {  	[sflag:s10] =	ssyncset.done $0x0  }
0x6d: {  	[sflag:s10] =	ssyncadd.s32 $0xFFFFD800  }
0x6e: {  	_ =	swait.ge [sflag:s11], $0x2800  }
0x6f: {  	[sflag:s11] =	ssyncset.done $0x0  }
0x70: {  	s14 =	sadd.s32 $0xF00, s14;
	[sflag:s11] =	ssyncadd.s32 $0xFFFFD800  }
0x71: {  	[hbm4b:s14+s2] =	stream.linear.scatter [tilespmem:s0], [sflag:$0xC], $0x2800, $0x38;
	[tilespmem:$0x18F00] =	vst v63  }
0x72: {  	s18 =	sadd.s32 $0xF00, s15  }
0x73: {  	[hbm4b:s18+s2] =	stream.linear.scatter [tilespmem:s24], [sflag:$0xC], $0x2800, $0x38;
	[tilespmem:$0x18F00] =	vst v63  }
0x74: {  	_ =	swait.ge [sflag:s12], $0x2800  }
0x75: {  	[sflag:s12] =	ssyncset.done $0x0  }
0x76: {  	[sflag:s12] =	ssyncadd.s32 $0xFFFFD800  }
0x77: {  	_ =	swait.ge [sflag:s12], $0x2800  }
0x78: {  	s16 =	simm.s32 $0x29B0;
	s15 =	simm.s32 $0x500;
	[sflag:s12] =	ssyncset.done $0x0  }
0x79: {  	s19 =	simm.s32 $0x230;
	s14 =	simm.s32 $0x1400;
	[sflag:s12] =	ssyncadd.s32 $0xFFFFD800  }
0x7a: {  	[tilespmem:s0], [sflag:$0x4] =	stream.indirect.gather [hbm4b:s3+s20], $0x80, s19, s20, $0xb8;
	[tilespmem:$0x18F00] =	vst v63  }
.LBB2_2:
0x7b: {  	[tilespmem:s24], [sflag:$0x8] =	stream.indirect.gather [hbm4b:s4+s20], $0x80, s16, s20, $0xb8;
	[tilespmem:$0x18F00] =	vst v63  }
0x7c: {  	_ =	swait.ge [sflag:s26], $0x2800  }
0x7d: {  	[sflag:s26] =	ssyncset.done $0x0  }
0x7e: {  	[sflag:s26] =	ssyncadd.s32 $0xFFFFD800  }
0x7f: {  	_ =	swait.ge [sflag:s29], $0x2800  }
0x80: {  	s17 =	smov.u32 s14;
	s18 =	rddreg [dreg:$0x2];
	[sflag:s29] =	ssyncset.done $0x0  }
0x81: {  	s19 =	rddreg [dreg:$0x3];
	[sflag:s29] =	ssyncadd.s32 $0xFFFFD800;
	s16 =	sadd.s32 s17, s18  }
0x82: {  	[hbm4b:s16+s2] =	stream.linear.scatter [tilespmem:s21], [sflag:$0x9], $0x2800, $0x38;
	[tilespmem:$0x18F00] =	vst v63  }
0x83: {  	s17 =	sadd.s32 s17, s19  }
0x84: {  	[hbm4b:s17+s2] =	stream.linear.scatter [tilespmem:s22], [sflag:$0x9], $0x2800, $0x38;
	[tilespmem:$0x18F00] =	vst v63  }
0x85: {  	_ =	swait.ge [sflag:s31], $0x2800  }
0x86: {  	[sflag:s31] =	ssyncset.done $0x0  }
0x87: {  	[sflag:s31] =	ssyncadd.s32 $0xFFFFD800  }
0x88: {  	_ =	swait.ge [sflag:s31], $0x2800  }
0x89: {  	s19 =	sshra.s32 s15, $0x2;
	[sflag:s31] =	ssyncset.done $0x0  }
0x8a: {  	s18 =	sadd.s32 $0x140, s19;
	[sflag:s31] =	ssyncadd.s32 $0xFFFFD800  }
0x8b: {  	[tilespmem:s21], [sflag:$0x1] =	stream.indirect.gather [hbm4b:s3+s20], $0x80, s18, s20, $0xb8;
	[tilespmem:$0x18F00] =	vst v63  }
0x8c: {  	s18 =	sadd.s32 $0x28C0, s19  }
0x8d: {  	[tilespmem:s22], [sflag:$0x5] =	stream.indirect.gather [hbm4b:s4+s20], $0x80, s18, s20, $0xb8;
	[tilespmem:$0x18F00] =	vst v63  }
0x8e: {  	_ =	swait.ge [sflag:s1], $0x2800  }
0x8f: {  	[sflag:s1] =	ssyncset.done $0x0  }
0x90: {  	[sflag:s1] =	ssyncadd.s32 $0xFFFFD800  }
0x91: {  	_ =	swait.ge [sflag:s5], $0x2800  }
0x92: {  	[sflag:s5] =	ssyncset.done $0x0  }
0x93: {  	s18 =	sadd.s32 $0x500, s16;
	[sflag:s5] =	ssyncadd.s32 $0xFFFFD800  }
0x94: {  	[hbm4b:s18+s2] =	stream.linear.scatter [tilespmem:s23], [sflag:$0xA], $0x2800, $0x38;
	[tilespmem:$0x18F00] =	vst v63  }
0x95: {  	s18 =	sadd.s32 $0x500, s17  }
0x96: {  	[hbm4b:s18+s2] =	stream.linear.scatter [tilespmem:s25], [sflag:$0xA], $0x2800, $0x38;
	[tilespmem:$0x18F00] =	vst v63  }
0x97: {  	_ =	swait.ge [sflag:s6], $0x2800  }
0x98: {  	[sflag:s6] =	ssyncset.done $0x0  }
0x99: {  	[sflag:s6] =	ssyncadd.s32 $0xFFFFD800  }
0x9a: {  	_ =	swait.ge [sflag:s6], $0x2800  }
0x9b: {  	[sflag:s6] =	ssyncset.done $0x0  }
0x9c: {  	s18 =	sadd.s32 $0x190, s19;
	[sflag:s6] =	ssyncadd.s32 $0xFFFFD800  }
0x9d: {  	[tilespmem:s23], [sflag:$0x2] =	stream.indirect.gather [hbm4b:s3+s20], $0x80, s18, s20, $0xb8;
	[tilespmem:$0x18F00] =	vst v63  }
0x9e: {  	s18 =	sadd.s32 $0x2910, s19  }
0x9f: {  	[tilespmem:s25], [sflag:$0x6] =	stream.indirect.gather [hbm4b:s4+s20], $0x80, s18, s20, $0xb8;
	[tilespmem:$0x18F00] =	vst v63  }
0xa0: {  	_ =	swait.ge [sflag:s7], $0x2800  }
0xa1: {  	[sflag:s7] =	ssyncset.done $0x0  }
0xa2: {  	[sflag:s7] =	ssyncadd.s32 $0xFFFFD800  }
0xa3: {  	_ =	swait.ge [sflag:s8], $0x2800  }
0xa4: {  	[sflag:s8] =	ssyncset.done $0x0  }
0xa5: {  	s18 =	sadd.s32 $0xA00, s16;
	[sflag:s8] =	ssyncadd.s32 $0xFFFFD800  }
0xa6: {  	[hbm4b:s18+s2] =	stream.linear.scatter [tilespmem:s28], [sflag:$0xB], $0x2800, $0x38;
	[tilespmem:$0x18F00] =	vst v63  }
0xa7: {  	s18 =	sadd.s32 $0xA00, s17  }
0xa8: {  	[hbm4b:s18+s2] =	stream.linear.scatter [tilespmem:s30], [sflag:$0xB], $0x2800, $0x38;
	[tilespmem:$0x18F00] =	vst v63  }
0xa9: {  	_ =	swait.ge [sflag:s9], $0x2800  }
0xaa: {  	[sflag:s9] =	ssyncset.done $0x0  }
0xab: {  	[sflag:s9] =	ssyncadd.s32 $0xFFFFD800  }
0xac: {  	_ =	swait.ge [sflag:s9], $0x2800  }
0xad: {  	[sflag:s9] =	ssyncset.done $0x0  }
0xae: {  	s18 =	sadd.s32 $0x1E0, s19;
	[sflag:s9] =	ssyncadd.s32 $0xFFFFD800  }
0xaf: {  	[tilespmem:s28], [sflag:$0x3] =	stream.indirect.gather [hbm4b:s3+s20], $0x80, s18, s20, $0xb8;
	[tilespmem:$0x18F00] =	vst v63  }
0xb0: {  	s18 =	sadd.s32 $0x2960, s19  }
0xb1: {  	[tilespmem:s30], [sflag:$0x7] =	stream.indirect.gather [hbm4b:s4+s20], $0x80, s18, s20, $0xb8;
	[tilespmem:$0x18F00] =	vst v63  }
0xb2: {  	_ =	swait.ge [sflag:s10], $0x2800  }
0xb3: {  	[sflag:s10] =	ssyncset.done $0x0  }
0xb4: {  	[sflag:s10] =	ssyncadd.s32 $0xFFFFD800  }
0xb5: {  	_ =	swait.ge [sflag:s11], $0x2800  }
0xb6: {  	[sflag:s11] =	ssyncset.done $0x0  }
0xb7: {  	s16 =	sadd.s32 $0xF00, s16;
	[sflag:s11] =	ssyncadd.s32 $0xFFFFD800  }
0xb8: {  	[hbm4b:s16+s2] =	stream.linear.scatter [tilespmem:s0], [sflag:$0xC], $0x2800, $0x38;
	[tilespmem:$0x18F00] =	vst v63  }
0xb9: {  	s17 =	sadd.s32 $0xF00, s17  }
0xba: {  	[hbm4b:s17+s2] =	stream.linear.scatter [tilespmem:s24], [sflag:$0xC], $0x2800, $0x38;
	[tilespmem:$0x18F00] =	vst v63  }
0xbb: {  	_ =	swait.ge [sflag:s12], $0x2800  }
0xbc: {  	p0 =	sne.s32 s14, $0x24400;
	[sflag:s12] =	ssyncset.done $0x0  }
.Ltmp0:
0xbd: {  	[sflag:s12] =	ssyncadd.s32 $0xFFFFD800;
	(pc) =	sbr.rel @p0 .LBB2_2-.Ltmp0, $4  }
0xbe: {  	_ =	swait.ge [sflag:s12], $0x2800  }
0xbf: {  	s14 =	sadd.s32 $0x1400, s14;
	s15 =	sadd.s32 $0x500, s15;
	[sflag:s12] =	ssyncset.done $0x0  }
0xc0: {  	s18 =	sadd.s32 $0x230, s19;
	s16 =	sadd.s32 $0x29B0, s19;
	[sflag:s12] =	ssyncadd.s32 $0xFFFFD800  }
0xc1: {  	[tilespmem:s0], [sflag:$0x4] =	stream.indirect.gather [hbm4b:s3+s20], $0x80, s18, s20, $0xb8;
	[tilespmem:$0x18F00] =	vst v63  }
0xc2: {  	[tilespmem:s24], [sflag:$0x8] =	stream.indirect.gather [hbm4b:s4+s20], $0x80, s16, s20, $0xb8;
	[tilespmem:$0x18F00] =	vst v63  }
0xc3: {  	_ =	swait.ge [sflag:s26], $0x2800  }
0xc4: {  	[sflag:s26] =	ssyncset.done $0x0  }
0xc5: {  	[sflag:s26] =	ssyncadd.s32 $0xFFFFD800  }
0xc6: {  	_ =	swait.ge [sflag:s29], $0x2800  }
0xc7: {  	[sflag:s29] =	ssyncset.done $0x0  }
0xc8: {  	s14 =	rddreg [dreg:$0x6];
	[sflag:s29] =	ssyncadd.s32 $0xFFFFD800  }
0xc9: {  	[hbm4b:s14+s2] =	stream.linear.scatter [tilespmem:s21], [sflag:$0x9], $0x2800, $0x38;
	[tilespmem:$0x18F00] =	vst v63  }
0xca: {  	s18 =	rddreg [dreg:$0x7]  }
0xcb: {  	[hbm4b:s18+s2] =	stream.linear.scatter [tilespmem:s22], [sflag:$0x9], $0x2800, $0x38;
	[tilespmem:$0x18F00] =	vst v63  }
0xcc: {  	_ =	swait.ge [sflag:s31], $0x2800  }
0xcd: {  	[sflag:s31] =	ssyncset.done $0x0  }
0xce: {  	[sflag:s31] =	ssyncadd.s32 $0xFFFFD800  }
0xcf: {  	_ =	swait.ge [sflag:s31], $0x2800  }
0xd0: {  	[sflag:s31] =	ssyncset.done $0x0  }
0xd1: {  	s19 =	simm.s32 $0x26C0;
	[sflag:s31] =	ssyncadd.s32 $0xFFFFD800  }
0xd2: {  	[tilespmem:s21], [sflag:$0x1] =	stream.indirect.gather [hbm4b:s3+s20], $0x80, s19, s20, $0xb8;
	[tilespmem:$0x18F00] =	vst v63  }
0xd3: {  	s15 =	simm.s32 $0x4E40  }
0xd4: {  	[tilespmem:s22], [sflag:$0x5] =	stream.indirect.gather [hbm4b:s4+s20], $0x80, s15, s20, $0xb8;
	[tilespmem:$0x18F00] =	vst v63  }
0xd5: {  	_ =	swait.ge [sflag:s1], $0x2800  }
0xd6: {  	[sflag:s1] =	ssyncset.done $0x0  }
0xd7: {  	[sflag:s1] =	ssyncadd.s32 $0xFFFFD800  }
0xd8: {  	_ =	swait.ge [sflag:s5], $0x2800  }
0xd9: {  	[sflag:s5] =	ssyncset.done $0x0  }
0xda: {  	s16 =	rddreg [dreg:$0x8];
	[sflag:s5] =	ssyncadd.s32 $0xFFFFD800  }
0xdb: {  	[hbm4b:s16+s2] =	stream.linear.scatter [tilespmem:s23], [sflag:$0xA], $0x2800, $0x38;
	[tilespmem:$0x18F00] =	vst v63  }
0xdc: {  	s17 =	rddreg [dreg:$0x9]  }
0xdd: {  	[hbm4b:s17+s2] =	stream.linear.scatter [tilespmem:s25], [sflag:$0xA], $0x2800, $0x38;
	[tilespmem:$0x18F00] =	vst v63  }
0xde: {  	_ =	swait.ge [sflag:s7], $0x2800  }
0xdf: {  	[sflag:s7] =	ssyncset.done $0x0  }
0xe0: {  	[sflag:s7] =	ssyncadd.s32 $0xFFFFD800  }
0xe1: {  	_ =	swait.ge [sflag:s8], $0x2800  }
0xe2: {  	[sflag:s8] =	ssyncset.done $0x0  }
0xe3: {  	s18 =	rddreg [dreg:$0xa];
	[sflag:s8] =	ssyncadd.s32 $0xFFFFD800  }
0xe4: {  	[hbm4b:s18+s2] =	stream.linear.scatter [tilespmem:s28], [sflag:$0xB], $0x2800, $0x38;
	[tilespmem:$0x18F00] =	vst v63  }
0xe5: {  	s19 =	rddreg [dreg:$0xb]  }
0xe6: {  	[hbm4b:s19+s2] =	stream.linear.scatter [tilespmem:s30], [sflag:$0xB], $0x2800, $0x38;
	[tilespmem:$0x18F00] =	vst v63  }
0xe7: {  	_ =	swait.ge [sflag:s10], $0x2800  }
0xe8: {  	[sflag:s10] =	ssyncset.done $0x0  }
0xe9: {  	[sflag:s10] =	ssyncadd.s32 $0xFFFFD800  }
0xea: {  	_ =	swait.ge [sflag:s11], $0x2800  }
0xeb: {  	[sflag:s11] =	ssyncset.done $0x0  }
0xec: {  	s15 =	rddreg [dreg:$0xc];
	[sflag:s11] =	ssyncadd.s32 $0xFFFFD800  }
0xed: {  	[hbm4b:s15+s2] =	stream.linear.scatter [tilespmem:s0], [sflag:$0xC], $0x2800, $0x38;
	[tilespmem:$0x18F00] =	vst v63  }
0xee: {  	s16 =	rddreg [dreg:$0xd]  }
0xef: {  	[hbm4b:s16+s2] =	stream.linear.scatter [tilespmem:s24], [sflag:$0xC], $0x2800, $0x38;
	[tilespmem:$0x18F00] =	vst v63  }
0xf0: {  	_ =	swait.ge [sflag:s26], $0x2800  }
0xf1: {  	[sflag:s26] =	ssyncset.done $0x0  }
0xf2: {  	[sflag:s26] =	ssyncadd.s32 $0xFFFFD800  }
0xf3: {  	_ =	swait.ge [sflag:s29], $0x2800  }
0xf4: {  	[sflag:s29] =	ssyncset.done $0x0  }
0xf5: {  	s17 =	rddreg [dreg:$0xe];
	[sflag:s29] =	ssyncadd.s32 $0xFFFFD800  }
0xf6: {  	[hbm4b:s17+s2] =	stream.linear.scatter [tilespmem:s21], [sflag:$0x9], $0x2800, $0x38;
	[tilespmem:$0x18F00] =	vst v63  }
0xf7: {  	s18 =	rddreg [dreg:$0xf]  }
0xf8: {  	[hbm4b:s18+s2] =	stream.linear.scatter [tilespmem:s22], [sflag:$0x9], $0x2800, $0x38;
	[tilespmem:$0x18F00] =	vst v63  }
0xf9: {  	_ =	swait.ge [sflag:s31], $0x2800  }
0xfa: {  	[sflag:s31] =	ssyncset.done $0x0  }
0xfb: {  	[sflag:s31] =	ssyncadd.s32 $0xFFFFD800  }
0xfc: {  	_ =	swait.ge [sflag:s31], $0x2800  }
0xfd: {  	[sflag:s31] =	ssyncset.done $0x0  }
0xfe: {  	[sflag:s31] =	ssyncadd.s32 $0xFFFFD800  }
0xff: {  	_ =	swait.ge [sflag:s6], $0x2800  }
0x100: {  	[sflag:s6] =	ssyncset.done $0x0  }
0x101: {  	[sflag:s6] =	ssyncadd.s32 $0xFFFFD800  }
0x102: {  	_ =	swait.ge [sflag:s6], $0x2800  }
0x103: {  	[sflag:s6] =	ssyncset.done $0x0  }
0x104: {  	[sflag:s6] =	ssyncadd.s32 $0xFFFFD800  }
0x105: {  	_ =	swait.ge [sflag:s9], $0x2800  }
0x106: {  	[sflag:s9] =	ssyncset.done $0x0  }
0x107: {  	[sflag:s9] =	ssyncadd.s32 $0xFFFFD800  }
0x108: {  	_ =	swait.ge [sflag:s9], $0x2800  }
0x109: {  	[sflag:s9] =	ssyncset.done $0x0  }
0x10a: {  	[sflag:s9] =	ssyncadd.s32 $0xFFFFD800  }
0x10b: {  	_ =	swait.ge [sflag:s12], $0x2800  }
0x10c: {  	[sflag:s12] =	ssyncset.done $0x0  }
0x10d: {  	[sflag:s12] =	ssyncadd.s32 $0xFFFFD800  }
0x10e: {  	_ =	swait.ge [sflag:s12], $0x2800  }
0x10f: {  	s13 =	sadd.s32 $0x1, s13;
	s19 =	rddreg [dreg:$0x10]  }
0x110: {  	p0 =	sne.s32 s13, s19  }
.Ltmp1:
0x111: {  	_ = 	snop;
	(pc) =	sbr.rel @p0 .LBB2_1-.Ltmp1, $3  }
0x112: {  	_ =	sdelay $0x1  }
0x113: {  	[sflag:s12] =	ssyncset.done $0x0  }
0x114: {  	[sflag:s12] =	ssyncadd.s32 $0xFFFFD800  }
0x115: {  	_ =	sfence.sel $0x180000  }
0x116: {  	[bflag:$0x0] =	sbarrier.arrive $0xFFFF  }
0x117: {  	_ =	strace $0x9000004A  }
0x118: {  	s0 =	stileid.u32;
	[bflag:$0x2] =	sbarrier.arrive $0xFFFF  }
0x119: {  	p0 =	sne.s32 s0, $0x0;
	s0 =	rddreg [dreg:$0x1]  }
0x11a: {  	s0 =	sadd.s32 @!p0 $0x100000, s0  }
0x11b: {  	[sflag:s0] =	ssyncadd.tile.s32 @!p0 $0x1;
	_ =	shalt  }
.Lfunc_end2:
_tile_overlayer_lowered:
.L_overlay_start_2:
0x11c: {  	(tag) =	ssettag $0x2  }
0x11d: {  	s0 =	rddreg [dreg:$0x0];
	s2 =	stileid.u32  }
0x11e: {  	s1 =	rddreg [dreg:$0x1];
	p0 =	sne.s32 s2, $0x0  }
0x11f: {  	s3 =	rddreg [dreg:$0x2];
	[bflag:$0x3] =	sbarrier.arrive $0xFFFF;
	s2 =	simm.s32 @!p0 $0x1C0D  }
0x120: {  	[timem:s3], [sflag:s2] =	dma.local @!p0 [hbm:s0], s1  }
0x121: {  	s0 =	simm.s32 @!p0 $0xD  }
0x122: {  	_ =	swait.ge @!p0 [sflag:s0], s1  }
0x123: {  	s1 =	ssub.s32 @!p0 $0x0, s1;
	[sflag:s0] =	ssyncset.done @!p0 $0x0  }
0x124: {  	[sflag:s0] =	ssyncadd.s32 @!p0 s1  }
0x125: {  	[bflag:$0x3] =	sbarrier.arrive $0xFFFF  }
0x126: {  	_ =	shalt  }

// kernel: kernel.19.cloned.1.call-start
scs
__scs_entry_jumppad:
0x0: {  	(pc) =	sbr.rel $0x88, $3  }
0x1: {  	(tag) =	ssettag $0x0;
	lr =	simm.s32 $0x1  }
0x2: {  	[smem:$0x3F90] =	sst lr;
	_ =	strace $0xD0000000  }
0x3: {  	_ = 	snop  }
0x4: {  	_ = 	snop  }
0x5: {  	_ = 	snop  }
0x6: {  	_ = 	snop  }
0x7: {  	_ = 	snop  }
__scs_overlays_trampoline_lowered:
0x8: {  	[smem:$0x3F9F] =	sst s0  }
0x9: {  	[smem:$0x3FA0] =	sst s1  }
0xa: {  	[smem:$0x3FA1] =	sst s2  }
0xb: {  	[smem:$0x3FA2] =	sst s3  }
0xc: {  	[smem:$0x3FA3] =	sst s4  }
0xd: {  	[smem:$0x3FA4] =	sst s5  }
0xe: {  	[smem:$0x3FA5] =	sst s6  }
0xf: {  	[smem:$0x3FA6] =	sst s7  }
0x10: {  	[smem:$0x3FA7] =	sst s8  }
0x11: {  	[smem:$0x3FA8] =	sst s9;
	s0 =	simm.s32 @!p0 $0x0  }
0x12: {  	s1 =	sld [smem:$0x3F8E];
	s0 =	simm.s32 @p0 $0x1  }
0x13: {  	[smem:$0x3FA9] =	sst s0;
	s0 =	simm.s32 @!p1 $0x0  }
0x14: {  	s2 =	sld [smem:$0x3F8D];
	s0 =	simm.s32 @p1 $0x1  }
0x15: {  	[smem:$0x3FAA] =	sst s0;
	s0 =	simm.s32 @!p2 $0x0  }
0x16: {  	s3 =	sld [smem:$0x3FDB];
	s0 =	simm.s32 @p2 $0x1  }
0x17: {  	s4 =	simm.s32 $0x1BF5;
	[smem:$0x3FAC] =	sst s0  }
0x18: {  	s0 =	sld [smem:$0x3F8F];
	_ =	swait.ge [sflag:s4], $0x0  }
0x19: {  	s7 =	sld [smem:$0x3F90]  }
0x1a: {  	s8 =	sadd.s32 $0xFFFFE003, lr  }
0x1b: {  	s9 =	sadd.s32 $0xFFFFFEF7, lr;
	s5 =	simm.s32 $0xFFFFFFFF;
	p2 =	slt.u32 s8, $0xFFFFF086  }
0x1c: {  	p1 =	slt.u32 s9, $0xF7A;
	s5 =	simm.s32 @!p2 $0x0  }
0x1d: {  	s5 =	simm.s32 @p1 $0x1;
	p0 =	seq.s32 s7, s2  }
0x1e: {  	s7 =	smul.u32 @!p0 $0xF7A, s2;
	p2 =	seq.s32 @!p0 s5, $0x0  }
0x1f: {  	s9 =	smul.u32 $0xF7A, s1;
	s8 =	simm.s32 @!p0 $0x1BF5;
	p2 =	por !p2, p0  }
0x20: {  	[sflag:s8] =	ssyncset.s32 @!p0 $0xFFFFF086;
	s6 =	sadd.s32 @!p0 s3, s7;
	s7 =	simm.s32 @!p0 $0x108  }
0x21: {  	s3 =	sadd.s32 s3, s9;
	s6 =	sadd.s32 @!p0 $0x88, s6;
	s7 =	simm.s32 @p2 $0x1082  }
0x22: {  	[simem:s7], [sflag:s8] =	dma.local @!p0 [hbm:s6], $0xF7A  }
0x23: {  	s9 =	sor.u32 $0xD0000000, s2;
	s6 =	simm.s32 $0x108;
	_ =	swait.ge @!p0 [sflag:s8], $0x0  }
0x24: {  	s3 =	sadd.s32 $0x88, s3;
	s6 =	simm.s32 @!p1 $0x1082;
	[sflag:s4] =	ssyncset.s32 $0xFFFFF086  }
0x25: {  	[simem:s6], [sflag:s4] =	dma.local [hbm:s3], $0xF7A  }
0x26: {  	[smem:$0x3F90] =	sst s1;
	(tag) =	ssettag s2;
	_ =	strace s9  }
0x27: {  	s1 =	sld [smem:$0x3FA0]  }
0x28: {  	s2 =	sld [smem:$0x3FA1]  }
0x29: {  	s4 =	sld [smem:$0x3FA3]  }
0x2a: {  	p0 =	seq.s32 s5, $0x0;
	s5 =	sld [smem:$0x3FA4]  }
0x2b: {  	s6 =	sld [smem:$0x3FA5]  }
0x2c: {  	s7 =	sld [smem:$0x3FA6]  }
0x2d: {  	s3 =	simm.s32 $0x108;
	s8 =	sld [smem:$0x3FA7]  }
0x2e: {  	s3 =	simm.s32 @!p0 $0x1082;
	s9 =	sld [smem:$0x3FA8]  }
0x2f: {  	lr =	sadd.s32 s0, s3;
	s0 =	sld [smem:$0x3F9F]  }
0x30: {  	s3 =	sld [smem:$0x3FA2]  }
0x31: {  	[smem:$0x3FAB] =	sst s10  }
0x32: {  	s10 =	sld [smem:$0x3FA9];
	_ =	sdelay $0x3  }
0x33: {  	p0 =	seq.s32 s10, $0x1;
	s10 =	sld [smem:$0x3FAB];
	_ =	sdelay $0x3  }
0x34: {  	[smem:$0x3FAB] =	sst s10  }
0x35: {  	s10 =	sld [smem:$0x3FAA];
	_ =	sdelay $0x3  }
0x36: {  	p1 =	seq.s32 s10, $0x1;
	s10 =	sld [smem:$0x3FAB];
	_ =	sdelay $0x3  }
0x37: {  	[smem:$0x3FAB] =	sst s10  }
0x38: {  	s10 =	sld [smem:$0x3FAC]  }
0x39: {  	_ = 	snop;
	(pc) =	sbr.ind lr, $3  }
0x3a: {  	_ = 	snop  }
0x3b: {  	_ = 	snop  }
0x3c: {  	p2 =	seq.s32 s10, $0x1;
	s10 =	sld [smem:$0x3FAB]  }
0x3d: {  	_ =	shalt  }
0x3e: {  	_ =	shalt  }
0x3f: {  	_ =	shalt  }
0x40: {  	_ =	shalt  }
0x41: {  	_ =	shalt  }
0x42: {  	_ =	shalt  }
0x43: {  	_ =	shalt  }
0x44: {  	_ =	shalt  }
0x45: {  	_ =	shalt  }
0x46: {  	_ =	shalt  }
0x47: {  	_ =	shalt  }
0x48: {  	_ =	shalt  }
0x49: {  	_ =	shalt  }
0x4a: {  	_ =	shalt  }
0x4b: {  	_ =	shalt  }
0x4c: {  	_ =	shalt  }
0x4d: {  	_ =	shalt  }
0x4e: {  	_ =	shalt  }
0x4f: {  	_ =	shalt  }
0x50: {  	_ =	shalt  }
0x51: {  	_ =	shalt  }
0x52: {  	_ =	shalt  }
0x53: {  	_ =	shalt  }
0x54: {  	_ =	shalt  }
0x55: {  	_ =	shalt  }
0x56: {  	_ =	shalt  }
0x57: {  	_ =	shalt  }
0x58: {  	_ =	shalt  }
0x59: {  	_ =	shalt  }
0x5a: {  	_ =	shalt  }
0x5b: {  	_ =	shalt  }
0x5c: {  	_ =	shalt  }
0x5d: {  	_ =	shalt  }
0x5e: {  	_ =	shalt  }
0x5f: {  	_ =	shalt  }
0x60: {  	_ =	shalt  }
0x61: {  	_ =	shalt  }
0x62: {  	_ =	shalt  }
0x63: {  	_ =	shalt  }
0x64: {  	_ =	shalt  }
0x65: {  	_ =	shalt  }
0x66: {  	_ =	shalt  }
0x67: {  	_ =	shalt  }
0x68: {  	_ =	shalt  }
0x69: {  	_ =	shalt  }
0x6a: {  	_ =	shalt  }
0x6b: {  	_ =	shalt  }
0x6c: {  	_ =	shalt  }
0x6d: {  	_ =	shalt  }
0x6e: {  	_ =	shalt  }
0x6f: {  	_ =	shalt  }
0x70: {  	_ =	shalt  }
0x71: {  	_ =	shalt  }
0x72: {  	_ =	shalt  }
0x73: {  	_ =	shalt  }
0x74: {  	_ =	shalt  }
0x75: {  	_ =	shalt  }
0x76: {  	_ =	shalt  }
0x77: {  	_ =	shalt  }
0x78: {  	_ =	shalt  }
0x79: {  	_ =	shalt  }
0x7a: {  	_ =	shalt  }
0x7b: {  	_ =	shalt  }
0x7c: {  	_ =	shalt  }
0x7d: {  	_ =	shalt  }
0x7e: {  	_ =	shalt  }
0x7f: {  	_ =	shalt  }
0x80: {  	_ =	shalt  }
0x81: {  	_ =	shalt  }
0x82: {  	_ =	shalt  }
0x83: {  	_ =	shalt  }
0x84: {  	_ =	shalt  }
0x85: {  	_ =	shalt  }
0x86: {  	_ =	shalt  }
0x87: {  	_ =	shalt  }
.Lfunc_end0:
.L_simem_size_0:
called_computation.2_lowered:
.L_overlay_start_0:
0x88: {  	s2 =	sld [smem:$0x3FD9]  }
0x89: {  	s3 =	sld [smem:$0x3FFE];
	_ =	sdelay $0x1  }
0x8a: {  	s1 =	srdreg.scid  }
0x8b: {  	s0 =	sand.u32 $0x1, s1  }
0x8c: {  	s16 =	sshll.u32 s0, $0xA;
	s2 =	sadd.s32 s3, s2  }
0x8d: {  	s2 =	sadd.s32 s2, s16  }
0x8e: {  	[smem:$0x3FB7] =	sst s2  }
0x8f: {  	_ = 	snop  }
0x90: {  	(tm) =	ssettm $0x1  }
0x91: {  	s17 =	sld [smem:$0x3FFB];
	_ =	sdelay $0x3  }
0x92: {  	_ =	strace s17  }
0x93: {  	s2 =	sld [smem:$0x3FFC];
	_ =	sdelay $0x3  }
0x94: {  	_ =	strace s2  }
0x95: {  	s2 =	sld [smem:$0x3FFD];
	_ =	sdelay $0x3  }
0x96: {  	_ =	strace s2  }
0x97: {  	_ =	strace $0x8FFFFFFF  }
0x98: {  	s18 =	sld [smem:$0x3FDB];
	_ =	sdelay $0x1  }
0x99: {  	s19 =	simm.s32 $_scs_section_size  }
0x9a: {  	s4 =	simm.s32 $_size__tile_overlayer_lowered;
	s5 =	simm.s32 $_tile_overlayer_lowered  }
0x9b: {  	s22 =	simm.s32 $0x1BFF;
	s21 =	sshll.u32 s5, $0x1;
	s2 =	sadd.s32 s19, s18  }
0x9c: {  	s6 =	simm.s32 $0x0;
	s20 =	sshll.u32 s4, $0x1;
	s4 =	sadd.s32 s21, s2  }
0x9d: {  	[timem:s6], [sflag:s22] =	dma.local [hbm:s4], s20  }
0x9e: {  	_ =	swait.ge [sflag:s22], s20  }
0x9f: {  	s3 =	ssub.s32 $0x0, s20;
	[sflag:s22] =	ssyncset.done $0x0  }
0xa0: {  	[sflag:s22] =	ssyncadd.s32 s3;
	_ =	sdelay $0x1  }
0xa1: {  	s23 =	simm.s32 $0x1B8B  }
0xa2: {  	_ =	swait.ge [sflag:s23], $0x1  }
0xa3: {  	[sflag:s23] =	ssyncset.done $0x0  }
0xa4: {  	s25 =	simm.s32 $0x1B8E;
	s24 =	sld [smem:$0x3FFE];
	[sflag:s23] =	ssyncadd.s32 $0xFFFFFFFF  }
0xa5: {  	s26 =	simm.s32 $execute0_lowered;
	[smem:$0x3FD2] =	sst s25  }
0xa6: {  	s4 =	sshll.u32 s26, $0x1;
	_ =	strace $0x8000004C;
	[dreg:$0x1] =	wrdreg $0xFFFFFFFF  }
0xa7: {  	s28 =	simm.s32 $_size_execute0_lowered;
	s2 =	sadd.s32 s2, s4;
	[dreg:$0x0] =	wrdreg $0x0  }
0xa8: {  	s4 =	sshll.u32 s28, $0x1;
	[dreg:$0x2] =	wrdreg s2  }
0xa9: {  	[dreg:$0x3] =	wrdreg s4  }
0xaa: {  	[dreg:$0x4] =	wrdreg $0xC0  }
0xab: {  	_ =	task [dreg:s6], $0x5FFFF  }
0xac: {  	[dreg:$0x1] =	wrdreg $0xFFFFFFFF  }
0xad: {  	[dreg:$0x0] =	wrdreg $0x60  }
0xae: {  	[dreg:$0x2] =	wrdreg s24  }
0xaf: {  	[dreg:$0x3] =	wrdreg $0x90000  }
0xb0: {  	[dreg:$0x4] =	wrdreg $0x9  }
0xb1: {  	_ =	task.clear_ibuf [dreg:s6], $0x5FFFF;
	_ =	strace $0x9000004C  }
0xb2: {  	s29 =	simm.s32 $0x9;
	_ =	strace $0x8000004E  }
0xb3: {  	_ =	swait.ge [sflag:s29], $0x1  }
0xb4: {  	[sflag:s29] =	ssyncadd.s32 $0xFFFFFFFF  }
0xb5: {  	_ =	strace $0x9000004E  }
0xb6: {  	_ =	sfence  }
0xb7: {  	s30 =	sld [smem:$0x0];
	_ =	sdelay $0x2  }
0xb8: {  	s31 =	sshll.u32 s1, $0xD;
	s1 =	sshrl.u32 s1, $0x2  }
0xb9: {  	s3 =	sand.u32 $0x4000, s31;
	s1 =	sadd.s32 s1, s30  }
0xba: {  	s0 =	sor.u32 s3, s0;
	s1 =	sshll.u32 s1, $0x11  }
0xbb: {  	s0 =	sor.u32 s1, s0  }
0xbc: {  	s0 =	sadd.s32 $0x8F2B, s0  }
0xbd: {  	[sflag:s0] =	ssyncadd.remote.s32 $0x1  }
0xbe: {  	_ =	sfence.sel $0xFFFF  }
0xbf: {  	[dreg:$0x0] =	wrdreg $0xFFFFFFFF;
	(pc) =	sbr.abs _section_cstart, $3  }
0xc0: {  	[dreg:$0x1] =	wrdreg $0xFFFFFFFF  }
0xc1: {  	_ =	task.clear_ibuf [dreg:s6], $0x2FFFF;
	_ =	strace $0x9FFFFFFF  }
0xc2: {  	(tm) =	ssettm $0x7FFFFFFF  }
0xc3: {  	_ =	shalt  }
tec
execute0_lowered:
.L_overlay_start_1:
0x0: {  	(tag) =	ssettag $0x1  }
0x1: {  	s4 =	rddreg [dreg:$0x0]  }
0x2: {  	s1 =	rddreg [dreg:$0x1];
	s2 =	srdreg.scid  }
0x3: {  	s0 =	rddreg [dreg:$0x2];
	s3 =	simm.s32 $0x0;
	s16 =	simm.s32 $0x6800  }
0x4: {  	s17 =	simm.s32 $0x1;
	s18 =	simm.s32 $0x50;
	s19 =	simm.s32 $0x2  }
0x5: {  	s20 =	simm.s32 $0x3D00;
	s7 =	sand.u32 $0x1, s2;
	s2 =	stileid.u32  }
0x6: {  	s21 =	simm.s32 $0x3D80;
	[smem:$0x7FF] =	sst s3;
	s22 =	smul.u32 $0x2800, s2  }
0x7: {  	s10 =	sadd.s32 $0xA41000, s4;
	s5 =	sshll.u32 s7, $0x4;
	s9 =	smul.u32 $0x28000, s7  }
0x8: {  	_ =	strace $0x8000004D;
	s11 =	ssub.s32 $0x2, s7;
	s12 =	smul.u32 $0x50000, s2  }
0x9: {  	s25 =	sshll.u32 s2, $0x6;
	s30 =	smul.u32 $0x271000, s7;
	s6 =	sor.u32 s2, s5  }
0xa: {  	s31 =	smul.u32 $0x27100, s2;
	s23 =	sshrl.u32 s11, $0x1;
	s8 =	sshll.u32 s6, $0xB  }
0xb: {  	s13 =	sadd.s32 s22, s4;
	s5 =	sadd.s32 s22, s9;
	s26 =	smul.u32 $0x138800, s6  }
0xc: {  	s11 =	ssub.s32 s11, s23;
	s24 =	sshrl.u32 s12, $0x2;
	s28 =	smul.u32 $0x27100, s6  }
0xd: {  	s22 =	simm.s32 $0x3E00;
	s23 =	simm.s32 $0x0;
	s8 =	sadd.s32 s8, s4  }
0xe: {  	s14 =	sadd.s32 s5, s4;
	s15 =	sadd.s32 s24, s1;
	s4 =	sadd.s32 $0x45E00, s13  }
0xf: {  	s5 =	sor.u32 $0x1C03, s25;
	s13 =	sadd.s32 s30, s10;
	s11 =	smax.u32 s11, $0x1  }
0x10: {  	s6 =	sadd.s32 $0xA31000, s8;
	s29 =	sshrl.u32 s26, $0x3;
	s7 =	sadd.s32 s10, s28  }
0x11: {  	s12 =	sadd.s32 s31, s13;
	s13 =	sshrl.u32 s15, $0x3;
	s15 =	simm.s32 $0x4000  }
0x12: {  	s9 =	sadd.s32 s10, s29;
	s10 =	sadd.s32 $0x6DE00, s14;
	s12 =	sadd.s32 $0xF00, s12  }
0x13: {  	s14 =	simm.s32 $0x3;
	s8 =	sadd.s32 $0x500, s9;
	s9 =	sadd.s32 $0x26C00, s9  }
.LBB2_1:
0x14: {  	[spmem:s13], [sflag:s5] =	dma.local [hbm:s4], $0x2800  }
0x15: {  	_ =	swait.ge [sflag:s14], $0x2800  }
0x16: {  	[sflag:s14] =	ssyncset.done $0x0  }
0x17: {  	[sflag:s14] =	ssyncadd.s32 $0xFFFFD800  }
0x18: {  	[bflag:$0x0] =	sbarrier.arrive $0xFFFF  }
0x19: {  	[tilespmem:s3], [sflag:$0x3] =	stream.linear.gather [hbm4b:s6+s3], $0x3E80, $0x38;
	[tilespmem:$0x1D000] =	vst v63  }
0x1a: {  	_ =	swait.ge [sflag:s14], $0x3E80  }
0x1b: {  	[sflag:s14] =	ssyncset.done $0x0  }
0x1c: {  	[sflag:s14] =	ssyncadd.s32 $0xFFFFC180  }
0x1d: {  	[tilespmem:s15], [sflag:$0x1] =	stream.linear.gather [hbm4b:s7+s3], $0x2800, $0x38;
	[tilespmem:$0x1D000] =	vst v63  }
0x1e: {  	_ = 	snop  }
0x1f: {  	[tilespmem:s16], [sflag:$0x2] =	stream.linear.gather [hbm4b:s8+s3], $0x2800, $0x38;
	[tilespmem:$0x1D000] =	vst v63  }
0x20: {  	_ =	swait.ge [sflag:s17], $0x2800  }
0x21: {  	[sflag:s17] =	ssyncset.done $0x0  }
0x22: {  	s24 =	simm.s32 $0x0;
	[sflag:s17] =	ssyncadd.s32 $0xFFFFD800  }
0x23: {  	[spmem:s1] =	stream.indirect.scatter.add.f32 [tilespmem:s15], [sflag:$0x3], $0x80, s24, s18, $0xb8;
	[tilespmem:$0x1D000] =	vst v63  }
0x24: {  	_ =	swait.ge [sflag:s14], $0x2800  }
0x25: {  	[sflag:s14] =	ssyncset.done $0x0  }
0x26: {  	s30 =	sadd.s32 $0xFFFFFB00, s12;
	[sflag:s14] =	ssyncadd.s32 $0xFFFFD800  }
0x27: {  	[tilespmem:s15], [sflag:$0x1] =	stream.linear.gather [hbm4b:s30+s3], $0x2800, $0x38;
	[tilespmem:$0x1D000] =	vst v63  }
0x28: {  	_ =	swait.ge [sflag:s19], $0x2800  }
0x29: {  	[sflag:s19] =	ssyncset.done $0x0  }
0x2a: {  	s31 =	simm.s32 $0x80;
	[sflag:s19] =	ssyncadd.s32 $0xFFFFD800  }
0x2b: {  	[spmem:s1] =	stream.indirect.scatter.add.f32 [tilespmem:s16], [sflag:$0x3], $0x80, s31, s18, $0xb8;
	[tilespmem:$0x1D000] =	vst v63  }
0x2c: {  	_ =	swait.ge [sflag:s14], $0x2800  }
0x2d: {  	s25 =	sadd.s32 $0xA00, s12;
	[sflag:s14] =	ssyncset.done $0x0  }
0x2e: {  	s26 =	smov.u32 s12;
	s24 =	simm.s32 $0x400;
	[sflag:s14] =	ssyncadd.s32 $0xFFFFD800  }
.LBB2_2:
0x2f: {  	[tilespmem:s16], [sflag:$0x2] =	stream.linear.gather [hbm4b:s26+s3], $0x2800, $0x38;
	[tilespmem:$0x1D000] =	vst v63  }
0x30: {  	s28 =	smov.u32 s24;
	s26 =	smov.u32 s25  }
0x31: {  	p0 =	sne.s32 s24, $0xF000;
	s24 =	sadd.s32 $0x400, s24;
	_ =	swait.ge [sflag:s17], $0x2800  }
0x32: {  	[sflag:s17] =	ssyncset.done $0x0  }
0x33: {  	s28 =	sshra.s32 s28, $0x2;
	[sflag:s17] =	ssyncadd.s32 $0xFFFFD800  }
0x34: {  	[spmem:s1] =	stream.indirect.scatter.add.f32 [tilespmem:s15], [sflag:$0x3], $0x80, s28, s18, $0xb8;
	[tilespmem:$0x1D000] =	vst v63  }
0x35: {  	_ =	swait.ge [sflag:s14], $0x2800  }
0x36: {  	[sflag:s14] =	ssyncset.done $0x0  }
0x37: {  	s29 =	sadd.s32 $0xFFFFFB00, s25;
	[sflag:s14] =	ssyncadd.s32 $0xFFFFD800  }
0x38: {  	[tilespmem:s15], [sflag:$0x1] =	stream.linear.gather [hbm4b:s29+s3], $0x2800, $0x38;
	[tilespmem:$0x1D000] =	vst v63  }
0x39: {  	_ =	swait.ge [sflag:s19], $0x2800  }
0x3a: {  	[sflag:s19] =	ssyncset.done $0x0  }
.Ltmp0:
0x3b: {  	s28 =	sadd.s32 $0x80, s28;
	[sflag:s19] =	ssyncadd.s32 $0xFFFFD800;
	(pc) =	sbr.rel @p0 .LBB2_2-.Ltmp0, $4  }
0x3c: {  	[spmem:s1] =	stream.indirect.scatter.add.f32 [tilespmem:s16], [sflag:$0x3], $0x80, s28, s18, $0xb8;
	[tilespmem:$0x1D000] =	vst v63  }
0x3d: {  	_ =	swait.ge [sflag:s14], $0x2800  }
0x3e: {  	[sflag:s14] =	ssyncset.done $0x0  }
0x3f: {  	s25 =	sadd.s32 $0xA00, s25;
	[sflag:s14] =	ssyncadd.s32 $0xFFFFD800  }
0x40: {  	[tilespmem:s16], [sflag:$0x2] =	stream.linear.gather [hbm4b:s26+s3], $0x2800, $0x38;
	[tilespmem:$0x1D000] =	vst v63  }
0x41: {  	_ =	swait.ge [sflag:s17], $0x2800  }
0x42: {  	[sflag:s17] =	ssyncset.done $0x0  }
0x43: {  	[sflag:s17] =	ssyncadd.s32 $0xFFFFD800  }
0x44: {  	[spmem:s1] =	stream.indirect.scatter.add.f32 [tilespmem:s15], [sflag:$0x3], $0x80, s20, s18, $0xb8;
	[tilespmem:$0x1D000] =	vst v63  }
0x45: {  	_ =	swait.ge [sflag:s14], $0x2800  }
0x46: {  	[sflag:s14] =	ssyncset.done $0x0  }
0x47: {  	[sflag:s14] =	ssyncadd.s32 $0xFFFFD800  }
0x48: {  	[tilespmem:s15], [sflag:$0x1] =	stream.linear.gather [hbm4b:s9+s3], $0x2800, $0x38;
	[tilespmem:$0x1D000] =	vst v63  }
0x49: {  	_ =	swait.ge [sflag:s19], $0x2800  }
0x4a: {  	[sflag:s19] =	ssyncset.done $0x0  }
0x4b: {  	[sflag:s19] =	ssyncadd.s32 $0xFFFFD800  }
0x4c: {  	[spmem:s1] =	stream.indirect.scatter.add.f32 [tilespmem:s16], [sflag:$0x3], $0x80, s21, s18, $0xb8;
	[tilespmem:$0x1D000] =	vst v63  }
0x4d: {  	_ =	swait.ge [sflag:s14], $0x2800  }
0x4e: {  	[sflag:s14] =	ssyncset.done $0x0  }
0x4f: {  	[sflag:s14] =	ssyncadd.s32 $0xFFFFD800  }
0x50: {  	_ =	swait.ge [sflag:s17], $0x2800  }
0x51: {  	[sflag:s17] =	ssyncset.done $0x0  }
0x52: {  	[sflag:s17] =	ssyncadd.s32 $0xFFFFD800  }
0x53: {  	[spmem:s1] =	stream.indirect.scatter.add.f32 [tilespmem:s15], [sflag:$0x3], $0x80, s22, s18, $0xb8;
	[tilespmem:$0x1D000] =	vst v63  }
0x54: {  	_ =	swait.ge [sflag:s14], $0x2800  }
0x55: {  	s23 =	sadd.s32 $0x1, s23;
	[sflag:s14] =	ssyncset.done $0x0  }
0x56: {  	p0 =	sne.s32 s23, s11;
	[sflag:s14] =	ssyncadd.s32 $0xFFFFD800  }
.Ltmp1:
0x57: {  	[bflag:$0x0] =	sbarrier.arrive $0xFFFF;
	(pc) =	sbr.rel @p0 .LBB2_1-.Ltmp1, $4  }
0x58: {  	[hbm:s10], [sflag:s5] =	dma.local [spmem:s13], $0x2800  }
0x59: {  	_ =	swait.ge [sflag:s14], $0x2800  }
0x5a: {  	[sflag:s14] =	ssyncset.done $0x0  }
0x5b: {  	[sflag:s14] =	ssyncadd.s32 $0xFFFFD800  }
0x5c: {  	_ =	sfence.sel $0x180000  }
0x5d: {  	[bflag:$0x0] =	sbarrier.arrive $0xFFFF  }
0x5e: {  	p0 =	sne.s32 s2, $0x0;
	_ =	strace $0x9000004D  }
0x5f: {  	s0 =	sadd.s32 @!p0 $0x100000, s0;
	[bflag:$0x2] =	sbarrier.arrive $0xFFFF  }
0x60: {  	[sflag:s0] =	ssyncadd.tile.s32 @!p0 $0x1;
	_ =	shalt  }
.Lfunc_end2:
_tile_overlayer_lowered:
.L_overlay_start_2:
0x61: {  	(tag) =	ssettag $0x2  }
0x62: {  	s0 =	rddreg [dreg:$0x0];
	s2 =	stileid.u32  }
0x63: {  	s1 =	rddreg [dreg:$0x1];
	p0 =	sne.s32 s2, $0x0  }
0x64: {  	s3 =	rddreg [dreg:$0x2];
	[bflag:$0x3] =	sbarrier.arrive $0xFFFF;
	s2 =	simm.s32 @!p0 $0x1C03  }
0x65: {  	[timem:s3], [sflag:s2] =	dma.local @!p0 [hbm:s0], s1  }
0x66: {  	s0 =	simm.s32 @!p0 $0x3  }
0x67: {  	_ =	swait.ge @!p0 [sflag:s0], s1  }
0x68: {  	s1 =	ssub.s32 @!p0 $0x0, s1;
	[sflag:s0] =	ssyncset.done @!p0 $0x0  }
0x69: {  	[sflag:s0] =	ssyncadd.s32 @!p0 s1  }
0x6a: {  	[bflag:$0x3] =	sbarrier.arrive $0xFFFF  }
0x6b: {  	_ =	shalt  }

// kernel: kernel.22.cloned.1.call-start
scs
__scs_entry_jumppad:
0x0: {  	(pc) =	sbr.rel $0x88, $3  }
0x1: {  	(tag) =	ssettag $0x0;
	lr =	simm.s32 $0x1  }
0x2: {  	[smem:$0x3F90] =	sst lr;
	_ =	strace $0xD0000000  }
0x3: {  	_ = 	snop  }
0x4: {  	_ = 	snop  }
0x5: {  	_ = 	snop  }
0x6: {  	_ = 	snop  }
0x7: {  	_ = 	snop  }
__scs_overlays_trampoline_lowered:
0x8: {  	[smem:$0x3F9F] =	sst s0  }
0x9: {  	[smem:$0x3FA0] =	sst s1  }
0xa: {  	[smem:$0x3FA1] =	sst s2  }
0xb: {  	[smem:$0x3FA2] =	sst s3  }
0xc: {  	[smem:$0x3FA3] =	sst s4  }
0xd: {  	[smem:$0x3FA4] =	sst s5  }
0xe: {  	[smem:$0x3FA5] =	sst s6  }
0xf: {  	[smem:$0x3FA6] =	sst s7  }
0x10: {  	[smem:$0x3FA7] =	sst s8  }
0x11: {  	[smem:$0x3FA8] =	sst s9;
	s0 =	simm.s32 @!p0 $0x0  }
0x12: {  	s1 =	sld [smem:$0x3F8E];
	s0 =	simm.s32 @p0 $0x1  }
0x13: {  	[smem:$0x3FA9] =	sst s0;
	s0 =	simm.s32 @!p1 $0x0  }
0x14: {  	s2 =	sld [smem:$0x3F8D];
	s0 =	simm.s32 @p1 $0x1  }
0x15: {  	[smem:$0x3FAA] =	sst s0;
	s0 =	simm.s32 @!p2 $0x0  }
0x16: {  	s3 =	sld [smem:$0x3FDB];
	s0 =	simm.s32 @p2 $0x1  }
0x17: {  	s4 =	simm.s32 $0x1BF5;
	[smem:$0x3FAC] =	sst s0  }
0x18: {  	s0 =	sld [smem:$0x3F8F];
	_ =	swait.ge [sflag:s4], $0x0  }
0x19: {  	s7 =	sld [smem:$0x3F90]  }
0x1a: {  	s8 =	sadd.s32 $0xFFFFE003, lr  }
0x1b: {  	s9 =	sadd.s32 $0xFFFFFEF7, lr;
	s5 =	simm.s32 $0xFFFFFFFF;
	p2 =	slt.u32 s8, $0xFFFFF086  }
0x1c: {  	p1 =	slt.u32 s9, $0xF7A;
	s5 =	simm.s32 @!p2 $0x0  }
0x1d: {  	s5 =	simm.s32 @p1 $0x1;
	p0 =	seq.s32 s7, s2  }
0x1e: {  	s7 =	smul.u32 @!p0 $0xF7A, s2;
	p2 =	seq.s32 @!p0 s5, $0x0  }
0x1f: {  	s9 =	smul.u32 $0xF7A, s1;
	s8 =	simm.s32 @!p0 $0x1BF5;
	p2 =	por !p2, p0  }
0x20: {  	[sflag:s8] =	ssyncset.s32 @!p0 $0xFFFFF086;
	s6 =	sadd.s32 @!p0 s3, s7;
	s7 =	simm.s32 @!p0 $0x108  }
0x21: {  	s3 =	sadd.s32 s3, s9;
	s6 =	sadd.s32 @!p0 $0x88, s6;
	s7 =	simm.s32 @p2 $0x1082  }
0x22: {  	[simem:s7], [sflag:s8] =	dma.local @!p0 [hbm:s6], $0xF7A  }
0x23: {  	s9 =	sor.u32 $0xD0000000, s2;
	s6 =	simm.s32 $0x108;
	_ =	swait.ge @!p0 [sflag:s8], $0x0  }
0x24: {  	s3 =	sadd.s32 $0x88, s3;
	s6 =	simm.s32 @!p1 $0x1082;
	[sflag:s4] =	ssyncset.s32 $0xFFFFF086  }
0x25: {  	[simem:s6], [sflag:s4] =	dma.local [hbm:s3], $0xF7A  }
0x26: {  	[smem:$0x3F90] =	sst s1;
	(tag) =	ssettag s2;
	_ =	strace s9  }
0x27: {  	s1 =	sld [smem:$0x3FA0]  }
0x28: {  	s2 =	sld [smem:$0x3FA1]  }
0x29: {  	s4 =	sld [smem:$0x3FA3]  }
0x2a: {  	p0 =	seq.s32 s5, $0x0;
	s5 =	sld [smem:$0x3FA4]  }
0x2b: {  	s6 =	sld [smem:$0x3FA5]  }
0x2c: {  	s7 =	sld [smem:$0x3FA6]  }
0x2d: {  	s3 =	simm.s32 $0x108;
	s8 =	sld [smem:$0x3FA7]  }
0x2e: {  	s3 =	simm.s32 @!p0 $0x1082;
	s9 =	sld [smem:$0x3FA8]  }
0x2f: {  	lr =	sadd.s32 s0, s3;
	s0 =	sld [smem:$0x3F9F]  }
0x30: {  	s3 =	sld [smem:$0x3FA2]  }
0x31: {  	[smem:$0x3FAB] =	sst s10  }
0x32: {  	s10 =	sld [smem:$0x3FA9];
	_ =	sdelay $0x3  }
0x33: {  	p0 =	seq.s32 s10, $0x1;
	s10 =	sld [smem:$0x3FAB];
	_ =	sdelay $0x3  }
0x34: {  	[smem:$0x3FAB] =	sst s10  }
0x35: {  	s10 =	sld [smem:$0x3FAA];
	_ =	sdelay $0x3  }
0x36: {  	p1 =	seq.s32 s10, $0x1;
	s10 =	sld [smem:$0x3FAB];
	_ =	sdelay $0x3  }
0x37: {  	[smem:$0x3FAB] =	sst s10  }
0x38: {  	s10 =	sld [smem:$0x3FAC]  }
0x39: {  	_ = 	snop;
	(pc) =	sbr.ind lr, $3  }
0x3a: {  	_ = 	snop  }
0x3b: {  	_ = 	snop  }
0x3c: {  	p2 =	seq.s32 s10, $0x1;
	s10 =	sld [smem:$0x3FAB]  }
0x3d: {  	_ =	shalt  }
0x3e: {  	_ =	shalt  }
0x3f: {  	_ =	shalt  }
0x40: {  	_ =	shalt  }
0x41: {  	_ =	shalt  }
0x42: {  	_ =	shalt  }
0x43: {  	_ =	shalt  }
0x44: {  	_ =	shalt  }
0x45: {  	_ =	shalt  }
0x46: {  	_ =	shalt  }
0x47: {  	_ =	shalt  }
0x48: {  	_ =	shalt  }
0x49: {  	_ =	shalt  }
0x4a: {  	_ =	shalt  }
0x4b: {  	_ =	shalt  }
0x4c: {  	_ =	shalt  }
0x4d: {  	_ =	shalt  }
0x4e: {  	_ =	shalt  }
0x4f: {  	_ =	shalt  }
0x50: {  	_ =	shalt  }
0x51: {  	_ =	shalt  }
0x52: {  	_ =	shalt  }
0x53: {  	_ =	shalt  }
0x54: {  	_ =	shalt  }
0x55: {  	_ =	shalt  }
0x56: {  	_ =	shalt  }
0x57: {  	_ =	shalt  }
0x58: {  	_ =	shalt  }
0x59: {  	_ =	shalt  }
0x5a: {  	_ =	shalt  }
0x5b: {  	_ =	shalt  }
0x5c: {  	_ =	shalt  }
0x5d: {  	_ =	shalt  }
0x5e: {  	_ =	shalt  }
0x5f: {  	_ =	shalt  }
0x60: {  	_ =	shalt  }
0x61: {  	_ =	shalt  }
0x62: {  	_ =	shalt  }
0x63: {  	_ =	shalt  }
0x64: {  	_ =	shalt  }
0x65: {  	_ =	shalt  }
0x66: {  	_ =	shalt  }
0x67: {  	_ =	shalt  }
0x68: {  	_ =	shalt  }
0x69: {  	_ =	shalt  }
0x6a: {  	_ =	shalt  }
0x6b: {  	_ =	shalt  }
0x6c: {  	_ =	shalt  }
0x6d: {  	_ =	shalt  }
0x6e: {  	_ =	shalt  }
0x6f: {  	_ =	shalt  }
0x70: {  	_ =	shalt  }
0x71: {  	_ =	shalt  }
0x72: {  	_ =	shalt  }
0x73: {  	_ =	shalt  }
0x74: {  	_ =	shalt  }
0x75: {  	_ =	shalt  }
0x76: {  	_ =	shalt  }
0x77: {  	_ =	shalt  }
0x78: {  	_ =	shalt  }
0x79: {  	_ =	shalt  }
0x7a: {  	_ =	shalt  }
0x7b: {  	_ =	shalt  }
0x7c: {  	_ =	shalt  }
0x7d: {  	_ =	shalt  }
0x7e: {  	_ =	shalt  }
0x7f: {  	_ =	shalt  }
0x80: {  	_ =	shalt  }
0x81: {  	_ =	shalt  }
0x82: {  	_ =	shalt  }
0x83: {  	_ =	shalt  }
0x84: {  	_ =	shalt  }
0x85: {  	_ =	shalt  }
0x86: {  	_ =	shalt  }
0x87: {  	_ =	shalt  }
.Lfunc_end0:
.L_simem_size_0:
called_computation.3_lowered:
.L_overlay_start_0:
0x88: {  	s2 =	sld [smem:$0x3FD9]  }
0x89: {  	s3 =	sld [smem:$0x3FFE];
	_ =	sdelay $0x1  }
0x8a: {  	s1 =	srdreg.scid  }
0x8b: {  	s0 =	sand.u32 $0x1, s1  }
0x8c: {  	s16 =	sshll.u32 s0, $0xA;
	s2 =	sadd.s32 s3, s2  }
0x8d: {  	s2 =	sadd.s32 s2, s16  }
0x8e: {  	[smem:$0x3FB7] =	sst s2  }
0x8f: {  	_ = 	snop  }
0x90: {  	(tm) =	ssettm $0x1  }
0x91: {  	s17 =	sld [smem:$0x3FFB];
	_ =	sdelay $0x3  }
0x92: {  	_ =	strace s17  }
0x93: {  	s2 =	sld [smem:$0x3FFC];
	_ =	sdelay $0x3  }
0x94: {  	_ =	strace s2  }
0x95: {  	s2 =	sld [smem:$0x3FFD];
	_ =	sdelay $0x3  }
0x96: {  	_ =	strace s2  }
0x97: {  	_ =	strace $0x8FFFFFFF  }
0x98: {  	s18 =	sld [smem:$0x3FDB];
	_ =	sdelay $0x1  }
0x99: {  	s19 =	simm.s32 $_scs_section_size  }
0x9a: {  	s4 =	simm.s32 $_size__tile_overlayer_lowered;
	s5 =	simm.s32 $_tile_overlayer_lowered  }
0x9b: {  	s22 =	simm.s32 $0x1BFF;
	s21 =	sshll.u32 s5, $0x1;
	s2 =	sadd.s32 s19, s18  }
0x9c: {  	s6 =	simm.s32 $0x0;
	s20 =	sshll.u32 s4, $0x1;
	s4 =	sadd.s32 s21, s2  }
0x9d: {  	[timem:s6], [sflag:s22] =	dma.local [hbm:s4], s20  }
0x9e: {  	_ =	swait.ge [sflag:s22], s20  }
0x9f: {  	s3 =	ssub.s32 $0x0, s20;
	[sflag:s22] =	ssyncset.done $0x0  }
0xa0: {  	[sflag:s22] =	ssyncadd.s32 s3;
	_ =	sdelay $0x1  }
0xa1: {  	s23 =	simm.s32 $0x1B8B  }
0xa2: {  	_ =	swait.ge [sflag:s23], $0x1  }
0xa3: {  	[sflag:s23] =	ssyncset.done $0x0  }
0xa4: {  	s25 =	simm.s32 $0x1B8E;
	s24 =	sld [smem:$0x3FFE];
	[sflag:s23] =	ssyncadd.s32 $0xFFFFFFFF  }
0xa5: {  	s26 =	simm.s32 $execute0_lowered;
	[smem:$0x3FD2] =	sst s25  }
0xa6: {  	s4 =	sshll.u32 s26, $0x1;
	_ =	strace $0x8000004F;
	[dreg:$0x1] =	wrdreg $0xFFFFFFFF  }
0xa7: {  	s28 =	simm.s32 $_size_execute0_lowered;
	s2 =	sadd.s32 s2, s4;
	[dreg:$0x0] =	wrdreg $0x0  }
0xa8: {  	s4 =	sshll.u32 s28, $0x1;
	[dreg:$0x2] =	wrdreg s2  }
0xa9: {  	[dreg:$0x3] =	wrdreg s4  }
0xaa: {  	[dreg:$0x4] =	wrdreg $0xC0  }
0xab: {  	_ =	task [dreg:s6], $0x5FFFF  }
0xac: {  	[dreg:$0x1] =	wrdreg $0xFFFFFFFF  }
0xad: {  	[dreg:$0x0] =	wrdreg $0x60  }
0xae: {  	[dreg:$0x2] =	wrdreg s24  }
0xaf: {  	[dreg:$0x3] =	wrdreg $0x9  }
0xb0: {  	_ =	task.clear_ibuf [dreg:s6], $0x4FFFF;
	_ =	strace $0x9000004F  }
0xb1: {  	s29 =	simm.s32 $0x9;
	_ =	strace $0x80000051  }
0xb2: {  	_ =	swait.ge [sflag:s29], $0x1  }
0xb3: {  	[sflag:s29] =	ssyncadd.s32 $0xFFFFFFFF  }
0xb4: {  	_ =	strace $0x90000051  }
0xb5: {  	_ =	sfence  }
0xb6: {  	s30 =	sld [smem:$0x0];
	_ =	sdelay $0x2  }
0xb7: {  	s31 =	sshll.u32 s1, $0xD;
	s1 =	sshrl.u32 s1, $0x2  }
0xb8: {  	s3 =	sand.u32 $0x4000, s31;
	s1 =	sadd.s32 s1, s30  }
0xb9: {  	s0 =	sor.u32 s3, s0;
	s1 =	sshll.u32 s1, $0x11  }
0xba: {  	s0 =	sor.u32 s1, s0  }
0xbb: {  	s0 =	sadd.s32 $0x8F2B, s0  }
0xbc: {  	[sflag:s0] =	ssyncadd.remote.s32 $0x1  }
0xbd: {  	_ =	sfence.sel $0xFFFF  }
0xbe: {  	[dreg:$0x0] =	wrdreg $0xFFFFFFFF;
	(pc) =	sbr.abs _section_cstart, $3  }
0xbf: {  	[dreg:$0x1] =	wrdreg $0xFFFFFFFF  }
0xc0: {  	_ =	task.clear_ibuf [dreg:s6], $0x2FFFF;
	_ =	strace $0x9FFFFFFF  }
0xc1: {  	(tm) =	ssettm $0x7FFFFFFF  }
tec
execute0_lowered:
.L_overlay_start_1:
0x0: {  	(tag) =	ssettag $0x1  }
0x1: {  	s0 =	srdreg.scid  }
0x2: {  	s1 =	rddreg [dreg:$0x0];
	s10 =	stileid.u32;
	s2 =	simm.s32 $0x0  }
0x3: {  	s28 =	simm.s32 $0x9F00;
	s30 =	simm.s32 $0x13F00;
	s29 =	simm.s32 $0x5  }
0x4: {  	s31 =	simm.s32 $0x9;
	s11 =	simm.s32 $0x8;
	s12 =	simm.s32 $0xC  }
0x5: {  	s13 =	simm.s32 $0x0;
	s0 =	sand.u32 $0x1, s0;
	[smem:$0x7FF] =	sst s2  }
0x6: {  	s4 =	sadd.s32 $0x95000, s1;
	s8 =	sadd.s32 $0xBC200, s1;
	s23 =	smul.u32 $0x27100, s10  }
0x7: {  	s3 =	sshll.u32 s0, $0x4;
	_ =	strace $0x80000050;
	s7 =	ssub.s32 $0x2, s0  }
0x8: {  	s0 =	smul.u32 $0x271000, s0;
	s5 =	sor.u32 s10, s3;
	s3 =	sadd.s32 $0x6DE00, s1  }
0x9: {  	s9 =	sshrl.u32 s7, $0x1;
	s10 =	simm.s32 $0x4;
	s6 =	smul.u32 $0x2710, s5  }
0xa: {  	s5 =	smul.u32 $0x138800, s5;
	s7 =	ssub.s32 s7, s9;
	s24 =	sadd.s32 s0, s8  }
0xb: {  	s25 =	sadd.s32 s23, s24;
	s26 =	smax.u32 s7, $0x1;
	s24 =	simm.s32 $0x16700  }
0xc: {  	s7 =	simm.s32 $0x3;
	s6 =	sshrl.u32 s6, $0x3;
	[dreg:$0x2] =	wrdreg s25  }
0xd: {  	s5 =	sshrl.u32 s5, $0x3;
	[dreg:$0x10] =	wrdreg s26;
	s6 =	sadd.s32 s6, s1  }
0xe: {  	s25 =	simm.s32 $0x11700;
	s26 =	simm.s32 $0x1;
	s14 =	sadd.s32 $0x3C000, s6  }
0xf: {  	s15 =	sadd.s32 $0x25800, s5;
	s6 =	sadd.s32 $0x32200, s6;
	[dreg:$0x4] =	wrdreg s14  }
0x10: {  	s17 =	sadd.s32 $0x25D00, s5;
	s16 =	sadd.s32 s8, s15;
	[dreg:$0x5] =	wrdreg s6  }
0x11: {  	s19 =	sadd.s32 $0x26200, s5;
	s18 =	sadd.s32 s8, s17;
	[dreg:$0x6] =	wrdreg s16  }
0x12: {  	s21 =	sadd.s32 $0x26700, s5;
	s20 =	sadd.s32 s8, s19;
	[dreg:$0x8] =	wrdreg s18  }
0x13: {  	s1 =	sadd.s32 $0xF23000, s1;
	s22 =	sadd.s32 s8, s21;
	[dreg:$0xa] =	wrdreg s20  }
0x14: {  	s5 =	sadd.s32 $0x26C00, s5;
	s9 =	sadd.s32 s1, s21;
	[dreg:$0xc] =	wrdreg s22  }
0x15: {  	s8 =	sadd.s32 s8, s5;
	s0 =	sadd.s32 s0, s1;
	[dreg:$0xd] =	wrdreg s9  }
0x16: {  	s21 =	simm.s32 $0x4F00;
	s6 =	sadd.s32 s1, s15;
	[dreg:$0xe] =	wrdreg s8  }
0x17: {  	s0 =	sadd.s32 s23, s0;
	s20 =	simm.s32 $0x50;
	s22 =	simm.s32 $0xEF00  }
0x18: {  	s23 =	simm.s32 $0x7700;
	s8 =	simm.s32 $0x7;
	[dreg:$0x7] =	wrdreg s6  }
0x19: {  	s9 =	simm.s32 $0xB;
	s6 =	sadd.s32 s1, s17;
	[dreg:$0x3] =	wrdreg s0  }
0x1a: {  	s0 =	simm.s32 $0xC700;
	[dreg:$0x9] =	wrdreg s6;
	s6 =	sadd.s32 s1, s19  }
0x1b: {  	s1 =	sadd.s32 s1, s5;
	s5 =	simm.s32 $0x6;
	[dreg:$0xb] =	wrdreg s6  }
0x1c: {  	[dreg:$0xf] =	wrdreg s1;
	s1 =	simm.s32 $0x2;
	s6 =	simm.s32 $0xA  }
.LBB2_1:
0x1d: {  	s14 =	rddreg [dreg:$0x4];
	s15 =	simm.s32 $0xD  }
0x1e: {  	[tilespmem:s2], [sflag:$0xD] =	stream.linear.gather [hbm4b:s14+s2], $0x2710, $0x38;
	[tilespmem:$0x18F00] =	vst v63  }
0x1f: {  	_ =	swait.ge [sflag:s15], $0x2710  }
0x20: {  	[sflag:s15] =	ssyncset.done $0x0  }
0x21: {  	s16 =	simm.s32 $0x2780;
	s19 =	rddreg [dreg:$0x5];
	[sflag:s15] =	ssyncadd.s32 $0xFFFFD8F0  }
0x22: {  	[tilespmem:s16], [sflag:$0xD] =	stream.linear.gather [hbm4b:s19+s2], $0x2710, $0x38;
	[tilespmem:$0x18F00] =	vst v63  }
0x23: {  	_ =	swait.ge [sflag:s15], $0x2710  }
0x24: {  	[sflag:s15] =	ssyncset.done $0x0  }
0x25: {  	[sflag:s15] =	ssyncadd.s32 $0xFFFFD8F0  }
0x26: {  	[tilespmem:s21], [sflag:$0x1] =	stream.indirect.gather [hbm4b:s3+s20], $0x80, s2, s20, $0xb8;
	[tilespmem:$0x18F00] =	vst v63  }
0x27: {  	_ = 	snop  }
0x28: {  	[tilespmem:s22], [sflag:$0x5] =	stream.indirect.gather [hbm4b:s4+s20], $0x80, s16, s20, $0xb8;
	[tilespmem:$0x18F00] =	vst v63  }
0x29: {  	_ = 	snop  }
0x2a: {  	[tilespmem:s23], [sflag:$0x2] =	stream.indirect.gather [hbm4b:s3+s20], $0x80, s20, s20, $0xb8;
	[tilespmem:$0x18F00] =	vst v63  }
0x2b: {  	s15 =	simm.s32 $0x27D0  }
0x2c: {  	[tilespmem:s25], [sflag:$0x6] =	stream.indirect.gather [hbm4b:s4+s20], $0x80, s15, s20, $0xb8;
	[tilespmem:$0x18F00] =	vst v63  }
0x2d: {  	s16 =	simm.s32 $0xA0  }
0x2e: {  	[tilespmem:s28], [sflag:$0x3] =	stream.indirect.gather [hbm4b:s3+s20], $0x80, s16, s20, $0xb8;
	[tilespmem:$0x18F00] =	vst v63  }
0x2f: {  	s17 =	simm.s32 $0x2820  }
0x30: {  	[tilespmem:s30], [sflag:$0x7] =	stream.indirect.gather [hbm4b:s4+s20], $0x80, s17, s20, $0xb8;
	[tilespmem:$0x18F00] =	vst v63  }
0x31: {  	s18 =	simm.s32 $0xF0  }
0x32: {  	[tilespmem:s0], [sflag:$0x4] =	stream.indirect.gather [hbm4b:s3+s20], $0x80, s18, s20, $0xb8;
	[tilespmem:$0x18F00] =	vst v63  }
0x33: {  	s19 =	simm.s32 $0x2870  }
0x34: {  	[tilespmem:s24], [sflag:$0x8] =	stream.indirect.gather [hbm4b:s4+s20], $0x80, s19, s20, $0xb8;
	[tilespmem:$0x18F00] =	vst v63  }
0x35: {  	_ =	swait.ge [sflag:s26], $0x2800  }
0x36: {  	[sflag:s26] =	ssyncset.done $0x0  }
0x37: {  	[sflag:s26] =	ssyncadd.s32 $0xFFFFD800  }
0x38: {  	_ =	swait.ge [sflag:s29], $0x2800  }
0x39: {  	s15 =	rddreg [dreg:$0x2];
	[sflag:s29] =	ssyncset.done $0x0  }
0x3a: {  	s16 =	rddreg [dreg:$0x3];
	[sflag:s29] =	ssyncadd.s32 $0xFFFFD800;
	s14 =	sadd.s32 $0x0, s15  }
0x3b: {  	[hbm4b:s14+s2] =	stream.linear.scatter [tilespmem:s21], [sflag:$0x9], $0x2800, $0x38;
	[tilespmem:$0x18F00] =	vst v63  }
0x3c: {  	s15 =	sadd.s32 $0x0, s16  }
0x3d: {  	[hbm4b:s15+s2] =	stream.linear.scatter [tilespmem:s22], [sflag:$0x9], $0x2800, $0x38;
	[tilespmem:$0x18F00] =	vst v63  }
0x3e: {  	_ =	swait.ge [sflag:s31], $0x2800  }
0x3f: {  	[sflag:s31] =	ssyncset.done $0x0  }
0x40: {  	[sflag:s31] =	ssyncadd.s32 $0xFFFFD800  }
0x41: {  	_ =	swait.ge [sflag:s31], $0x2800  }
0x42: {  	[sflag:s31] =	ssyncset.done $0x0  }
0x43: {  	s17 =	simm.s32 $0x140;
	[sflag:s31] =	ssyncadd.s32 $0xFFFFD800  }
0x44: {  	[tilespmem:s21], [sflag:$0x1] =	stream.indirect.gather [hbm4b:s3+s20], $0x80, s17, s20, $0xb8;
	[tilespmem:$0x18F00] =	vst v63  }
0x45: {  	s18 =	simm.s32 $0x28C0  }
0x46: {  	[tilespmem:s22], [sflag:$0x5] =	stream.indirect.gather [hbm4b:s4+s20], $0x80, s18, s20, $0xb8;
	[tilespmem:$0x18F00] =	vst v63  }
0x47: {  	_ =	swait.ge [sflag:s1], $0x2800  }
0x48: {  	[sflag:s1] =	ssyncset.done $0x0  }
0x49: {  	[sflag:s1] =	ssyncadd.s32 $0xFFFFD800  }
0x4a: {  	_ =	swait.ge [sflag:s5], $0x2800  }
0x4b: {  	[sflag:s5] =	ssyncset.done $0x0  }
0x4c: {  	s19 =	sadd.s32 $0x500, s14;
	[sflag:s5] =	ssyncadd.s32 $0xFFFFD800  }
0x4d: {  	[hbm4b:s19+s2] =	stream.linear.scatter [tilespmem:s23], [sflag:$0xA], $0x2800, $0x38;
	[tilespmem:$0x18F00] =	vst v63  }
0x4e: {  	s17 =	sadd.s32 $0x500, s15  }
0x4f: {  	[hbm4b:s17+s2] =	stream.linear.scatter [tilespmem:s25], [sflag:$0xA], $0x2800, $0x38;
	[tilespmem:$0x18F00] =	vst v63  }
0x50: {  	_ =	swait.ge [sflag:s6], $0x2800  }
0x51: {  	[sflag:s6] =	ssyncset.done $0x0  }
0x52: {  	[sflag:s6] =	ssyncadd.s32 $0xFFFFD800  }
0x53: {  	_ =	swait.ge [sflag:s6], $0x2800  }
0x54: {  	[sflag:s6] =	ssyncset.done $0x0  }
0x55: {  	s18 =	simm.s32 $0x190;
	[sflag:s6] =	ssyncadd.s32 $0xFFFFD800  }
0x56: {  	[tilespmem:s23], [sflag:$0x2] =	stream.indirect.gather [hbm4b:s3+s20], $0x80, s18, s20, $0xb8;
	[tilespmem:$0x18F00] =	vst v63  }
0x57: {  	s19 =	simm.s32 $0x2910  }
0x58: {  	[tilespmem:s25], [sflag:$0x6] =	stream.indirect.gather [hbm4b:s4+s20], $0x80, s19, s20, $0xb8;
	[tilespmem:$0x18F00] =	vst v63  }
0x59: {  	_ =	swait.ge [sflag:s7], $0x2800  }
0x5a: {  	[sflag:s7] =	ssyncset.done $0x0  }
0x5b: {  	[sflag:s7] =	ssyncadd.s32 $0xFFFFD800  }
0x5c: {  	_ =	swait.ge [sflag:s8], $0x2800  }
0x5d: {  	[sflag:s8] =	ssyncset.done $0x0  }
0x5e: {  	s17 =	sadd.s32 $0xA00, s14;
	[sflag:s8] =	ssyncadd.s32 $0xFFFFD800  }
0x5f: {  	[hbm4b:s17+s2] =	stream.linear.scatter [tilespmem:s28], [sflag:$0xB], $0x2800, $0x38;
	[tilespmem:$0x18F00] =	vst v63  }
0x60: {  	s18 =	sadd.s32 $0xA00, s15  }
0x61: {  	[hbm4b:s18+s2] =	stream.linear.scatter [tilespmem:s30], [sflag:$0xB], $0x2800, $0x38;
	[tilespmem:$0x18F00] =	vst v63  }
0x62: {  	_ =	swait.ge [sflag:s9], $0x2800  }
0x63: {  	[sflag:s9] =	ssyncset.done $0x0  }
0x64: {  	[sflag:s9] =	ssyncadd.s32 $0xFFFFD800  }
0x65: {  	_ =	swait.ge [sflag:s9], $0x2800  }
0x66: {  	[sflag:s9] =	ssyncset.done $0x0  }
0x67: {  	s19 =	simm.s32 $0x1E0;
	[sflag:s9] =	ssyncadd.s32 $0xFFFFD800  }
0x68: {  	[tilespmem:s28], [sflag:$0x3] =	stream.indirect.gather [hbm4b:s3+s20], $0x80, s19, s20, $0xb8;
	[tilespmem:$0x18F00] =	vst v63  }
0x69: {  	s17 =	simm.s32 $0x2960  }
0x6a: {  	[tilespmem:s30], [sflag:$0x7] =	stream.indirect.gather [hbm4b:s4+s20], $0x80, s17, s20, $0xb8;
	[tilespmem:$0x18F00] =	vst v63  }
0x6b: {  	_ =	swait.ge [sflag:s10], $0x2800  }
0x6c: {  	[sflag:s10] =	ssyncset.done $0x0  }
0x6d: {  	[sflag:s10] =	ssyncadd.s32 $0xFFFFD800  }
0x6e: {  	_ =	swait.ge [sflag:s11], $0x2800  }
0x6f: {  	[sflag:s11] =	ssyncset.done $0x0  }
0x70: {  	s14 =	sadd.s32 $0xF00, s14;
	[sflag:s11] =	ssyncadd.s32 $0xFFFFD800  }
0x71: {  	[hbm4b:s14+s2] =	stream.linear.scatter [tilespmem:s0], [sflag:$0xC], $0x2800, $0x38;
	[tilespmem:$0x18F00] =	vst v63  }
0x72: {  	s18 =	sadd.s32 $0xF00, s15  }
0x73: {  	[hbm4b:s18+s2] =	stream.linear.scatter [tilespmem:s24], [sflag:$0xC], $0x2800, $0x38;
	[tilespmem:$0x18F00] =	vst v63  }
0x74: {  	_ =	swait.ge [sflag:s12], $0x2800  }
0x75: {  	[sflag:s12] =	ssyncset.done $0x0  }
0x76: {  	[sflag:s12] =	ssyncadd.s32 $0xFFFFD800  }
0x77: {  	_ =	swait.ge [sflag:s12], $0x2800  }
0x78: {  	s16 =	simm.s32 $0x29B0;
	s15 =	simm.s32 $0x500;
	[sflag:s12] =	ssyncset.done $0x0  }
0x79: {  	s19 =	simm.s32 $0x230;
	s14 =	simm.s32 $0x1400;
	[sflag:s12] =	ssyncadd.s32 $0xFFFFD800  }
0x7a: {  	[tilespmem:s0], [sflag:$0x4] =	stream.indirect.gather [hbm4b:s3+s20], $0x80, s19, s20, $0xb8;
	[tilespmem:$0x18F00] =	vst v63  }
.LBB2_2:
0x7b: {  	[tilespmem:s24], [sflag:$0x8] =	stream.indirect.gather [hbm4b:s4+s20], $0x80, s16, s20, $0xb8;
	[tilespmem:$0x18F00] =	vst v63  }
0x7c: {  	_ =	swait.ge [sflag:s26], $0x2800  }
0x7d: {  	[sflag:s26] =	ssyncset.done $0x0  }
0x7e: {  	[sflag:s26] =	ssyncadd.s32 $0xFFFFD800  }
0x7f: {  	_ =	swait.ge [sflag:s29], $0x2800  }
0x80: {  	s17 =	smov.u32 s14;
	s18 =	rddreg [dreg:$0x2];
	[sflag:s29] =	ssyncset.done $0x0  }
0x81: {  	s19 =	rddreg [dreg:$0x3];
	[sflag:s29] =	ssyncadd.s32 $0xFFFFD800;
	s16 =	sadd.s32 s17, s18  }
0x82: {  	[hbm4b:s16+s2] =	stream.linear.scatter [tilespmem:s21], [sflag:$0x9], $0x2800, $0x38;
	[tilespmem:$0x18F00] =	vst v63  }
0x83: {  	s17 =	sadd.s32 s17, s19  }
0x84: {  	[hbm4b:s17+s2] =	stream.linear.scatter [tilespmem:s22], [sflag:$0x9], $0x2800, $0x38;
	[tilespmem:$0x18F00] =	vst v63  }
0x85: {  	_ =	swait.ge [sflag:s31], $0x2800  }
0x86: {  	[sflag:s31] =	ssyncset.done $0x0  }
0x87: {  	[sflag:s31] =	ssyncadd.s32 $0xFFFFD800  }
0x88: {  	_ =	swait.ge [sflag:s31], $0x2800  }
0x89: {  	s19 =	sshra.s32 s15, $0x2;
	[sflag:s31] =	ssyncset.done $0x0  }
0x8a: {  	s18 =	sadd.s32 $0x140, s19;
	[sflag:s31] =	ssyncadd.s32 $0xFFFFD800  }
0x8b: {  	[tilespmem:s21], [sflag:$0x1] =	stream.indirect.gather [hbm4b:s3+s20], $0x80, s18, s20, $0xb8;
	[tilespmem:$0x18F00] =	vst v63  }
0x8c: {  	s18 =	sadd.s32 $0x28C0, s19  }
0x8d: {  	[tilespmem:s22], [sflag:$0x5] =	stream.indirect.gather [hbm4b:s4+s20], $0x80, s18, s20, $0xb8;
	[tilespmem:$0x18F00] =	vst v63  }
0x8e: {  	_ =	swait.ge [sflag:s1], $0x2800  }
0x8f: {  	[sflag:s1] =	ssyncset.done $0x0  }
0x90: {  	[sflag:s1] =	ssyncadd.s32 $0xFFFFD800  }
0x91: {  	_ =	swait.ge [sflag:s5], $0x2800  }
0x92: {  	[sflag:s5] =	ssyncset.done $0x0  }
0x93: {  	s18 =	sadd.s32 $0x500, s16;
	[sflag:s5] =	ssyncadd.s32 $0xFFFFD800  }
0x94: {  	[hbm4b:s18+s2] =	stream.linear.scatter [tilespmem:s23], [sflag:$0xA], $0x2800, $0x38;
	[tilespmem:$0x18F00] =	vst v63  }
0x95: {  	s18 =	sadd.s32 $0x500, s17  }
0x96: {  	[hbm4b:s18+s2] =	stream.linear.scatter [tilespmem:s25], [sflag:$0xA], $0x2800, $0x38;
	[tilespmem:$0x18F00] =	vst v63  }
0x97: {  	_ =	swait.ge [sflag:s6], $0x2800  }
0x98: {  	[sflag:s6] =	ssyncset.done $0x0  }
0x99: {  	[sflag:s6] =	ssyncadd.s32 $0xFFFFD800  }
0x9a: {  	_ =	swait.ge [sflag:s6], $0x2800  }
0x9b: {  	[sflag:s6] =	ssyncset.done $0x0  }
0x9c: {  	s18 =	sadd.s32 $0x190, s19;
	[sflag:s6] =	ssyncadd.s32 $0xFFFFD800  }
0x9d: {  	[tilespmem:s23], [sflag:$0x2] =	stream.indirect.gather [hbm4b:s3+s20], $0x80, s18, s20, $0xb8;
	[tilespmem:$0x18F00] =	vst v63  }
0x9e: {  	s18 =	sadd.s32 $0x2910, s19  }
0x9f: {  	[tilespmem:s25], [sflag:$0x6] =	stream.indirect.gather [hbm4b:s4+s20], $0x80, s18, s20, $0xb8;
	[tilespmem:$0x18F00] =	vst v63  }
0xa0: {  	_ =	swait.ge [sflag:s7], $0x2800  }
0xa1: {  	[sflag:s7] =	ssyncset.done $0x0  }
0xa2: {  	[sflag:s7] =	ssyncadd.s32 $0xFFFFD800  }
0xa3: {  	_ =	swait.ge [sflag:s8], $0x2800  }
0xa4: {  	[sflag:s8] =	ssyncset.done $0x0  }
0xa5: {  	s18 =	sadd.s32 $0xA00, s16;
	[sflag:s8] =	ssyncadd.s32 $0xFFFFD800  }
0xa6: {  	[hbm4b:s18+s2] =	stream.linear.scatter [tilespmem:s28], [sflag:$0xB], $0x2800, $0x38;
	[tilespmem:$0x18F00] =	vst v63  }
0xa7: {  	s18 =	sadd.s32 $0xA00, s17  }
0xa8: {  	[hbm4b:s18+s2] =	stream.linear.scatter [tilespmem:s30], [sflag:$0xB], $0x2800, $0x38;
	[tilespmem:$0x18F00] =	vst v63  }
0xa9: {  	_ =	swait.ge [sflag:s9], $0x2800  }
0xaa: {  	[sflag:s9] =	ssyncset.done $0x0  }
0xab: {  	[sflag:s9] =	ssyncadd.s32 $0xFFFFD800  }
0xac: {  	_ =	swait.ge [sflag:s9], $0x2800  }
0xad: {  	[sflag:s9] =	ssyncset.done $0x0  }
0xae: {  	s18 =	sadd.s32 $0x1E0, s19;
	[sflag:s9] =	ssyncadd.s32 $0xFFFFD800  }
0xaf: {  	[tilespmem:s28], [sflag:$0x3] =	stream.indirect.gather [hbm4b:s3+s20], $0x80, s18, s20, $0xb8;
	[tilespmem:$0x18F00] =	vst v63  }
0xb0: {  	s18 =	sadd.s32 $0x2960, s19  }
0xb1: {  	[tilespmem:s30], [sflag:$0x7] =	stream.indirect.gather [hbm4b:s4+s20], $0x80, s18, s20, $0xb8;
	[tilespmem:$0x18F00] =	vst v63  }
0xb2: {  	_ =	swait.ge [sflag:s10], $0x2800  }
0xb3: {  	[sflag:s10] =	ssyncset.done $0x0  }
0xb4: {  	[sflag:s10] =	ssyncadd.s32 $0xFFFFD800  }
0xb5: {  	_ =	swait.ge [sflag:s11], $0x2800  }
0xb6: {  	[sflag:s11] =	ssyncset.done $0x0  }
0xb7: {  	s16 =	sadd.s32 $0xF00, s16;
	[sflag:s11] =	ssyncadd.s32 $0xFFFFD800  }
0xb8: {  	[hbm4b:s16+s2] =	stream.linear.scatter [tilespmem:s0], [sflag:$0xC], $0x2800, $0x38;
	[tilespmem:$0x18F00] =	vst v63  }
0xb9: {  	s17 =	sadd.s32 $0xF00, s17  }
0xba: {  	[hbm4b:s17+s2] =	stream.linear.scatter [tilespmem:s24], [sflag:$0xC], $0x2800, $0x38;
	[tilespmem:$0x18F00] =	vst v63  }
0xbb: {  	_ =	swait.ge [sflag:s12], $0x2800  }
0xbc: {  	p0 =	sne.s32 s14, $0x24400;
	[sflag:s12] =	ssyncset.done $0x0  }
.Ltmp0:
0xbd: {  	[sflag:s12] =	ssyncadd.s32 $0xFFFFD800;
	(pc) =	sbr.rel @p0 .LBB2_2-.Ltmp0, $4  }
0xbe: {  	_ =	swait.ge [sflag:s12], $0x2800  }
0xbf: {  	s14 =	sadd.s32 $0x1400, s14;
	s15 =	sadd.s32 $0x500, s15;
	[sflag:s12] =	ssyncset.done $0x0  }
0xc0: {  	s18 =	sadd.s32 $0x230, s19;
	s16 =	sadd.s32 $0x29B0, s19;
	[sflag:s12] =	ssyncadd.s32 $0xFFFFD800  }
0xc1: {  	[tilespmem:s0], [sflag:$0x4] =	stream.indirect.gather [hbm4b:s3+s20], $0x80, s18, s20, $0xb8;
	[tilespmem:$0x18F00] =	vst v63  }
0xc2: {  	[tilespmem:s24], [sflag:$0x8] =	stream.indirect.gather [hbm4b:s4+s20], $0x80, s16, s20, $0xb8;
	[tilespmem:$0x18F00] =	vst v63  }
0xc3: {  	_ =	swait.ge [sflag:s26], $0x2800  }
0xc4: {  	[sflag:s26] =	ssyncset.done $0x0  }
0xc5: {  	[sflag:s26] =	ssyncadd.s32 $0xFFFFD800  }
0xc6: {  	_ =	swait.ge [sflag:s29], $0x2800  }
0xc7: {  	[sflag:s29] =	ssyncset.done $0x0  }
0xc8: {  	s14 =	rddreg [dreg:$0x6];
	[sflag:s29] =	ssyncadd.s32 $0xFFFFD800  }
0xc9: {  	[hbm4b:s14+s2] =	stream.linear.scatter [tilespmem:s21], [sflag:$0x9], $0x2800, $0x38;
	[tilespmem:$0x18F00] =	vst v63  }
0xca: {  	s18 =	rddreg [dreg:$0x7]  }
0xcb: {  	[hbm4b:s18+s2] =	stream.linear.scatter [tilespmem:s22], [sflag:$0x9], $0x2800, $0x38;
	[tilespmem:$0x18F00] =	vst v63  }
0xcc: {  	_ =	swait.ge [sflag:s31], $0x2800  }
0xcd: {  	[sflag:s31] =	ssyncset.done $0x0  }
0xce: {  	[sflag:s31] =	ssyncadd.s32 $0xFFFFD800  }
0xcf: {  	_ =	swait.ge [sflag:s31], $0x2800  }
0xd0: {  	[sflag:s31] =	ssyncset.done $0x0  }
0xd1: {  	s19 =	simm.s32 $0x26C0;
	[sflag:s31] =	ssyncadd.s32 $0xFFFFD800  }
0xd2: {  	[tilespmem:s21], [sflag:$0x1] =	stream.indirect.gather [hbm4b:s3+s20], $0x80, s19, s20, $0xb8;
	[tilespmem:$0x18F00] =	vst v63  }
0xd3: {  	s15 =	simm.s32 $0x4E40  }
0xd4: {  	[tilespmem:s22], [sflag:$0x5] =	stream.indirect.gather [hbm4b:s4+s20], $0x80, s15, s20, $0xb8;
	[tilespmem:$0x18F00] =	vst v63  }
0xd5: {  	_ =	swait.ge [sflag:s1], $0x2800  }
0xd6: {  	[sflag:s1] =	ssyncset.done $0x0  }
0xd7: {  	[sflag:s1] =	ssyncadd.s32 $0xFFFFD800  }
0xd8: {  	_ =	swait.ge [sflag:s5], $0x2800  }
0xd9: {  	[sflag:s5] =	ssyncset.done $0x0  }
0xda: {  	s16 =	rddreg [dreg:$0x8];
	[sflag:s5] =	ssyncadd.s32 $0xFFFFD800  }
0xdb: {  	[hbm4b:s16+s2] =	stream.linear.scatter [tilespmem:s23], [sflag:$0xA], $0x2800, $0x38;
	[tilespmem:$0x18F00] =	vst v63  }
0xdc: {  	s17 =	rddreg [dreg:$0x9]  }
0xdd: {  	[hbm4b:s17+s2] =	stream.linear.scatter [tilespmem:s25], [sflag:$0xA], $0x2800, $0x38;
	[tilespmem:$0x18F00] =	vst v63  }
0xde: {  	_ =	swait.ge [sflag:s7], $0x2800  }
0xdf: {  	[sflag:s7] =	ssyncset.done $0x0  }
0xe0: {  	[sflag:s7] =	ssyncadd.s32 $0xFFFFD800  }
0xe1: {  	_ =	swait.ge [sflag:s8], $0x2800  }
0xe2: {  	[sflag:s8] =	ssyncset.done $0x0  }
0xe3: {  	s18 =	rddreg [dreg:$0xa];
	[sflag:s8] =	ssyncadd.s32 $0xFFFFD800  }
0xe4: {  	[hbm4b:s18+s2] =	stream.linear.scatter [tilespmem:s28], [sflag:$0xB], $0x2800, $0x38;
	[tilespmem:$0x18F00] =	vst v63  }
0xe5: {  	s19 =	rddreg [dreg:$0xb]  }
0xe6: {  	[hbm4b:s19+s2] =	stream.linear.scatter [tilespmem:s30], [sflag:$0xB], $0x2800, $0x38;
	[tilespmem:$0x18F00] =	vst v63  }
0xe7: {  	_ =	swait.ge [sflag:s10], $0x2800  }
0xe8: {  	[sflag:s10] =	ssyncset.done $0x0  }
0xe9: {  	[sflag:s10] =	ssyncadd.s32 $0xFFFFD800  }
0xea: {  	_ =	swait.ge [sflag:s11], $0x2800  }
0xeb: {  	[sflag:s11] =	ssyncset.done $0x0  }
0xec: {  	s15 =	rddreg [dreg:$0xc];
	[sflag:s11] =	ssyncadd.s32 $0xFFFFD800  }
0xed: {  	[hbm4b:s15+s2] =	stream.linear.scatter [tilespmem:s0], [sflag:$0xC], $0x2800, $0x38;
	[tilespmem:$0x18F00] =	vst v63  }
0xee: {  	s16 =	rddreg [dreg:$0xd]  }
0xef: {  	[hbm4b:s16+s2] =	stream.linear.scatter [tilespmem:s24], [sflag:$0xC], $0x2800, $0x38;
	[tilespmem:$0x18F00] =	vst v63  }
0xf0: {  	_ =	swait.ge [sflag:s26], $0x2800  }
0xf1: {  	[sflag:s26] =	ssyncset.done $0x0  }
0xf2: {  	[sflag:s26] =	ssyncadd.s32 $0xFFFFD800  }
0xf3: {  	_ =	swait.ge [sflag:s29], $0x2800  }
0xf4: {  	[sflag:s29] =	ssyncset.done $0x0  }
0xf5: {  	s17 =	rddreg [dreg:$0xe];
	[sflag:s29] =	ssyncadd.s32 $0xFFFFD800  }
0xf6: {  	[hbm4b:s17+s2] =	stream.linear.scatter [tilespmem:s21], [sflag:$0x9], $0x2800, $0x38;
	[tilespmem:$0x18F00] =	vst v63  }
0xf7: {  	s18 =	rddreg [dreg:$0xf]  }
0xf8: {  	[hbm4b:s18+s2] =	stream.linear.scatter [tilespmem:s22], [sflag:$0x9], $0x2800, $0x38;
	[tilespmem:$0x18F00] =	vst v63  }
0xf9: {  	_ =	swait.ge [sflag:s31], $0x2800  }
0xfa: {  	[sflag:s31] =	ssyncset.done $0x0  }
0xfb: {  	[sflag:s31] =	ssyncadd.s32 $0xFFFFD800  }
0xfc: {  	_ =	swait.ge [sflag:s31], $0x2800  }
0xfd: {  	[sflag:s31] =	ssyncset.done $0x0  }
0xfe: {  	[sflag:s31] =	ssyncadd.s32 $0xFFFFD800  }
0xff: {  	_ =	swait.ge [sflag:s6], $0x2800  }
0x100: {  	[sflag:s6] =	ssyncset.done $0x0  }
0x101: {  	[sflag:s6] =	ssyncadd.s32 $0xFFFFD800  }
0x102: {  	_ =	swait.ge [sflag:s6], $0x2800  }
0x103: {  	[sflag:s6] =	ssyncset.done $0x0  }
0x104: {  	[sflag:s6] =	ssyncadd.s32 $0xFFFFD800  }
0x105: {  	_ =	swait.ge [sflag:s9], $0x2800  }
0x106: {  	[sflag:s9] =	ssyncset.done $0x0  }
0x107: {  	[sflag:s9] =	ssyncadd.s32 $0xFFFFD800  }
0x108: {  	_ =	swait.ge [sflag:s9], $0x2800  }
0x109: {  	[sflag:s9] =	ssyncset.done $0x0  }
0x10a: {  	[sflag:s9] =	ssyncadd.s32 $0xFFFFD800  }
0x10b: {  	_ =	swait.ge [sflag:s12], $0x2800  }
0x10c: {  	[sflag:s12] =	ssyncset.done $0x0  }
0x10d: {  	[sflag:s12] =	ssyncadd.s32 $0xFFFFD800  }
0x10e: {  	_ =	swait.ge [sflag:s12], $0x2800  }
0x10f: {  	s13 =	sadd.s32 $0x1, s13;
	s19 =	rddreg [dreg:$0x10]  }
0x110: {  	p0 =	sne.s32 s13, s19  }
.Ltmp1:
0x111: {  	_ = 	snop;
	(pc) =	sbr.rel @p0 .LBB2_1-.Ltmp1, $3  }
0x112: {  	_ =	sdelay $0x1  }
0x113: {  	[sflag:s12] =	ssyncset.done $0x0  }
0x114: {  	[sflag:s12] =	ssyncadd.s32 $0xFFFFD800  }
0x115: {  	_ =	sfence.sel $0x180000  }
0x116: {  	[bflag:$0x0] =	sbarrier.arrive $0xFFFF  }
0x117: {  	_ =	strace $0x90000050  }
0x118: {  	s0 =	stileid.u32;
	[bflag:$0x2] =	sbarrier.arrive $0xFFFF  }
0x119: {  	p0 =	sne.s32 s0, $0x0;
	s0 =	rddreg [dreg:$0x1]  }
0x11a: {  	s0 =	sadd.s32 @!p0 $0x100000, s0  }
0x11b: {  	[sflag:s0] =	ssyncadd.tile.s32 @!p0 $0x1;
	_ =	shalt  }
.Lfunc_end2:
_tile_overlayer_lowered:
.L_overlay_start_2:
0x11c: {  	(tag) =	ssettag $0x2  }
0x11d: {  	s0 =	rddreg [dreg:$0x0];
	s2 =	stileid.u32  }
0x11e: {  	s1 =	rddreg [dreg:$0x1];
	p0 =	sne.s32 s2, $0x0  }
0x11f: {  	s3 =	rddreg [dreg:$0x2];
	[bflag:$0x3] =	sbarrier.arrive $0xFFFF;
	s2 =	simm.s32 @!p0 $0x1C0D  }
0x120: {  	[timem:s3], [sflag:s2] =	dma.local @!p0 [hbm:s0], s1  }
0x121: {  	s0 =	simm.s32 @!p0 $0xD  }
0x122: {  	_ =	swait.ge @!p0 [sflag:s0], s1  }
0x123: {  	s1 =	ssub.s32 @!p0 $0x0, s1;
	[sflag:s0] =	ssyncset.done @!p0 $0x0  }
0x124: {  	[sflag:s0] =	ssyncadd.s32 @!p0 s1  }
0x125: {  	[bflag:$0x3] =	sbarrier.arrive $0xFFFF  }
0x126: {  	_ =	shalt  }

// kernel: kernel.25.cloned.1.call-start
scs
__scs_entry_jumppad:
0x0: {  	(pc) =	sbr.rel $0x88, $3  }
0x1: {  	(tag) =	ssettag $0x0;
	lr =	simm.s32 $0x1  }
0x2: {  	[smem:$0x3F90] =	sst lr;
	_ =	strace $0xD0000000  }
0x3: {  	_ = 	snop  }
0x4: {  	_ = 	snop  }
0x5: {  	_ = 	snop  }
0x6: {  	_ = 	snop  }
0x7: {  	_ = 	snop  }
__scs_overlays_trampoline_lowered:
0x8: {  	[smem:$0x3F9F] =	sst s0  }
0x9: {  	[smem:$0x3FA0] =	sst s1  }
0xa: {  	[smem:$0x3FA1] =	sst s2  }
0xb: {  	[smem:$0x3FA2] =	sst s3  }
0xc: {  	[smem:$0x3FA3] =	sst s4  }
0xd: {  	[smem:$0x3FA4] =	sst s5  }
0xe: {  	[smem:$0x3FA5] =	sst s6  }
0xf: {  	[smem:$0x3FA6] =	sst s7  }
0x10: {  	[smem:$0x3FA7] =	sst s8  }
0x11: {  	[smem:$0x3FA8] =	sst s9;
	s0 =	simm.s32 @!p0 $0x0  }
0x12: {  	s1 =	sld [smem:$0x3F8E];
	s0 =	simm.s32 @p0 $0x1  }
0x13: {  	[smem:$0x3FA9] =	sst s0;
	s0 =	simm.s32 @!p1 $0x0  }
0x14: {  	s2 =	sld [smem:$0x3F8D];
	s0 =	simm.s32 @p1 $0x1  }
0x15: {  	[smem:$0x3FAA] =	sst s0;
	s0 =	simm.s32 @!p2 $0x0  }
0x16: {  	s3 =	sld [smem:$0x3FDB];
	s0 =	simm.s32 @p2 $0x1  }
0x17: {  	s4 =	simm.s32 $0x1BF5;
	[smem:$0x3FAC] =	sst s0  }
0x18: {  	s0 =	sld [smem:$0x3F8F];
	_ =	swait.ge [sflag:s4], $0x0  }
0x19: {  	s7 =	sld [smem:$0x3F90]  }
0x1a: {  	s8 =	sadd.s32 $0xFFFFE003, lr  }
0x1b: {  	s9 =	sadd.s32 $0xFFFFFEF7, lr;
	s5 =	simm.s32 $0xFFFFFFFF;
	p2 =	slt.u32 s8, $0xFFFFF086  }
0x1c: {  	p1 =	slt.u32 s9, $0xF7A;
	s5 =	simm.s32 @!p2 $0x0  }
0x1d: {  	s5 =	simm.s32 @p1 $0x1;
	p0 =	seq.s32 s7, s2  }
0x1e: {  	s7 =	smul.u32 @!p0 $0xF7A, s2;
	p2 =	seq.s32 @!p0 s5, $0x0  }
0x1f: {  	s9 =	smul.u32 $0xF7A, s1;
	s8 =	simm.s32 @!p0 $0x1BF5;
	p2 =	por !p2, p0  }
0x20: {  	[sflag:s8] =	ssyncset.s32 @!p0 $0xFFFFF086;
	s6 =	sadd.s32 @!p0 s3, s7;
	s7 =	simm.s32 @!p0 $0x108  }
0x21: {  	s3 =	sadd.s32 s3, s9;
	s6 =	sadd.s32 @!p0 $0x88, s6;
	s7 =	simm.s32 @p2 $0x1082  }
0x22: {  	[simem:s7], [sflag:s8] =	dma.local @!p0 [hbm:s6], $0xF7A  }
0x23: {  	s9 =	sor.u32 $0xD0000000, s2;
	s6 =	simm.s32 $0x108;
	_ =	swait.ge @!p0 [sflag:s8], $0x0  }
0x24: {  	s3 =	sadd.s32 $0x88, s3;
	s6 =	simm.s32 @!p1 $0x1082;
	[sflag:s4] =	ssyncset.s32 $0xFFFFF086  }
0x25: {  	[simem:s6], [sflag:s4] =	dma.local [hbm:s3], $0xF7A  }
0x26: {  	[smem:$0x3F90] =	sst s1;
	(tag) =	ssettag s2;
	_ =	strace s9  }
0x27: {  	s1 =	sld [smem:$0x3FA0]  }
0x28: {  	s2 =	sld [smem:$0x3FA1]  }
0x29: {  	s4 =	sld [smem:$0x3FA3]  }
0x2a: {  	p0 =	seq.s32 s5, $0x0;
	s5 =	sld [smem:$0x3FA4]  }
0x2b: {  	s6 =	sld [smem:$0x3FA5]  }
0x2c: {  	s7 =	sld [smem:$0x3FA6]  }
0x2d: {  	s3 =	simm.s32 $0x108;
	s8 =	sld [smem:$0x3FA7]  }
0x2e: {  	s3 =	simm.s32 @!p0 $0x1082;
	s9 =	sld [smem:$0x3FA8]  }
0x2f: {  	lr =	sadd.s32 s0, s3;
	s0 =	sld [smem:$0x3F9F]  }
0x30: {  	s3 =	sld [smem:$0x3FA2]  }
0x31: {  	[smem:$0x3FAB] =	sst s10  }
0x32: {  	s10 =	sld [smem:$0x3FA9];
	_ =	sdelay $0x3  }
0x33: {  	p0 =	seq.s32 s10, $0x1;
	s10 =	sld [smem:$0x3FAB];
	_ =	sdelay $0x3  }
0x34: {  	[smem:$0x3FAB] =	sst s10  }
0x35: {  	s10 =	sld [smem:$0x3FAA];
	_ =	sdelay $0x3  }
0x36: {  	p1 =	seq.s32 s10, $0x1;
	s10 =	sld [smem:$0x3FAB];
	_ =	sdelay $0x3  }
0x37: {  	[smem:$0x3FAB] =	sst s10  }
0x38: {  	s10 =	sld [smem:$0x3FAC]  }
0x39: {  	_ = 	snop;
	(pc) =	sbr.ind lr, $3  }
0x3a: {  	_ = 	snop  }
0x3b: {  	_ = 	snop  }
0x3c: {  	p2 =	seq.s32 s10, $0x1;
	s10 =	sld [smem:$0x3FAB]  }
0x3d: {  	_ =	shalt  }
0x3e: {  	_ =	shalt  }
0x3f: {  	_ =	shalt  }
0x40: {  	_ =	shalt  }
0x41: {  	_ =	shalt  }
0x42: {  	_ =	shalt  }
0x43: {  	_ =	shalt  }
0x44: {  	_ =	shalt  }
0x45: {  	_ =	shalt  }
0x46: {  	_ =	shalt  }
0x47: {  	_ =	shalt  }
0x48: {  	_ =	shalt  }
0x49: {  	_ =	shalt  }
0x4a: {  	_ =	shalt  }
0x4b: {  	_ =	shalt  }
0x4c: {  	_ =	shalt  }
0x4d: {  	_ =	shalt  }
0x4e: {  	_ =	shalt  }
0x4f: {  	_ =	shalt  }
0x50: {  	_ =	shalt  }
0x51: {  	_ =	shalt  }
0x52: {  	_ =	shalt  }
0x53: {  	_ =	shalt  }
0x54: {  	_ =	shalt  }
0x55: {  	_ =	shalt  }
0x56: {  	_ =	shalt  }
0x57: {  	_ =	shalt  }
0x58: {  	_ =	shalt  }
0x59: {  	_ =	shalt  }
0x5a: {  	_ =	shalt  }
0x5b: {  	_ =	shalt  }
0x5c: {  	_ =	shalt  }
0x5d: {  	_ =	shalt  }
0x5e: {  	_ =	shalt  }
0x5f: {  	_ =	shalt  }
0x60: {  	_ =	shalt  }
0x61: {  	_ =	shalt  }
0x62: {  	_ =	shalt  }
0x63: {  	_ =	shalt  }
0x64: {  	_ =	shalt  }
0x65: {  	_ =	shalt  }
0x66: {  	_ =	shalt  }
0x67: {  	_ =	shalt  }
0x68: {  	_ =	shalt  }
0x69: {  	_ =	shalt  }
0x6a: {  	_ =	shalt  }
0x6b: {  	_ =	shalt  }
0x6c: {  	_ =	shalt  }
0x6d: {  	_ =	shalt  }
0x6e: {  	_ =	shalt  }
0x6f: {  	_ =	shalt  }
0x70: {  	_ =	shalt  }
0x71: {  	_ =	shalt  }
0x72: {  	_ =	shalt  }
0x73: {  	_ =	shalt  }
0x74: {  	_ =	shalt  }
0x75: {  	_ =	shalt  }
0x76: {  	_ =	shalt  }
0x77: {  	_ =	shalt  }
0x78: {  	_ =	shalt  }
0x79: {  	_ =	shalt  }
0x7a: {  	_ =	shalt  }
0x7b: {  	_ =	shalt  }
0x7c: {  	_ =	shalt  }
0x7d: {  	_ =	shalt  }
0x7e: {  	_ =	shalt  }
0x7f: {  	_ =	shalt  }
0x80: {  	_ =	shalt  }
0x81: {  	_ =	shalt  }
0x82: {  	_ =	shalt  }
0x83: {  	_ =	shalt  }
0x84: {  	_ =	shalt  }
0x85: {  	_ =	shalt  }
0x86: {  	_ =	shalt  }
0x87: {  	_ =	shalt  }
.Lfunc_end0:
.L_simem_size_0:
called_computation.4_lowered:
.L_overlay_start_0:
0x88: {  	s2 =	sld [smem:$0x3FD9]  }
0x89: {  	s3 =	sld [smem:$0x3FFE];
	_ =	sdelay $0x1  }
0x8a: {  	s1 =	srdreg.scid  }
0x8b: {  	s0 =	sand.u32 $0x1, s1  }
0x8c: {  	s16 =	sshll.u32 s0, $0xA;
	s2 =	sadd.s32 s3, s2  }
0x8d: {  	s2 =	sadd.s32 s2, s16  }
0x8e: {  	[smem:$0x3FB7] =	sst s2  }
0x8f: {  	_ = 	snop  }
0x90: {  	(tm) =	ssettm $0x1  }
0x91: {  	s17 =	sld [smem:$0x3FFB];
	_ =	sdelay $0x3  }
0x92: {  	_ =	strace s17  }
0x93: {  	s2 =	sld [smem:$0x3FFC];
	_ =	sdelay $0x3  }
0x94: {  	_ =	strace s2  }
0x95: {  	s2 =	sld [smem:$0x3FFD];
	_ =	sdelay $0x3  }
0x96: {  	_ =	strace s2  }
0x97: {  	_ =	strace $0x8FFFFFFF  }
0x98: {  	s18 =	sld [smem:$0x3FDB];
	_ =	sdelay $0x1  }
0x99: {  	s19 =	simm.s32 $_scs_section_size  }
0x9a: {  	s4 =	simm.s32 $_size__tile_overlayer_lowered;
	s5 =	simm.s32 $_tile_overlayer_lowered  }
0x9b: {  	s22 =	simm.s32 $0x1BFF;
	s21 =	sshll.u32 s5, $0x1;
	s2 =	sadd.s32 s19, s18  }
0x9c: {  	s6 =	simm.s32 $0x0;
	s20 =	sshll.u32 s4, $0x1;
	s4 =	sadd.s32 s21, s2  }
0x9d: {  	[timem:s6], [sflag:s22] =	dma.local [hbm:s4], s20  }
0x9e: {  	_ =	swait.ge [sflag:s22], s20  }
0x9f: {  	s3 =	ssub.s32 $0x0, s20;
	[sflag:s22] =	ssyncset.done $0x0  }
0xa0: {  	[sflag:s22] =	ssyncadd.s32 s3;
	_ =	sdelay $0x1  }
0xa1: {  	s23 =	simm.s32 $0x1B8B  }
0xa2: {  	_ =	swait.ge [sflag:s23], $0x1  }
0xa3: {  	[sflag:s23] =	ssyncset.done $0x0  }
0xa4: {  	s25 =	simm.s32 $0x1B8E;
	s24 =	sld [smem:$0x3FFE];
	[sflag:s23] =	ssyncadd.s32 $0xFFFFFFFF  }
0xa5: {  	s26 =	simm.s32 $execute0_lowered;
	[smem:$0x3FD2] =	sst s25  }
0xa6: {  	s4 =	sshll.u32 s26, $0x1;
	_ =	strace $0x80000052;
	[dreg:$0x1] =	wrdreg $0xFFFFFFFF  }
0xa7: {  	s28 =	simm.s32 $_size_execute0_lowered;
	s2 =	sadd.s32 s2, s4;
	[dreg:$0x0] =	wrdreg $0x0  }
0xa8: {  	s4 =	sshll.u32 s28, $0x1;
	[dreg:$0x2] =	wrdreg s2  }
0xa9: {  	[dreg:$0x3] =	wrdreg s4  }
0xaa: {  	[dreg:$0x4] =	wrdreg $0xC0  }
0xab: {  	_ =	task [dreg:s6], $0x5FFFF  }
0xac: {  	[dreg:$0x1] =	wrdreg $0xFFFFFFFF  }
0xad: {  	[dreg:$0x0] =	wrdreg $0x60  }
0xae: {  	[dreg:$0x2] =	wrdreg s24  }
0xaf: {  	[dreg:$0x3] =	wrdreg $0x90000  }
0xb0: {  	[dreg:$0x4] =	wrdreg $0x9  }
0xb1: {  	_ =	task.clear_ibuf [dreg:s6], $0x5FFFF;
	_ =	strace $0x90000052  }
0xb2: {  	s29 =	simm.s32 $0x9;
	_ =	strace $0x80000054  }
0xb3: {  	_ =	swait.ge [sflag:s29], $0x1  }
0xb4: {  	[sflag:s29] =	ssyncadd.s32 $0xFFFFFFFF  }
0xb5: {  	_ =	strace $0x90000054  }
0xb6: {  	_ =	sfence  }
0xb7: {  	s30 =	sld [smem:$0x0];
	_ =	sdelay $0x2  }
0xb8: {  	s31 =	sshll.u32 s1, $0xD;
	s1 =	sshrl.u32 s1, $0x2  }
0xb9: {  	s3 =	sand.u32 $0x4000, s31;
	s1 =	sadd.s32 s1, s30  }
0xba: {  	s0 =	sor.u32 s3, s0;
	s1 =	sshll.u32 s1, $0x11  }
0xbb: {  	s0 =	sor.u32 s1, s0  }
0xbc: {  	s0 =	sadd.s32 $0x8F2B, s0  }
0xbd: {  	[sflag:s0] =	ssyncadd.remote.s32 $0x1  }
0xbe: {  	_ =	sfence.sel $0xFFFF  }
0xbf: {  	[dreg:$0x0] =	wrdreg $0xFFFFFFFF;
	(pc) =	sbr.abs _section_cstart, $3  }
0xc0: {  	[dreg:$0x1] =	wrdreg $0xFFFFFFFF  }
0xc1: {  	_ =	task.clear_ibuf [dreg:s6], $0x2FFFF;
	_ =	strace $0x9FFFFFFF  }
0xc2: {  	(tm) =	ssettm $0x7FFFFFFF  }
0xc3: {  	_ =	shalt  }
tec
execute0_lowered:
.L_overlay_start_1:
0x0: {  	(tag) =	ssettag $0x1  }
0x1: {  	s4 =	rddreg [dreg:$0x0]  }
0x2: {  	s1 =	rddreg [dreg:$0x1];
	s2 =	srdreg.scid  }
0x3: {  	s0 =	rddreg [dreg:$0x2];
	s3 =	simm.s32 $0x0;
	s16 =	simm.s32 $0x6800  }
0x4: {  	s17 =	simm.s32 $0x1;
	s18 =	simm.s32 $0x50;
	s19 =	simm.s32 $0x2  }
0x5: {  	s20 =	simm.s32 $0x3D00;
	s7 =	sand.u32 $0x1, s2;
	s2 =	stileid.u32  }
0x6: {  	s21 =	simm.s32 $0x3D80;
	[smem:$0x7FF] =	sst s3;
	s22 =	smul.u32 $0x2800, s2  }
0x7: {  	s10 =	sadd.s32 $0x1405000, s4;
	s5 =	sshll.u32 s7, $0x4;
	s9 =	smul.u32 $0x28000, s7  }
0x8: {  	_ =	strace $0x80000053;
	s11 =	ssub.s32 $0x2, s7;
	s12 =	smul.u32 $0x50000, s2  }
0x9: {  	s25 =	sshll.u32 s2, $0x6;
	s30 =	smul.u32 $0x271000, s7;
	s6 =	sor.u32 s2, s5  }
0xa: {  	s31 =	smul.u32 $0x27100, s2;
	s23 =	sshrl.u32 s11, $0x1;
	s8 =	sshll.u32 s6, $0xB  }
0xb: {  	s13 =	sadd.s32 s22, s4;
	s5 =	sadd.s32 s22, s9;
	s26 =	smul.u32 $0x138800, s6  }
0xc: {  	s11 =	ssub.s32 s11, s23;
	s24 =	sshrl.u32 s12, $0x2;
	s28 =	smul.u32 $0x27100, s6  }
0xd: {  	s22 =	simm.s32 $0x3E00;
	s23 =	simm.s32 $0x0;
	s8 =	sadd.s32 s8, s4  }
0xe: {  	s14 =	sadd.s32 s5, s4;
	s15 =	sadd.s32 s24, s1;
	s4 =	sadd.s32 $0x45E00, s13  }
0xf: {  	s5 =	sor.u32 $0x1C03, s25;
	s13 =	sadd.s32 s30, s10;
	s11 =	smax.u32 s11, $0x1  }
0x10: {  	s6 =	sadd.s32 $0xA31000, s8;
	s29 =	sshrl.u32 s26, $0x3;
	s7 =	sadd.s32 s10, s28  }
0x11: {  	s12 =	sadd.s32 s31, s13;
	s13 =	sshrl.u32 s15, $0x3;
	s15 =	simm.s32 $0x4000  }
0x12: {  	s9 =	sadd.s32 s10, s29;
	s10 =	sadd.s32 $0x6DE00, s14;
	s12 =	sadd.s32 $0xF00, s12  }
0x13: {  	s14 =	simm.s32 $0x3;
	s8 =	sadd.s32 $0x500, s9;
	s9 =	sadd.s32 $0x26C00, s9  }
.LBB2_1:
0x14: {  	[spmem:s13], [sflag:s5] =	dma.local [hbm:s4], $0x2800  }
0x15: {  	_ =	swait.ge [sflag:s14], $0x2800  }
0x16: {  	[sflag:s14] =	ssyncset.done $0x0  }
0x17: {  	[sflag:s14] =	ssyncadd.s32 $0xFFFFD800  }
0x18: {  	[bflag:$0x0] =	sbarrier.arrive $0xFFFF  }
0x19: {  	[tilespmem:s3], [sflag:$0x3] =	stream.linear.gather [hbm4b:s6+s3], $0x3E80, $0x38;
	[tilespmem:$0x1D000] =	vst v63  }
0x1a: {  	_ =	swait.ge [sflag:s14], $0x3E80  }
0x1b: {  	[sflag:s14] =	ssyncset.done $0x0  }
0x1c: {  	[sflag:s14] =	ssyncadd.s32 $0xFFFFC180  }
0x1d: {  	[tilespmem:s15], [sflag:$0x1] =	stream.linear.gather [hbm4b:s7+s3], $0x2800, $0x38;
	[tilespmem:$0x1D000] =	vst v63  }
0x1e: {  	_ = 	snop  }
0x1f: {  	[tilespmem:s16], [sflag:$0x2] =	stream.linear.gather [hbm4b:s8+s3], $0x2800, $0x38;
	[tilespmem:$0x1D000] =	vst v63  }
0x20: {  	_ =	swait.ge [sflag:s17], $0x2800  }
0x21: {  	[sflag:s17] =	ssyncset.done $0x0  }
0x22: {  	s24 =	simm.s32 $0x0;
	[sflag:s17] =	ssyncadd.s32 $0xFFFFD800  }
0x23: {  	[spmem:s1] =	stream.indirect.scatter.add.f32 [tilespmem:s15], [sflag:$0x3], $0x80, s24, s18, $0xb8;
	[tilespmem:$0x1D000] =	vst v63  }
0x24: {  	_ =	swait.ge [sflag:s14], $0x2800  }
0x25: {  	[sflag:s14] =	ssyncset.done $0x0  }
0x26: {  	s30 =	sadd.s32 $0xFFFFFB00, s12;
	[sflag:s14] =	ssyncadd.s32 $0xFFFFD800  }
0x27: {  	[tilespmem:s15], [sflag:$0x1] =	stream.linear.gather [hbm4b:s30+s3], $0x2800, $0x38;
	[tilespmem:$0x1D000] =	vst v63  }
0x28: {  	_ =	swait.ge [sflag:s19], $0x2800  }
0x29: {  	[sflag:s19] =	ssyncset.done $0x0  }
0x2a: {  	s31 =	simm.s32 $0x80;
	[sflag:s19] =	ssyncadd.s32 $0xFFFFD800  }
0x2b: {  	[spmem:s1] =	stream.indirect.scatter.add.f32 [tilespmem:s16], [sflag:$0x3], $0x80, s31, s18, $0xb8;
	[tilespmem:$0x1D000] =	vst v63  }
0x2c: {  	_ =	swait.ge [sflag:s14], $0x2800  }
0x2d: {  	s25 =	sadd.s32 $0xA00, s12;
	[sflag:s14] =	ssyncset.done $0x0  }
0x2e: {  	s26 =	smov.u32 s12;
	s24 =	simm.s32 $0x400;
	[sflag:s14] =	ssyncadd.s32 $0xFFFFD800  }
.LBB2_2:
0x2f: {  	[tilespmem:s16], [sflag:$0x2] =	stream.linear.gather [hbm4b:s26+s3], $0x2800, $0x38;
	[tilespmem:$0x1D000] =	vst v63  }
0x30: {  	s28 =	smov.u32 s24;
	s26 =	smov.u32 s25  }
0x31: {  	p0 =	sne.s32 s24, $0xF000;
	s24 =	sadd.s32 $0x400, s24;
	_ =	swait.ge [sflag:s17], $0x2800  }
0x32: {  	[sflag:s17] =	ssyncset.done $0x0  }
0x33: {  	s28 =	sshra.s32 s28, $0x2;
	[sflag:s17] =	ssyncadd.s32 $0xFFFFD800  }
0x34: {  	[spmem:s1] =	stream.indirect.scatter.add.f32 [tilespmem:s15], [sflag:$0x3], $0x80, s28, s18, $0xb8;
	[tilespmem:$0x1D000] =	vst v63  }
0x35: {  	_ =	swait.ge [sflag:s14], $0x2800  }
0x36: {  	[sflag:s14] =	ssyncset.done $0x0  }
0x37: {  	s29 =	sadd.s32 $0xFFFFFB00, s25;
	[sflag:s14] =	ssyncadd.s32 $0xFFFFD800  }
0x38: {  	[tilespmem:s15], [sflag:$0x1] =	stream.linear.gather [hbm4b:s29+s3], $0x2800, $0x38;
	[tilespmem:$0x1D000] =	vst v63  }
0x39: {  	_ =	swait.ge [sflag:s19], $0x2800  }
0x3a: {  	[sflag:s19] =	ssyncset.done $0x0  }
.Ltmp0:
0x3b: {  	s28 =	sadd.s32 $0x80, s28;
	[sflag:s19] =	ssyncadd.s32 $0xFFFFD800;
	(pc) =	sbr.rel @p0 .LBB2_2-.Ltmp0, $4  }
0x3c: {  	[spmem:s1] =	stream.indirect.scatter.add.f32 [tilespmem:s16], [sflag:$0x3], $0x80, s28, s18, $0xb8;
	[tilespmem:$0x1D000] =	vst v63  }
0x3d: {  	_ =	swait.ge [sflag:s14], $0x2800  }
0x3e: {  	[sflag:s14] =	ssyncset.done $0x0  }
0x3f: {  	s25 =	sadd.s32 $0xA00, s25;
	[sflag:s14] =	ssyncadd.s32 $0xFFFFD800  }
0x40: {  	[tilespmem:s16], [sflag:$0x2] =	stream.linear.gather [hbm4b:s26+s3], $0x2800, $0x38;
	[tilespmem:$0x1D000] =	vst v63  }
0x41: {  	_ =	swait.ge [sflag:s17], $0x2800  }
0x42: {  	[sflag:s17] =	ssyncset.done $0x0  }
0x43: {  	[sflag:s17] =	ssyncadd.s32 $0xFFFFD800  }
0x44: {  	[spmem:s1] =	stream.indirect.scatter.add.f32 [tilespmem:s15], [sflag:$0x3], $0x80, s20, s18, $0xb8;
	[tilespmem:$0x1D000] =	vst v63  }
0x45: {  	_ =	swait.ge [sflag:s14], $0x2800  }
0x46: {  	[sflag:s14] =	ssyncset.done $0x0  }
0x47: {  	[sflag:s14] =	ssyncadd.s32 $0xFFFFD800  }
0x48: {  	[tilespmem:s15], [sflag:$0x1] =	stream.linear.gather [hbm4b:s9+s3], $0x2800, $0x38;
	[tilespmem:$0x1D000] =	vst v63  }
0x49: {  	_ =	swait.ge [sflag:s19], $0x2800  }
0x4a: {  	[sflag:s19] =	ssyncset.done $0x0  }
0x4b: {  	[sflag:s19] =	ssyncadd.s32 $0xFFFFD800  }
0x4c: {  	[spmem:s1] =	stream.indirect.scatter.add.f32 [tilespmem:s16], [sflag:$0x3], $0x80, s21, s18, $0xb8;
	[tilespmem:$0x1D000] =	vst v63  }
0x4d: {  	_ =	swait.ge [sflag:s14], $0x2800  }
0x4e: {  	[sflag:s14] =	ssyncset.done $0x0  }
0x4f: {  	[sflag:s14] =	ssyncadd.s32 $0xFFFFD800  }
0x50: {  	_ =	swait.ge [sflag:s17], $0x2800  }
0x51: {  	[sflag:s17] =	ssyncset.done $0x0  }
0x52: {  	[sflag:s17] =	ssyncadd.s32 $0xFFFFD800  }
0x53: {  	[spmem:s1] =	stream.indirect.scatter.add.f32 [tilespmem:s15], [sflag:$0x3], $0x80, s22, s18, $0xb8;
	[tilespmem:$0x1D000] =	vst v63  }
0x54: {  	_ =	swait.ge [sflag:s14], $0x2800  }
0x55: {  	s23 =	sadd.s32 $0x1, s23;
	[sflag:s14] =	ssyncset.done $0x0  }
0x56: {  	p0 =	sne.s32 s23, s11;
	[sflag:s14] =	ssyncadd.s32 $0xFFFFD800  }
.Ltmp1:
0x57: {  	[bflag:$0x0] =	sbarrier.arrive $0xFFFF;
	(pc) =	sbr.rel @p0 .LBB2_1-.Ltmp1, $4  }
0x58: {  	[hbm:s10], [sflag:s5] =	dma.local [spmem:s13], $0x2800  }
0x59: {  	_ =	swait.ge [sflag:s14], $0x2800  }
0x5a: {  	[sflag:s14] =	ssyncset.done $0x0  }
0x5b: {  	[sflag:s14] =	ssyncadd.s32 $0xFFFFD800  }
0x5c: {  	_ =	sfence.sel $0x180000  }
0x5d: {  	[bflag:$0x0] =	sbarrier.arrive $0xFFFF  }
0x5e: {  	p0 =	sne.s32 s2, $0x0;
	_ =	strace $0x90000053  }
0x5f: {  	s0 =	sadd.s32 @!p0 $0x100000, s0;
	[bflag:$0x2] =	sbarrier.arrive $0xFFFF  }
0x60: {  	[sflag:s0] =	ssyncadd.tile.s32 @!p0 $0x1;
	_ =	shalt  }
.Lfunc_end2:
_tile_overlayer_lowered:
.L_overlay_start_2:
0x61: {  	(tag) =	ssettag $0x2  }
0x62: {  	s0 =	rddreg [dreg:$0x0];
	s2 =	stileid.u32  }
0x63: {  	s1 =	rddreg [dreg:$0x1];
	p0 =	sne.s32 s2, $0x0  }
0x64: {  	s3 =	rddreg [dreg:$0x2];
	[bflag:$0x3] =	sbarrier.arrive $0xFFFF;
	s2 =	simm.s32 @!p0 $0x1C03  }
0x65: {  	[timem:s3], [sflag:s2] =	dma.local @!p0 [hbm:s0], s1  }
0x66: {  	s0 =	simm.s32 @!p0 $0x3  }
0x67: {  	_ =	swait.ge @!p0 [sflag:s0], s1  }
0x68: {  	s1 =	ssub.s32 @!p0 $0x0, s1;
	[sflag:s0] =	ssyncset.done @!p0 $0x0  }
0x69: {  	[sflag:s0] =	ssyncadd.s32 @!p0 s1  }
0x6a: {  	[bflag:$0x3] =	sbarrier.arrive $0xFFFF  }
0x6b: {  	_ =	shalt  }

</sc_bundles>
